<compile_context>
chip_gen: v7x
topology: tpu7x:2x2x1
jax: 0.10.2.dev20260603
libtpu: 0.0.44.dev20260713+nightly
codegen_flags: <defaults>
</compile_context>

<pallas_src>
import functools

import jax
import jax.numpy as jnp
from jax import lax
from jax.experimental import pallas as pl
from jax.experimental.pallas import tpu as pltpu
from jax.experimental.pallas import tpu_sc as plsc

_N = 50000
_E = 800000
_D = 64
_B = 8
_NLAB = 512
_NCLS = 10
_H = 32
_NSUB = 16
_CH = 40
_EPT = _E // _NSUB
_NCH = _EPT // _CH
_RPT = _N // _NSUB
_ZCH = 200
_BN = 1000
_GRID = _N // _BN



@functools.partial(
    pl.kernel,
    out_type=(jax.ShapeDtypeStruct((_N, _H), jnp.float32),
              jax.ShapeDtypeStruct((_N, _H), jnp.float32)),
    mesh=plsc.VectorSubcoreMesh(core_axis_name="c", subcore_axis_name="s"),
    scratch_types=[
        pltpu.VMEM((_CH,), jnp.int32),
        pltpu.VMEM((_CH,), jnp.int32),
        pltpu.VMEM((_CH,), jnp.int32),
        pltpu.VMEM((_CH, _H), jnp.float32),
        pltpu.VMEM((_CH, _H), jnp.float32),
        pltpu.VMEM((_CH,), jnp.int32),
        pltpu.VMEM((_CH,), jnp.int32),
        pltpu.VMEM((_CH,), jnp.int32),
        pltpu.VMEM((_CH, _H), jnp.float32),
        pltpu.VMEM((_CH, _H), jnp.float32),
        pltpu.VMEM((_ZCH, _H), jnp.float32),
        pltpu.VMEM_SHARED((_N, _H), jnp.float32),
        pltpu.SemaphoreType.DMA,
        pltpu.SemaphoreType.DMA,
        pltpu.SemaphoreType.DMA,
        pltpu.SemaphoreType.DMA,
    ],
    compiler_params=pltpu.CompilerParams(use_tc_tiling_on_sc=False),
)
def _edge_pass(src_hbm, dst_hbm, lab_hbm, hwl_hbm, hwr_hbm, el_hbm, er_hbm,
               outl_hbm, outr_hbm,
               src_v0, dst_v0, lab_v0, msg_v0, emb_v0,
               src_v1, dst_v1, lab_v1, msg_v1, emb_v1,
               zero_v, acc, sem1a, sem2a, sem1b, sem2b):
    cid = lax.axis_index("c")
    sid = lax.axis_index("s")
    sbufs = (src_v0, src_v1)
    dbufs = (dst_v0, dst_v1)
    lbufs = (lab_v0, lab_v1)
    mbufs = (msg_v0, msg_v1)
    ebufs = (emb_v0, emb_v1)
    s1 = (sem1a, sem1b)
    s2 = (sem2a, sem2b)
    hwt = (hwl_hbm, hwr_hbm)
    ewt = (el_hbm, er_hbm)

    def _zrow(r, c):
        zero_v[r, pl.ds(0, 16)] = jnp.zeros((16,), jnp.float32)
        zero_v[r, pl.ds(16, 16)] = jnp.zeros((16,), jnp.float32)
        return c
    lax.fori_loop(0, _ZCH, _zrow, 0, unroll=8)
    r0 = sid * _RPT

    def _zacc(k, c):
        pltpu.sync_copy(zero_v, acc.at[pl.ds(r0 + k * _ZCH, _ZCH)])
        return c
    lax.fori_loop(0, _RPT // _ZCH, _zacc, 0)
    _TAIL = _RPT % _ZCH
    pltpu.sync_copy(zero_v.at[pl.ds(0, _TAIL)],
                    acc.at[pl.ds(r0 + (_RPT // _ZCH) * _ZCH, _TAIL)])
    plsc.subcore_barrier()

    e0 = sid * _EPT

    def _load_idx(i, b):
        off = e0 + i * _CH
        pltpu.sync_copy(src_hbm.at[pl.ds(off, _CH)], sbufs[b])
        pltpu.sync_copy(lab_hbm.at[pl.ds(off, _CH)], lbufs[b])
        pltpu.sync_copy(dst_hbm.at[pl.ds(off, _CH)], dbufs[b])

    def _start_gathers(b):
        for core in (0, 1):
            @pl.when(cid == core)
            def _(core=core):
                pltpu.async_copy(hwt[core].at[sbufs[b]], mbufs[b], s1[b])
                pltpu.async_copy(ewt[core].at[lbufs[b]], ebufs[b], s2[b])

    def _finish_chunk(b):
        for core in (0, 1):
            @pl.when(cid == core)
            def _(core=core):
                pltpu.make_async_copy(hwt[core].at[sbufs[b]],
                                      mbufs[b], s1[b]).wait()
                pltpu.make_async_copy(ewt[core].at[lbufs[b]],
                                      ebufs[b], s2[b]).wait()

        def _addrow(r, cc):
            mbufs[b][r, pl.ds(0, 16)] = (mbufs[b][r, pl.ds(0, 16)]
                                         + ebufs[b][r, pl.ds(0, 16)])
            mbufs[b][r, pl.ds(16, 16)] = (mbufs[b][r, pl.ds(16, 16)]
                                          + ebufs[b][r, pl.ds(16, 16)])
            return cc
        lax.fori_loop(0, _CH, _addrow, 0, unroll=8)
        pltpu.sync_copy(mbufs[b], acc.at[dbufs[b]], add=True)

    _load_idx(0, 0)
    _start_gathers(0)

    def _pair(p, c):
        i0 = p * 2
        _load_idx(i0 + 1, 1)
        _start_gathers(1)
        _finish_chunk(0)

        @pl.when(i0 + 2 < _NCH)
        def _():
            _load_idx(i0 + 2, 0)
            _start_gathers(0)
        _finish_chunk(1)
        return c

    lax.fori_loop(0, _NCH // 2, _pair, 0)
    plsc.subcore_barrier()

    @pl.when(cid == 0)
    def _():
        pltpu.sync_copy(acc.at[pl.ds(r0, _RPT)], outl_hbm.at[pl.ds(r0, _RPT)])

    @pl.when(cid == 1)
    def _():
        pltpu.sync_copy(acc.at[pl.ds(r0, _RPT)], outr_hbm.at[pl.ds(r0, _RPT)])



def _embw_body(emb_ref, w_ref, o0l, o0r, o1l, o1r):
    e0 = jnp.dot(emb_ref[...], w_ref[0], preferred_element_type=jnp.float32)
    e1 = jnp.dot(emb_ref[...], w_ref[1], preferred_element_type=jnp.float32)
    o0l[...] = e0[:, :_H]
    o0r[...] = e0[:, _H:]
    o1l[...] = e1[:, :_H]
    o1r[...] = e1[:, _H:]


def _embw_prep(emb_table, w_layers):
    return pl.pallas_call(
        _embw_body,
        out_shape=[jax.ShapeDtypeStruct((_NLAB, _H), jnp.float32)] * 4,
    )(emb_table, w_layers)


def _mm_body(h_ref, w_ref, outl_ref, outr_ref):
    hw = jnp.dot(h_ref[...], w_ref[...], preferred_element_type=jnp.float32)
    outl_ref[...] = hw[:, :_H]
    outr_ref[...] = hw[:, _H:]


def _matmul_tables(h, w):
    return pl.pallas_call(
        _mm_body,
        grid=(_GRID,),
        in_specs=[pl.BlockSpec((_BN, _D), lambda i: (i, 0)),
                  pl.BlockSpec((_D, _D), lambda i: (0, 0))],
        out_specs=[pl.BlockSpec((_BN, _H), lambda i: (i, 0)),
                   pl.BlockSpec((_BN, _H), lambda i: (i, 0))],
        out_shape=[jax.ShapeDtypeStruct((_N, _H), jnp.float32)] * 2,
    )(h, w)


def _upd_body(aggl_ref, aggr_ref, h0_ref, w_ref, h1_ref, outl_ref, outr_ref):
    agg = jnp.concatenate([aggl_ref[...], aggr_ref[...]], axis=1)
    h1 = jnp.maximum(agg, 0.0) + h0_ref[...]
    h1_ref[...] = h1
    hw = jnp.dot(h1, w_ref[...], preferred_element_type=jnp.float32)
    outl_ref[...] = hw[:, :_H]
    outr_ref[...] = hw[:, _H:]


def _layer_update(aggl, aggr, h0, w):
    return pl.pallas_call(
        _upd_body,
        grid=(_GRID,),
        in_specs=[pl.BlockSpec((_BN, _H), lambda i: (i, 0)),
                  pl.BlockSpec((_BN, _H), lambda i: (i, 0)),
                  pl.BlockSpec((_BN, _D), lambda i: (i, 0)),
                  pl.BlockSpec((_D, _D), lambda i: (0, 0))],
        out_specs=[pl.BlockSpec((_BN, _D), lambda i: (i, 0)),
                   pl.BlockSpec((_BN, _H), lambda i: (i, 0)),
                   pl.BlockSpec((_BN, _H), lambda i: (i, 0))],
        out_shape=[jax.ShapeDtypeStruct((_N, _D), jnp.float32),
                   jax.ShapeDtypeStruct((_N, _H), jnp.float32),
                   jax.ShapeDtypeStruct((_N, _H), jnp.float32)],
    )(aggl, aggr, h0, w)


def _final_body(aggl_ref, aggr_ref, h1_ref, gid_ref, wp1_ref, bp1_ref,
                wp2_ref, bp2_ref, out_ref, pool_ref):
    i = pl.program_id(0)
    agg = jnp.concatenate([aggl_ref[...], aggr_ref[...]], axis=1)
    h2 = jnp.maximum(agg, 0.0) + h1_ref[...]
    g = gid_ref[...]

    @pl.when(i == 0)
    def _init():
        pool_ref[...] = jnp.full((_B, _D), -jnp.inf, jnp.float32)

    rows = [jnp.max(jnp.where(g == float(b), h2, -jnp.inf),
                    axis=0, keepdims=True) for b in range(_B)]
    blk = jnp.concatenate(rows, axis=0)
    pool_ref[...] = jnp.maximum(pool_ref[...], blk)

    @pl.when(i == _GRID - 1)
    def _fin():
        pooled = pool_ref[...]
        t = jnp.tanh(jnp.dot(pooled, wp1_ref[...],
                             preferred_element_type=jnp.float32) + bp1_ref[...])
        out_ref[...] = (jnp.dot(t, wp2_ref[...],
                                preferred_element_type=jnp.float32)
                        + bp2_ref[...])


def _final(aggl, aggr, h1, gidf, wp1, bp1, wp2, bp2):
    return pl.pallas_call(
        _final_body,
        grid=(_GRID,),
        in_specs=[pl.BlockSpec((_BN, _H), lambda i: (i, 0)),
                  pl.BlockSpec((_BN, _H), lambda i: (i, 0)),
                  pl.BlockSpec((_BN, _D), lambda i: (i, 0)),
                  pl.BlockSpec((_BN, 1), lambda i: (i, 0)),
                  pl.BlockSpec((_D, _D), lambda i: (0, 0)),
                  pl.BlockSpec((1, _D), lambda i: (0, 0)),
                  pl.BlockSpec((_D, _NCLS), lambda i: (0, 0)),
                  pl.BlockSpec((1, _NCLS), lambda i: (0, 0))],
        out_specs=pl.BlockSpec((_B, _NCLS), lambda i: (0, 0)),
        out_shape=jax.ShapeDtypeStruct((_B, _NCLS), jnp.float32),
        scratch_shapes=[pltpu.VMEM((_B, _D), jnp.float32)],
    )(aggl, aggr, h1, gidf, wp1, bp1, wp2, bp2)


def kernel(node_x, edge_index, edge_labels, graph_ids, emb_table,
           W_layers, Wp1, bp1, Wp2, bp2):
    src2 = edge_index[0].astype(jnp.int32)
    dst2 = edge_index[1].astype(jnp.int32)
    lab2 = edge_labels.astype(jnp.int32)
    gidf = graph_ids.astype(jnp.float32).reshape(_N, 1)

    e0l, e0r, e1l, e1r = _embw_prep(emb_table, W_layers)
    hw0l, hw0r = _matmul_tables(node_x, W_layers[0])
    a0l, a0r = _edge_pass(src2, dst2, lab2, hw0l, hw0r, e0l, e0r)
    h1, hw1l, hw1r = _layer_update(a0l, a0r, node_x, W_layers[1])
    a1l, a1r = _edge_pass(src2, dst2, lab2, hw1l, hw1r, e1l, e1r)
    return _final(a1l, a1r, h1, gidf, Wp1, bp1.reshape(1, _D),
                  Wp2, bp2.reshape(1, _NCLS))

# --- scband reference (transcript-rebuilt; emitter-appended) ---
"""Pipeline reference for scband-net-16527034155607 (READ-ONLY COPY).

The authoritative reference and input builder live on the scoring server;
editing this copy changes nothing except your own understanding.
"""

import jax, jax.numpy as jnp
import numpy as np

N = 50000
E = 800000
D = 64
B = 8
NUM_E_LABELS = 512
NUM_LAYERS = 2
N_CLASSES = 10


def setup_inputs(seed: int = 0) -> dict:
    key = jax.random.key(seed)
    ks = jax.random.split(key, 10)
    node_x = jax.random.normal(ks[0], (N, D), dtype=jnp.float32)
    edge_index = jax.random.randint(ks[1], (2, E), 0, N, dtype=jnp.int64)
    edge_labels = jax.random.randint(ks[2], (E,), 0, NUM_E_LABELS, dtype=jnp.int64)
    graph_ids = jnp.sort(jax.random.randint(ks[3], (N,), 0, B, dtype=jnp.int64))
    # learned parameters
    emb_table = jax.random.normal(ks[4], (NUM_E_LABELS, D), dtype=jnp.float32) * 0.02
    W_layers = jax.random.normal(ks[5], (NUM_LAYERS, D, D), dtype=jnp.float32) * (1.0 / np.sqrt(D))
    Wp1 = jax.random.normal(ks[6], (D, D), dtype=jnp.float32) * (1.0 / np.sqrt(D))
    bp1 = jnp.zeros((D,), dtype=jnp.float32)
    Wp2 = jax.random.normal(ks[7], (D, N_CLASSES), dtype=jnp.float32) * (1.0 / np.sqrt(D))
    bp2 = jnp.zeros((N_CLASSES,), dtype=jnp.float32)
    return {
        "node_x": node_x,
        "edge_index": edge_index,
        "edge_labels": edge_labels,
        "graph_ids": graph_ids,
        "emb_table": emb_table,
        "W_layers": W_layers,
        "Wp1": Wp1,
        "bp1": bp1,
        "Wp2": Wp2,
        "bp2": bp2,
    }


def reference(node_x, edge_index, edge_labels, graph_ids, emb_table, W_layers, Wp1, bp1, Wp2, bp2):
    src = edge_index[0]
    dst = edge_index[1]
    # GraphEmbedding: embed edge labels (gather from table)
    e_emb = jnp.take(emb_table, edge_labels, axis=0)  # [E, D]
    h = node_x
    # Encoder layers: gather src features, combine with edge embedding,
    # transform, scatter-add to dst, nonlinearity + residual
    for l in range(NUM_LAYERS):
        msg = (h[src] + e_emb) @ W_layers[l]  # [E, D]
        agg = jax.ops.segment_sum(msg, dst, num_segments=N)  # scatter-add
        h = jax.nn.relu(agg) + h
    # max_pooling over top nodes of each graph (segment max replaces the
    # per-graph python loop / attention_mask masking)
    pooled = jax.ops.segment_max(h, graph_ids, num_segments=B)  # [B, D]
    # proj: Linear -> Tanh -> Linear(10)
    logits = jnp.tanh(pooled @ Wp1 + bp1) @ Wp2 + bp2
    return logits

if __name__ == "__main__":
    import jax
    _d = setup_inputs()
    print(jax.jit(kernel)(*tuple(_d.values())))

</pallas_src>

<mosaic_0001>
#map = affine_map<(d0, d1) -> (0)>
#map1 = affine_map<(d0, d1) -> (0, 0)>
module attributes {stable_mosaic.version = 14 : i64} {
  func.func @_edge_pass(%arg0: i32, %arg1: i32, %arg2: memref<800000xi32, #tpu.memory_space<hbm>>, %arg3: memref<800000xi32, #tpu.memory_space<hbm>>, %arg4: memref<800000xi32, #tpu.memory_space<hbm>>, %arg5: memref<50000x32xf32, #tpu.memory_space<hbm>>, %arg6: memref<50000x32xf32, #tpu.memory_space<hbm>>, %arg7: memref<512x32xf32, #tpu.memory_space<hbm>>, %arg8: memref<512x32xf32, #tpu.memory_space<hbm>>, %arg9: memref<50000x32xf32, #tpu.memory_space<hbm>>, %arg10: memref<50000x32xf32, #tpu.memory_space<hbm>>, %arg11: memref<40xi32, #tpu.memory_space<vmem>>, %arg12: memref<40xi32, #tpu.memory_space<vmem>>, %arg13: memref<40xi32, #tpu.memory_space<vmem>>, %arg14: memref<40x32xf32, #tpu.memory_space<vmem>>, %arg15: memref<40x32xf32, #tpu.memory_space<vmem>>, %arg16: memref<40xi32, #tpu.memory_space<vmem>>, %arg17: memref<40xi32, #tpu.memory_space<vmem>>, %arg18: memref<40xi32, #tpu.memory_space<vmem>>, %arg19: memref<40x32xf32, #tpu.memory_space<vmem>>, %arg20: memref<40x32xf32, #tpu.memory_space<vmem>>, %arg21: memref<200x32xf32, #tpu.memory_space<vmem>>, %arg22: memref<50000x32xf32, #tpu.memory_space<vmem_shared>>, %arg23: memref<!tpu.dma_semaphore, #tpu.memory_space<semaphore_mem>>, %arg24: memref<!tpu.dma_semaphore, #tpu.memory_space<semaphore_mem>>, %arg25: memref<!tpu.dma_semaphore, #tpu.memory_space<semaphore_mem>>, %arg26: memref<!tpu.dma_semaphore, #tpu.memory_space<semaphore_mem>>) attributes {dimension_semantics = [#tpu.dimension_semantics<core_parallel>, #tpu.dimension_semantics<subcore_parallel>], iteration_bounds = array<i64: 2, 16>, scalar_prefetch = 0 : i64, scratch_operands = 16 : i64, tpu.core_type = #tpu.core_type<sc_vector_subcore>, window_params = [{transform_indices = #map}, {transform_indices = #map}, {transform_indices = #map}, {transform_indices = #map1}, {transform_indices = #map1}, {transform_indices = #map1}, {transform_indices = #map1}, {transform_indices = #map1}, {transform_indices = #map1}]} {
    %scan3A = arith.constant 0 : i32
    %scan3A_0 = arith.constant 0 : i32
    %scan3A_1 = arith.constant 200 : i32
    %scan3A_2 = arith.addi %scan3A_0, %scan3A_1 : i32
    %scan3A_3 = arith.constant 8 : i32
    scf.for %scan3A_41 = %scan3A_0 to %scan3A_2 step %scan3A_3  : i32 {
      %broadcast_in_dim3A = arith.constant 0.000000e+00 : f32
      %broadcast_in_dim3A_42 = vector.broadcast %broadcast_in_dim3A : f32 to vector<16xf32>
      %swap3A = arith.index_cast %scan3A_41 : i32 to index
      %swap3A_43 = arith.constant 0 : index
      %swap3A_44 = tpu.vector_load %arg21[%swap3A, %swap3A_43] {strides = array<i32>} : memref<200x32xf32, #tpu.memory_space<vmem>>, vector<1x16xf32>,
      %swap3A_45 = vector.shape_cast %swap3A_44 : vector<1x16xf32> to vector<16xf32>
      %swap3A_46 = vector.shape_cast %broadcast_in_dim3A_42 : vector<16xf32> to vector<1x16xf32>
      tpu.vector_store %arg21[%swap3A, %swap3A_43], %swap3A_46 {strides = array<i32>} : memref<200x32xf32, #tpu.memory_space<vmem>>, vector<1x16xf32>,
      %broadcast_in_dim3A_47 = arith.constant 0.000000e+00 : f32
      %broadcast_in_dim3A_48 = vector.broadcast %broadcast_in_dim3A_47 : f32 to vector<16xf32>
      %swap3A_49 = arith.index_cast %scan3A_41 : i32 to index
      %swap3A_50 = arith.constant 16 : index
      %swap3A_51 = tpu.vector_load %arg21[%swap3A_49, %swap3A_50] {strides = array<i32>} : memref<200x32xf32, #tpu.memory_space<vmem>>, vector<1x16xf32>,
      %swap3A_52 = vector.shape_cast %swap3A_51 : vector<1x16xf32> to vector<16xf32>
      %swap3A_53 = vector.shape_cast %broadcast_in_dim3A_48 : vector<16xf32> to vector<1x16xf32>
      tpu.vector_store %arg21[%swap3A_49, %swap3A_50], %swap3A_53 {strides = array<i32>} : memref<200x32xf32, #tpu.memory_space<vmem>>, vector<1x16xf32>,
      %scan3A_54 = arith.constant 1 : i32
      %scan3A_55 = arith.addi %scan3A_41, %scan3A_54 : i32
      %broadcast_in_dim3A_56 = arith.constant 0.000000e+00 : f32
      %broadcast_in_dim3A_57 = vector.broadcast %broadcast_in_dim3A_56 : f32 to vector<16xf32>
      %swap3A_58 = arith.index_cast %scan3A_55 : i32 to index
      %swap3A_59 = arith.constant 0 : index
      %swap3A_60 = tpu.vector_load %arg21[%swap3A_58, %swap3A_59] {strides = array<i32>} : memref<200x32xf32, #tpu.memory_space<vmem>>, vector<1x16xf32>,
      %swap3A_61 = vector.shape_cast %swap3A_60 : vector<1x16xf32> to vector<16xf32>
      %swap3A_62 = vector.shape_cast %broadcast_in_dim3A_57 : vector<16xf32> to vector<1x16xf32>
      tpu.vector_store %arg21[%swap3A_58, %swap3A_59], %swap3A_62 {strides = array<i32>} : memref<200x32xf32, #tpu.memory_space<vmem>>, vector<1x16xf32>,
      %broadcast_in_dim3A_63 = arith.constant 0.000000e+00 : f32
      %broadcast_in_dim3A_64 = vector.broadcast %broadcast_in_dim3A_63 : f32 to vector<16xf32>
      %swap3A_65 = arith.index_cast %scan3A_55 : i32 to index
      %swap3A_66 = arith.constant 16 : index
      %swap3A_67 = tpu.vector_load %arg21[%swap3A_65, %swap3A_66] {strides = array<i32>} : memref<200x32xf32, #tpu.memory_space<vmem>>, vector<1x16xf32>,
      %swap3A_68 = vector.shape_cast %swap3A_67 : vector<1x16xf32> to vector<16xf32>
      %swap3A_69 = vector.shape_cast %broadcast_in_dim3A_64 : vector<16xf32> to vector<1x16xf32>
      tpu.vector_store %arg21[%swap3A_65, %swap3A_66], %swap3A_69 {strides = array<i32>} : memref<200x32xf32, #tpu.memory_space<vmem>>, vector<1x16xf32>,
      %scan3A_70 = arith.constant 2 : i32
      %scan3A_71 = arith.addi %scan3A_41, %scan3A_70 : i32
      %broadcast_in_dim3A_72 = arith.constant 0.000000e+00 : f32
      %broadcast_in_dim3A_73 = vector.broadcast %broadcast_in_dim3A_72 : f32 to vector<16xf32>
      %swap3A_74 = arith.index_cast %scan3A_71 : i32 to index
      %swap3A_75 = arith.constant 0 : index
      %swap3A_76 = tpu.vector_load %arg21[%swap3A_74, %swap3A_75] {strides = array<i32>} : memref<200x32xf32, #tpu.memory_space<vmem>>, vector<1x16xf32>,
      %swap3A_77 = vector.shape_cast %swap3A_76 : vector<1x16xf32> to vector<16xf32>
      %swap3A_78 = vector.shape_cast %broadcast_in_dim3A_73 : vector<16xf32> to vector<1x16xf32>
      tpu.vector_store %arg21[%swap3A_74, %swap3A_75], %swap3A_78 {strides = array<i32>} : memref<200x32xf32, #tpu.memory_space<vmem>>, vector<1x16xf32>,
      %broadcast_in_dim3A_79 = arith.constant 0.000000e+00 : f32
      %broadcast_in_dim3A_80 = vector.broadcast %broadcast_in_dim3A_79 : f32 to vector<16xf32>
      %swap3A_81 = arith.index_cast %scan3A_71 : i32 to index
      %swap3A_82 = arith.constant 16 : index
      %swap3A_83 = tpu.vector_load %arg21[%swap3A_81, %swap3A_82] {strides = array<i32>} : memref<200x32xf32, #tpu.memory_space<vmem>>, vector<1x16xf32>,
      %swap3A_84 = vector.shape_cast %swap3A_83 : vector<1x16xf32> to vector<16xf32>
      %swap3A_85 = vector.shape_cast %broadcast_in_dim3A_80 : vector<16xf32> to vector<1x16xf32>
      tpu.vector_store %arg21[%swap3A_81, %swap3A_82], %swap3A_85 {strides = array<i32>} : memref<200x32xf32, #tpu.memory_space<vmem>>, vector<1x16xf32>,
      %scan3A_86 = arith.constant 3 : i32
      %scan3A_87 = arith.addi %scan3A_41, %scan3A_86 : i32
      %broadcast_in_dim3A_88 = arith.constant 0.000000e+00 : f32
      %broadcast_in_dim3A_89 = vector.broadcast %broadcast_in_dim3A_88 : f32 to vector<16xf32>
      %swap3A_90 = arith.index_cast %scan3A_87 : i32 to index
      %swap3A_91 = arith.constant 0 : index
      %swap3A_92 = tpu.vector_load %arg21[%swap3A_90, %swap3A_91] {strides = array<i32>} : memref<200x32xf32, #tpu.memory_space<vmem>>, vector<1x16xf32>,
      %swap3A_93 = vector.shape_cast %swap3A_92 : vector<1x16xf32> to vector<16xf32>
      %swap3A_94 = vector.shape_cast %broadcast_in_dim3A_89 : vector<16xf32> to vector<1x16xf32>
      tpu.vector_store %arg21[%swap3A_90, %swap3A_91], %swap3A_94 {strides = array<i32>} : memref<200x32xf32, #tpu.memory_space<vmem>>, vector<1x16xf32>,
      %broadcast_in_dim3A_95 = arith.constant 0.000000e+00 : f32
      %broadcast_in_dim3A_96 = vector.broadcast %broadcast_in_dim3A_95 : f32 to vector<16xf32>
      %swap3A_97 = arith.index_cast %scan3A_87 : i32 to index
      %swap3A_98 = arith.constant 16 : index
      %swap3A_99 = tpu.vector_load %arg21[%swap3A_97, %swap3A_98] {strides = array<i32>} : memref<200x32xf32, #tpu.memory_space<vmem>>, vector<1x16xf32>,
      %swap3A_100 = vector.shape_cast %swap3A_99 : vector<1x16xf32> to vector<16xf32>
      %swap3A_101 = vector.shape_cast %broadcast_in_dim3A_96 : vector<16xf32> to vector<1x16xf32>
      tpu.vector_store %arg21[%swap3A_97, %swap3A_98], %swap3A_101 {strides = array<i32>} : memref<200x32xf32, #tpu.memory_space<vmem>>, vector<1x16xf32>,
      %scan3A_102 = arith.constant 4 : i32
      %scan3A_103 = arith.addi %scan3A_41, %scan3A_102 : i32
      %broadcast_in_dim3A_104 = arith.constant 0.000000e+00 : f32
      %broadcast_in_dim3A_105 = vector.broadcast %broadcast_in_dim3A_104 : f32 to vector<16xf32>
      %swap3A_106 = arith.index_cast %scan3A_103 : i32 to index
      %swap3A_107 = arith.constant 0 : index
      %swap3A_108 = tpu.vector_load %arg21[%swap3A_106, %swap3A_107] {strides = array<i32>} : memref<200x32xf32, #tpu.memory_space<vmem>>, vector<1x16xf32>,
      %swap3A_109 = vector.shape_cast %swap3A_108 : vector<1x16xf32> to vector<16xf32>
      %swap3A_110 = vector.shape_cast %broadcast_in_dim3A_105 : vector<16xf32> to vector<1x16xf32>
      tpu.vector_store %arg21[%swap3A_106, %swap3A_107], %swap3A_110 {strides = array<i32>} : memref<200x32xf32, #tpu.memory_space<vmem>>, vector<1x16xf32>,
      %broadcast_in_dim3A_111 = arith.constant 0.000000e+00 : f32
      %broadcast_in_dim3A_112 = vector.broadcast %broadcast_in_dim3A_111 : f32 to vector<16xf32>
      %swap3A_113 = arith.index_cast %scan3A_103 : i32 to index
      %swap3A_114 = arith.constant 16 : index
      %swap3A_115 = tpu.vector_load %arg21[%swap3A_113, %swap3A_114] {strides = array<i32>} : memref<200x32xf32, #tpu.memory_space<vmem>>, vector<1x16xf32>,
      %swap3A_116 = vector.shape_cast %swap3A_115 : vector<1x16xf32> to vector<16xf32>
      %swap3A_117 = vector.shape_cast %broadcast_in_dim3A_112 : vector<16xf32> to vector<1x16xf32>
      tpu.vector_store %arg21[%swap3A_113, %swap3A_114], %swap3A_117 {strides = array<i32>} : memref<200x32xf32, #tpu.memory_space<vmem>>, vector<1x16xf32>,
      %scan3A_118 = arith.constant 5 : i32
      %scan3A_119 = arith.addi %scan3A_41, %scan3A_118 : i32
      %broadcast_in_dim3A_120 = arith.constant 0.000000e+00 : f32
      %broadcast_in_dim3A_121 = vector.broadcast %broadcast_in_dim3A_120 : f32 to vector<16xf32>
      %swap3A_122 = arith.index_cast %scan3A_119 : i32 to index
      %swap3A_123 = arith.constant 0 : index
      %swap3A_124 = tpu.vector_load %arg21[%swap3A_122, %swap3A_123] {strides = array<i32>} : memref<200x32xf32, #tpu.memory_space<vmem>>, vector<1x16xf32>,
      %swap3A_125 = vector.shape_cast %swap3A_124 : vector<1x16xf32> to vector<16xf32>
      %swap3A_126 = vector.shape_cast %broadcast_in_dim3A_121 : vector<16xf32> to vector<1x16xf32>
      tpu.vector_store %arg21[%swap3A_122, %swap3A_123], %swap3A_126 {strides = array<i32>} : memref<200x32xf32, #tpu.memory_space<vmem>>, vector<1x16xf32>,
      %broadcast_in_dim3A_127 = arith.constant 0.000000e+00 : f32
      %broadcast_in_dim3A_128 = vector.broadcast %broadcast_in_dim3A_127 : f32 to vector<16xf32>
      %swap3A_129 = arith.index_cast %scan3A_119 : i32 to index
      %swap3A_130 = arith.constant 16 : index
      %swap3A_131 = tpu.vector_load %arg21[%swap3A_129, %swap3A_130] {strides = array<i32>} : memref<200x32xf32, #tpu.memory_space<vmem>>, vector<1x16xf32>,
      %swap3A_132 = vector.shape_cast %swap3A_131 : vector<1x16xf32> to vector<16xf32>
      %swap3A_133 = vector.shape_cast %broadcast_in_dim3A_128 : vector<16xf32> to vector<1x16xf32>
      tpu.vector_store %arg21[%swap3A_129, %swap3A_130], %swap3A_133 {strides = array<i32>} : memref<200x32xf32, #tpu.memory_space<vmem>>, vector<1x16xf32>,
      %scan3A_134 = arith.constant 6 : i32
      %scan3A_135 = arith.addi %scan3A_41, %scan3A_134 : i32
      %broadcast_in_dim3A_136 = arith.constant 0.000000e+00 : f32
      %broadcast_in_dim3A_137 = vector.broadcast %broadcast_in_dim3A_136 : f32 to vector<16xf32>
      %swap3A_138 = arith.index_cast %scan3A_135 : i32 to index
      %swap3A_139 = arith.constant 0 : index
      %swap3A_140 = tpu.vector_load %arg21[%swap3A_138, %swap3A_139] {strides = array<i32>} : memref<200x32xf32, #tpu.memory_space<vmem>>, vector<1x16xf32>,
      %swap3A_141 = vector.shape_cast %swap3A_140 : vector<1x16xf32> to vector<16xf32>
      %swap3A_142 = vector.shape_cast %broadcast_in_dim3A_137 : vector<16xf32> to vector<1x16xf32>
      tpu.vector_store %arg21[%swap3A_138, %swap3A_139], %swap3A_142 {strides = array<i32>} : memref<200x32xf32, #tpu.memory_space<vmem>>, vector<1x16xf32>,
      %broadcast_in_dim3A_143 = arith.constant 0.000000e+00 : f32
      %broadcast_in_dim3A_144 = vector.broadcast %broadcast_in_dim3A_143 : f32 to vector<16xf32>
      %swap3A_145 = arith.index_cast %scan3A_135 : i32 to index
      %swap3A_146 = arith.constant 16 : index
      %swap3A_147 = tpu.vector_load %arg21[%swap3A_145, %swap3A_146] {strides = array<i32>} : memref<200x32xf32, #tpu.memory_space<vmem>>, vector<1x16xf32>,
      %swap3A_148 = vector.shape_cast %swap3A_147 : vector<1x16xf32> to vector<16xf32>
      %swap3A_149 = vector.shape_cast %broadcast_in_dim3A_144 : vector<16xf32> to vector<1x16xf32>
      tpu.vector_store %arg21[%swap3A_145, %swap3A_146], %swap3A_149 {strides = array<i32>} : memref<200x32xf32, #tpu.memory_space<vmem>>, vector<1x16xf32>,
      %scan3A_150 = arith.constant 7 : i32
      %scan3A_151 = arith.addi %scan3A_41, %scan3A_150 : i32
      %broadcast_in_dim3A_152 = arith.constant 0.000000e+00 : f32
      %broadcast_in_dim3A_153 = vector.broadcast %broadcast_in_dim3A_152 : f32 to vector<16xf32>
      %swap3A_154 = arith.index_cast %scan3A_151 : i32 to index
      %swap3A_155 = arith.constant 0 : index
      %swap3A_156 = tpu.vector_load %arg21[%swap3A_154, %swap3A_155] {strides = array<i32>} : memref<200x32xf32, #tpu.memory_space<vmem>>, vector<1x16xf32>,
      %swap3A_157 = vector.shape_cast %swap3A_156 : vector<1x16xf32> to vector<16xf32>
      %swap3A_158 = vector.shape_cast %broadcast_in_dim3A_153 : vector<16xf32> to vector<1x16xf32>
      tpu.vector_store %arg21[%swap3A_154, %swap3A_155], %swap3A_158 {strides = array<i32>} : memref<200x32xf32, #tpu.memory_space<vmem>>, vector<1x16xf32>,
      %broadcast_in_dim3A_159 = arith.constant 0.000000e+00 : f32
      %broadcast_in_dim3A_160 = vector.broadcast %broadcast_in_dim3A_159 : f32 to vector<16xf32>
      %swap3A_161 = arith.index_cast %scan3A_151 : i32 to index
      %swap3A_162 = arith.constant 16 : index
      %swap3A_163 = tpu.vector_load %arg21[%swap3A_161, %swap3A_162] {strides = array<i32>} : memref<200x32xf32, #tpu.memory_space<vmem>>, vector<1x16xf32>,
      %swap3A_164 = vector.shape_cast %swap3A_163 : vector<1x16xf32> to vector<16xf32>
      %swap3A_165 = vector.shape_cast %broadcast_in_dim3A_160 : vector<16xf32> to vector<1x16xf32>
      tpu.vector_store %arg21[%swap3A_161, %swap3A_162], %swap3A_165 {strides = array<i32>} : memref<200x32xf32, #tpu.memory_space<vmem>>, vector<1x16xf32>,
    }
    %scan3A_4 = arith.constant 200 : i32
    %mul3A = arith.constant 3125 : i32
    %mul3A_5 = arith.muli %arg1, %mul3A : i32
    %scan3A_6 = arith.constant 0 : i32
    %scan3A_7 = arith.constant 0 : i32
    %scan3A_8 = arith.constant 15 : i32
    %scan3A_9 = arith.addi %scan3A_7, %scan3A_8 : i32
    %scan3A_10 = arith.constant 1 : i32
    scf.for %scan3A_41 = %scan3A_7 to %scan3A_9 step %scan3A_10  : i32 {
      %mul3A_42 = arith.constant 200 : i32
      %mul3A_43 = arith.muli %scan3A_41, %mul3A_42 : i32
      %add3A_44 = arith.addi %mul3A_5, %mul3A_43 : i32
      "tpu.region"() ({
        %run_scoped3A = tpu.sem_alloc : memref<!tpu.dma_semaphore, #tpu.memory_space<semaphore_mem>>
        %dma_start3A = arith.constant 0 : i32
        %dma_start3A_45 = tpu.memref_slice %arg22[%add3A_44, %dma_start3A] : memref<50000x32xf32, #tpu.memory_space<vmem_shared>> -> memref<200x32xf32, #tpu.memory_space<vmem_shared>>
        %dma_start3A_46 = arith.constant 0 : i32
        %dma_start3A_47 = tpu.memref_slice %arg22[%add3A_44, %dma_start3A_46] : memref<50000x32xf32, #tpu.memory_space<vmem_shared>> -> memref<200x32xf32, #tpu.memory_space<vmem_shared>>
        tpu.enqueue_dma source(%arg21 : memref<200x32xf32, #tpu.memory_space<vmem>>) target(%dma_start3A_47 : memref<200x32xf32, #tpu.memory_space<vmem_shared>>) target_semaphore(%run_scoped3A : memref<!tpu.dma_semaphore, #tpu.memory_space<semaphore_mem>>)
        %dma_wait3A = arith.constant 0 : i32
        %dma_wait3A_48 = tpu.memref_slice %arg22[%add3A_44, %dma_wait3A] : memref<50000x32xf32, #tpu.memory_space<vmem_shared>> -> memref<200x32xf32, #tpu.memory_space<vmem_shared>>
        %dma_wait3A_49 = arith.constant 0 : i32
        %dma_wait3A_50 = tpu.memref_slice %arg22[%add3A_44, %dma_wait3A_49] : memref<50000x32xf32, #tpu.memory_space<vmem_shared>> -> memref<200x32xf32, #tpu.memory_space<vmem_shared>>
        tpu.wait_dma2 semaphore(%run_scoped3A : memref<!tpu.dma_semaphore, #tpu.memory_space<semaphore_mem>>) src(%arg21 : memref<200x32xf32, #tpu.memory_space<vmem>>) dst(%dma_wait3A_50 : memref<200x32xf32, #tpu.memory_space<vmem_shared>>)
        tpu.yield
      }) : () -> ()
    }
    %scan3A_11 = arith.constant 15 : i32
    %add3A = arith.constant 3000 : i32
    %add3A_12 = arith.addi %mul3A_5, %add3A : i32
    "tpu.region"() ({
      %run_scoped3A = tpu.sem_alloc : memref<!tpu.dma_semaphore, #tpu.memory_space<semaphore_mem>>
      %dma_start3A = arith.constant 0 : i32
      %dma_start3A_41 = arith.constant 0 : i32
      %dma_start3A_42 = tpu.memref_slice %arg21[%dma_start3A, %dma_start3A_41] : memref<200x32xf32, #tpu.memory_space<vmem>> -> memref<125x32xf32, #tpu.memory_space<vmem>>
      %dma_start3A_43 = arith.constant 0 : i32
      %dma_start3A_44 = tpu.memref_slice %arg22[%add3A_12, %dma_start3A_43] : memref<50000x32xf32, #tpu.memory_space<vmem_shared>> -> memref<125x32xf32, #tpu.memory_space<vmem_shared>>
      %dma_start3A_45 = arith.constant 0 : i32
      %dma_start3A_46 = tpu.memref_slice %arg22[%add3A_12, %dma_start3A_45] : memref<50000x32xf32, #tpu.memory_space<vmem_shared>> -> memref<125x32xf32, #tpu.memory_space<vmem_shared>>
      %dma_start3A_47 = arith.constant 0 : i32
      %dma_start3A_48 = arith.constant 0 : i32
      %dma_start3A_49 = tpu.memref_slice %arg21[%dma_start3A_47, %dma_start3A_48] : memref<200x32xf32, #tpu.memory_space<vmem>> -> memref<125x32xf32, #tpu.memory_space<vmem>>
      tpu.enqueue_dma source(%dma_start3A_49 : memref<125x32xf32, #tpu.memory_space<vmem>>) target(%dma_start3A_46 : memref<125x32xf32, #tpu.memory_space<vmem_shared>>) target_semaphore(%run_scoped3A : memref<!tpu.dma_semaphore, #tpu.memory_space<semaphore_mem>>)
      %dma_wait3A = arith.constant 0 : i32
      %dma_wait3A_50 = arith.constant 0 : i32
      %dma_wait3A_51 = tpu.memref_slice %arg21[%dma_wait3A, %dma_wait3A_50] : memref<200x32xf32, #tpu.memory_space<vmem>> -> memref<125x32xf32, #tpu.memory_space<vmem>>
      %dma_wait3A_52 = arith.constant 0 : i32
      %dma_wait3A_53 = tpu.memref_slice %arg22[%add3A_12, %dma_wait3A_52] : memref<50000x32xf32, #tpu.memory_space<vmem_shared>> -> memref<125x32xf32, #tpu.memory_space<vmem_shared>>
      %dma_wait3A_54 = arith.constant 0 : i32
      %dma_wait3A_55 = tpu.memref_slice %arg22[%add3A_12, %dma_wait3A_54] : memref<50000x32xf32, #tpu.memory_space<vmem_shared>> -> memref<125x32xf32, #tpu.memory_space<vmem_shared>>
      %dma_wait3A_56 = arith.constant 0 : i32
      %dma_wait3A_57 = arith.constant 0 : i32
      %dma_wait3A_58 = tpu.memref_slice %arg21[%dma_wait3A_56, %dma_wait3A_57] : memref<200x32xf32, #tpu.memory_space<vmem>> -> memref<125x32xf32, #tpu.memory_space<vmem>>
      tpu.wait_dma2 semaphore(%run_scoped3A : memref<!tpu.dma_semaphore, #tpu.memory_space<semaphore_mem>>) src(%dma_wait3A_58 : memref<125x32xf32, #tpu.memory_space<vmem>>) dst(%dma_wait3A_55 : memref<125x32xf32, #tpu.memory_space<vmem_shared>>)
      tpu.yield
    }) : () -> ()
    %barrier3A = arith.constant 0 : index
    tpu.barrier barrier_id(%barrier3A)
    %mul3A_13 = arith.constant 50000 : i32
    %mul3A_14 = arith.muli %arg1, %mul3A_13 : i32
    %add3A_15 = arith.constant 0 : i32
    %add3A_16 = arith.addi %mul3A_14, %add3A_15 : i32
    "tpu.region"() ({
      %run_scoped3A = tpu.sem_alloc : memref<!tpu.dma_semaphore, #tpu.memory_space<semaphore_mem>>
      %dma_start3A = tpu.memref_slice %arg2[%add3A_16] : memref<800000xi32, #tpu.memory_space<hbm>> -> memref<40xi32, #tpu.memory_space<hbm>>
      %dma_start3A_41 = tpu.memref_slice %arg2[%add3A_16] : memref<800000xi32, #tpu.memory_space<hbm>> -> memref<40xi32, #tpu.memory_space<hbm>>
      tpu.enqueue_dma source(%dma_start3A_41 : memref<40xi32, #tpu.memory_space<hbm>>) target(%arg11 : memref<40xi32, #tpu.memory_space<vmem>>) target_semaphore(%run_scoped3A : memref<!tpu.dma_semaphore, #tpu.memory_space<semaphore_mem>>)
      %dma_wait3A = tpu.memref_slice %arg2[%add3A_16] : memref<800000xi32, #tpu.memory_space<hbm>> -> memref<40xi32, #tpu.memory_space<hbm>>
      %dma_wait3A_42 = tpu.memref_slice %arg2[%add3A_16] : memref<800000xi32, #tpu.memory_space<hbm>> -> memref<40xi32, #tpu.memory_space<hbm>>
      tpu.wait_dma2 semaphore(%run_scoped3A : memref<!tpu.dma_semaphore, #tpu.memory_space<semaphore_mem>>) src(%dma_wait3A_42 : memref<40xi32, #tpu.memory_space<hbm>>) dst(%arg11 : memref<40xi32, #tpu.memory_space<vmem>>)
      tpu.yield
    }) : () -> ()
    "tpu.region"() ({
      %run_scoped3A = tpu.sem_alloc : memref<!tpu.dma_semaphore, #tpu.memory_space<semaphore_mem>>
      %dma_start3A = tpu.memref_slice %arg4[%add3A_16] : memref<800000xi32, #tpu.memory_space<hbm>> -> memref<40xi32, #tpu.memory_space<hbm>>
      %dma_start3A_41 = tpu.memref_slice %arg4[%add3A_16] : memref<800000xi32, #tpu.memory_space<hbm>> -> memref<40xi32, #tpu.memory_space<hbm>>
      tpu.enqueue_dma source(%dma_start3A_41 : memref<40xi32, #tpu.memory_space<hbm>>) target(%arg13 : memref<40xi32, #tpu.memory_space<vmem>>) target_semaphore(%run_scoped3A : memref<!tpu.dma_semaphore, #tpu.memory_space<semaphore_mem>>)
      %dma_wait3A = tpu.memref_slice %arg4[%add3A_16] : memref<800000xi32, #tpu.memory_space<hbm>> -> memref<40xi32, #tpu.memory_space<hbm>>
      %dma_wait3A_42 = tpu.memref_slice %arg4[%add3A_16] : memref<800000xi32, #tpu.memory_space<hbm>> -> memref<40xi32, #tpu.memory_space<hbm>>
      tpu.wait_dma2 semaphore(%run_scoped3A : memref<!tpu.dma_semaphore, #tpu.memory_space<semaphore_mem>>) src(%dma_wait3A_42 : memref<40xi32, #tpu.memory_space<hbm>>) dst(%arg13 : memref<40xi32, #tpu.memory_space<vmem>>)
      tpu.yield
    }) : () -> ()
    "tpu.region"() ({
      %run_scoped3A = tpu.sem_alloc : memref<!tpu.dma_semaphore, #tpu.memory_space<semaphore_mem>>
      %dma_start3A = tpu.memref_slice %arg3[%add3A_16] : memref<800000xi32, #tpu.memory_space<hbm>> -> memref<40xi32, #tpu.memory_space<hbm>>
      %dma_start3A_41 = tpu.memref_slice %arg3[%add3A_16] : memref<800000xi32, #tpu.memory_space<hbm>> -> memref<40xi32, #tpu.memory_space<hbm>>
      tpu.enqueue_dma source(%dma_start3A_41 : memref<40xi32, #tpu.memory_space<hbm>>) target(%arg12 : memref<40xi32, #tpu.memory_space<vmem>>) target_semaphore(%run_scoped3A : memref<!tpu.dma_semaphore, #tpu.memory_space<semaphore_mem>>)
      %dma_wait3A = tpu.memref_slice %arg3[%add3A_16] : memref<800000xi32, #tpu.memory_space<hbm>> -> memref<40xi32, #tpu.memory_space<hbm>>
      %dma_wait3A_42 = tpu.memref_slice %arg3[%add3A_16] : memref<800000xi32, #tpu.memory_space<hbm>> -> memref<40xi32, #tpu.memory_space<hbm>>
      tpu.wait_dma2 semaphore(%run_scoped3A : memref<!tpu.dma_semaphore, #tpu.memory_space<semaphore_mem>>) src(%dma_wait3A_42 : memref<40xi32, #tpu.memory_space<hbm>>) dst(%arg12 : memref<40xi32, #tpu.memory_space<vmem>>)
      tpu.yield
    }) : () -> ()
    %eq3A = arith.constant 0 : i32
    %eq3A_17 = arith.cmpi eq, %arg0, %eq3A : i32
    %convert_element_type3A = arith.extui %eq3A_17 : i1 to i32
    %cond3A = arith.constant 0 : i32
    %cond3A_18 = arith.cmpi ne, %convert_element_type3A, %cond3A : i32
    scf.if %cond3A_18 {
      %dma_start3A = arith.constant 0 : i32
      %dma_start3A_41 = arith.constant 0 : i32
      %dma_start3A_42 = tpu.memref_slice %arg5[%dma_start3A, %dma_start3A_41] : memref<50000x32xf32, #tpu.memory_space<hbm>> -> memref<50000x32xf32, #tpu.memory_space<hbm>>
      tpu.enqueue_indirect_dma source(%dma_start3A_42 : memref<50000x32xf32, #tpu.memory_space<hbm>>) target(%arg14 : memref<40x32xf32, #tpu.memory_space<vmem>>) offsets(%arg11 : memref<40xi32, #tpu.memory_space<vmem>>) semaphore(%arg23 : memref<!tpu.dma_semaphore, #tpu.memory_space<semaphore_mem>>)
      %dma_start3A_43 = arith.constant 0 : i32
      %dma_start3A_44 = arith.constant 0 : i32
      %dma_start3A_45 = tpu.memref_slice %arg7[%dma_start3A_43, %dma_start3A_44] : memref<512x32xf32, #tpu.memory_space<hbm>> -> memref<512x32xf32, #tpu.memory_space<hbm>>
      tpu.enqueue_indirect_dma source(%dma_start3A_45 : memref<512x32xf32, #tpu.memory_space<hbm>>) target(%arg15 : memref<40x32xf32, #tpu.memory_space<vmem>>) offsets(%arg13 : memref<40xi32, #tpu.memory_space<vmem>>) semaphore(%arg24 : memref<!tpu.dma_semaphore, #tpu.memory_space<semaphore_mem>>)
    } else {
    }
    %eq3A_19 = arith.constant 1 : i32
    %eq3A_20 = arith.cmpi eq, %arg0, %eq3A_19 : i32
    %convert_element_type3A_21 = arith.extui %eq3A_20 : i1 to i32
    %cond3A_22 = arith.constant 0 : i32
    %cond3A_23 = arith.cmpi ne, %convert_element_type3A_21, %cond3A_22 : i32
    scf.if %cond3A_23 {
      %dma_start3A = arith.constant 0 : i32
      %dma_start3A_41 = arith.constant 0 : i32
      %dma_start3A_42 = tpu.memref_slice %arg6[%dma_start3A, %dma_start3A_41] : memref<50000x32xf32, #tpu.memory_space<hbm>> -> memref<50000x32xf32, #tpu.memory_space<hbm>>
      tpu.enqueue_indirect_dma source(%dma_start3A_42 : memref<50000x32xf32, #tpu.memory_space<hbm>>) target(%arg14 : memref<40x32xf32, #tpu.memory_space<vmem>>) offsets(%arg11 : memref<40xi32, #tpu.memory_space<vmem>>) semaphore(%arg23 : memref<!tpu.dma_semaphore, #tpu.memory_space<semaphore_mem>>)
      %dma_start3A_43 = arith.constant 0 : i32
      %dma_start3A_44 = arith.constant 0 : i32
      %dma_start3A_45 = tpu.memref_slice %arg8[%dma_start3A_43, %dma_start3A_44] : memref<512x32xf32, #tpu.memory_space<hbm>> -> memref<512x32xf32, #tpu.memory_space<hbm>>
      tpu.enqueue_indirect_dma source(%dma_start3A_45 : memref<512x32xf32, #tpu.memory_space<hbm>>) target(%arg15 : memref<40x32xf32, #tpu.memory_space<vmem>>) offsets(%arg13 : memref<40xi32, #tpu.memory_space<vmem>>) semaphore(%arg24 : memref<!tpu.dma_semaphore, #tpu.memory_space<semaphore_mem>>)
    } else {
    }
    %scan3A_24 = arith.constant 0 : i32
    %scan3A_25 = arith.constant 0 : i32
    %scan3A_26 = arith.constant 625 : i32
    %scan3A_27 = arith.addi %scan3A_25, %scan3A_26 : i32
    %scan3A_28 = arith.constant 1 : i32
    scf.for %scan3A_41 = %scan3A_25 to %scan3A_27 step %scan3A_28  : i32 {
      %mul3A_42 = arith.constant 2 : i32
      %mul3A_43 = arith.muli %scan3A_41, %mul3A_42 : i32
      %add3A_44 = arith.constant 1 : i32
      %add3A_45 = arith.addi %mul3A_43, %add3A_44 : i32
      %mul3A_46 = arith.constant 40 : i32
      %mul3A_47 = arith.muli %add3A_45, %mul3A_46 : i32
      %add3A_48 = arith.addi %mul3A_14, %mul3A_47 : i32
      "tpu.region"() ({
        %run_scoped3A = tpu.sem_alloc : memref<!tpu.dma_semaphore, #tpu.memory_space<semaphore_mem>>
        %dma_start3A = tpu.memref_slice %arg2[%add3A_48] : memref<800000xi32, #tpu.memory_space<hbm>> -> memref<40xi32, #tpu.memory_space<hbm>>
        %dma_start3A_97 = tpu.memref_slice %arg2[%add3A_48] : memref<800000xi32, #tpu.memory_space<hbm>> -> memref<40xi32, #tpu.memory_space<hbm>>
        tpu.enqueue_dma source(%dma_start3A_97 : memref<40xi32, #tpu.memory_space<hbm>>) target(%arg16 : memref<40xi32, #tpu.memory_space<vmem>>) target_semaphore(%run_scoped3A : memref<!tpu.dma_semaphore, #tpu.memory_space<semaphore_mem>>)
        %dma_wait3A = tpu.memref_slice %arg2[%add3A_48] : memref<800000xi32, #tpu.memory_space<hbm>> -> memref<40xi32, #tpu.memory_space<hbm>>
        %dma_wait3A_98 = tpu.memref_slice %arg2[%add3A_48] : memref<800000xi32, #tpu.memory_space<hbm>> -> memref<40xi32, #tpu.memory_space<hbm>>
        tpu.wait_dma2 semaphore(%run_scoped3A : memref<!tpu.dma_semaphore, #tpu.memory_space<semaphore_mem>>) src(%dma_wait3A_98 : memref<40xi32, #tpu.memory_space<hbm>>) dst(%arg16 : memref<40xi32, #tpu.memory_space<vmem>>)
        tpu.yield
      }) : () -> ()
      "tpu.region"() ({
        %run_scoped3A = tpu.sem_alloc : memref<!tpu.dma_semaphore, #tpu.memory_space<semaphore_mem>>
        %dma_start3A = tpu.memref_slice %arg4[%add3A_48] : memref<800000xi32, #tpu.memory_space<hbm>> -> memref<40xi32, #tpu.memory_space<hbm>>
        %dma_start3A_97 = tpu.memref_slice %arg4[%add3A_48] : memref<800000xi32, #tpu.memory_space<hbm>> -> memref<40xi32, #tpu.memory_space<hbm>>
        tpu.enqueue_dma source(%dma_start3A_97 : memref<40xi32, #tpu.memory_space<hbm>>) target(%arg18 : memref<40xi32, #tpu.memory_space<vmem>>) target_semaphore(%run_scoped3A : memref<!tpu.dma_semaphore, #tpu.memory_space<semaphore_mem>>)
        %dma_wait3A = tpu.memref_slice %arg4[%add3A_48] : memref<800000xi32, #tpu.memory_space<hbm>> -> memref<40xi32, #tpu.memory_space<hbm>>
        %dma_wait3A_98 = tpu.memref_slice %arg4[%add3A_48] : memref<800000xi32, #tpu.memory_space<hbm>> -> memref<40xi32, #tpu.memory_space<hbm>>
        tpu.wait_dma2 semaphore(%run_scoped3A : memref<!tpu.dma_semaphore, #tpu.memory_space<semaphore_mem>>) src(%dma_wait3A_98 : memref<40xi32, #tpu.memory_space<hbm>>) dst(%arg18 : memref<40xi32, #tpu.memory_space<vmem>>)
        tpu.yield
      }) : () -> ()
      "tpu.region"() ({
        %run_scoped3A = tpu.sem_alloc : memref<!tpu.dma_semaphore, #tpu.memory_space<semaphore_mem>>
        %dma_start3A = tpu.memref_slice %arg3[%add3A_48] : memref<800000xi32, #tpu.memory_space<hbm>> -> memref<40xi32, #tpu.memory_space<hbm>>
        %dma_start3A_97 = tpu.memref_slice %arg3[%add3A_48] : memref<800000xi32, #tpu.memory_space<hbm>> -> memref<40xi32, #tpu.memory_space<hbm>>
        tpu.enqueue_dma source(%dma_start3A_97 : memref<40xi32, #tpu.memory_space<hbm>>) target(%arg17 : memref<40xi32, #tpu.memory_space<vmem>>) target_semaphore(%run_scoped3A : memref<!tpu.dma_semaphore, #tpu.memory_space<semaphore_mem>>)
        %dma_wait3A = tpu.memref_slice %arg3[%add3A_48] : memref<800000xi32, #tpu.memory_space<hbm>> -> memref<40xi32, #tpu.memory_space<hbm>>
        %dma_wait3A_98 = tpu.memref_slice %arg3[%add3A_48] : memref<800000xi32, #tpu.memory_space<hbm>> -> memref<40xi32, #tpu.memory_space<hbm>>
        tpu.wait_dma2 semaphore(%run_scoped3A : memref<!tpu.dma_semaphore, #tpu.memory_space<semaphore_mem>>) src(%dma_wait3A_98 : memref<40xi32, #tpu.memory_space<hbm>>) dst(%arg17 : memref<40xi32, #tpu.memory_space<vmem>>)
        tpu.yield
      }) : () -> ()
      %eq3A_49 = arith.constant 0 : i32
      %eq3A_50 = arith.cmpi eq, %arg0, %eq3A_49 : i32
      %convert_element_type3A_51 = arith.extui %eq3A_50 : i1 to i32
      %cond3A_52 = arith.constant 0 : i32
      %cond3A_53 = arith.cmpi ne, %convert_element_type3A_51, %cond3A_52 : i32
      scf.if %cond3A_53 {
        %dma_start3A = arith.constant 0 : i32
        %dma_start3A_97 = arith.constant 0 : i32
        %dma_start3A_98 = tpu.memref_slice %arg5[%dma_start3A, %dma_start3A_97] : memref<50000x32xf32, #tpu.memory_space<hbm>> -> memref<50000x32xf32, #tpu.memory_space<hbm>>
        tpu.enqueue_indirect_dma source(%dma_start3A_98 : memref<50000x32xf32, #tpu.memory_space<hbm>>) target(%arg19 : memref<40x32xf32, #tpu.memory_space<vmem>>) offsets(%arg16 : memref<40xi32, #tpu.memory_space<vmem>>) semaphore(%arg25 : memref<!tpu.dma_semaphore, #tpu.memory_space<semaphore_mem>>)
        %dma_start3A_99 = arith.constant 0 : i32
        %dma_start3A_100 = arith.constant 0 : i32
        %dma_start3A_101 = tpu.memref_slice %arg7[%dma_start3A_99, %dma_start3A_100] : memref<512x32xf32, #tpu.memory_space<hbm>> -> memref<512x32xf32, #tpu.memory_space<hbm>>
        tpu.enqueue_indirect_dma source(%dma_start3A_101 : memref<512x32xf32, #tpu.memory_space<hbm>>) target(%arg20 : memref<40x32xf32, #tpu.memory_space<vmem>>) offsets(%arg18 : memref<40xi32, #tpu.memory_space<vmem>>) semaphore(%arg26 : memref<!tpu.dma_semaphore, #tpu.memory_space<semaphore_mem>>)
      } else {
      }
      %eq3A_54 = arith.constant 1 : i32
      %eq3A_55 = arith.cmpi eq, %arg0, %eq3A_54 : i32
      %convert_element_type3A_56 = arith.extui %eq3A_55 : i1 to i32
      %cond3A_57 = arith.constant 0 : i32
      %cond3A_58 = arith.cmpi ne, %convert_element_type3A_56, %cond3A_57 : i32
      scf.if %cond3A_58 {
        %dma_start3A = arith.constant 0 : i32
        %dma_start3A_97 = arith.constant 0 : i32
        %dma_start3A_98 = tpu.memref_slice %arg6[%dma_start3A, %dma_start3A_97] : memref<50000x32xf32, #tpu.memory_space<hbm>> -> memref<50000x32xf32, #tpu.memory_space<hbm>>
        tpu.enqueue_indirect_dma source(%dma_start3A_98 : memref<50000x32xf32, #tpu.memory_space<hbm>>) target(%arg19 : memref<40x32xf32, #tpu.memory_space<vmem>>) offsets(%arg16 : memref<40xi32, #tpu.memory_space<vmem>>) semaphore(%arg25 : memref<!tpu.dma_semaphore, #tpu.memory_space<semaphore_mem>>)
        %dma_start3A_99 = arith.constant 0 : i32
        %dma_start3A_100 = arith.constant 0 : i32
        %dma_start3A_101 = tpu.memref_slice %arg8[%dma_start3A_99, %dma_start3A_100] : memref<512x32xf32, #tpu.memory_space<hbm>> -> memref<512x32xf32, #tpu.memory_space<hbm>>
        tpu.enqueue_indirect_dma source(%dma_start3A_101 : memref<512x32xf32, #tpu.memory_space<hbm>>) target(%arg20 : memref<40x32xf32, #tpu.memory_space<vmem>>) offsets(%arg18 : memref<40xi32, #tpu.memory_space<vmem>>) semaphore(%arg26 : memref<!tpu.dma_semaphore, #tpu.memory_space<semaphore_mem>>)
      } else {
      }
      %eq3A_59 = arith.constant 0 : i32
      %eq3A_60 = arith.cmpi eq, %arg0, %eq3A_59 : i32
      %convert_element_type3A_61 = arith.extui %eq3A_60 : i1 to i32
      %cond3A_62 = arith.constant 0 : i32
      %cond3A_63 = arith.cmpi ne, %convert_element_type3A_61, %cond3A_62 : i32
      scf.if %cond3A_63 {
        %dma_wait3A = arith.constant 0 : i32
        %dma_wait3A_97 = arith.constant 0 : i32
        %dma_wait3A_98 = tpu.memref_slice %arg5[%dma_wait3A, %dma_wait3A_97] : memref<50000x32xf32, #tpu.memory_space<hbm>> -> memref<50000x32xf32, #tpu.memory_space<hbm>>
        tpu.wait_indirect_dma semaphore(%arg23 : memref<!tpu.dma_semaphore, #tpu.memory_space<semaphore_mem>>) src(%dma_wait3A_98 : memref<50000x32xf32, #tpu.memory_space<hbm>>) dst(%arg14 : memref<40x32xf32, #tpu.memory_space<vmem>>)
        %dma_wait3A_99 = arith.constant 0 : i32
        %dma_wait3A_100 = arith.constant 0 : i32
        %dma_wait3A_101 = tpu.memref_slice %arg7[%dma_wait3A_99, %dma_wait3A_100] : memref<512x32xf32, #tpu.memory_space<hbm>> -> memref<512x32xf32, #tpu.memory_space<hbm>>
        tpu.wait_indirect_dma semaphore(%arg24 : memref<!tpu.dma_semaphore, #tpu.memory_space<semaphore_mem>>) src(%dma_wait3A_101 : memref<512x32xf32, #tpu.memory_space<hbm>>) dst(%arg15 : memref<40x32xf32, #tpu.memory_space<vmem>>)
      } else {
      }
      %eq3A_64 = arith.constant 1 : i32
      %eq3A_65 = arith.cmpi eq, %arg0, %eq3A_64 : i32
      %convert_element_type3A_66 = arith.extui %eq3A_65 : i1 to i32
      %cond3A_67 = arith.constant 0 : i32
      %cond3A_68 = arith.cmpi ne, %convert_element_type3A_66, %cond3A_67 : i32
      scf.if %cond3A_68 {
        %dma_wait3A = arith.constant 0 : i32
        %dma_wait3A_97 = arith.constant 0 : i32
        %dma_wait3A_98 = tpu.memref_slice %arg6[%dma_wait3A, %dma_wait3A_97] : memref<50000x32xf32, #tpu.memory_space<hbm>> -> memref<50000x32xf32, #tpu.memory_space<hbm>>
        tpu.wait_indirect_dma semaphore(%arg23 : memref<!tpu.dma_semaphore, #tpu.memory_space<semaphore_mem>>) src(%dma_wait3A_98 : memref<50000x32xf32, #tpu.memory_space<hbm>>) dst(%arg14 : memref<40x32xf32, #tpu.memory_space<vmem>>)
        %dma_wait3A_99 = arith.constant 0 : i32
        %dma_wait3A_100 = arith.constant 0 : i32
        %dma_wait3A_101 = tpu.memref_slice %arg8[%dma_wait3A_99, %dma_wait3A_100] : memref<512x32xf32, #tpu.memory_space<hbm>> -> memref<512x32xf32, #tpu.memory_space<hbm>>
        tpu.wait_indirect_dma semaphore(%arg24 : memref<!tpu.dma_semaphore, #tpu.memory_space<semaphore_mem>>) src(%dma_wait3A_101 : memref<512x32xf32, #tpu.memory_space<hbm>>) dst(%arg15 : memref<40x32xf32, #tpu.memory_space<vmem>>)
      } else {
      }
      %scan3A_69 = arith.constant 0 : i32
      %scan3A_70 = arith.constant 0 : i32
      %scan3A_71 = arith.constant 40 : i32
      %scan3A_72 = arith.addi %scan3A_70, %scan3A_71 : i32
      %scan3A_73 = arith.constant 8 : i32
      scf.for %scan3A_97 = %scan3A_70 to %scan3A_72 step %scan3A_73  : i32 {
        %get3A = arith.index_cast %scan3A_97 : i32 to index
        %get3A_98 = arith.constant 0 : index
        %get3A_99 = tpu.vector_load %arg14[%get3A, %get3A_98] {strides = array<i32>} : memref<40x32xf32, #tpu.memory_space<vmem>>, vector<1x16xf32>,
        %get3A_100 = vector.shape_cast %get3A_99 : vector<1x16xf32> to vector<16xf32>
        %get3A_101 = arith.index_cast %scan3A_97 : i32 to index
        %get3A_102 = arith.constant 0 : index
        %get3A_103 = tpu.vector_load %arg15[%get3A_101, %get3A_102] {strides = array<i32>} : memref<40x32xf32, #tpu.memory_space<vmem>>, vector<1x16xf32>,
        %get3A_104 = vector.shape_cast %get3A_103 : vector<1x16xf32> to vector<16xf32>
        %add3A_105 = arith.addf %get3A_100, %get3A_104 : vector<16xf32>
        %swap3A = arith.index_cast %scan3A_97 : i32 to index
        %swap3A_106 = arith.constant 0 : index
        %swap3A_107 = tpu.vector_load %arg14[%swap3A, %swap3A_106] {strides = array<i32>} : memref<40x32xf32, #tpu.memory_space<vmem>>, vector<1x16xf32>,
        %swap3A_108 = vector.shape_cast %swap3A_107 : vector<1x16xf32> to vector<16xf32>
        %swap3A_109 = vector.shape_cast %add3A_105 : vector<16xf32> to vector<1x16xf32>
        tpu.vector_store %arg14[%swap3A, %swap3A_106], %swap3A_109 {strides = array<i32>} : memref<40x32xf32, #tpu.memory_space<vmem>>, vector<1x16xf32>,
        %get3A_110 = arith.index_cast %scan3A_97 : i32 to index
        %get3A_111 = arith.constant 16 : index
        %get3A_112 = tpu.vector_load %arg14[%get3A_110, %get3A_111] {strides = array<i32>} : memref<40x32xf32, #tpu.memory_space<vmem>>, vector<1x16xf32>,
        %get3A_113 = vector.shape_cast %get3A_112 : vector<1x16xf32> to vector<16xf32>
        %get3A_114 = arith.index_cast %scan3A_97 : i32 to index
        %get3A_115 = arith.constant 16 : index
        %get3A_116 = tpu.vector_load %arg15[%get3A_114, %get3A_115] {strides = array<i32>} : memref<40x32xf32, #tpu.memory_space<vmem>>, vector<1x16xf32>,
        %get3A_117 = vector.shape_cast %get3A_116 : vector<1x16xf32> to vector<16xf32>
        %add3A_118 = arith.addf %get3A_113, %get3A_117 : vector<16xf32>
        %swap3A_119 = arith.index_cast %scan3A_97 : i32 to index
        %swap3A_120 = arith.constant 16 : index
        %swap3A_121 = tpu.vector_load %arg14[%swap3A_119, %swap3A_120] {strides = array<i32>} : memref<40x32xf32, #tpu.memory_space<vmem>>, vector<1x16xf32>,
        %swap3A_122 = vector.shape_cast %swap3A_121 : vector<1x16xf32> to vector<16xf32>
        %swap3A_123 = vector.shape_cast %add3A_118 : vector<16xf32> to vector<1x16xf32>
        tpu.vector_store %arg14[%swap3A_119, %swap3A_120], %swap3A_123 {strides = array<i32>} : memref<40x32xf32, #tpu.memory_space<vmem>>, vector<1x16xf32>,
        %scan3A_124 = arith.constant 1 : i32
        %scan3A_125 = arith.addi %scan3A_97, %scan3A_124 : i32
        %get3A_126 = arith.index_cast %scan3A_125 : i32 to index
        %get3A_127 = arith.constant 0 : index
        %get3A_128 = tpu.vector_load %arg14[%get3A_126, %get3A_127] {strides = array<i32>} : memref<40x32xf32, #tpu.memory_space<vmem>>, vector<1x16xf32>,
        %get3A_129 = vector.shape_cast %get3A_128 : vector<1x16xf32> to vector<16xf32>
        %get3A_130 = arith.index_cast %scan3A_125 : i32 to index
        %get3A_131 = arith.constant 0 : index
        %get3A_132 = tpu.vector_load %arg15[%get3A_130, %get3A_131] {strides = array<i32>} : memref<40x32xf32, #tpu.memory_space<vmem>>, vector<1x16xf32>,
        %get3A_133 = vector.shape_cast %get3A_132 : vector<1x16xf32> to vector<16xf32>
        %add3A_134 = arith.addf %get3A_129, %get3A_133 : vector<16xf32>
        %swap3A_135 = arith.index_cast %scan3A_125 : i32 to index
        %swap3A_136 = arith.constant 0 : index
        %swap3A_137 = tpu.vector_load %arg14[%swap3A_135, %swap3A_136] {strides = array<i32>} : memref<40x32xf32, #tpu.memory_space<vmem>>, vector<1x16xf32>,
        %swap3A_138 = vector.shape_cast %swap3A_137 : vector<1x16xf32> to vector<16xf32>
        %swap3A_139 = vector.shape_cast %add3A_134 : vector<16xf32> to vector<1x16xf32>
        tpu.vector_store %arg14[%swap3A_135, %swap3A_136], %swap3A_139 {strides = array<i32>} : memref<40x32xf32, #tpu.memory_space<vmem>>, vector<1x16xf32>,
        %get3A_140 = arith.index_cast %scan3A_125 : i32 to index
        %get3A_141 = arith.constant 16 : index
        %get3A_142 = tpu.vector_load %arg14[%get3A_140, %get3A_141] {strides = array<i32>} : memref<40x32xf32, #tpu.memory_space<vmem>>, vector<1x16xf32>,
        %get3A_143 = vector.shape_cast %get3A_142 : vector<1x16xf32> to vector<16xf32>
        %get3A_144 = arith.index_cast %scan3A_125 : i32 to index
        %get3A_145 = arith.constant 16 : index
        %get3A_146 = tpu.vector_load %arg15[%get3A_144, %get3A_145] {strides = array<i32>} : memref<40x32xf32, #tpu.memory_space<vmem>>, vector<1x16xf32>,
        %get3A_147 = vector.shape_cast %get3A_146 : vector<1x16xf32> to vector<16xf32>
        %add3A_148 = arith.addf %get3A_143, %get3A_147 : vector<16xf32>
        %swap3A_149 = arith.index_cast %scan3A_125 : i32 to index
        %swap3A_150 = arith.constant 16 : index
        %swap3A_151 = tpu.vector_load %arg14[%swap3A_149, %swap3A_150] {strides = array<i32>} : memref<40x32xf32, #tpu.memory_space<vmem>>, vector<1x16xf32>,
        %swap3A_152 = vector.shape_cast %swap3A_151 : vector<1x16xf32> to vector<16xf32>
        %swap3A_153 = vector.shape_cast %add3A_148 : vector<16xf32> to vector<1x16xf32>
        tpu.vector_store %arg14[%swap3A_149, %swap3A_150], %swap3A_153 {strides = array<i32>} : memref<40x32xf32, #tpu.memory_space<vmem>>, vector<1x16xf32>,
        %scan3A_154 = arith.constant 2 : i32
        %scan3A_155 = arith.addi %scan3A_97, %scan3A_154 : i32
        %get3A_156 = arith.index_cast %scan3A_155 : i32 to index
        %get3A_157 = arith.constant 0 : index
        %get3A_158 = tpu.vector_load %arg14[%get3A_156, %get3A_157] {strides = array<i32>} : memref<40x32xf32, #tpu.memory_space<vmem>>, vector<1x16xf32>,
        %get3A_159 = vector.shape_cast %get3A_158 : vector<1x16xf32> to vector<16xf32>
        %get3A_160 = arith.index_cast %scan3A_155 : i32 to index
        %get3A_161 = arith.constant 0 : index
        %get3A_162 = tpu.vector_load %arg15[%get3A_160, %get3A_161] {strides = array<i32>} : memref<40x32xf32, #tpu.memory_space<vmem>>, vector<1x16xf32>,
        %get3A_163 = vector.shape_cast %get3A_162 : vector<1x16xf32> to vector<16xf32>
        %add3A_164 = arith.addf %get3A_159, %get3A_163 : vector<16xf32>
        %swap3A_165 = arith.index_cast %scan3A_155 : i32 to index
        %swap3A_166 = arith.constant 0 : index
        %swap3A_167 = tpu.vector_load %arg14[%swap3A_165, %swap3A_166] {strides = array<i32>} : memref<40x32xf32, #tpu.memory_space<vmem>>, vector<1x16xf32>,
        %swap3A_168 = vector.shape_cast %swap3A_167 : vector<1x16xf32> to vector<16xf32>
        %swap3A_169 = vector.shape_cast %add3A_164 : vector<16xf32> to vector<1x16xf32>
        tpu.vector_store %arg14[%swap3A_165, %swap3A_166], %swap3A_169 {strides = array<i32>} : memref<40x32xf32, #tpu.memory_space<vmem>>, vector<1x16xf32>,
        %get3A_170 = arith.index_cast %scan3A_155 : i32 to index
        %get3A_171 = arith.constant 16 : index
        %get3A_172 = tpu.vector_load %arg14[%get3A_170, %get3A_171] {strides = array<i32>} : memref<40x32xf32, #tpu.memory_space<vmem>>, vector<1x16xf32>,
        %get3A_173 = vector.shape_cast %get3A_172 : vector<1x16xf32> to vector<16xf32>
        %get3A_174 = arith.index_cast %scan3A_155 : i32 to index
        %get3A_175 = arith.constant 16 : index
        %get3A_176 = tpu.vector_load %arg15[%get3A_174, %get3A_175] {strides = array<i32>} : memref<40x32xf32, #tpu.memory_space<vmem>>, vector<1x16xf32>,
        %get3A_177 = vector.shape_cast %get3A_176 : vector<1x16xf32> to vector<16xf32>
        %add3A_178 = arith.addf %get3A_173, %get3A_177 : vector<16xf32>
        %swap3A_179 = arith.index_cast %scan3A_155 : i32 to index
        %swap3A_180 = arith.constant 16 : index
        %swap3A_181 = tpu.vector_load %arg14[%swap3A_179, %swap3A_180] {strides = array<i32>} : memref<40x32xf32, #tpu.memory_space<vmem>>, vector<1x16xf32>,
        %swap3A_182 = vector.shape_cast %swap3A_181 : vector<1x16xf32> to vector<16xf32>
        %swap3A_183 = vector.shape_cast %add3A_178 : vector<16xf32> to vector<1x16xf32>
        tpu.vector_store %arg14[%swap3A_179, %swap3A_180], %swap3A_183 {strides = array<i32>} : memref<40x32xf32, #tpu.memory_space<vmem>>, vector<1x16xf32>,
        %scan3A_184 = arith.constant 3 : i32
        %scan3A_185 = arith.addi %scan3A_97, %scan3A_184 : i32
        %get3A_186 = arith.index_cast %scan3A_185 : i32 to index
        %get3A_187 = arith.constant 0 : index
        %get3A_188 = tpu.vector_load %arg14[%get3A_186, %get3A_187] {strides = array<i32>} : memref<40x32xf32, #tpu.memory_space<vmem>>, vector<1x16xf32>,
        %get3A_189 = vector.shape_cast %get3A_188 : vector<1x16xf32> to vector<16xf32>
        %get3A_190 = arith.index_cast %scan3A_185 : i32 to index
        %get3A_191 = arith.constant 0 : index
        %get3A_192 = tpu.vector_load %arg15[%get3A_190, %get3A_191] {strides = array<i32>} : memref<40x32xf32, #tpu.memory_space<vmem>>, vector<1x16xf32>,
        %get3A_193 = vector.shape_cast %get3A_192 : vector<1x16xf32> to vector<16xf32>
        %add3A_194 = arith.addf %get3A_189, %get3A_193 : vector<16xf32>
        %swap3A_195 = arith.index_cast %scan3A_185 : i32 to index
        %swap3A_196 = arith.constant 0 : index
        %swap3A_197 = tpu.vector_load %arg14[%swap3A_195, %swap3A_196] {strides = array<i32>} : memref<40x32xf32, #tpu.memory_space<vmem>>, vector<1x16xf32>,
        %swap3A_198 = vector.shape_cast %swap3A_197 : vector<1x16xf32> to vector<16xf32>
        %swap3A_199 = vector.shape_cast %add3A_194 : vector<16xf32> to vector<1x16xf32>
        tpu.vector_store %arg14[%swap3A_195, %swap3A_196], %swap3A_199 {strides = array<i32>} : memref<40x32xf32, #tpu.memory_space<vmem>>, vector<1x16xf32>,
        %get3A_200 = arith.index_cast %scan3A_185 : i32 to index
        %get3A_201 = arith.constant 16 : index
        %get3A_202 = tpu.vector_load %arg14[%get3A_200, %get3A_201] {strides = array<i32>} : memref<40x32xf32, #tpu.memory_space<vmem>>, vector<1x16xf32>,
        %get3A_203 = vector.shape_cast %get3A_202 : vector<1x16xf32> to vector<16xf32>
        %get3A_204 = arith.index_cast %scan3A_185 : i32 to index
        %get3A_205 = arith.constant 16 : index
        %get3A_206 = tpu.vector_load %arg15[%get3A_204, %get3A_205] {strides = array<i32>} : memref<40x32xf32, #tpu.memory_space<vmem>>, vector<1x16xf32>,
        %get3A_207 = vector.shape_cast %get3A_206 : vector<1x16xf32> to vector<16xf32>
        %add3A_208 = arith.addf %get3A_203, %get3A_207 : vector<16xf32>
        %swap3A_209 = arith.index_cast %scan3A_185 : i32 to index
        %swap3A_210 = arith.constant 16 : index
        %swap3A_211 = tpu.vector_load %arg14[%swap3A_209, %swap3A_210] {strides = array<i32>} : memref<40x32xf32, #tpu.memory_space<vmem>>, vector<1x16xf32>,
        %swap3A_212 = vector.shape_cast %swap3A_211 : vector<1x16xf32> to vector<16xf32>
        %swap3A_213 = vector.shape_cast %add3A_208 : vector<16xf32> to vector<1x16xf32>
        tpu.vector_store %arg14[%swap3A_209, %swap3A_210], %swap3A_213 {strides = array<i32>} : memref<40x32xf32, #tpu.memory_space<vmem>>, vector<1x16xf32>,
        %scan3A_214 = arith.constant 4 : i32
        %scan3A_215 = arith.addi %scan3A_97, %scan3A_214 : i32
        %get3A_216 = arith.index_cast %scan3A_215 : i32 to index
        %get3A_217 = arith.constant 0 : index
        %get3A_218 = tpu.vector_load %arg14[%get3A_216, %get3A_217] {strides = array<i32>} : memref<40x32xf32, #tpu.memory_space<vmem>>, vector<1x16xf32>,
        %get3A_219 = vector.shape_cast %get3A_218 : vector<1x16xf32> to vector<16xf32>
        %get3A_220 = arith.index_cast %scan3A_215 : i32 to index
        %get3A_221 = arith.constant 0 : index
        %get3A_222 = tpu.vector_load %arg15[%get3A_220, %get3A_221] {strides = array<i32>} : memref<40x32xf32, #tpu.memory_space<vmem>>, vector<1x16xf32>,
        %get3A_223 = vector.shape_cast %get3A_222 : vector<1x16xf32> to vector<16xf32>
        %add3A_224 = arith.addf %get3A_219, %get3A_223 : vector<16xf32>
        %swap3A_225 = arith.index_cast %scan3A_215 : i32 to index
        %swap3A_226 = arith.constant 0 : index
        %swap3A_227 = tpu.vector_load %arg14[%swap3A_225, %swap3A_226] {strides = array<i32>} : memref<40x32xf32, #tpu.memory_space<vmem>>, vector<1x16xf32>,
        %swap3A_228 = vector.shape_cast %swap3A_227 : vector<1x16xf32> to vector<16xf32>
        %swap3A_229 = vector.shape_cast %add3A_224 : vector<16xf32> to vector<1x16xf32>
        tpu.vector_store %arg14[%swap3A_225, %swap3A_226], %swap3A_229 {strides = array<i32>} : memref<40x32xf32, #tpu.memory_space<vmem>>, vector<1x16xf32>,
        %get3A_230 = arith.index_cast %scan3A_215 : i32 to index
        %get3A_231 = arith.constant 16 : index
        %get3A_232 = tpu.vector_load %arg14[%get3A_230, %get3A_231] {strides = array<i32>} : memref<40x32xf32, #tpu.memory_space<vmem>>, vector<1x16xf32>,
        %get3A_233 = vector.shape_cast %get3A_232 : vector<1x16xf32> to vector<16xf32>
        %get3A_234 = arith.index_cast %scan3A_215 : i32 to index
        %get3A_235 = arith.constant 16 : index
        %get3A_236 = tpu.vector_load %arg15[%get3A_234, %get3A_235] {strides = array<i32>} : memref<40x32xf32, #tpu.memory_space<vmem>>, vector<1x16xf32>,
        %get3A_237 = vector.shape_cast %get3A_236 : vector<1x16xf32> to vector<16xf32>
        %add3A_238 = arith.addf %get3A_233, %get3A_237 : vector<16xf32>
        %swap3A_239 = arith.index_cast %scan3A_215 : i32 to index
        %swap3A_240 = arith.constant 16 : index
        %swap3A_241 = tpu.vector_load %arg14[%swap3A_239, %swap3A_240] {strides = array<i32>} : memref<40x32xf32, #tpu.memory_space<vmem>>, vector<1x16xf32>,
        %swap3A_242 = vector.shape_cast %swap3A_241 : vector<1x16xf32> to vector<16xf32>
        %swap3A_243 = vector.shape_cast %add3A_238 : vector<16xf32> to vector<1x16xf32>
        tpu.vector_store %arg14[%swap3A_239, %swap3A_240], %swap3A_243 {strides = array<i32>} : memref<40x32xf32, #tpu.memory_space<vmem>>, vector<1x16xf32>,
        %scan3A_244 = arith.constant 5 : i32
        %scan3A_245 = arith.addi %scan3A_97, %scan3A_244 : i32
        %get3A_246 = arith.index_cast %scan3A_245 : i32 to index
        %get3A_247 = arith.constant 0 : index
        %get3A_248 = tpu.vector_load %arg14[%get3A_246, %get3A_247] {strides = array<i32>} : memref<40x32xf32, #tpu.memory_space<vmem>>, vector<1x16xf32>,
        %get3A_249 = vector.shape_cast %get3A_248 : vector<1x16xf32> to vector<16xf32>
        %get3A_250 = arith.index_cast %scan3A_245 : i32 to index
        %get3A_251 = arith.constant 0 : index
        %get3A_252 = tpu.vector_load %arg15[%get3A_250, %get3A_251] {strides = array<i32>} : memref<40x32xf32, #tpu.memory_space<vmem>>, vector<1x16xf32>,
        %get3A_253 = vector.shape_cast %get3A_252 : vector<1x16xf32> to vector<16xf32>
        %add3A_254 = arith.addf %get3A_249, %get3A_253 : vector<16xf32>
        %swap3A_255 = arith.index_cast %scan3A_245 : i32 to index
        %swap3A_256 = arith.constant 0 : index
        %swap3A_257 = tpu.vector_load %arg14[%swap3A_255, %swap3A_256] {strides = array<i32>} : memref<40x32xf32, #tpu.memory_space<vmem>>, vector<1x16xf32>,
        %swap3A_258 = vector.shape_cast %swap3A_257 : vector<1x16xf32> to vector<16xf32>
        %swap3A_259 = vector.shape_cast %add3A_254 : vector<16xf32> to vector<1x16xf32>
        tpu.vector_store %arg14[%swap3A_255, %swap3A_256], %swap3A_259 {strides = array<i32>} : memref<40x32xf32, #tpu.memory_space<vmem>>, vector<1x16xf32>,
        %get3A_260 = arith.index_cast %scan3A_245 : i32 to index
        %get3A_261 = arith.constant 16 : index
        %get3A_262 = tpu.vector_load %arg14[%get3A_260, %get3A_261] {strides = array<i32>} : memref<40x32xf32, #tpu.memory_space<vmem>>, vector<1x16xf32>,
        %get3A_263 = vector.shape_cast %get3A_262 : vector<1x16xf32> to vector<16xf32>
        %get3A_264 = arith.index_cast %scan3A_245 : i32 to index
        %get3A_265 = arith.constant 16 : index
        %get3A_266 = tpu.vector_load %arg15[%get3A_264, %get3A_265] {strides = array<i32>} : memref<40x32xf32, #tpu.memory_space<vmem>>, vector<1x16xf32>,
        %get3A_267 = vector.shape_cast %get3A_266 : vector<1x16xf32> to vector<16xf32>
        %add3A_268 = arith.addf %get3A_263, %get3A_267 : vector<16xf32>
        %swap3A_269 = arith.index_cast %scan3A_245 : i32 to index
        %swap3A_270 = arith.constant 16 : index
        %swap3A_271 = tpu.vector_load %arg14[%swap3A_269, %swap3A_270] {strides = array<i32>} : memref<40x32xf32, #tpu.memory_space<vmem>>, vector<1x16xf32>,
        %swap3A_272 = vector.shape_cast %swap3A_271 : vector<1x16xf32> to vector<16xf32>
        %swap3A_273 = vector.shape_cast %add3A_268 : vector<16xf32> to vector<1x16xf32>
        tpu.vector_store %arg14[%swap3A_269, %swap3A_270], %swap3A_273 {strides = array<i32>} : memref<40x32xf32, #tpu.memory_space<vmem>>, vector<1x16xf32>,
        %scan3A_274 = arith.constant 6 : i32
        %scan3A_275 = arith.addi %scan3A_97, %scan3A_274 : i32
        %get3A_276 = arith.index_cast %scan3A_275 : i32 to index
        %get3A_277 = arith.constant 0 : index
        %get3A_278 = tpu.vector_load %arg14[%get3A_276, %get3A_277] {strides = array<i32>} : memref<40x32xf32, #tpu.memory_space<vmem>>, vector<1x16xf32>,
        %get3A_279 = vector.shape_cast %get3A_278 : vector<1x16xf32> to vector<16xf32>
        %get3A_280 = arith.index_cast %scan3A_275 : i32 to index
        %get3A_281 = arith.constant 0 : index
        %get3A_282 = tpu.vector_load %arg15[%get3A_280, %get3A_281] {strides = array<i32>} : memref<40x32xf32, #tpu.memory_space<vmem>>, vector<1x16xf32>,
        %get3A_283 = vector.shape_cast %get3A_282 : vector<1x16xf32> to vector<16xf32>
        %add3A_284 = arith.addf %get3A_279, %get3A_283 : vector<16xf32>
        %swap3A_285 = arith.index_cast %scan3A_275 : i32 to index
        %swap3A_286 = arith.constant 0 : index
        %swap3A_287 = tpu.vector_load %arg14[%swap3A_285, %swap3A_286] {strides = array<i32>} : memref<40x32xf32, #tpu.memory_space<vmem>>, vector<1x16xf32>,
        %swap3A_288 = vector.shape_cast %swap3A_287 : vector<1x16xf32> to vector<16xf32>
        %swap3A_289 = vector.shape_cast %add3A_284 : vector<16xf32> to vector<1x16xf32>
        tpu.vector_store %arg14[%swap3A_285, %swap3A_286], %swap3A_289 {strides = array<i32>} : memref<40x32xf32, #tpu.memory_space<vmem>>, vector<1x16xf32>,
        %get3A_290 = arith.index_cast %scan3A_275 : i32 to index
        %get3A_291 = arith.constant 16 : index
        %get3A_292 = tpu.vector_load %arg14[%get3A_290, %get3A_291] {strides = array<i32>} : memref<40x32xf32, #tpu.memory_space<vmem>>, vector<1x16xf32>,
        %get3A_293 = vector.shape_cast %get3A_292 : vector<1x16xf32> to vector<16xf32>
        %get3A_294 = arith.index_cast %scan3A_275 : i32 to index
        %get3A_295 = arith.constant 16 : index
        %get3A_296 = tpu.vector_load %arg15[%get3A_294, %get3A_295] {strides = array<i32>} : memref<40x32xf32, #tpu.memory_space<vmem>>, vector<1x16xf32>,
        %get3A_297 = vector.shape_cast %get3A_296 : vector<1x16xf32> to vector<16xf32>
        %add3A_298 = arith.addf %get3A_293, %get3A_297 : vector<16xf32>
        %swap3A_299 = arith.index_cast %scan3A_275 : i32 to index
        %swap3A_300 = arith.constant 16 : index
        %swap3A_301 = tpu.vector_load %arg14[%swap3A_299, %swap3A_300] {strides = array<i32>} : memref<40x32xf32, #tpu.memory_space<vmem>>, vector<1x16xf32>,
        %swap3A_302 = vector.shape_cast %swap3A_301 : vector<1x16xf32> to vector<16xf32>
        %swap3A_303 = vector.shape_cast %add3A_298 : vector<16xf32> to vector<1x16xf32>
        tpu.vector_store %arg14[%swap3A_299, %swap3A_300], %swap3A_303 {strides = array<i32>} : memref<40x32xf32, #tpu.memory_space<vmem>>, vector<1x16xf32>,
        %scan3A_304 = arith.constant 7 : i32
        %scan3A_305 = arith.addi %scan3A_97, %scan3A_304 : i32
        %get3A_306 = arith.index_cast %scan3A_305 : i32 to index
        %get3A_307 = arith.constant 0 : index
        %get3A_308 = tpu.vector_load %arg14[%get3A_306, %get3A_307] {strides = array<i32>} : memref<40x32xf32, #tpu.memory_space<vmem>>, vector<1x16xf32>,
        %get3A_309 = vector.shape_cast %get3A_308 : vector<1x16xf32> to vector<16xf32>
        %get3A_310 = arith.index_cast %scan3A_305 : i32 to index
        %get3A_311 = arith.constant 0 : index
        %get3A_312 = tpu.vector_load %arg15[%get3A_310, %get3A_311] {strides = array<i32>} : memref<40x32xf32, #tpu.memory_space<vmem>>, vector<1x16xf32>,
        %get3A_313 = vector.shape_cast %get3A_312 : vector<1x16xf32> to vector<16xf32>
        %add3A_314 = arith.addf %get3A_309, %get3A_313 : vector<16xf32>
        %swap3A_315 = arith.index_cast %scan3A_305 : i32 to index
        %swap3A_316 = arith.constant 0 : index
        %swap3A_317 = tpu.vector_load %arg14[%swap3A_315, %swap3A_316] {strides = array<i32>} : memref<40x32xf32, #tpu.memory_space<vmem>>, vector<1x16xf32>,
        %swap3A_318 = vector.shape_cast %swap3A_317 : vector<1x16xf32> to vector<16xf32>
        %swap3A_319 = vector.shape_cast %add3A_314 : vector<16xf32> to vector<1x16xf32>
        tpu.vector_store %arg14[%swap3A_315, %swap3A_316], %swap3A_319 {strides = array<i32>} : memref<40x32xf32, #tpu.memory_space<vmem>>, vector<1x16xf32>,
        %get3A_320 = arith.index_cast %scan3A_305 : i32 to index
        %get3A_321 = arith.constant 16 : index
        %get3A_322 = tpu.vector_load %arg14[%get3A_320, %get3A_321] {strides = array<i32>} : memref<40x32xf32, #tpu.memory_space<vmem>>, vector<1x16xf32>,
        %get3A_323 = vector.shape_cast %get3A_322 : vector<1x16xf32> to vector<16xf32>
        %get3A_324 = arith.index_cast %scan3A_305 : i32 to index
        %get3A_325 = arith.constant 16 : index
        %get3A_326 = tpu.vector_load %arg15[%get3A_324, %get3A_325] {strides = array<i32>} : memref<40x32xf32, #tpu.memory_space<vmem>>, vector<1x16xf32>,
        %get3A_327 = vector.shape_cast %get3A_326 : vector<1x16xf32> to vector<16xf32>
        %add3A_328 = arith.addf %get3A_323, %get3A_327 : vector<16xf32>
        %swap3A_329 = arith.index_cast %scan3A_305 : i32 to index
        %swap3A_330 = arith.constant 16 : index
        %swap3A_331 = tpu.vector_load %arg14[%swap3A_329, %swap3A_330] {strides = array<i32>} : memref<40x32xf32, #tpu.memory_space<vmem>>, vector<1x16xf32>,
        %swap3A_332 = vector.shape_cast %swap3A_331 : vector<1x16xf32> to vector<16xf32>
        %swap3A_333 = vector.shape_cast %add3A_328 : vector<16xf32> to vector<1x16xf32>
        tpu.vector_store %arg14[%swap3A_329, %swap3A_330], %swap3A_333 {strides = array<i32>} : memref<40x32xf32, #tpu.memory_space<vmem>>, vector<1x16xf32>,
      }
      %scan3A_74 = arith.constant 40 : i32
      "tpu.region"() ({
        %run_scoped3A = tpu.sem_alloc : memref<!tpu.dma_semaphore, #tpu.memory_space<semaphore_mem>>
        %dma_start3A = arith.constant 0 : i32
        %dma_start3A_97 = arith.constant 0 : i32
        %dma_start3A_98 = tpu.memref_slice %arg22[%dma_start3A, %dma_start3A_97] : memref<50000x32xf32, #tpu.memory_space<vmem_shared>> -> memref<50000x32xf32, #tpu.memory_space<vmem_shared>>
        tpu.enqueue_indirect_dma source(%arg14 : memref<40x32xf32, #tpu.memory_space<vmem>>) target(%dma_start3A_98 : memref<50000x32xf32, #tpu.memory_space<vmem_shared>>) offsets(%arg12 : memref<40xi32, #tpu.memory_space<vmem>>) semaphore(%run_scoped3A : memref<!tpu.dma_semaphore, #tpu.memory_space<semaphore_mem>>) {add = true}
        %dma_wait3A = arith.constant 0 : i32
        %dma_wait3A_99 = arith.constant 0 : i32
        %dma_wait3A_100 = tpu.memref_slice %arg22[%dma_wait3A, %dma_wait3A_99] : memref<50000x32xf32, #tpu.memory_space<vmem_shared>> -> memref<50000x32xf32, #tpu.memory_space<vmem_shared>>
        tpu.wait_indirect_dma semaphore(%run_scoped3A : memref<!tpu.dma_semaphore, #tpu.memory_space<semaphore_mem>>) src(%arg14 : memref<40x32xf32, #tpu.memory_space<vmem>>) dst(%dma_wait3A_100 : memref<50000x32xf32, #tpu.memory_space<vmem_shared>>)
        tpu.yield
      }) : () -> ()
      %add3A_75 = arith.constant 2 : i32
      %add3A_76 = arith.addi %mul3A_43, %add3A_75 : i32
      %lt3A = arith.constant 1250 : i32
      %lt3A_77 = arith.cmpi slt, %add3A_76, %lt3A : i32
      %convert_element_type3A_78 = arith.extui %lt3A_77 : i1 to i32
      %cond3A_79 = arith.constant 0 : i32
      %cond3A_80 = arith.cmpi ne, %convert_element_type3A_78, %cond3A_79 : i32
      scf.if %cond3A_80 {
        %add3A_97 = arith.constant 2 : i32
        %add3A_98 = arith.addi %mul3A_43, %add3A_97 : i32
        %mul3A_99 = arith.constant 40 : i32
        %mul3A_100 = arith.muli %add3A_98, %mul3A_99 : i32
        %add3A_101 = arith.addi %mul3A_14, %mul3A_100 : i32
        "tpu.region"() ({
          %run_scoped3A = tpu.sem_alloc : memref<!tpu.dma_semaphore, #tpu.memory_space<semaphore_mem>>
          %dma_start3A = tpu.memref_slice %arg2[%add3A_101] : memref<800000xi32, #tpu.memory_space<hbm>> -> memref<40xi32, #tpu.memory_space<hbm>>
          %dma_start3A_112 = tpu.memref_slice %arg2[%add3A_101] : memref<800000xi32, #tpu.memory_space<hbm>> -> memref<40xi32, #tpu.memory_space<hbm>>
          tpu.enqueue_dma source(%dma_start3A_112 : memref<40xi32, #tpu.memory_space<hbm>>) target(%arg11 : memref<40xi32, #tpu.memory_space<vmem>>) target_semaphore(%run_scoped3A : memref<!tpu.dma_semaphore, #tpu.memory_space<semaphore_mem>>)
          %dma_wait3A = tpu.memref_slice %arg2[%add3A_101] : memref<800000xi32, #tpu.memory_space<hbm>> -> memref<40xi32, #tpu.memory_space<hbm>>
          %dma_wait3A_113 = tpu.memref_slice %arg2[%add3A_101] : memref<800000xi32, #tpu.memory_space<hbm>> -> memref<40xi32, #tpu.memory_space<hbm>>
          tpu.wait_dma2 semaphore(%run_scoped3A : memref<!tpu.dma_semaphore, #tpu.memory_space<semaphore_mem>>) src(%dma_wait3A_113 : memref<40xi32, #tpu.memory_space<hbm>>) dst(%arg11 : memref<40xi32, #tpu.memory_space<vmem>>)
          tpu.yield
        }) : () -> ()
        "tpu.region"() ({
          %run_scoped3A = tpu.sem_alloc : memref<!tpu.dma_semaphore, #tpu.memory_space<semaphore_mem>>
          %dma_start3A = tpu.memref_slice %arg4[%add3A_101] : memref<800000xi32, #tpu.memory_space<hbm>> -> memref<40xi32, #tpu.memory_space<hbm>>
          %dma_start3A_112 = tpu.memref_slice %arg4[%add3A_101] : memref<800000xi32, #tpu.memory_space<hbm>> -> memref<40xi32, #tpu.memory_space<hbm>>
          tpu.enqueue_dma source(%dma_start3A_112 : memref<40xi32, #tpu.memory_space<hbm>>) target(%arg13 : memref<40xi32, #tpu.memory_space<vmem>>) target_semaphore(%run_scoped3A : memref<!tpu.dma_semaphore, #tpu.memory_space<semaphore_mem>>)
          %dma_wait3A = tpu.memref_slice %arg4[%add3A_101] : memref<800000xi32, #tpu.memory_space<hbm>> -> memref<40xi32, #tpu.memory_space<hbm>>
          %dma_wait3A_113 = tpu.memref_slice %arg4[%add3A_101] : memref<800000xi32, #tpu.memory_space<hbm>> -> memref<40xi32, #tpu.memory_space<hbm>>
          tpu.wait_dma2 semaphore(%run_scoped3A : memref<!tpu.dma_semaphore, #tpu.memory_space<semaphore_mem>>) src(%dma_wait3A_113 : memref<40xi32, #tpu.memory_space<hbm>>) dst(%arg13 : memref<40xi32, #tpu.memory_space<vmem>>)
          tpu.yield
        }) : () -> ()
        "tpu.region"() ({
          %run_scoped3A = tpu.sem_alloc : memref<!tpu.dma_semaphore, #tpu.memory_space<semaphore_mem>>
          %dma_start3A = tpu.memref_slice %arg3[%add3A_101] : memref<800000xi32, #tpu.memory_space<hbm>> -> memref<40xi32, #tpu.memory_space<hbm>>
          %dma_start3A_112 = tpu.memref_slice %arg3[%add3A_101] : memref<800000xi32, #tpu.memory_space<hbm>> -> memref<40xi32, #tpu.memory_space<hbm>>
          tpu.enqueue_dma source(%dma_start3A_112 : memref<40xi32, #tpu.memory_space<hbm>>) target(%arg12 : memref<40xi32, #tpu.memory_space<vmem>>) target_semaphore(%run_scoped3A : memref<!tpu.dma_semaphore, #tpu.memory_space<semaphore_mem>>)
          %dma_wait3A = tpu.memref_slice %arg3[%add3A_101] : memref<800000xi32, #tpu.memory_space<hbm>> -> memref<40xi32, #tpu.memory_space<hbm>>
          %dma_wait3A_113 = tpu.memref_slice %arg3[%add3A_101] : memref<800000xi32, #tpu.memory_space<hbm>> -> memref<40xi32, #tpu.memory_space<hbm>>
          tpu.wait_dma2 semaphore(%run_scoped3A : memref<!tpu.dma_semaphore, #tpu.memory_space<semaphore_mem>>) src(%dma_wait3A_113 : memref<40xi32, #tpu.memory_space<hbm>>) dst(%arg12 : memref<40xi32, #tpu.memory_space<vmem>>)
          tpu.yield
        }) : () -> ()
        %eq3A_102 = arith.constant 0 : i32
        %eq3A_103 = arith.cmpi eq, %arg0, %eq3A_102 : i32
        %convert_element_type3A_104 = arith.extui %eq3A_103 : i1 to i32
        %cond3A_105 = arith.constant 0 : i32
        %cond3A_106 = arith.cmpi ne, %convert_element_type3A_104, %cond3A_105 : i32
        scf.if %cond3A_106 {
          %dma_start3A = arith.constant 0 : i32
          %dma_start3A_112 = arith.constant 0 : i32
          %dma_start3A_113 = tpu.memref_slice %arg5[%dma_start3A, %dma_start3A_112] : memref<50000x32xf32, #tpu.memory_space<hbm>> -> memref<50000x32xf32, #tpu.memory_space<hbm>>
          tpu.enqueue_indirect_dma source(%dma_start3A_113 : memref<50000x32xf32, #tpu.memory_space<hbm>>) target(%arg14 : memref<40x32xf32, #tpu.memory_space<vmem>>) offsets(%arg11 : memref<40xi32, #tpu.memory_space<vmem>>) semaphore(%arg23 : memref<!tpu.dma_semaphore, #tpu.memory_space<semaphore_mem>>)
          %dma_start3A_114 = arith.constant 0 : i32
          %dma_start3A_115 = arith.constant 0 : i32
          %dma_start3A_116 = tpu.memref_slice %arg7[%dma_start3A_114, %dma_start3A_115] : memref<512x32xf32, #tpu.memory_space<hbm>> -> memref<512x32xf32, #tpu.memory_space<hbm>>
          tpu.enqueue_indirect_dma source(%dma_start3A_116 : memref<512x32xf32, #tpu.memory_space<hbm>>) target(%arg15 : memref<40x32xf32, #tpu.memory_space<vmem>>) offsets(%arg13 : memref<40xi32, #tpu.memory_space<vmem>>) semaphore(%arg24 : memref<!tpu.dma_semaphore, #tpu.memory_space<semaphore_mem>>)
        } else {
        }
        %eq3A_107 = arith.constant 1 : i32
        %eq3A_108 = arith.cmpi eq, %arg0, %eq3A_107 : i32
        %convert_element_type3A_109 = arith.extui %eq3A_108 : i1 to i32
        %cond3A_110 = arith.constant 0 : i32
        %cond3A_111 = arith.cmpi ne, %convert_element_type3A_109, %cond3A_110 : i32
        scf.if %cond3A_111 {
          %dma_start3A = arith.constant 0 : i32
          %dma_start3A_112 = arith.constant 0 : i32
          %dma_start3A_113 = tpu.memref_slice %arg6[%dma_start3A, %dma_start3A_112] : memref<50000x32xf32, #tpu.memory_space<hbm>> -> memref<50000x32xf32, #tpu.memory_space<hbm>>
          tpu.enqueue_indirect_dma source(%dma_start3A_113 : memref<50000x32xf32, #tpu.memory_space<hbm>>) target(%arg14 : memref<40x32xf32, #tpu.memory_space<vmem>>) offsets(%arg11 : memref<40xi32, #tpu.memory_space<vmem>>) semaphore(%arg23 : memref<!tpu.dma_semaphore, #tpu.memory_space<semaphore_mem>>)
          %dma_start3A_114 = arith.constant 0 : i32
          %dma_start3A_115 = arith.constant 0 : i32
          %dma_start3A_116 = tpu.memref_slice %arg8[%dma_start3A_114, %dma_start3A_115] : memref<512x32xf32, #tpu.memory_space<hbm>> -> memref<512x32xf32, #tpu.memory_space<hbm>>
          tpu.enqueue_indirect_dma source(%dma_start3A_116 : memref<512x32xf32, #tpu.memory_space<hbm>>) target(%arg15 : memref<40x32xf32, #tpu.memory_space<vmem>>) offsets(%arg13 : memref<40xi32, #tpu.memory_space<vmem>>) semaphore(%arg24 : memref<!tpu.dma_semaphore, #tpu.memory_space<semaphore_mem>>)
        } else {
        }
      } else {
      }
      %eq3A_81 = arith.constant 0 : i32
      %eq3A_82 = arith.cmpi eq, %arg0, %eq3A_81 : i32
      %convert_element_type3A_83 = arith.extui %eq3A_82 : i1 to i32
      %cond3A_84 = arith.constant 0 : i32
      %cond3A_85 = arith.cmpi ne, %convert_element_type3A_83, %cond3A_84 : i32
      scf.if %cond3A_85 {
        %dma_wait3A = arith.constant 0 : i32
        %dma_wait3A_97 = arith.constant 0 : i32
        %dma_wait3A_98 = tpu.memref_slice %arg5[%dma_wait3A, %dma_wait3A_97] : memref<50000x32xf32, #tpu.memory_space<hbm>> -> memref<50000x32xf32, #tpu.memory_space<hbm>>
        tpu.wait_indirect_dma semaphore(%arg25 : memref<!tpu.dma_semaphore, #tpu.memory_space<semaphore_mem>>) src(%dma_wait3A_98 : memref<50000x32xf32, #tpu.memory_space<hbm>>) dst(%arg19 : memref<40x32xf32, #tpu.memory_space<vmem>>)
        %dma_wait3A_99 = arith.constant 0 : i32
        %dma_wait3A_100 = arith.constant 0 : i32
        %dma_wait3A_101 = tpu.memref_slice %arg7[%dma_wait3A_99, %dma_wait3A_100] : memref<512x32xf32, #tpu.memory_space<hbm>> -> memref<512x32xf32, #tpu.memory_space<hbm>>
        tpu.wait_indirect_dma semaphore(%arg26 : memref<!tpu.dma_semaphore, #tpu.memory_space<semaphore_mem>>) src(%dma_wait3A_101 : memref<512x32xf32, #tpu.memory_space<hbm>>) dst(%arg20 : memref<40x32xf32, #tpu.memory_space<vmem>>)
      } else {
      }
      %eq3A_86 = arith.constant 1 : i32
      %eq3A_87 = arith.cmpi eq, %arg0, %eq3A_86 : i32
      %convert_element_type3A_88 = arith.extui %eq3A_87 : i1 to i32
      %cond3A_89 = arith.constant 0 : i32
      %cond3A_90 = arith.cmpi ne, %convert_element_type3A_88, %cond3A_89 : i32
      scf.if %cond3A_90 {
        %dma_wait3A = arith.constant 0 : i32
        %dma_wait3A_97 = arith.constant 0 : i32
        %dma_wait3A_98 = tpu.memref_slice %arg6[%dma_wait3A, %dma_wait3A_97] : memref<50000x32xf32, #tpu.memory_space<hbm>> -> memref<50000x32xf32, #tpu.memory_space<hbm>>
        tpu.wait_indirect_dma semaphore(%arg25 : memref<!tpu.dma_semaphore, #tpu.memory_space<semaphore_mem>>) src(%dma_wait3A_98 : memref<50000x32xf32, #tpu.memory_space<hbm>>) dst(%arg19 : memref<40x32xf32, #tpu.memory_space<vmem>>)
        %dma_wait3A_99 = arith.constant 0 : i32
        %dma_wait3A_100 = arith.constant 0 : i32
        %dma_wait3A_101 = tpu.memref_slice %arg8[%dma_wait3A_99, %dma_wait3A_100] : memref<512x32xf32, #tpu.memory_space<hbm>> -> memref<512x32xf32, #tpu.memory_space<hbm>>
        tpu.wait_indirect_dma semaphore(%arg26 : memref<!tpu.dma_semaphore, #tpu.memory_space<semaphore_mem>>) src(%dma_wait3A_101 : memref<512x32xf32, #tpu.memory_space<hbm>>) dst(%arg20 : memref<40x32xf32, #tpu.memory_space<vmem>>)
      } else {
      }
      %scan3A_91 = arith.constant 0 : i32
      %scan3A_92 = arith.constant 0 : i32
      %scan3A_93 = arith.constant 40 : i32
      %scan3A_94 = arith.addi %scan3A_92, %scan3A_93 : i32
      %scan3A_95 = arith.constant 8 : i32
      scf.for %scan3A_97 = %scan3A_92 to %scan3A_94 step %scan3A_95  : i32 {
        %get3A = arith.index_cast %scan3A_97 : i32 to index
        %get3A_98 = arith.constant 0 : index
        %get3A_99 = tpu.vector_load %arg19[%get3A, %get3A_98] {strides = array<i32>} : memref<40x32xf32, #tpu.memory_space<vmem>>, vector<1x16xf32>,
        %get3A_100 = vector.shape_cast %get3A_99 : vector<1x16xf32> to vector<16xf32>
        %get3A_101 = arith.index_cast %scan3A_97 : i32 to index
        %get3A_102 = arith.constant 0 : index
        %get3A_103 = tpu.vector_load %arg20[%get3A_101, %get3A_102] {strides = array<i32>} : memref<40x32xf32, #tpu.memory_space<vmem>>, vector<1x16xf32>,
        %get3A_104 = vector.shape_cast %get3A_103 : vector<1x16xf32> to vector<16xf32>
        %add3A_105 = arith.addf %get3A_100, %get3A_104 : vector<16xf32>
        %swap3A = arith.index_cast %scan3A_97 : i32 to index
        %swap3A_106 = arith.constant 0 : index
        %swap3A_107 = tpu.vector_load %arg19[%swap3A, %swap3A_106] {strides = array<i32>} : memref<40x32xf32, #tpu.memory_space<vmem>>, vector<1x16xf32>,
        %swap3A_108 = vector.shape_cast %swap3A_107 : vector<1x16xf32> to vector<16xf32>
        %swap3A_109 = vector.shape_cast %add3A_105 : vector<16xf32> to vector<1x16xf32>
        tpu.vector_store %arg19[%swap3A, %swap3A_106], %swap3A_109 {strides = array<i32>} : memref<40x32xf32, #tpu.memory_space<vmem>>, vector<1x16xf32>,
        %get3A_110 = arith.index_cast %scan3A_97 : i32 to index
        %get3A_111 = arith.constant 16 : index
        %get3A_112 = tpu.vector_load %arg19[%get3A_110, %get3A_111] {strides = array<i32>} : memref<40x32xf32, #tpu.memory_space<vmem>>, vector<1x16xf32>,
        %get3A_113 = vector.shape_cast %get3A_112 : vector<1x16xf32> to vector<16xf32>
        %get3A_114 = arith.index_cast %scan3A_97 : i32 to index
        %get3A_115 = arith.constant 16 : index
        %get3A_116 = tpu.vector_load %arg20[%get3A_114, %get3A_115] {strides = array<i32>} : memref<40x32xf32, #tpu.memory_space<vmem>>, vector<1x16xf32>,
        %get3A_117 = vector.shape_cast %get3A_116 : vector<1x16xf32> to vector<16xf32>
        %add3A_118 = arith.addf %get3A_113, %get3A_117 : vector<16xf32>
        %swap3A_119 = arith.index_cast %scan3A_97 : i32 to index
        %swap3A_120 = arith.constant 16 : index
        %swap3A_121 = tpu.vector_load %arg19[%swap3A_119, %swap3A_120] {strides = array<i32>} : memref<40x32xf32, #tpu.memory_space<vmem>>, vector<1x16xf32>,
        %swap3A_122 = vector.shape_cast %swap3A_121 : vector<1x16xf32> to vector<16xf32>
        %swap3A_123 = vector.shape_cast %add3A_118 : vector<16xf32> to vector<1x16xf32>
        tpu.vector_store %arg19[%swap3A_119, %swap3A_120], %swap3A_123 {strides = array<i32>} : memref<40x32xf32, #tpu.memory_space<vmem>>, vector<1x16xf32>,
        %scan3A_124 = arith.constant 1 : i32
        %scan3A_125 = arith.addi %scan3A_97, %scan3A_124 : i32
        %get3A_126 = arith.index_cast %scan3A_125 : i32 to index
        %get3A_127 = arith.constant 0 : index
        %get3A_128 = tpu.vector_load %arg19[%get3A_126, %get3A_127] {strides = array<i32>} : memref<40x32xf32, #tpu.memory_space<vmem>>, vector<1x16xf32>,
        %get3A_129 = vector.shape_cast %get3A_128 : vector<1x16xf32> to vector<16xf32>
        %get3A_130 = arith.index_cast %scan3A_125 : i32 to index
        %get3A_131 = arith.constant 0 : index
        %get3A_132 = tpu.vector_load %arg20[%get3A_130, %get3A_131] {strides = array<i32>} : memref<40x32xf32, #tpu.memory_space<vmem>>, vector<1x16xf32>,
        %get3A_133 = vector.shape_cast %get3A_132 : vector<1x16xf32> to vector<16xf32>
        %add3A_134 = arith.addf %get3A_129, %get3A_133 : vector<16xf32>
        %swap3A_135 = arith.index_cast %scan3A_125 : i32 to index
        %swap3A_136 = arith.constant 0 : index
        %swap3A_137 = tpu.vector_load %arg19[%swap3A_135, %swap3A_136] {strides = array<i32>} : memref<40x32xf32, #tpu.memory_space<vmem>>, vector<1x16xf32>,
        %swap3A_138 = vector.shape_cast %swap3A_137 : vector<1x16xf32> to vector<16xf32>
        %swap3A_139 = vector.shape_cast %add3A_134 : vector<16xf32> to vector<1x16xf32>
        tpu.vector_store %arg19[%swap3A_135, %swap3A_136], %swap3A_139 {strides = array<i32>} : memref<40x32xf32, #tpu.memory_space<vmem>>, vector<1x16xf32>,
        %get3A_140 = arith.index_cast %scan3A_125 : i32 to index
        %get3A_141 = arith.constant 16 : index
        %get3A_142 = tpu.vector_load %arg19[%get3A_140, %get3A_141] {strides = array<i32>} : memref<40x32xf32, #tpu.memory_space<vmem>>, vector<1x16xf32>,
        %get3A_143 = vector.shape_cast %get3A_142 : vector<1x16xf32> to vector<16xf32>
        %get3A_144 = arith.index_cast %scan3A_125 : i32 to index
        %get3A_145 = arith.constant 16 : index
        %get3A_146 = tpu.vector_load %arg20[%get3A_144, %get3A_145] {strides = array<i32>} : memref<40x32xf32, #tpu.memory_space<vmem>>, vector<1x16xf32>,
        %get3A_147 = vector.shape_cast %get3A_146 : vector<1x16xf32> to vector<16xf32>
        %add3A_148 = arith.addf %get3A_143, %get3A_147 : vector<16xf32>
        %swap3A_149 = arith.index_cast %scan3A_125 : i32 to index
        %swap3A_150 = arith.constant 16 : index
        %swap3A_151 = tpu.vector_load %arg19[%swap3A_149, %swap3A_150] {strides = array<i32>} : memref<40x32xf32, #tpu.memory_space<vmem>>, vector<1x16xf32>,
        %swap3A_152 = vector.shape_cast %swap3A_151 : vector<1x16xf32> to vector<16xf32>
        %swap3A_153 = vector.shape_cast %add3A_148 : vector<16xf32> to vector<1x16xf32>
        tpu.vector_store %arg19[%swap3A_149, %swap3A_150], %swap3A_153 {strides = array<i32>} : memref<40x32xf32, #tpu.memory_space<vmem>>, vector<1x16xf32>,
        %scan3A_154 = arith.constant 2 : i32
        %scan3A_155 = arith.addi %scan3A_97, %scan3A_154 : i32
        %get3A_156 = arith.index_cast %scan3A_155 : i32 to index
        %get3A_157 = arith.constant 0 : index
        %get3A_158 = tpu.vector_load %arg19[%get3A_156, %get3A_157] {strides = array<i32>} : memref<40x32xf32, #tpu.memory_space<vmem>>, vector<1x16xf32>,
        %get3A_159 = vector.shape_cast %get3A_158 : vector<1x16xf32> to vector<16xf32>
        %get3A_160 = arith.index_cast %scan3A_155 : i32 to index
        %get3A_161 = arith.constant 0 : index
        %get3A_162 = tpu.vector_load %arg20[%get3A_160, %get3A_161] {strides = array<i32>} : memref<40x32xf32, #tpu.memory_space<vmem>>, vector<1x16xf32>,
        %get3A_163 = vector.shape_cast %get3A_162 : vector<1x16xf32> to vector<16xf32>
        %add3A_164 = arith.addf %get3A_159, %get3A_163 : vector<16xf32>
        %swap3A_165 = arith.index_cast %scan3A_155 : i32 to index
        %swap3A_166 = arith.constant 0 : index
        %swap3A_167 = tpu.vector_load %arg19[%swap3A_165, %swap3A_166] {strides = array<i32>} : memref<40x32xf32, #tpu.memory_space<vmem>>, vector<1x16xf32>,
        %swap3A_168 = vector.shape_cast %swap3A_167 : vector<1x16xf32> to vector<16xf32>
        %swap3A_169 = vector.shape_cast %add3A_164 : vector<16xf32> to vector<1x16xf32>
        tpu.vector_store %arg19[%swap3A_165, %swap3A_166], %swap3A_169 {strides = array<i32>} : memref<40x32xf32, #tpu.memory_space<vmem>>, vector<1x16xf32>,
        %get3A_170 = arith.index_cast %scan3A_155 : i32 to index
        %get3A_171 = arith.constant 16 : index
        %get3A_172 = tpu.vector_load %arg19[%get3A_170, %get3A_171] {strides = array<i32>} : memref<40x32xf32, #tpu.memory_space<vmem>>, vector<1x16xf32>,
        %get3A_173 = vector.shape_cast %get3A_172 : vector<1x16xf32> to vector<16xf32>
        %get3A_174 = arith.index_cast %scan3A_155 : i32 to index
        %get3A_175 = arith.constant 16 : index
        %get3A_176 = tpu.vector_load %arg20[%get3A_174, %get3A_175] {strides = array<i32>} : memref<40x32xf32, #tpu.memory_space<vmem>>, vector<1x16xf32>,
        %get3A_177 = vector.shape_cast %get3A_176 : vector<1x16xf32> to vector<16xf32>
        %add3A_178 = arith.addf %get3A_173, %get3A_177 : vector<16xf32>
        %swap3A_179 = arith.index_cast %scan3A_155 : i32 to index
        %swap3A_180 = arith.constant 16 : index
        %swap3A_181 = tpu.vector_load %arg19[%swap3A_179, %swap3A_180] {strides = array<i32>} : memref<40x32xf32, #tpu.memory_space<vmem>>, vector<1x16xf32>,
        %swap3A_182 = vector.shape_cast %swap3A_181 : vector<1x16xf32> to vector<16xf32>
        %swap3A_183 = vector.shape_cast %add3A_178 : vector<16xf32> to vector<1x16xf32>
        tpu.vector_store %arg19[%swap3A_179, %swap3A_180], %swap3A_183 {strides = array<i32>} : memref<40x32xf32, #tpu.memory_space<vmem>>, vector<1x16xf32>,
        %scan3A_184 = arith.constant 3 : i32
        %scan3A_185 = arith.addi %scan3A_97, %scan3A_184 : i32
        %get3A_186 = arith.index_cast %scan3A_185 : i32 to index
        %get3A_187 = arith.constant 0 : index
        %get3A_188 = tpu.vector_load %arg19[%get3A_186, %get3A_187] {strides = array<i32>} : memref<40x32xf32, #tpu.memory_space<vmem>>, vector<1x16xf32>,
        %get3A_189 = vector.shape_cast %get3A_188 : vector<1x16xf32> to vector<16xf32>
        %get3A_190 = arith.index_cast %scan3A_185 : i32 to index
        %get3A_191 = arith.constant 0 : index
        %get3A_192 = tpu.vector_load %arg20[%get3A_190, %get3A_191] {strides = array<i32>} : memref<40x32xf32, #tpu.memory_space<vmem>>, vector<1x16xf32>,
        %get3A_193 = vector.shape_cast %get3A_192 : vector<1x16xf32> to vector<16xf32>
        %add3A_194 = arith.addf %get3A_189, %get3A_193 : vector<16xf32>
        %swap3A_195 = arith.index_cast %scan3A_185 : i32 to index
        %swap3A_196 = arith.constant 0 : index
        %swap3A_197 = tpu.vector_load %arg19[%swap3A_195, %swap3A_196] {strides = array<i32>} : memref<40x32xf32, #tpu.memory_space<vmem>>, vector<1x16xf32>,
        %swap3A_198 = vector.shape_cast %swap3A_197 : vector<1x16xf32> to vector<16xf32>
        %swap3A_199 = vector.shape_cast %add3A_194 : vector<16xf32> to vector<1x16xf32>
        tpu.vector_store %arg19[%swap3A_195, %swap3A_196], %swap3A_199 {strides = array<i32>} : memref<40x32xf32, #tpu.memory_space<vmem>>, vector<1x16xf32>,
        %get3A_200 = arith.index_cast %scan3A_185 : i32 to index
        %get3A_201 = arith.constant 16 : index
        %get3A_202 = tpu.vector_load %arg19[%get3A_200, %get3A_201] {strides = array<i32>} : memref<40x32xf32, #tpu.memory_space<vmem>>, vector<1x16xf32>,
        %get3A_203 = vector.shape_cast %get3A_202 : vector<1x16xf32> to vector<16xf32>
        %get3A_204 = arith.index_cast %scan3A_185 : i32 to index
        %get3A_205 = arith.constant 16 : index
        %get3A_206 = tpu.vector_load %arg20[%get3A_204, %get3A_205] {strides = array<i32>} : memref<40x32xf32, #tpu.memory_space<vmem>>, vector<1x16xf32>,
        %get3A_207 = vector.shape_cast %get3A_206 : vector<1x16xf32> to vector<16xf32>
        %add3A_208 = arith.addf %get3A_203, %get3A_207 : vector<16xf32>
        %swap3A_209 = arith.index_cast %scan3A_185 : i32 to index
        %swap3A_210 = arith.constant 16 : index
        %swap3A_211 = tpu.vector_load %arg19[%swap3A_209, %swap3A_210] {strides = array<i32>} : memref<40x32xf32, #tpu.memory_space<vmem>>, vector<1x16xf32>,
        %swap3A_212 = vector.shape_cast %swap3A_211 : vector<1x16xf32> to vector<16xf32>
        %swap3A_213 = vector.shape_cast %add3A_208 : vector<16xf32> to vector<1x16xf32>
        tpu.vector_store %arg19[%swap3A_209, %swap3A_210], %swap3A_213 {strides = array<i32>} : memref<40x32xf32, #tpu.memory_space<vmem>>, vector<1x16xf32>,
        %scan3A_214 = arith.constant 4 : i32
        %scan3A_215 = arith.addi %scan3A_97, %scan3A_214 : i32
        %get3A_216 = arith.index_cast %scan3A_215 : i32 to index
        %get3A_217 = arith.constant 0 : index
        %get3A_218 = tpu.vector_load %arg19[%get3A_216, %get3A_217] {strides = array<i32>} : memref<40x32xf32, #tpu.memory_space<vmem>>, vector<1x16xf32>,
        %get3A_219 = vector.shape_cast %get3A_218 : vector<1x16xf32> to vector<16xf32>
        %get3A_220 = arith.index_cast %scan3A_215 : i32 to index
        %get3A_221 = arith.constant 0 : index
        %get3A_222 = tpu.vector_load %arg20[%get3A_220, %get3A_221] {strides = array<i32>} : memref<40x32xf32, #tpu.memory_space<vmem>>, vector<1x16xf32>,
        %get3A_223 = vector.shape_cast %get3A_222 : vector<1x16xf32> to vector<16xf32>
        %add3A_224 = arith.addf %get3A_219, %get3A_223 : vector<16xf32>
        %swap3A_225 = arith.index_cast %scan3A_215 : i32 to index
        %swap3A_226 = arith.constant 0 : index
        %swap3A_227 = tpu.vector_load %arg19[%swap3A_225, %swap3A_226] {strides = array<i32>} : memref<40x32xf32, #tpu.memory_space<vmem>>, vector<1x16xf32>,
        %swap3A_228 = vector.shape_cast %swap3A_227 : vector<1x16xf32> to vector<16xf32>
        %swap3A_229 = vector.shape_cast %add3A_224 : vector<16xf32> to vector<1x16xf32>
        tpu.vector_store %arg19[%swap3A_225, %swap3A_226], %swap3A_229 {strides = array<i32>} : memref<40x32xf32, #tpu.memory_space<vmem>>, vector<1x16xf32>,
        %get3A_230 = arith.index_cast %scan3A_215 : i32 to index
        %get3A_231 = arith.constant 16 : index
        %get3A_232 = tpu.vector_load %arg19[%get3A_230, %get3A_231] {strides = array<i32>} : memref<40x32xf32, #tpu.memory_space<vmem>>, vector<1x16xf32>,
        %get3A_233 = vector.shape_cast %get3A_232 : vector<1x16xf32> to vector<16xf32>
        %get3A_234 = arith.index_cast %scan3A_215 : i32 to index
        %get3A_235 = arith.constant 16 : index
        %get3A_236 = tpu.vector_load %arg20[%get3A_234, %get3A_235] {strides = array<i32>} : memref<40x32xf32, #tpu.memory_space<vmem>>, vector<1x16xf32>,
        %get3A_237 = vector.shape_cast %get3A_236 : vector<1x16xf32> to vector<16xf32>
        %add3A_238 = arith.addf %get3A_233, %get3A_237 : vector<16xf32>
        %swap3A_239 = arith.index_cast %scan3A_215 : i32 to index
        %swap3A_240 = arith.constant 16 : index
        %swap3A_241 = tpu.vector_load %arg19[%swap3A_239, %swap3A_240] {strides = array<i32>} : memref<40x32xf32, #tpu.memory_space<vmem>>, vector<1x16xf32>,
        %swap3A_242 = vector.shape_cast %swap3A_241 : vector<1x16xf32> to vector<16xf32>
        %swap3A_243 = vector.shape_cast %add3A_238 : vector<16xf32> to vector<1x16xf32>
        tpu.vector_store %arg19[%swap3A_239, %swap3A_240], %swap3A_243 {strides = array<i32>} : memref<40x32xf32, #tpu.memory_space<vmem>>, vector<1x16xf32>,
        %scan3A_244 = arith.constant 5 : i32
        %scan3A_245 = arith.addi %scan3A_97, %scan3A_244 : i32
        %get3A_246 = arith.index_cast %scan3A_245 : i32 to index
        %get3A_247 = arith.constant 0 : index
        %get3A_248 = tpu.vector_load %arg19[%get3A_246, %get3A_247] {strides = array<i32>} : memref<40x32xf32, #tpu.memory_space<vmem>>, vector<1x16xf32>,
        %get3A_249 = vector.shape_cast %get3A_248 : vector<1x16xf32> to vector<16xf32>
        %get3A_250 = arith.index_cast %scan3A_245 : i32 to index
        %get3A_251 = arith.constant 0 : index
        %get3A_252 = tpu.vector_load %arg20[%get3A_250, %get3A_251] {strides = array<i32>} : memref<40x32xf32, #tpu.memory_space<vmem>>, vector<1x16xf32>,
        %get3A_253 = vector.shape_cast %get3A_252 : vector<1x16xf32> to vector<16xf32>
        %add3A_254 = arith.addf %get3A_249, %get3A_253 : vector<16xf32>
        %swap3A_255 = arith.index_cast %scan3A_245 : i32 to index
        %swap3A_256 = arith.constant 0 : index
        %swap3A_257 = tpu.vector_load %arg19[%swap3A_255, %swap3A_256] {strides = array<i32>} : memref<40x32xf32, #tpu.memory_space<vmem>>, vector<1x16xf32>,
        %swap3A_258 = vector.shape_cast %swap3A_257 : vector<1x16xf32> to vector<16xf32>
        %swap3A_259 = vector.shape_cast %add3A_254 : vector<16xf32> to vector<1x16xf32>
        tpu.vector_store %arg19[%swap3A_255, %swap3A_256], %swap3A_259 {strides = array<i32>} : memref<40x32xf32, #tpu.memory_space<vmem>>, vector<1x16xf32>,
        %get3A_260 = arith.index_cast %scan3A_245 : i32 to index
        %get3A_261 = arith.constant 16 : index
        %get3A_262 = tpu.vector_load %arg19[%get3A_260, %get3A_261] {strides = array<i32>} : memref<40x32xf32, #tpu.memory_space<vmem>>, vector<1x16xf32>,
        %get3A_263 = vector.shape_cast %get3A_262 : vector<1x16xf32> to vector<16xf32>
        %get3A_264 = arith.index_cast %scan3A_245 : i32 to index
        %get3A_265 = arith.constant 16 : index
        %get3A_266 = tpu.vector_load %arg20[%get3A_264, %get3A_265] {strides = array<i32>} : memref<40x32xf32, #tpu.memory_space<vmem>>, vector<1x16xf32>,
        %get3A_267 = vector.shape_cast %get3A_266 : vector<1x16xf32> to vector<16xf32>
        %add3A_268 = arith.addf %get3A_263, %get3A_267 : vector<16xf32>
        %swap3A_269 = arith.index_cast %scan3A_245 : i32 to index
        %swap3A_270 = arith.constant 16 : index
        %swap3A_271 = tpu.vector_load %arg19[%swap3A_269, %swap3A_270] {strides = array<i32>} : memref<40x32xf32, #tpu.memory_space<vmem>>, vector<1x16xf32>,
        %swap3A_272 = vector.shape_cast %swap3A_271 : vector<1x16xf32> to vector<16xf32>
        %swap3A_273 = vector.shape_cast %add3A_268 : vector<16xf32> to vector<1x16xf32>
        tpu.vector_store %arg19[%swap3A_269, %swap3A_270], %swap3A_273 {strides = array<i32>} : memref<40x32xf32, #tpu.memory_space<vmem>>, vector<1x16xf32>,
        %scan3A_274 = arith.constant 6 : i32
        %scan3A_275 = arith.addi %scan3A_97, %scan3A_274 : i32
        %get3A_276 = arith.index_cast %scan3A_275 : i32 to index
        %get3A_277 = arith.constant 0 : index
        %get3A_278 = tpu.vector_load %arg19[%get3A_276, %get3A_277] {strides = array<i32>} : memref<40x32xf32, #tpu.memory_space<vmem>>, vector<1x16xf32>,
        %get3A_279 = vector.shape_cast %get3A_278 : vector<1x16xf32> to vector<16xf32>
        %get3A_280 = arith.index_cast %scan3A_275 : i32 to index
        %get3A_281 = arith.constant 0 : index
        %get3A_282 = tpu.vector_load %arg20[%get3A_280, %get3A_281] {strides = array<i32>} : memref<40x32xf32, #tpu.memory_space<vmem>>, vector<1x16xf32>,
        %get3A_283 = vector.shape_cast %get3A_282 : vector<1x16xf32> to vector<16xf32>
        %add3A_284 = arith.addf %get3A_279, %get3A_283 : vector<16xf32>
        %swap3A_285 = arith.index_cast %scan3A_275 : i32 to index
        %swap3A_286 = arith.constant 0 : index
        %swap3A_287 = tpu.vector_load %arg19[%swap3A_285, %swap3A_286] {strides = array<i32>} : memref<40x32xf32, #tpu.memory_space<vmem>>, vector<1x16xf32>,
        %swap3A_288 = vector.shape_cast %swap3A_287 : vector<1x16xf32> to vector<16xf32>
        %swap3A_289 = vector.shape_cast %add3A_284 : vector<16xf32> to vector<1x16xf32>
        tpu.vector_store %arg19[%swap3A_285, %swap3A_286], %swap3A_289 {strides = array<i32>} : memref<40x32xf32, #tpu.memory_space<vmem>>, vector<1x16xf32>,
        %get3A_290 = arith.index_cast %scan3A_275 : i32 to index
        %get3A_291 = arith.constant 16 : index
        %get3A_292 = tpu.vector_load %arg19[%get3A_290, %get3A_291] {strides = array<i32>} : memref<40x32xf32, #tpu.memory_space<vmem>>, vector<1x16xf32>,
        %get3A_293 = vector.shape_cast %get3A_292 : vector<1x16xf32> to vector<16xf32>
        %get3A_294 = arith.index_cast %scan3A_275 : i32 to index
        %get3A_295 = arith.constant 16 : index
        %get3A_296 = tpu.vector_load %arg20[%get3A_294, %get3A_295] {strides = array<i32>} : memref<40x32xf32, #tpu.memory_space<vmem>>, vector<1x16xf32>,
        %get3A_297 = vector.shape_cast %get3A_296 : vector<1x16xf32> to vector<16xf32>
        %add3A_298 = arith.addf %get3A_293, %get3A_297 : vector<16xf32>
        %swap3A_299 = arith.index_cast %scan3A_275 : i32 to index
        %swap3A_300 = arith.constant 16 : index
        %swap3A_301 = tpu.vector_load %arg19[%swap3A_299, %swap3A_300] {strides = array<i32>} : memref<40x32xf32, #tpu.memory_space<vmem>>, vector<1x16xf32>,
        %swap3A_302 = vector.shape_cast %swap3A_301 : vector<1x16xf32> to vector<16xf32>
        %swap3A_303 = vector.shape_cast %add3A_298 : vector<16xf32> to vector<1x16xf32>
        tpu.vector_store %arg19[%swap3A_299, %swap3A_300], %swap3A_303 {strides = array<i32>} : memref<40x32xf32, #tpu.memory_space<vmem>>, vector<1x16xf32>,
        %scan3A_304 = arith.constant 7 : i32
        %scan3A_305 = arith.addi %scan3A_97, %scan3A_304 : i32
        %get3A_306 = arith.index_cast %scan3A_305 : i32 to index
        %get3A_307 = arith.constant 0 : index
        %get3A_308 = tpu.vector_load %arg19[%get3A_306, %get3A_307] {strides = array<i32>} : memref<40x32xf32, #tpu.memory_space<vmem>>, vector<1x16xf32>,
        %get3A_309 = vector.shape_cast %get3A_308 : vector<1x16xf32> to vector<16xf32>
        %get3A_310 = arith.index_cast %scan3A_305 : i32 to index
        %get3A_311 = arith.constant 0 : index
        %get3A_312 = tpu.vector_load %arg20[%get3A_310, %get3A_311] {strides = array<i32>} : memref<40x32xf32, #tpu.memory_space<vmem>>, vector<1x16xf32>,
        %get3A_313 = vector.shape_cast %get3A_312 : vector<1x16xf32> to vector<16xf32>
        %add3A_314 = arith.addf %get3A_309, %get3A_313 : vector<16xf32>
        %swap3A_315 = arith.index_cast %scan3A_305 : i32 to index
        %swap3A_316 = arith.constant 0 : index
        %swap3A_317 = tpu.vector_load %arg19[%swap3A_315, %swap3A_316] {strides = array<i32>} : memref<40x32xf32, #tpu.memory_space<vmem>>, vector<1x16xf32>,
        %swap3A_318 = vector.shape_cast %swap3A_317 : vector<1x16xf32> to vector<16xf32>
        %swap3A_319 = vector.shape_cast %add3A_314 : vector<16xf32> to vector<1x16xf32>
        tpu.vector_store %arg19[%swap3A_315, %swap3A_316], %swap3A_319 {strides = array<i32>} : memref<40x32xf32, #tpu.memory_space<vmem>>, vector<1x16xf32>,
        %get3A_320 = arith.index_cast %scan3A_305 : i32 to index
        %get3A_321 = arith.constant 16 : index
        %get3A_322 = tpu.vector_load %arg19[%get3A_320, %get3A_321] {strides = array<i32>} : memref<40x32xf32, #tpu.memory_space<vmem>>, vector<1x16xf32>,
        %get3A_323 = vector.shape_cast %get3A_322 : vector<1x16xf32> to vector<16xf32>
        %get3A_324 = arith.index_cast %scan3A_305 : i32 to index
        %get3A_325 = arith.constant 16 : index
        %get3A_326 = tpu.vector_load %arg20[%get3A_324, %get3A_325] {strides = array<i32>} : memref<40x32xf32, #tpu.memory_space<vmem>>, vector<1x16xf32>,
        %get3A_327 = vector.shape_cast %get3A_326 : vector<1x16xf32> to vector<16xf32>
        %add3A_328 = arith.addf %get3A_323, %get3A_327 : vector<16xf32>
        %swap3A_329 = arith.index_cast %scan3A_305 : i32 to index
        %swap3A_330 = arith.constant 16 : index
        %swap3A_331 = tpu.vector_load %arg19[%swap3A_329, %swap3A_330] {strides = array<i32>} : memref<40x32xf32, #tpu.memory_space<vmem>>, vector<1x16xf32>,
        %swap3A_332 = vector.shape_cast %swap3A_331 : vector<1x16xf32> to vector<16xf32>
        %swap3A_333 = vector.shape_cast %add3A_328 : vector<16xf32> to vector<1x16xf32>
        tpu.vector_store %arg19[%swap3A_329, %swap3A_330], %swap3A_333 {strides = array<i32>} : memref<40x32xf32, #tpu.memory_space<vmem>>, vector<1x16xf32>,
      }
      %scan3A_96 = arith.constant 40 : i32
      "tpu.region"() ({
        %run_scoped3A = tpu.sem_alloc : memref<!tpu.dma_semaphore, #tpu.memory_space<semaphore_mem>>
        %dma_start3A = arith.constant 0 : i32
        %dma_start3A_97 = arith.constant 0 : i32
        %dma_start3A_98 = tpu.memref_slice %arg22[%dma_start3A, %dma_start3A_97] : memref<50000x32xf32, #tpu.memory_space<vmem_shared>> -> memref<50000x32xf32, #tpu.memory_space<vmem_shared>>
        tpu.enqueue_indirect_dma source(%arg19 : memref<40x32xf32, #tpu.memory_space<vmem>>) target(%dma_start3A_98 : memref<50000x32xf32, #tpu.memory_space<vmem_shared>>) offsets(%arg17 : memref<40xi32, #tpu.memory_space<vmem>>) semaphore(%run_scoped3A : memref<!tpu.dma_semaphore, #tpu.memory_space<semaphore_mem>>) {add = true}
        %dma_wait3A = arith.constant 0 : i32
        %dma_wait3A_99 = arith.constant 0 : i32
        %dma_wait3A_100 = tpu.memref_slice %arg22[%dma_wait3A, %dma_wait3A_99] : memref<50000x32xf32, #tpu.memory_space<vmem_shared>> -> memref<50000x32xf32, #tpu.memory_space<vmem_shared>>
        tpu.wait_indirect_dma semaphore(%run_scoped3A : memref<!tpu.dma_semaphore, #tpu.memory_space<semaphore_mem>>) src(%arg19 : memref<40x32xf32, #tpu.memory_space<vmem>>) dst(%dma_wait3A_100 : memref<50000x32xf32, #tpu.memory_space<vmem_shared>>)
        tpu.yield
      }) : () -> ()
    }
    %scan3A_29 = arith.constant 625 : i32
    %barrier3A_30 = arith.constant 0 : index
    tpu.barrier barrier_id(%barrier3A_30)
    %eq3A_31 = arith.constant 0 : i32
    %eq3A_32 = arith.cmpi eq, %arg0, %eq3A_31 : i32
    %convert_element_type3A_33 = arith.extui %eq3A_32 : i1 to i32
    %cond3A_34 = arith.constant 0 : i32
    %cond3A_35 = arith.cmpi ne, %convert_element_type3A_33, %cond3A_34 : i32
    scf.if %cond3A_35 {
      "tpu.region"() ({
        %run_scoped3A = tpu.sem_alloc : memref<!tpu.dma_semaphore, #tpu.memory_space<semaphore_mem>>
        %dma_start3A = arith.constant 0 : i32
        %dma_start3A_41 = tpu.memref_slice %arg9[%mul3A_5, %dma_start3A] : memref<50000x32xf32, #tpu.memory_space<hbm>> -> memref<3125x32xf32, #tpu.memory_space<hbm>>
        %dma_start3A_42 = arith.constant 0 : i32
        %dma_start3A_43 = tpu.memref_slice %arg22[%mul3A_5, %dma_start3A_42] : memref<50000x32xf32, #tpu.memory_space<vmem_shared>> -> memref<3125x32xf32, #tpu.memory_space<vmem_shared>>
        tpu.enqueue_dma source(%dma_start3A_43 : memref<3125x32xf32, #tpu.memory_space<vmem_shared>>) target(%dma_start3A_41 : memref<3125x32xf32, #tpu.memory_space<hbm>>) target_semaphore(%run_scoped3A : memref<!tpu.dma_semaphore, #tpu.memory_space<semaphore_mem>>)
        %dma_wait3A = arith.constant 0 : i32
        %dma_wait3A_44 = tpu.memref_slice %arg9[%mul3A_5, %dma_wait3A] : memref<50000x32xf32, #tpu.memory_space<hbm>> -> memref<3125x32xf32, #tpu.memory_space<hbm>>
        %dma_wait3A_45 = arith.constant 0 : i32
        %dma_wait3A_46 = tpu.memref_slice %arg22[%mul3A_5, %dma_wait3A_45] : memref<50000x32xf32, #tpu.memory_space<vmem_shared>> -> memref<3125x32xf32, #tpu.memory_space<vmem_shared>>
        tpu.wait_dma2 semaphore(%run_scoped3A : memref<!tpu.dma_semaphore, #tpu.memory_space<semaphore_mem>>) src(%dma_wait3A_46 : memref<3125x32xf32, #tpu.memory_space<vmem_shared>>) dst(%dma_wait3A_44 : memref<3125x32xf32, #tpu.memory_space<hbm>>)
        tpu.yield
      }) : () -> ()
    } else {
    }
    %eq3A_36 = arith.constant 1 : i32
    %eq3A_37 = arith.cmpi eq, %arg0, %eq3A_36 : i32
    %convert_element_type3A_38 = arith.extui %eq3A_37 : i1 to i32
    %cond3A_39 = arith.constant 0 : i32
    %cond3A_40 = arith.cmpi ne, %convert_element_type3A_38, %cond3A_39 : i32
    scf.if %cond3A_40 {
      "tpu.region"() ({
        %run_scoped3A = tpu.sem_alloc : memref<!tpu.dma_semaphore, #tpu.memory_space<semaphore_mem>>
        %dma_start3A = arith.constant 0 : i32
        %dma_start3A_41 = tpu.memref_slice %arg10[%mul3A_5, %dma_start3A] : memref<50000x32xf32, #tpu.memory_space<hbm>> -> memref<3125x32xf32, #tpu.memory_space<hbm>>
        %dma_start3A_42 = arith.constant 0 : i32
        %dma_start3A_43 = tpu.memref_slice %arg22[%mul3A_5, %dma_start3A_42] : memref<50000x32xf32, #tpu.memory_space<vmem_shared>> -> memref<3125x32xf32, #tpu.memory_space<vmem_shared>>
        tpu.enqueue_dma source(%dma_start3A_43 : memref<3125x32xf32, #tpu.memory_space<vmem_shared>>) target(%dma_start3A_41 : memref<3125x32xf32, #tpu.memory_space<hbm>>) target_semaphore(%run_scoped3A : memref<!tpu.dma_semaphore, #tpu.memory_space<semaphore_mem>>)
        %dma_wait3A = arith.constant 0 : i32
        %dma_wait3A_44 = tpu.memref_slice %arg10[%mul3A_5, %dma_wait3A] : memref<50000x32xf32, #tpu.memory_space<hbm>> -> memref<3125x32xf32, #tpu.memory_space<hbm>>
        %dma_wait3A_45 = arith.constant 0 : i32
        %dma_wait3A_46 = tpu.memref_slice %arg22[%mul3A_5, %dma_wait3A_45] : memref<50000x32xf32, #tpu.memory_space<vmem_shared>> -> memref<3125x32xf32, #tpu.memory_space<vmem_shared>>
        tpu.wait_dma2 semaphore(%run_scoped3A : memref<!tpu.dma_semaphore, #tpu.memory_space<semaphore_mem>>) src(%dma_wait3A_46 : memref<3125x32xf32, #tpu.memory_space<vmem_shared>>) dst(%dma_wait3A_44 : memref<3125x32xf32, #tpu.memory_space<hbm>>)
        tpu.yield
      }) : () -> ()
    } else {
    }
    return
  }
}

#map = affine_map<(d0, d1) -> (0)>
#map1 = affine_map<(d0, d1) -> (0, 0)>
module attributes {stable_mosaic.version = 14 : i64} {
  func.func @_edge_pass(%arg0: i32, %arg1: i32, %arg2: memref<800000xi32, #tpu.memory_space<hbm>>, %arg3: memref<800000xi32, #tpu.memory_space<hbm>>, %arg4: memref<800000xi32, #tpu.memory_space<hbm>>, %arg5: memref<50000x32xf32, #tpu.memory_space<hbm>>, %arg6: memref<50000x32xf32, #tpu.memory_space<hbm>>, %arg7: memref<512x32xf32, #tpu.memory_space<hbm>>, %arg8: memref<512x32xf32, #tpu.memory_space<hbm>>, %arg9: memref<50000x32xf32, #tpu.memory_space<hbm>>, %arg10: memref<50000x32xf32, #tpu.memory_space<hbm>>, %arg11: memref<40xi32, #tpu.memory_space<vmem>>, %arg12: memref<40xi32, #tpu.memory_space<vmem>>, %arg13: memref<40xi32, #tpu.memory_space<vmem>>, %arg14: memref<40x32xf32, #tpu.memory_space<vmem>>, %arg15: memref<40x32xf32, #tpu.memory_space<vmem>>, %arg16: memref<40xi32, #tpu.memory_space<vmem>>, %arg17: memref<40xi32, #tpu.memory_space<vmem>>, %arg18: memref<40xi32, #tpu.memory_space<vmem>>, %arg19: memref<40x32xf32, #tpu.memory_space<vmem>>, %arg20: memref<40x32xf32, #tpu.memory_space<vmem>>, %arg21: memref<200x32xf32, #tpu.memory_space<vmem>>, %arg22: memref<50000x32xf32, #tpu.memory_space<vmem_shared>>, %arg23: memref<!tpu.dma_semaphore, #tpu.memory_space<semaphore_mem>>, %arg24: memref<!tpu.dma_semaphore, #tpu.memory_space<semaphore_mem>>, %arg25: memref<!tpu.dma_semaphore, #tpu.memory_space<semaphore_mem>>, %arg26: memref<!tpu.dma_semaphore, #tpu.memory_space<semaphore_mem>>) attributes {dimension_semantics = [#tpu.dimension_semantics<core_parallel>, #tpu.dimension_semantics<subcore_parallel>], iteration_bounds = array<i64: 2, 16>, scalar_prefetch = 0 : i64, scratch_operands = 16 : i64, tpu.core_type = #tpu.core_type<sc_vector_subcore>, window_params = [{transform_indices = #map}, {transform_indices = #map}, {transform_indices = #map}, {transform_indices = #map1}, {transform_indices = #map1}, {transform_indices = #map1}, {transform_indices = #map1}, {transform_indices = #map1}, {transform_indices = #map1}]} {
    %scan3A = arith.constant 0 : i32
    %scan3A_0 = arith.constant 0 : i32
    %scan3A_1 = arith.constant 200 : i32
    %scan3A_2 = arith.addi %scan3A_0, %scan3A_1 : i32
    %scan3A_3 = arith.constant 8 : i32
    scf.for %scan3A_41 = %scan3A_0 to %scan3A_2 step %scan3A_3  : i32 {
      %broadcast_in_dim3A = arith.constant 0.000000e+00 : f32
      %broadcast_in_dim3A_42 = vector.broadcast %broadcast_in_dim3A : f32 to vector<16xf32>
      %swap3A = arith.index_cast %scan3A_41 : i32 to index
      %swap3A_43 = arith.constant 0 : index
      %swap3A_44 = tpu.vector_load %arg21[%swap3A, %swap3A_43] {strides = array<i32>} : memref<200x32xf32, #tpu.memory_space<vmem>>, vector<1x16xf32>,
      %swap3A_45 = vector.shape_cast %swap3A_44 : vector<1x16xf32> to vector<16xf32>
      %swap3A_46 = vector.shape_cast %broadcast_in_dim3A_42 : vector<16xf32> to vector<1x16xf32>
      tpu.vector_store %arg21[%swap3A, %swap3A_43], %swap3A_46 {strides = array<i32>} : memref<200x32xf32, #tpu.memory_space<vmem>>, vector<1x16xf32>,
      %broadcast_in_dim3A_47 = arith.constant 0.000000e+00 : f32
      %broadcast_in_dim3A_48 = vector.broadcast %broadcast_in_dim3A_47 : f32 to vector<16xf32>
      %swap3A_49 = arith.index_cast %scan3A_41 : i32 to index
      %swap3A_50 = arith.constant 16 : index
      %swap3A_51 = tpu.vector_load %arg21[%swap3A_49, %swap3A_50] {strides = array<i32>} : memref<200x32xf32, #tpu.memory_space<vmem>>, vector<1x16xf32>,
      %swap3A_52 = vector.shape_cast %swap3A_51 : vector<1x16xf32> to vector<16xf32>
      %swap3A_53 = vector.shape_cast %broadcast_in_dim3A_48 : vector<16xf32> to vector<1x16xf32>
      tpu.vector_store %arg21[%swap3A_49, %swap3A_50], %swap3A_53 {strides = array<i32>} : memref<200x32xf32, #tpu.memory_space<vmem>>, vector<1x16xf32>,
      %scan3A_54 = arith.constant 1 : i32
      %scan3A_55 = arith.addi %scan3A_41, %scan3A_54 : i32
      %broadcast_in_dim3A_56 = arith.constant 0.000000e+00 : f32
      %broadcast_in_dim3A_57 = vector.broadcast %broadcast_in_dim3A_56 : f32 to vector<16xf32>
      %swap3A_58 = arith.index_cast %scan3A_55 : i32 to index
      %swap3A_59 = arith.constant 0 : index
      %swap3A_60 = tpu.vector_load %arg21[%swap3A_58, %swap3A_59] {strides = array<i32>} : memref<200x32xf32, #tpu.memory_space<vmem>>, vector<1x16xf32>,
      %swap3A_61 = vector.shape_cast %swap3A_60 : vector<1x16xf32> to vector<16xf32>
      %swap3A_62 = vector.shape_cast %broadcast_in_dim3A_57 : vector<16xf32> to vector<1x16xf32>
      tpu.vector_store %arg21[%swap3A_58, %swap3A_59], %swap3A_62 {strides = array<i32>} : memref<200x32xf32, #tpu.memory_space<vmem>>, vector<1x16xf32>,
      %broadcast_in_dim3A_63 = arith.constant 0.000000e+00 : f32
      %broadcast_in_dim3A_64 = vector.broadcast %broadcast_in_dim3A_63 : f32 to vector<16xf32>
      %swap3A_65 = arith.index_cast %scan3A_55 : i32 to index
      %swap3A_66 = arith.constant 16 : index
      %swap3A_67 = tpu.vector_load %arg21[%swap3A_65, %swap3A_66] {strides = array<i32>} : memref<200x32xf32, #tpu.memory_space<vmem>>, vector<1x16xf32>,
      %swap3A_68 = vector.shape_cast %swap3A_67 : vector<1x16xf32> to vector<16xf32>
      %swap3A_69 = vector.shape_cast %broadcast_in_dim3A_64 : vector<16xf32> to vector<1x16xf32>
      tpu.vector_store %arg21[%swap3A_65, %swap3A_66], %swap3A_69 {strides = array<i32>} : memref<200x32xf32, #tpu.memory_space<vmem>>, vector<1x16xf32>,
      %scan3A_70 = arith.constant 2 : i32
      %scan3A_71 = arith.addi %scan3A_41, %scan3A_70 : i32
      %broadcast_in_dim3A_72 = arith.constant 0.000000e+00 : f32
      %broadcast_in_dim3A_73 = vector.broadcast %broadcast_in_dim3A_72 : f32 to vector<16xf32>
      %swap3A_74 = arith.index_cast %scan3A_71 : i32 to index
      %swap3A_75 = arith.constant 0 : index
      %swap3A_76 = tpu.vector_load %arg21[%swap3A_74, %swap3A_75] {strides = array<i32>} : memref<200x32xf32, #tpu.memory_space<vmem>>, vector<1x16xf32>,
      %swap3A_77 = vector.shape_cast %swap3A_76 : vector<1x16xf32> to vector<16xf32>
      %swap3A_78 = vector.shape_cast %broadcast_in_dim3A_73 : vector<16xf32> to vector<1x16xf32>
      tpu.vector_store %arg21[%swap3A_74, %swap3A_75], %swap3A_78 {strides = array<i32>} : memref<200x32xf32, #tpu.memory_space<vmem>>, vector<1x16xf32>,
      %broadcast_in_dim3A_79 = arith.constant 0.000000e+00 : f32
      %broadcast_in_dim3A_80 = vector.broadcast %broadcast_in_dim3A_79 : f32 to vector<16xf32>
      %swap3A_81 = arith.index_cast %scan3A_71 : i32 to index
      %swap3A_82 = arith.constant 16 : index
      %swap3A_83 = tpu.vector_load %arg21[%swap3A_81, %swap3A_82] {strides = array<i32>} : memref<200x32xf32, #tpu.memory_space<vmem>>, vector<1x16xf32>,
      %swap3A_84 = vector.shape_cast %swap3A_83 : vector<1x16xf32> to vector<16xf32>
      %swap3A_85 = vector.shape_cast %broadcast_in_dim3A_80 : vector<16xf32> to vector<1x16xf32>
      tpu.vector_store %arg21[%swap3A_81, %swap3A_82], %swap3A_85 {strides = array<i32>} : memref<200x32xf32, #tpu.memory_space<vmem>>, vector<1x16xf32>,
      %scan3A_86 = arith.constant 3 : i32
      %scan3A_87 = arith.addi %scan3A_41, %scan3A_86 : i32
      %broadcast_in_dim3A_88 = arith.constant 0.000000e+00 : f32
      %broadcast_in_dim3A_89 = vector.broadcast %broadcast_in_dim3A_88 : f32 to vector<16xf32>
      %swap3A_90 = arith.index_cast %scan3A_87 : i32 to index
      %swap3A_91 = arith.constant 0 : index
      %swap3A_92 = tpu.vector_load %arg21[%swap3A_90, %swap3A_91] {strides = array<i32>} : memref<200x32xf32, #tpu.memory_space<vmem>>, vector<1x16xf32>,
      %swap3A_93 = vector.shape_cast %swap3A_92 : vector<1x16xf32> to vector<16xf32>
      %swap3A_94 = vector.shape_cast %broadcast_in_dim3A_89 : vector<16xf32> to vector<1x16xf32>
      tpu.vector_store %arg21[%swap3A_90, %swap3A_91], %swap3A_94 {strides = array<i32>} : memref<200x32xf32, #tpu.memory_space<vmem>>, vector<1x16xf32>,
      %broadcast_in_dim3A_95 = arith.constant 0.000000e+00 : f32
      %broadcast_in_dim3A_96 = vector.broadcast %broadcast_in_dim3A_95 : f32 to vector<16xf32>
      %swap3A_97 = arith.index_cast %scan3A_87 : i32 to index
      %swap3A_98 = arith.constant 16 : index
      %swap3A_99 = tpu.vector_load %arg21[%swap3A_97, %swap3A_98] {strides = array<i32>} : memref<200x32xf32, #tpu.memory_space<vmem>>, vector<1x16xf32>,
      %swap3A_100 = vector.shape_cast %swap3A_99 : vector<1x16xf32> to vector<16xf32>
      %swap3A_101 = vector.shape_cast %broadcast_in_dim3A_96 : vector<16xf32> to vector<1x16xf32>
      tpu.vector_store %arg21[%swap3A_97, %swap3A_98], %swap3A_101 {strides = array<i32>} : memref<200x32xf32, #tpu.memory_space<vmem>>, vector<1x16xf32>,
      %scan3A_102 = arith.constant 4 : i32
      %scan3A_103 = arith.addi %scan3A_41, %scan3A_102 : i32
      %broadcast_in_dim3A_104 = arith.constant 0.000000e+00 : f32
      %broadcast_in_dim3A_105 = vector.broadcast %broadcast_in_dim3A_104 : f32 to vector<16xf32>
      %swap3A_106 = arith.index_cast %scan3A_103 : i32 to index
      %swap3A_107 = arith.constant 0 : index
      %swap3A_108 = tpu.vector_load %arg21[%swap3A_106, %swap3A_107] {strides = array<i32>} : memref<200x32xf32, #tpu.memory_space<vmem>>, vector<1x16xf32>,
      %swap3A_109 = vector.shape_cast %swap3A_108 : vector<1x16xf32> to vector<16xf32>
      %swap3A_110 = vector.shape_cast %broadcast_in_dim3A_105 : vector<16xf32> to vector<1x16xf32>
      tpu.vector_store %arg21[%swap3A_106, %swap3A_107], %swap3A_110 {strides = array<i32>} : memref<200x32xf32, #tpu.memory_space<vmem>>, vector<1x16xf32>,
      %broadcast_in_dim3A_111 = arith.constant 0.000000e+00 : f32
      %broadcast_in_dim3A_112 = vector.broadcast %broadcast_in_dim3A_111 : f32 to vector<16xf32>
      %swap3A_113 = arith.index_cast %scan3A_103 : i32 to index
      %swap3A_114 = arith.constant 16 : index
      %swap3A_115 = tpu.vector_load %arg21[%swap3A_113, %swap3A_114] {strides = array<i32>} : memref<200x32xf32, #tpu.memory_space<vmem>>, vector<1x16xf32>,
      %swap3A_116 = vector.shape_cast %swap3A_115 : vector<1x16xf32> to vector<16xf32>
      %swap3A_117 = vector.shape_cast %broadcast_in_dim3A_112 : vector<16xf32> to vector<1x16xf32>
      tpu.vector_store %arg21[%swap3A_113, %swap3A_114], %swap3A_117 {strides = array<i32>} : memref<200x32xf32, #tpu.memory_space<vmem>>, vector<1x16xf32>,
      %scan3A_118 = arith.constant 5 : i32
      %scan3A_119 = arith.addi %scan3A_41, %scan3A_118 : i32
      %broadcast_in_dim3A_120 = arith.constant 0.000000e+00 : f32
      %broadcast_in_dim3A_121 = vector.broadcast %broadcast_in_dim3A_120 : f32 to vector<16xf32>
      %swap3A_122 = arith.index_cast %scan3A_119 : i32 to index
      %swap3A_123 = arith.constant 0 : index
      %swap3A_124 = tpu.vector_load %arg21[%swap3A_122, %swap3A_123] {strides = array<i32>} : memref<200x32xf32, #tpu.memory_space<vmem>>, vector<1x16xf32>,
      %swap3A_125 = vector.shape_cast %swap3A_124 : vector<1x16xf32> to vector<16xf32>
      %swap3A_126 = vector.shape_cast %broadcast_in_dim3A_121 : vector<16xf32> to vector<1x16xf32>
      tpu.vector_store %arg21[%swap3A_122, %swap3A_123], %swap3A_126 {strides = array<i32>} : memref<200x32xf32, #tpu.memory_space<vmem>>, vector<1x16xf32>,
      %broadcast_in_dim3A_127 = arith.constant 0.000000e+00 : f32
      %broadcast_in_dim3A_128 = vector.broadcast %broadcast_in_dim3A_127 : f32 to vector<16xf32>
      %swap3A_129 = arith.index_cast %scan3A_119 : i32 to index
      %swap3A_130 = arith.constant 16 : index
      %swap3A_131 = tpu.vector_load %arg21[%swap3A_129, %swap3A_130] {strides = array<i32>} : memref<200x32xf32, #tpu.memory_space<vmem>>, vector<1x16xf32>,
      %swap3A_132 = vector.shape_cast %swap3A_131 : vector<1x16xf32> to vector<16xf32>
      %swap3A_133 = vector.shape_cast %broadcast_in_dim3A_128 : vector<16xf32> to vector<1x16xf32>
      tpu.vector_store %arg21[%swap3A_129, %swap3A_130], %swap3A_133 {strides = array<i32>} : memref<200x32xf32, #tpu.memory_space<vmem>>, vector<1x16xf32>,
      %scan3A_134 = arith.constant 6 : i32
      %scan3A_135 = arith.addi %scan3A_41, %scan3A_134 : i32
      %broadcast_in_dim3A_136 = arith.constant 0.000000e+00 : f32
      %broadcast_in_dim3A_137 = vector.broadcast %broadcast_in_dim3A_136 : f32 to vector<16xf32>
      %swap3A_138 = arith.index_cast %scan3A_135 : i32 to index
      %swap3A_139 = arith.constant 0 : index
      %swap3A_140 = tpu.vector_load %arg21[%swap3A_138, %swap3A_139] {strides = array<i32>} : memref<200x32xf32, #tpu.memory_space<vmem>>, vector<1x16xf32>,
      %swap3A_141 = vector.shape_cast %swap3A_140 : vector<1x16xf32> to vector<16xf32>
      %swap3A_142 = vector.shape_cast %broadcast_in_dim3A_137 : vector<16xf32> to vector<1x16xf32>
      tpu.vector_store %arg21[%swap3A_138, %swap3A_139], %swap3A_142 {strides = array<i32>} : memref<200x32xf32, #tpu.memory_space<vmem>>, vector<1x16xf32>,
      %broadcast_in_dim3A_143 = arith.constant 0.000000e+00 : f32
      %broadcast_in_dim3A_144 = vector.broadcast %broadcast_in_dim3A_143 : f32 to vector<16xf32>
      %swap3A_145 = arith.index_cast %scan3A_135 : i32 to index
      %swap3A_146 = arith.constant 16 : index
      %swap3A_147 = tpu.vector_load %arg21[%swap3A_145, %swap3A_146] {strides = array<i32>} : memref<200x32xf32, #tpu.memory_space<vmem>>, vector<1x16xf32>,
      %swap3A_148 = vector.shape_cast %swap3A_147 : vector<1x16xf32> to vector<16xf32>
      %swap3A_149 = vector.shape_cast %broadcast_in_dim3A_144 : vector<16xf32> to vector<1x16xf32>
      tpu.vector_store %arg21[%swap3A_145, %swap3A_146], %swap3A_149 {strides = array<i32>} : memref<200x32xf32, #tpu.memory_space<vmem>>, vector<1x16xf32>,
      %scan3A_150 = arith.constant 7 : i32
      %scan3A_151 = arith.addi %scan3A_41, %scan3A_150 : i32
      %broadcast_in_dim3A_152 = arith.constant 0.000000e+00 : f32
      %broadcast_in_dim3A_153 = vector.broadcast %broadcast_in_dim3A_152 : f32 to vector<16xf32>
      %swap3A_154 = arith.index_cast %scan3A_151 : i32 to index
      %swap3A_155 = arith.constant 0 : index
      %swap3A_156 = tpu.vector_load %arg21[%swap3A_154, %swap3A_155] {strides = array<i32>} : memref<200x32xf32, #tpu.memory_space<vmem>>, vector<1x16xf32>,
      %swap3A_157 = vector.shape_cast %swap3A_156 : vector<1x16xf32> to vector<16xf32>
      %swap3A_158 = vector.shape_cast %broadcast_in_dim3A_153 : vector<16xf32> to vector<1x16xf32>
      tpu.vector_store %arg21[%swap3A_154, %swap3A_155], %swap3A_158 {strides = array<i32>} : memref<200x32xf32, #tpu.memory_space<vmem>>, vector<1x16xf32>,
      %broadcast_in_dim3A_159 = arith.constant 0.000000e+00 : f32
      %broadcast_in_dim3A_160 = vector.broadcast %broadcast_in_dim3A_159 : f32 to vector<16xf32>
      %swap3A_161 = arith.index_cast %scan3A_151 : i32 to index
      %swap3A_162 = arith.constant 16 : index
      %swap3A_163 = tpu.vector_load %arg21[%swap3A_161, %swap3A_162] {strides = array<i32>} : memref<200x32xf32, #tpu.memory_space<vmem>>, vector<1x16xf32>,
      %swap3A_164 = vector.shape_cast %swap3A_163 : vector<1x16xf32> to vector<16xf32>
      %swap3A_165 = vector.shape_cast %broadcast_in_dim3A_160 : vector<16xf32> to vector<1x16xf32>
      tpu.vector_store %arg21[%swap3A_161, %swap3A_162], %swap3A_165 {strides = array<i32>} : memref<200x32xf32, #tpu.memory_space<vmem>>, vector<1x16xf32>,
    }
    %scan3A_4 = arith.constant 200 : i32
    %mul3A = arith.constant 3125 : i32
    %mul3A_5 = arith.muli %arg1, %mul3A : i32
    %scan3A_6 = arith.constant 0 : i32
    %scan3A_7 = arith.constant 0 : i32
    %scan3A_8 = arith.constant 15 : i32
    %scan3A_9 = arith.addi %scan3A_7, %scan3A_8 : i32
    %scan3A_10 = arith.constant 1 : i32
    scf.for %scan3A_41 = %scan3A_7 to %scan3A_9 step %scan3A_10  : i32 {
      %mul3A_42 = arith.constant 200 : i32
      %mul3A_43 = arith.muli %scan3A_41, %mul3A_42 : i32
      %add3A_44 = arith.addi %mul3A_5, %mul3A_43 : i32
      "tpu.region"() ({
        %run_scoped3A = tpu.sem_alloc : memref<!tpu.dma_semaphore, #tpu.memory_space<semaphore_mem>>
        %dma_start3A = arith.constant 0 : i32
        %dma_start3A_45 = tpu.memref_slice %arg22[%add3A_44, %dma_start3A] : memref<50000x32xf32, #tpu.memory_space<vmem_shared>> -> memref<200x32xf32, #tpu.memory_space<vmem_shared>>
        %dma_start3A_46 = arith.constant 0 : i32
        %dma_start3A_47 = tpu.memref_slice %arg22[%add3A_44, %dma_start3A_46] : memref<50000x32xf32, #tpu.memory_space<vmem_shared>> -> memref<200x32xf32, #tpu.memory_space<vmem_shared>>
        tpu.enqueue_dma source(%arg21 : memref<200x32xf32, #tpu.memory_space<vmem>>) target(%dma_start3A_47 : memref<200x32xf32, #tpu.memory_space<vmem_shared>>) target_semaphore(%run_scoped3A : memref<!tpu.dma_semaphore, #tpu.memory_space<semaphore_mem>>)
        %dma_wait3A = arith.constant 0 : i32
        %dma_wait3A_48 = tpu.memref_slice %arg22[%add3A_44, %dma_wait3A] : memref<50000x32xf32, #tpu.memory_space<vmem_shared>> -> memref<200x32xf32, #tpu.memory_space<vmem_shared>>
        %dma_wait3A_49 = arith.constant 0 : i32
        %dma_wait3A_50 = tpu.memref_slice %arg22[%add3A_44, %dma_wait3A_49] : memref<50000x32xf32, #tpu.memory_space<vmem_shared>> -> memref<200x32xf32, #tpu.memory_space<vmem_shared>>
        tpu.wait_dma2 semaphore(%run_scoped3A : memref<!tpu.dma_semaphore, #tpu.memory_space<semaphore_mem>>) src(%arg21 : memref<200x32xf32, #tpu.memory_space<vmem>>) dst(%dma_wait3A_50 : memref<200x32xf32, #tpu.memory_space<vmem_shared>>)
        tpu.yield
      }) : () -> ()
    }
    %scan3A_11 = arith.constant 15 : i32
    %add3A = arith.constant 3000 : i32
    %add3A_12 = arith.addi %mul3A_5, %add3A : i32
    "tpu.region"() ({
      %run_scoped3A = tpu.sem_alloc : memref<!tpu.dma_semaphore, #tpu.memory_space<semaphore_mem>>
      %dma_start3A = arith.constant 0 : i32
      %dma_start3A_41 = arith.constant 0 : i32
      %dma_start3A_42 = tpu.memref_slice %arg21[%dma_start3A, %dma_start3A_41] : memref<200x32xf32, #tpu.memory_space<vmem>> -> memref<125x32xf32, #tpu.memory_space<vmem>>
      %dma_start3A_43 = arith.constant 0 : i32
      %dma_start3A_44 = tpu.memref_slice %arg22[%add3A_12, %dma_start3A_43] : memref<50000x32xf32, #tpu.memory_space<vmem_shared>> -> memref<125x32xf32, #tpu.memory_space<vmem_shared>>
      %dma_start3A_45 = arith.constant 0 : i32
      %dma_start3A_46 = tpu.memref_slice %arg22[%add3A_12, %dma_start3A_45] : memref<50000x32xf32, #tpu.memory_space<vmem_shared>> -> memref<125x32xf32, #tpu.memory_space<vmem_shared>>
      %dma_start3A_47 = arith.constant 0 : i32
      %dma_start3A_48 = arith.constant 0 : i32
      %dma_start3A_49 = tpu.memref_slice %arg21[%dma_start3A_47, %dma_start3A_48] : memref<200x32xf32, #tpu.memory_space<vmem>> -> memref<125x32xf32, #tpu.memory_space<vmem>>
      tpu.enqueue_dma source(%dma_start3A_49 : memref<125x32xf32, #tpu.memory_space<vmem>>) target(%dma_start3A_46 : memref<125x32xf32, #tpu.memory_space<vmem_shared>>) target_semaphore(%run_scoped3A : memref<!tpu.dma_semaphore, #tpu.memory_space<semaphore_mem>>)
      %dma_wait3A = arith.constant 0 : i32
      %dma_wait3A_50 = arith.constant 0 : i32
      %dma_wait3A_51 = tpu.memref_slice %arg21[%dma_wait3A, %dma_wait3A_50] : memref<200x32xf32, #tpu.memory_space<vmem>> -> memref<125x32xf32, #tpu.memory_space<vmem>>
      %dma_wait3A_52 = arith.constant 0 : i32
      %dma_wait3A_53 = tpu.memref_slice %arg22[%add3A_12, %dma_wait3A_52] : memref<50000x32xf32, #tpu.memory_space<vmem_shared>> -> memref<125x32xf32, #tpu.memory_space<vmem_shared>>
      %dma_wait3A_54 = arith.constant 0 : i32
      %dma_wait3A_55 = tpu.memref_slice %arg22[%add3A_12, %dma_wait3A_54] : memref<50000x32xf32, #tpu.memory_space<vmem_shared>> -> memref<125x32xf32, #tpu.memory_space<vmem_shared>>
      %dma_wait3A_56 = arith.constant 0 : i32
      %dma_wait3A_57 = arith.constant 0 : i32
      %dma_wait3A_58 = tpu.memref_slice %arg21[%dma_wait3A_56, %dma_wait3A_57] : memref<200x32xf32, #tpu.memory_space<vmem>> -> memref<125x32xf32, #tpu.memory_space<vmem>>
      tpu.wait_dma2 semaphore(%run_scoped3A : memref<!tpu.dma_semaphore, #tpu.memory_space<semaphore_mem>>) src(%dma_wait3A_58 : memref<125x32xf32, #tpu.memory_space<vmem>>) dst(%dma_wait3A_55 : memref<125x32xf32, #tpu.memory_space<vmem_shared>>)
      tpu.yield
    }) : () -> ()
    %barrier3A = arith.constant 0 : index
    tpu.barrier barrier_id(%barrier3A)
    %mul3A_13 = arith.constant 50000 : i32
    %mul3A_14 = arith.muli %arg1, %mul3A_13 : i32
    %add3A_15 = arith.constant 0 : i32
    %add3A_16 = arith.addi %mul3A_14, %add3A_15 : i32
    "tpu.region"() ({
      %run_scoped3A = tpu.sem_alloc : memref<!tpu.dma_semaphore, #tpu.memory_space<semaphore_mem>>
      %dma_start3A = tpu.memref_slice %arg2[%add3A_16] : memref<800000xi32, #tpu.memory_space<hbm>> -> memref<40xi32, #tpu.memory_space<hbm>>
      %dma_start3A_41 = tpu.memref_slice %arg2[%add3A_16] : memref<800000xi32, #tpu.memory_space<hbm>> -> memref<40xi32, #tpu.memory_space<hbm>>
      tpu.enqueue_dma source(%dma_start3A_41 : memref<40xi32, #tpu.memory_space<hbm>>) target(%arg11 : memref<40xi32, #tpu.memory_space<vmem>>) target_semaphore(%run_scoped3A : memref<!tpu.dma_semaphore, #tpu.memory_space<semaphore_mem>>)
      %dma_wait3A = tpu.memref_slice %arg2[%add3A_16] : memref<800000xi32, #tpu.memory_space<hbm>> -> memref<40xi32, #tpu.memory_space<hbm>>
      %dma_wait3A_42 = tpu.memref_slice %arg2[%add3A_16] : memref<800000xi32, #tpu.memory_space<hbm>> -> memref<40xi32, #tpu.memory_space<hbm>>
      tpu.wait_dma2 semaphore(%run_scoped3A : memref<!tpu.dma_semaphore, #tpu.memory_space<semaphore_mem>>) src(%dma_wait3A_42 : memref<40xi32, #tpu.memory_space<hbm>>) dst(%arg11 : memref<40xi32, #tpu.memory_space<vmem>>)
      tpu.yield
    }) : () -> ()
    "tpu.region"() ({
      %run_scoped3A = tpu.sem_alloc : memref<!tpu.dma_semaphore, #tpu.memory_space<semaphore_mem>>
      %dma_start3A = tpu.memref_slice %arg4[%add3A_16] : memref<800000xi32, #tpu.memory_space<hbm>> -> memref<40xi32, #tpu.memory_space<hbm>>
      %dma_start3A_41 = tpu.memref_slice %arg4[%add3A_16] : memref<800000xi32, #tpu.memory_space<hbm>> -> memref<40xi32, #tpu.memory_space<hbm>>
      tpu.enqueue_dma source(%dma_start3A_41 : memref<40xi32, #tpu.memory_space<hbm>>) target(%arg13 : memref<40xi32, #tpu.memory_space<vmem>>) target_semaphore(%run_scoped3A : memref<!tpu.dma_semaphore, #tpu.memory_space<semaphore_mem>>)
      %dma_wait3A = tpu.memref_slice %arg4[%add3A_16] : memref<800000xi32, #tpu.memory_space<hbm>> -> memref<40xi32, #tpu.memory_space<hbm>>
      %dma_wait3A_42 = tpu.memref_slice %arg4[%add3A_16] : memref<800000xi32, #tpu.memory_space<hbm>> -> memref<40xi32, #tpu.memory_space<hbm>>
      tpu.wait_dma2 semaphore(%run_scoped3A : memref<!tpu.dma_semaphore, #tpu.memory_space<semaphore_mem>>) src(%dma_wait3A_42 : memref<40xi32, #tpu.memory_space<hbm>>) dst(%arg13 : memref<40xi32, #tpu.memory_space<vmem>>)
      tpu.yield
    }) : () -> ()
    "tpu.region"() ({
      %run_scoped3A = tpu.sem_alloc : memref<!tpu.dma_semaphore, #tpu.memory_space<semaphore_mem>>
      %dma_start3A = tpu.memref_slice %arg3[%add3A_16] : memref<800000xi32, #tpu.memory_space<hbm>> -> memref<40xi32, #tpu.memory_space<hbm>>
      %dma_start3A_41 = tpu.memref_slice %arg3[%add3A_16] : memref<800000xi32, #tpu.memory_space<hbm>> -> memref<40xi32, #tpu.memory_space<hbm>>
      tpu.enqueue_dma source(%dma_start3A_41 : memref<40xi32, #tpu.memory_space<hbm>>) target(%arg12 : memref<40xi32, #tpu.memory_space<vmem>>) target_semaphore(%run_scoped3A : memref<!tpu.dma_semaphore, #tpu.memory_space<semaphore_mem>>)
      %dma_wait3A = tpu.memref_slice %arg3[%add3A_16] : memref<800000xi32, #tpu.memory_space<hbm>> -> memref<40xi32, #tpu.memory_space<hbm>>
      %dma_wait3A_42 = tpu.memref_slice %arg3[%add3A_16] : memref<800000xi32, #tpu.memory_space<hbm>> -> memref<40xi32, #tpu.memory_space<hbm>>
      tpu.wait_dma2 semaphore(%run_scoped3A : memref<!tpu.dma_semaphore, #tpu.memory_space<semaphore_mem>>) src(%dma_wait3A_42 : memref<40xi32, #tpu.memory_space<hbm>>) dst(%arg12 : memref<40xi32, #tpu.memory_space<vmem>>)
      tpu.yield
    }) : () -> ()
    %eq3A = arith.constant 0 : i32
    %eq3A_17 = arith.cmpi eq, %arg0, %eq3A : i32
    %convert_element_type3A = arith.extui %eq3A_17 : i1 to i32
    %cond3A = arith.constant 0 : i32
    %cond3A_18 = arith.cmpi ne, %convert_element_type3A, %cond3A : i32
    scf.if %cond3A_18 {
      %dma_start3A = arith.constant 0 : i32
      %dma_start3A_41 = arith.constant 0 : i32
      %dma_start3A_42 = tpu.memref_slice %arg5[%dma_start3A, %dma_start3A_41] : memref<50000x32xf32, #tpu.memory_space<hbm>> -> memref<50000x32xf32, #tpu.memory_space<hbm>>
      tpu.enqueue_indirect_dma source(%dma_start3A_42 : memref<50000x32xf32, #tpu.memory_space<hbm>>) target(%arg14 : memref<40x32xf32, #tpu.memory_space<vmem>>) offsets(%arg11 : memref<40xi32, #tpu.memory_space<vmem>>) semaphore(%arg23 : memref<!tpu.dma_semaphore, #tpu.memory_space<semaphore_mem>>)
      %dma_start3A_43 = arith.constant 0 : i32
      %dma_start3A_44 = arith.constant 0 : i32
      %dma_start3A_45 = tpu.memref_slice %arg7[%dma_start3A_43, %dma_start3A_44] : memref<512x32xf32, #tpu.memory_space<hbm>> -> memref<512x32xf32, #tpu.memory_space<hbm>>
      tpu.enqueue_indirect_dma source(%dma_start3A_45 : memref<512x32xf32, #tpu.memory_space<hbm>>) target(%arg15 : memref<40x32xf32, #tpu.memory_space<vmem>>) offsets(%arg13 : memref<40xi32, #tpu.memory_space<vmem>>) semaphore(%arg24 : memref<!tpu.dma_semaphore, #tpu.memory_space<semaphore_mem>>)
    } else {
    }
    %eq3A_19 = arith.constant 1 : i32
    %eq3A_20 = arith.cmpi eq, %arg0, %eq3A_19 : i32
    %convert_element_type3A_21 = arith.extui %eq3A_20 : i1 to i32
    %cond3A_22 = arith.constant 0 : i32
    %cond3A_23 = arith.cmpi ne, %convert_element_type3A_21, %cond3A_22 : i32
    scf.if %cond3A_23 {
      %dma_start3A = arith.constant 0 : i32
      %dma_start3A_41 = arith.constant 0 : i32
      %dma_start3A_42 = tpu.memref_slice %arg6[%dma_start3A, %dma_start3A_41] : memref<50000x32xf32, #tpu.memory_space<hbm>> -> memref<50000x32xf32, #tpu.memory_space<hbm>>
      tpu.enqueue_indirect_dma source(%dma_start3A_42 : memref<50000x32xf32, #tpu.memory_space<hbm>>) target(%arg14 : memref<40x32xf32, #tpu.memory_space<vmem>>) offsets(%arg11 : memref<40xi32, #tpu.memory_space<vmem>>) semaphore(%arg23 : memref<!tpu.dma_semaphore, #tpu.memory_space<semaphore_mem>>)
      %dma_start3A_43 = arith.constant 0 : i32
      %dma_start3A_44 = arith.constant 0 : i32
      %dma_start3A_45 = tpu.memref_slice %arg8[%dma_start3A_43, %dma_start3A_44] : memref<512x32xf32, #tpu.memory_space<hbm>> -> memref<512x32xf32, #tpu.memory_space<hbm>>
      tpu.enqueue_indirect_dma source(%dma_start3A_45 : memref<512x32xf32, #tpu.memory_space<hbm>>) target(%arg15 : memref<40x32xf32, #tpu.memory_space<vmem>>) offsets(%arg13 : memref<40xi32, #tpu.memory_space<vmem>>) semaphore(%arg24 : memref<!tpu.dma_semaphore, #tpu.memory_space<semaphore_mem>>)
    } else {
    }
    %scan3A_24 = arith.constant 0 : i32
    %scan3A_25 = arith.constant 0 : i32
    %scan3A_26 = arith.constant 625 : i32
    %scan3A_27 = arith.addi %scan3A_25, %scan3A_26 : i32
    %scan3A_28 = arith.constant 1 : i32
    scf.for %scan3A_41 = %scan3A_25 to %scan3A_27 step %scan3A_28  : i32 {
      %mul3A_42 = arith.constant 2 : i32
      %mul3A_43 = arith.muli %scan3A_41, %mul3A_42 : i32
      %add3A_44 = arith.constant 1 : i32
      %add3A_45 = arith.addi %mul3A_43, %add3A_44 : i32
      %mul3A_46 = arith.constant 40 : i32
      %mul3A_47 = arith.muli %add3A_45, %mul3A_46 : i32
      %add3A_48 = arith.addi %mul3A_14, %mul3A_47 : i32
      "tpu.region"() ({
        %run_scoped3A = tpu.sem_alloc : memref<!tpu.dma_semaphore, #tpu.memory_space<semaphore_mem>>
        %dma_start3A = tpu.memref_slice %arg2[%add3A_48] : memref<800000xi32, #tpu.memory_space<hbm>> -> memref<40xi32, #tpu.memory_space<hbm>>
        %dma_start3A_97 = tpu.memref_slice %arg2[%add3A_48] : memref<800000xi32, #tpu.memory_space<hbm>> -> memref<40xi32, #tpu.memory_space<hbm>>
        tpu.enqueue_dma source(%dma_start3A_97 : memref<40xi32, #tpu.memory_space<hbm>>) target(%arg16 : memref<40xi32, #tpu.memory_space<vmem>>) target_semaphore(%run_scoped3A : memref<!tpu.dma_semaphore, #tpu.memory_space<semaphore_mem>>)
        %dma_wait3A = tpu.memref_slice %arg2[%add3A_48] : memref<800000xi32, #tpu.memory_space<hbm>> -> memref<40xi32, #tpu.memory_space<hbm>>
        %dma_wait3A_98 = tpu.memref_slice %arg2[%add3A_48] : memref<800000xi32, #tpu.memory_space<hbm>> -> memref<40xi32, #tpu.memory_space<hbm>>
        tpu.wait_dma2 semaphore(%run_scoped3A : memref<!tpu.dma_semaphore, #tpu.memory_space<semaphore_mem>>) src(%dma_wait3A_98 : memref<40xi32, #tpu.memory_space<hbm>>) dst(%arg16 : memref<40xi32, #tpu.memory_space<vmem>>)
        tpu.yield
      }) : () -> ()
      "tpu.region"() ({
        %run_scoped3A = tpu.sem_alloc : memref<!tpu.dma_semaphore, #tpu.memory_space<semaphore_mem>>
        %dma_start3A = tpu.memref_slice %arg4[%add3A_48] : memref<800000xi32, #tpu.memory_space<hbm>> -> memref<40xi32, #tpu.memory_space<hbm>>
        %dma_start3A_97 = tpu.memref_slice %arg4[%add3A_48] : memref<800000xi32, #tpu.memory_space<hbm>> -> memref<40xi32, #tpu.memory_space<hbm>>
        tpu.enqueue_dma source(%dma_start3A_97 : memref<40xi32, #tpu.memory_space<hbm>>) target(%arg18 : memref<40xi32, #tpu.memory_space<vmem>>) target_semaphore(%run_scoped3A : memref<!tpu.dma_semaphore, #tpu.memory_space<semaphore_mem>>)
        %dma_wait3A = tpu.memref_slice %arg4[%add3A_48] : memref<800000xi32, #tpu.memory_space<hbm>> -> memref<40xi32, #tpu.memory_space<hbm>>
        %dma_wait3A_98 = tpu.memref_slice %arg4[%add3A_48] : memref<800000xi32, #tpu.memory_space<hbm>> -> memref<40xi32, #tpu.memory_space<hbm>>
        tpu.wait_dma2 semaphore(%run_scoped3A : memref<!tpu.dma_semaphore, #tpu.memory_space<semaphore_mem>>) src(%dma_wait3A_98 : memref<40xi32, #tpu.memory_space<hbm>>) dst(%arg18 : memref<40xi32, #tpu.memory_space<vmem>>)
        tpu.yield
      }) : () -> ()
      "tpu.region"() ({
        %run_scoped3A = tpu.sem_alloc : memref<!tpu.dma_semaphore, #tpu.memory_space<semaphore_mem>>
        %dma_start3A = tpu.memref_slice %arg3[%add3A_48] : memref<800000xi32, #tpu.memory_space<hbm>> -> memref<40xi32, #tpu.memory_space<hbm>>
        %dma_start3A_97 = tpu.memref_slice %arg3[%add3A_48] : memref<800000xi32, #tpu.memory_space<hbm>> -> memref<40xi32, #tpu.memory_space<hbm>>
        tpu.enqueue_dma source(%dma_start3A_97 : memref<40xi32, #tpu.memory_space<hbm>>) target(%arg17 : memref<40xi32, #tpu.memory_space<vmem>>) target_semaphore(%run_scoped3A : memref<!tpu.dma_semaphore, #tpu.memory_space<semaphore_mem>>)
        %dma_wait3A = tpu.memref_slice %arg3[%add3A_48] : memref<800000xi32, #tpu.memory_space<hbm>> -> memref<40xi32, #tpu.memory_space<hbm>>
        %dma_wait3A_98 = tpu.memref_slice %arg3[%add3A_48] : memref<800000xi32, #tpu.memory_space<hbm>> -> memref<40xi32, #tpu.memory_space<hbm>>
        tpu.wait_dma2 semaphore(%run_scoped3A : memref<!tpu.dma_semaphore, #tpu.memory_space<semaphore_mem>>) src(%dma_wait3A_98 : memref<40xi32, #tpu.memory_space<hbm>>) dst(%arg17 : memref<40xi32, #tpu.memory_space<vmem>>)
        tpu.yield
      }) : () -> ()
      %eq3A_49 = arith.constant 0 : i32
      %eq3A_50 = arith.cmpi eq, %arg0, %eq3A_49 : i32
      %convert_element_type3A_51 = arith.extui %eq3A_50 : i1 to i32
      %cond3A_52 = arith.constant 0 : i32
      %cond3A_53 = arith.cmpi ne, %convert_element_type3A_51, %cond3A_52 : i32
      scf.if %cond3A_53 {
        %dma_start3A = arith.constant 0 : i32
        %dma_start3A_97 = arith.constant 0 : i32
        %dma_start3A_98 = tpu.memref_slice %arg5[%dma_start3A, %dma_start3A_97] : memref<50000x32xf32, #tpu.memory_space<hbm>> -> memref<50000x32xf32, #tpu.memory_space<hbm>>
        tpu.enqueue_indirect_dma source(%dma_start3A_98 : memref<50000x32xf32, #tpu.memory_space<hbm>>) target(%arg19 : memref<40x32xf32, #tpu.memory_space<vmem>>) offsets(%arg16 : memref<40xi32, #tpu.memory_space<vmem>>) semaphore(%arg25 : memref<!tpu.dma_semaphore, #tpu.memory_space<semaphore_mem>>)
        %dma_start3A_99 = arith.constant 0 : i32
        %dma_start3A_100 = arith.constant 0 : i32
        %dma_start3A_101 = tpu.memref_slice %arg7[%dma_start3A_99, %dma_start3A_100] : memref<512x32xf32, #tpu.memory_space<hbm>> -> memref<512x32xf32, #tpu.memory_space<hbm>>
        tpu.enqueue_indirect_dma source(%dma_start3A_101 : memref<512x32xf32, #tpu.memory_space<hbm>>) target(%arg20 : memref<40x32xf32, #tpu.memory_space<vmem>>) offsets(%arg18 : memref<40xi32, #tpu.memory_space<vmem>>) semaphore(%arg26 : memref<!tpu.dma_semaphore, #tpu.memory_space<semaphore_mem>>)
      } else {
      }
      %eq3A_54 = arith.constant 1 : i32
      %eq3A_55 = arith.cmpi eq, %arg0, %eq3A_54 : i32
      %convert_element_type3A_56 = arith.extui %eq3A_55 : i1 to i32
      %cond3A_57 = arith.constant 0 : i32
      %cond3A_58 = arith.cmpi ne, %convert_element_type3A_56, %cond3A_57 : i32
      scf.if %cond3A_58 {
        %dma_start3A = arith.constant 0 : i32
        %dma_start3A_97 = arith.constant 0 : i32
        %dma_start3A_98 = tpu.memref_slice %arg6[%dma_start3A, %dma_start3A_97] : memref<50000x32xf32, #tpu.memory_space<hbm>> -> memref<50000x32xf32, #tpu.memory_space<hbm>>
        tpu.enqueue_indirect_dma source(%dma_start3A_98 : memref<50000x32xf32, #tpu.memory_space<hbm>>) target(%arg19 : memref<40x32xf32, #tpu.memory_space<vmem>>) offsets(%arg16 : memref<40xi32, #tpu.memory_space<vmem>>) semaphore(%arg25 : memref<!tpu.dma_semaphore, #tpu.memory_space<semaphore_mem>>)
        %dma_start3A_99 = arith.constant 0 : i32
        %dma_start3A_100 = arith.constant 0 : i32
        %dma_start3A_101 = tpu.memref_slice %arg8[%dma_start3A_99, %dma_start3A_100] : memref<512x32xf32, #tpu.memory_space<hbm>> -> memref<512x32xf32, #tpu.memory_space<hbm>>
        tpu.enqueue_indirect_dma source(%dma_start3A_101 : memref<512x32xf32, #tpu.memory_space<hbm>>) target(%arg20 : memref<40x32xf32, #tpu.memory_space<vmem>>) offsets(%arg18 : memref<40xi32, #tpu.memory_space<vmem>>) semaphore(%arg26 : memref<!tpu.dma_semaphore, #tpu.memory_space<semaphore_mem>>)
      } else {
      }
      %eq3A_59 = arith.constant 0 : i32
      %eq3A_60 = arith.cmpi eq, %arg0, %eq3A_59 : i32
      %convert_element_type3A_61 = arith.extui %eq3A_60 : i1 to i32
      %cond3A_62 = arith.constant 0 : i32
      %cond3A_63 = arith.cmpi ne, %convert_element_type3A_61, %cond3A_62 : i32
      scf.if %cond3A_63 {
        %dma_wait3A = arith.constant 0 : i32
        %dma_wait3A_97 = arith.constant 0 : i32
        %dma_wait3A_98 = tpu.memref_slice %arg5[%dma_wait3A, %dma_wait3A_97] : memref<50000x32xf32, #tpu.memory_space<hbm>> -> memref<50000x32xf32, #tpu.memory_space<hbm>>
        tpu.wait_indirect_dma semaphore(%arg23 : memref<!tpu.dma_semaphore, #tpu.memory_space<semaphore_mem>>) src(%dma_wait3A_98 : memref<50000x32xf32, #tpu.memory_space<hbm>>) dst(%arg14 : memref<40x32xf32, #tpu.memory_space<vmem>>)
        %dma_wait3A_99 = arith.constant 0 : i32
        %dma_wait3A_100 = arith.constant 0 : i32
        %dma_wait3A_101 = tpu.memref_slice %arg7[%dma_wait3A_99, %dma_wait3A_100] : memref<512x32xf32, #tpu.memory_space<hbm>> -> memref<512x32xf32, #tpu.memory_space<hbm>>
        tpu.wait_indirect_dma semaphore(%arg24 : memref<!tpu.dma_semaphore, #tpu.memory_space<semaphore_mem>>) src(%dma_wait3A_101 : memref<512x32xf32, #tpu.memory_space<hbm>>) dst(%arg15 : memref<40x32xf32, #tpu.memory_space<vmem>>)
      } else {
      }
      %eq3A_64 = arith.constant 1 : i32
      %eq3A_65 = arith.cmpi eq, %arg0, %eq3A_64 : i32
      %convert_element_type3A_66 = arith.extui %eq3A_65 : i1 to i32
      %cond3A_67 = arith.constant 0 : i32
      %cond3A_68 = arith.cmpi ne, %convert_element_type3A_66, %cond3A_67 : i32
      scf.if %cond3A_68 {
        %dma_wait3A = arith.constant 0 : i32
        %dma_wait3A_97 = arith.constant 0 : i32
        %dma_wait3A_98 = tpu.memref_slice %arg6[%dma_wait3A, %dma_wait3A_97] : memref<50000x32xf32, #tpu.memory_space<hbm>> -> memref<50000x32xf32, #tpu.memory_space<hbm>>
        tpu.wait_indirect_dma semaphore(%arg23 : memref<!tpu.dma_semaphore, #tpu.memory_space<semaphore_mem>>) src(%dma_wait3A_98 : memref<50000x32xf32, #tpu.memory_space<hbm>>) dst(%arg14 : memref<40x32xf32, #tpu.memory_space<vmem>>)
        %dma_wait3A_99 = arith.constant 0 : i32
        %dma_wait3A_100 = arith.constant 0 : i32
        %dma_wait3A_101 = tpu.memref_slice %arg8[%dma_wait3A_99, %dma_wait3A_100] : memref<512x32xf32, #tpu.memory_space<hbm>> -> memref<512x32xf32, #tpu.memory_space<hbm>>
        tpu.wait_indirect_dma semaphore(%arg24 : memref<!tpu.dma_semaphore, #tpu.memory_space<semaphore_mem>>) src(%dma_wait3A_101 : memref<512x32xf32, #tpu.memory_space<hbm>>) dst(%arg15 : memref<40x32xf32, #tpu.memory_space<vmem>>)
      } else {
      }
      %scan3A_69 = arith.constant 0 : i32
      %scan3A_70 = arith.constant 0 : i32
      %scan3A_71 = arith.constant 40 : i32
      %scan3A_72 = arith.addi %scan3A_70, %scan3A_71 : i32
      %scan3A_73 = arith.constant 8 : i32
      scf.for %scan3A_97 = %scan3A_70 to %scan3A_72 step %scan3A_73  : i32 {
        %get3A = arith.index_cast %scan3A_97 : i32 to index
        %get3A_98 = arith.constant 0 : index
        %get3A_99 = tpu.vector_load %arg14[%get3A, %get3A_98] {strides = array<i32>} : memref<40x32xf32, #tpu.memory_space<vmem>>, vector<1x16xf32>,
        %get3A_100 = vector.shape_cast %get3A_99 : vector<1x16xf32> to vector<16xf32>
        %get3A_101 = arith.index_cast %scan3A_97 : i32 to index
        %get3A_102 = arith.constant 0 : index
        %get3A_103 = tpu.vector_load %arg15[%get3A_101, %get3A_102] {strides = array<i32>} : memref<40x32xf32, #tpu.memory_space<vmem>>, vector<1x16xf32>,
        %get3A_104 = vector.shape_cast %get3A_103 : vector<1x16xf32> to vector<16xf32>
        %add3A_105 = arith.addf %get3A_100, %get3A_104 : vector<16xf32>
        %swap3A = arith.index_cast %scan3A_97 : i32 to index
        %swap3A_106 = arith.constant 0 : index
        %swap3A_107 = tpu.vector_load %arg14[%swap3A, %swap3A_106] {strides = array<i32>} : memref<40x32xf32, #tpu.memory_space<vmem>>, vector<1x16xf32>,
        %swap3A_108 = vector.shape_cast %swap3A_107 : vector<1x16xf32> to vector<16xf32>
        %swap3A_109 = vector.shape_cast %add3A_105 : vector<16xf32> to vector<1x16xf32>
        tpu.vector_store %arg14[%swap3A, %swap3A_106], %swap3A_109 {strides = array<i32>} : memref<40x32xf32, #tpu.memory_space<vmem>>, vector<1x16xf32>,
        %get3A_110 = arith.index_cast %scan3A_97 : i32 to index
        %get3A_111 = arith.constant 16 : index
        %get3A_112 = tpu.vector_load %arg14[%get3A_110, %get3A_111] {strides = array<i32>} : memref<40x32xf32, #tpu.memory_space<vmem>>, vector<1x16xf32>,
        %get3A_113 = vector.shape_cast %get3A_112 : vector<1x16xf32> to vector<16xf32>
        %get3A_114 = arith.index_cast %scan3A_97 : i32 to index
        %get3A_115 = arith.constant 16 : index
        %get3A_116 = tpu.vector_load %arg15[%get3A_114, %get3A_115] {strides = array<i32>} : memref<40x32xf32, #tpu.memory_space<vmem>>, vector<1x16xf32>,
        %get3A_117 = vector.shape_cast %get3A_116 : vector<1x16xf32> to vector<16xf32>
        %add3A_118 = arith.addf %get3A_113, %get3A_117 : vector<16xf32>
        %swap3A_119 = arith.index_cast %scan3A_97 : i32 to index
        %swap3A_120 = arith.constant 16 : index
        %swap3A_121 = tpu.vector_load %arg14[%swap3A_119, %swap3A_120] {strides = array<i32>} : memref<40x32xf32, #tpu.memory_space<vmem>>, vector<1x16xf32>,
        %swap3A_122 = vector.shape_cast %swap3A_121 : vector<1x16xf32> to vector<16xf32>
        %swap3A_123 = vector.shape_cast %add3A_118 : vector<16xf32> to vector<1x16xf32>
        tpu.vector_store %arg14[%swap3A_119, %swap3A_120], %swap3A_123 {strides = array<i32>} : memref<40x32xf32, #tpu.memory_space<vmem>>, vector<1x16xf32>,
        %scan3A_124 = arith.constant 1 : i32
        %scan3A_125 = arith.addi %scan3A_97, %scan3A_124 : i32
        %get3A_126 = arith.index_cast %scan3A_125 : i32 to index
        %get3A_127 = arith.constant 0 : index
        %get3A_128 = tpu.vector_load %arg14[%get3A_126, %get3A_127] {strides = array<i32>} : memref<40x32xf32, #tpu.memory_space<vmem>>, vector<1x16xf32>,
        %get3A_129 = vector.shape_cast %get3A_128 : vector<1x16xf32> to vector<16xf32>
        %get3A_130 = arith.index_cast %scan3A_125 : i32 to index
        %get3A_131 = arith.constant 0 : index
        %get3A_132 = tpu.vector_load %arg15[%get3A_130, %get3A_131] {strides = array<i32>} : memref<40x32xf32, #tpu.memory_space<vmem>>, vector<1x16xf32>,
        %get3A_133 = vector.shape_cast %get3A_132 : vector<1x16xf32> to vector<16xf32>
        %add3A_134 = arith.addf %get3A_129, %get3A_133 : vector<16xf32>
        %swap3A_135 = arith.index_cast %scan3A_125 : i32 to index
        %swap3A_136 = arith.constant 0 : index
        %swap3A_137 = tpu.vector_load %arg14[%swap3A_135, %swap3A_136] {strides = array<i32>} : memref<40x32xf32, #tpu.memory_space<vmem>>, vector<1x16xf32>,
        %swap3A_138 = vector.shape_cast %swap3A_137 : vector<1x16xf32> to vector<16xf32>
        %swap3A_139 = vector.shape_cast %add3A_134 : vector<16xf32> to vector<1x16xf32>
        tpu.vector_store %arg14[%swap3A_135, %swap3A_136], %swap3A_139 {strides = array<i32>} : memref<40x32xf32, #tpu.memory_space<vmem>>, vector<1x16xf32>,
        %get3A_140 = arith.index_cast %scan3A_125 : i32 to index
        %get3A_141 = arith.constant 16 : index
        %get3A_142 = tpu.vector_load %arg14[%get3A_140, %get3A_141] {strides = array<i32>} : memref<40x32xf32, #tpu.memory_space<vmem>>, vector<1x16xf32>,
        %get3A_143 = vector.shape_cast %get3A_142 : vector<1x16xf32> to vector<16xf32>
        %get3A_144 = arith.index_cast %scan3A_125 : i32 to index
        %get3A_145 = arith.constant 16 : index
        %get3A_146 = tpu.vector_load %arg15[%get3A_144, %get3A_145] {strides = array<i32>} : memref<40x32xf32, #tpu.memory_space<vmem>>, vector<1x16xf32>,
        %get3A_147 = vector.shape_cast %get3A_146 : vector<1x16xf32> to vector<16xf32>
        %add3A_148 = arith.addf %get3A_143, %get3A_147 : vector<16xf32>
        %swap3A_149 = arith.index_cast %scan3A_125 : i32 to index
        %swap3A_150 = arith.constant 16 : index
        %swap3A_151 = tpu.vector_load %arg14[%swap3A_149, %swap3A_150] {strides = array<i32>} : memref<40x32xf32, #tpu.memory_space<vmem>>, vector<1x16xf32>,
        %swap3A_152 = vector.shape_cast %swap3A_151 : vector<1x16xf32> to vector<16xf32>
        %swap3A_153 = vector.shape_cast %add3A_148 : vector<16xf32> to vector<1x16xf32>
        tpu.vector_store %arg14[%swap3A_149, %swap3A_150], %swap3A_153 {strides = array<i32>} : memref<40x32xf32, #tpu.memory_space<vmem>>, vector<1x16xf32>,
        %scan3A_154 = arith.constant 2 : i32
        %scan3A_155 = arith.addi %scan3A_97, %scan3A_154 : i32
        %get3A_156 = arith.index_cast %scan3A_155 : i32 to index
        %get3A_157 = arith.constant 0 : index
        %get3A_158 = tpu.vector_load %arg14[%get3A_156, %get3A_157] {strides = array<i32>} : memref<40x32xf32, #tpu.memory_space<vmem>>, vector<1x16xf32>,
        %get3A_159 = vector.shape_cast %get3A_158 : vector<1x16xf32> to vector<16xf32>
        %get3A_160 = arith.index_cast %scan3A_155 : i32 to index
        %get3A_161 = arith.constant 0 : index
        %get3A_162 = tpu.vector_load %arg15[%get3A_160, %get3A_161] {strides = array<i32>} : memref<40x32xf32, #tpu.memory_space<vmem>>, vector<1x16xf32>,
        %get3A_163 = vector.shape_cast %get3A_162 : vector<1x16xf32> to vector<16xf32>
        %add3A_164 = arith.addf %get3A_159, %get3A_163 : vector<16xf32>
        %swap3A_165 = arith.index_cast %scan3A_155 : i32 to index
        %swap3A_166 = arith.constant 0 : index
        %swap3A_167 = tpu.vector_load %arg14[%swap3A_165, %swap3A_166] {strides = array<i32>} : memref<40x32xf32, #tpu.memory_space<vmem>>, vector<1x16xf32>,
        %swap3A_168 = vector.shape_cast %swap3A_167 : vector<1x16xf32> to vector<16xf32>
        %swap3A_169 = vector.shape_cast %add3A_164 : vector<16xf32> to vector<1x16xf32>
        tpu.vector_store %arg14[%swap3A_165, %swap3A_166], %swap3A_169 {strides = array<i32>} : memref<40x32xf32, #tpu.memory_space<vmem>>, vector<1x16xf32>,
        %get3A_170 = arith.index_cast %scan3A_155 : i32 to index
        %get3A_171 = arith.constant 16 : index
        %get3A_172 = tpu.vector_load %arg14[%get3A_170, %get3A_171] {strides = array<i32>} : memref<40x32xf32, #tpu.memory_space<vmem>>, vector<1x16xf32>,
        %get3A_173 = vector.shape_cast %get3A_172 : vector<1x16xf32> to vector<16xf32>
        %get3A_174 = arith.index_cast %scan3A_155 : i32 to index
        %get3A_175 = arith.constant 16 : index
        %get3A_176 = tpu.vector_load %arg15[%get3A_174, %get3A_175] {strides = array<i32>} : memref<40x32xf32, #tpu.memory_space<vmem>>, vector<1x16xf32>,
        %get3A_177 = vector.shape_cast %get3A_176 : vector<1x16xf32> to vector<16xf32>
        %add3A_178 = arith.addf %get3A_173, %get3A_177 : vector<16xf32>
        %swap3A_179 = arith.index_cast %scan3A_155 : i32 to index
        %swap3A_180 = arith.constant 16 : index
        %swap3A_181 = tpu.vector_load %arg14[%swap3A_179, %swap3A_180] {strides = array<i32>} : memref<40x32xf32, #tpu.memory_space<vmem>>, vector<1x16xf32>,
        %swap3A_182 = vector.shape_cast %swap3A_181 : vector<1x16xf32> to vector<16xf32>
        %swap3A_183 = vector.shape_cast %add3A_178 : vector<16xf32> to vector<1x16xf32>
        tpu.vector_store %arg14[%swap3A_179, %swap3A_180], %swap3A_183 {strides = array<i32>} : memref<40x32xf32, #tpu.memory_space<vmem>>, vector<1x16xf32>,
        %scan3A_184 = arith.constant 3 : i32
        %scan3A_185 = arith.addi %scan3A_97, %scan3A_184 : i32
        %get3A_186 = arith.index_cast %scan3A_185 : i32 to index
        %get3A_187 = arith.constant 0 : index
        %get3A_188 = tpu.vector_load %arg14[%get3A_186, %get3A_187] {strides = array<i32>} : memref<40x32xf32, #tpu.memory_space<vmem>>, vector<1x16xf32>,
        %get3A_189 = vector.shape_cast %get3A_188 : vector<1x16xf32> to vector<16xf32>
        %get3A_190 = arith.index_cast %scan3A_185 : i32 to index
        %get3A_191 = arith.constant 0 : index
        %get3A_192 = tpu.vector_load %arg15[%get3A_190, %get3A_191] {strides = array<i32>} : memref<40x32xf32, #tpu.memory_space<vmem>>, vector<1x16xf32>,
        %get3A_193 = vector.shape_cast %get3A_192 : vector<1x16xf32> to vector<16xf32>
        %add3A_194 = arith.addf %get3A_189, %get3A_193 : vector<16xf32>
        %swap3A_195 = arith.index_cast %scan3A_185 : i32 to index
        %swap3A_196 = arith.constant 0 : index
        %swap3A_197 = tpu.vector_load %arg14[%swap3A_195, %swap3A_196] {strides = array<i32>} : memref<40x32xf32, #tpu.memory_space<vmem>>, vector<1x16xf32>,
        %swap3A_198 = vector.shape_cast %swap3A_197 : vector<1x16xf32> to vector<16xf32>
        %swap3A_199 = vector.shape_cast %add3A_194 : vector<16xf32> to vector<1x16xf32>
        tpu.vector_store %arg14[%swap3A_195, %swap3A_196], %swap3A_199 {strides = array<i32>} : memref<40x32xf32, #tpu.memory_space<vmem>>, vector<1x16xf32>,
        %get3A_200 = arith.index_cast %scan3A_185 : i32 to index
        %get3A_201 = arith.constant 16 : index
        %get3A_202 = tpu.vector_load %arg14[%get3A_200, %get3A_201] {strides = array<i32>} : memref<40x32xf32, #tpu.memory_space<vmem>>, vector<1x16xf32>,
        %get3A_203 = vector.shape_cast %get3A_202 : vector<1x16xf32> to vector<16xf32>
        %get3A_204 = arith.index_cast %scan3A_185 : i32 to index
        %get3A_205 = arith.constant 16 : index
        %get3A_206 = tpu.vector_load %arg15[%get3A_204, %get3A_205] {strides = array<i32>} : memref<40x32xf32, #tpu.memory_space<vmem>>, vector<1x16xf32>,
        %get3A_207 = vector.shape_cast %get3A_206 : vector<1x16xf32> to vector<16xf32>
        %add3A_208 = arith.addf %get3A_203, %get3A_207 : vector<16xf32>
        %swap3A_209 = arith.index_cast %scan3A_185 : i32 to index
        %swap3A_210 = arith.constant 16 : index
        %swap3A_211 = tpu.vector_load %arg14[%swap3A_209, %swap3A_210] {strides = array<i32>} : memref<40x32xf32, #tpu.memory_space<vmem>>, vector<1x16xf32>,
        %swap3A_212 = vector.shape_cast %swap3A_211 : vector<1x16xf32> to vector<16xf32>
        %swap3A_213 = vector.shape_cast %add3A_208 : vector<16xf32> to vector<1x16xf32>
        tpu.vector_store %arg14[%swap3A_209, %swap3A_210], %swap3A_213 {strides = array<i32>} : memref<40x32xf32, #tpu.memory_space<vmem>>, vector<1x16xf32>,
        %scan3A_214 = arith.constant 4 : i32
        %scan3A_215 = arith.addi %scan3A_97, %scan3A_214 : i32
        %get3A_216 = arith.index_cast %scan3A_215 : i32 to index
        %get3A_217 = arith.constant 0 : index
        %get3A_218 = tpu.vector_load %arg14[%get3A_216, %get3A_217] {strides = array<i32>} : memref<40x32xf32, #tpu.memory_space<vmem>>, vector<1x16xf32>,
        %get3A_219 = vector.shape_cast %get3A_218 : vector<1x16xf32> to vector<16xf32>
        %get3A_220 = arith.index_cast %scan3A_215 : i32 to index
        %get3A_221 = arith.constant 0 : index
        %get3A_222 = tpu.vector_load %arg15[%get3A_220, %get3A_221] {strides = array<i32>} : memref<40x32xf32, #tpu.memory_space<vmem>>, vector<1x16xf32>,
        %get3A_223 = vector.shape_cast %get3A_222 : vector<1x16xf32> to vector<16xf32>
        %add3A_224 = arith.addf %get3A_219, %get3A_223 : vector<16xf32>
        %swap3A_225 = arith.index_cast %scan3A_215 : i32 to index
        %swap3A_226 = arith.constant 0 : index
        %swap3A_227 = tpu.vector_load %arg14[%swap3A_225, %swap3A_226] {strides = array<i32>} : memref<40x32xf32, #tpu.memory_space<vmem>>, vector<1x16xf32>,
        %swap3A_228 = vector.shape_cast %swap3A_227 : vector<1x16xf32> to vector<16xf32>
        %swap3A_229 = vector.shape_cast %add3A_224 : vector<16xf32> to vector<1x16xf32>
        tpu.vector_store %arg14[%swap3A_225, %swap3A_226], %swap3A_229 {strides = array<i32>} : memref<40x32xf32, #tpu.memory_space<vmem>>, vector<1x16xf32>,
        %get3A_230 = arith.index_cast %scan3A_215 : i32 to index
        %get3A_231 = arith.constant 16 : index
        %get3A_232 = tpu.vector_load %arg14[%get3A_230, %get3A_231] {strides = array<i32>} : memref<40x32xf32, #tpu.memory_space<vmem>>, vector<1x16xf32>,
        %get3A_233 = vector.shape_cast %get3A_232 : vector<1x16xf32> to vector<16xf32>
        %get3A_234 = arith.index_cast %scan3A_215 : i32 to index
        %get3A_235 = arith.constant 16 : index
        %get3A_236 = tpu.vector_load %arg15[%get3A_234, %get3A_235] {strides = array<i32>} : memref<40x32xf32, #tpu.memory_space<vmem>>, vector<1x16xf32>,
        %get3A_237 = vector.shape_cast %get3A_236 : vector<1x16xf32> to vector<16xf32>
        %add3A_238 = arith.addf %get3A_233, %get3A_237 : vector<16xf32>
        %swap3A_239 = arith.index_cast %scan3A_215 : i32 to index
        %swap3A_240 = arith.constant 16 : index
        %swap3A_241 = tpu.vector_load %arg14[%swap3A_239, %swap3A_240] {strides = array<i32>} : memref<40x32xf32, #tpu.memory_space<vmem>>, vector<1x16xf32>,
        %swap3A_242 = vector.shape_cast %swap3A_241 : vector<1x16xf32> to vector<16xf32>
        %swap3A_243 = vector.shape_cast %add3A_238 : vector<16xf32> to vector<1x16xf32>
        tpu.vector_store %arg14[%swap3A_239, %swap3A_240], %swap3A_243 {strides = array<i32>} : memref<40x32xf32, #tpu.memory_space<vmem>>, vector<1x16xf32>,
        %scan3A_244 = arith.constant 5 : i32
        %scan3A_245 = arith.addi %scan3A_97, %scan3A_244 : i32
        %get3A_246 = arith.index_cast %scan3A_245 : i32 to index
        %get3A_247 = arith.constant 0 : index
        %get3A_248 = tpu.vector_load %arg14[%get3A_246, %get3A_247] {strides = array<i32>} : memref<40x32xf32, #tpu.memory_space<vmem>>, vector<1x16xf32>,
        %get3A_249 = vector.shape_cast %get3A_248 : vector<1x16xf32> to vector<16xf32>
        %get3A_250 = arith.index_cast %scan3A_245 : i32 to index
        %get3A_251 = arith.constant 0 : index
        %get3A_252 = tpu.vector_load %arg15[%get3A_250, %get3A_251] {strides = array<i32>} : memref<40x32xf32, #tpu.memory_space<vmem>>, vector<1x16xf32>,
        %get3A_253 = vector.shape_cast %get3A_252 : vector<1x16xf32> to vector<16xf32>
        %add3A_254 = arith.addf %get3A_249, %get3A_253 : vector<16xf32>
        %swap3A_255 = arith.index_cast %scan3A_245 : i32 to index
        %swap3A_256 = arith.constant 0 : index
        %swap3A_257 = tpu.vector_load %arg14[%swap3A_255, %swap3A_256] {strides = array<i32>} : memref<40x32xf32, #tpu.memory_space<vmem>>, vector<1x16xf32>,
        %swap3A_258 = vector.shape_cast %swap3A_257 : vector<1x16xf32> to vector<16xf32>
        %swap3A_259 = vector.shape_cast %add3A_254 : vector<16xf32> to vector<1x16xf32>
        tpu.vector_store %arg14[%swap3A_255, %swap3A_256], %swap3A_259 {strides = array<i32>} : memref<40x32xf32, #tpu.memory_space<vmem>>, vector<1x16xf32>,
        %get3A_260 = arith.index_cast %scan3A_245 : i32 to index
        %get3A_261 = arith.constant 16 : index
        %get3A_262 = tpu.vector_load %arg14[%get3A_260, %get3A_261] {strides = array<i32>} : memref<40x32xf32, #tpu.memory_space<vmem>>, vector<1x16xf32>,
        %get3A_263 = vector.shape_cast %get3A_262 : vector<1x16xf32> to vector<16xf32>
        %get3A_264 = arith.index_cast %scan3A_245 : i32 to index
        %get3A_265 = arith.constant 16 : index
        %get3A_266 = tpu.vector_load %arg15[%get3A_264, %get3A_265] {strides = array<i32>} : memref<40x32xf32, #tpu.memory_space<vmem>>, vector<1x16xf32>,
        %get3A_267 = vector.shape_cast %get3A_266 : vector<1x16xf32> to vector<16xf32>
        %add3A_268 = arith.addf %get3A_263, %get3A_267 : vector<16xf32>
        %swap3A_269 = arith.index_cast %scan3A_245 : i32 to index
        %swap3A_270 = arith.constant 16 : index
        %swap3A_271 = tpu.vector_load %arg14[%swap3A_269, %swap3A_270] {strides = array<i32>} : memref<40x32xf32, #tpu.memory_space<vmem>>, vector<1x16xf32>,
        %swap3A_272 = vector.shape_cast %swap3A_271 : vector<1x16xf32> to vector<16xf32>
        %swap3A_273 = vector.shape_cast %add3A_268 : vector<16xf32> to vector<1x16xf32>
        tpu.vector_store %arg14[%swap3A_269, %swap3A_270], %swap3A_273 {strides = array<i32>} : memref<40x32xf32, #tpu.memory_space<vmem>>, vector<1x16xf32>,
        %scan3A_274 = arith.constant 6 : i32
        %scan3A_275 = arith.addi %scan3A_97, %scan3A_274 : i32
        %get3A_276 = arith.index_cast %scan3A_275 : i32 to index
        %get3A_277 = arith.constant 0 : index
        %get3A_278 = tpu.vector_load %arg14[%get3A_276, %get3A_277] {strides = array<i32>} : memref<40x32xf32, #tpu.memory_space<vmem>>, vector<1x16xf32>,
        %get3A_279 = vector.shape_cast %get3A_278 : vector<1x16xf32> to vector<16xf32>
        %get3A_280 = arith.index_cast %scan3A_275 : i32 to index
        %get3A_281 = arith.constant 0 : index
        %get3A_282 = tpu.vector_load %arg15[%get3A_280, %get3A_281] {strides = array<i32>} : memref<40x32xf32, #tpu.memory_space<vmem>>, vector<1x16xf32>,
        %get3A_283 = vector.shape_cast %get3A_282 : vector<1x16xf32> to vector<16xf32>
        %add3A_284 = arith.addf %get3A_279, %get3A_283 : vector<16xf32>
        %swap3A_285 = arith.index_cast %scan3A_275 : i32 to index
        %swap3A_286 = arith.constant 0 : index
        %swap3A_287 = tpu.vector_load %arg14[%swap3A_285, %swap3A_286] {strides = array<i32>} : memref<40x32xf32, #tpu.memory_space<vmem>>, vector<1x16xf32>,
        %swap3A_288 = vector.shape_cast %swap3A_287 : vector<1x16xf32> to vector<16xf32>
        %swap3A_289 = vector.shape_cast %add3A_284 : vector<16xf32> to vector<1x16xf32>
        tpu.vector_store %arg14[%swap3A_285, %swap3A_286], %swap3A_289 {strides = array<i32>} : memref<40x32xf32, #tpu.memory_space<vmem>>, vector<1x16xf32>,
        %get3A_290 = arith.index_cast %scan3A_275 : i32 to index
        %get3A_291 = arith.constant 16 : index
        %get3A_292 = tpu.vector_load %arg14[%get3A_290, %get3A_291] {strides = array<i32>} : memref<40x32xf32, #tpu.memory_space<vmem>>, vector<1x16xf32>,
        %get3A_293 = vector.shape_cast %get3A_292 : vector<1x16xf32> to vector<16xf32>
        %get3A_294 = arith.index_cast %scan3A_275 : i32 to index
        %get3A_295 = arith.constant 16 : index
        %get3A_296 = tpu.vector_load %arg15[%get3A_294, %get3A_295] {strides = array<i32>} : memref<40x32xf32, #tpu.memory_space<vmem>>, vector<1x16xf32>,
        %get3A_297 = vector.shape_cast %get3A_296 : vector<1x16xf32> to vector<16xf32>
        %add3A_298 = arith.addf %get3A_293, %get3A_297 : vector<16xf32>
        %swap3A_299 = arith.index_cast %scan3A_275 : i32 to index
        %swap3A_300 = arith.constant 16 : index
        %swap3A_301 = tpu.vector_load %arg14[%swap3A_299, %swap3A_300] {strides = array<i32>} : memref<40x32xf32, #tpu.memory_space<vmem>>, vector<1x16xf32>,
        %swap3A_302 = vector.shape_cast %swap3A_301 : vector<1x16xf32> to vector<16xf32>
        %swap3A_303 = vector.shape_cast %add3A_298 : vector<16xf32> to vector<1x16xf32>
        tpu.vector_store %arg14[%swap3A_299, %swap3A_300], %swap3A_303 {strides = array<i32>} : memref<40x32xf32, #tpu.memory_space<vmem>>, vector<1x16xf32>,
        %scan3A_304 = arith.constant 7 : i32
        %scan3A_305 = arith.addi %scan3A_97, %scan3A_304 : i32
        %get3A_306 = arith.index_cast %scan3A_305 : i32 to index
        %get3A_307 = arith.constant 0 : index
        %get3A_308 = tpu.vector_load %arg14[%get3A_306, %get3A_307] {strides = array<i32>} : memref<40x32xf32, #tpu.memory_space<vmem>>, vector<1x16xf32>,
        %get3A_309 = vector.shape_cast %get3A_308 : vector<1x16xf32> to vector<16xf32>
        %get3A_310 = arith.index_cast %scan3A_305 : i32 to index
        %get3A_311 = arith.constant 0 : index
        %get3A_312 = tpu.vector_load %arg15[%get3A_310, %get3A_311] {strides = array<i32>} : memref<40x32xf32, #tpu.memory_space<vmem>>, vector<1x16xf32>,
        %get3A_313 = vector.shape_cast %get3A_312 : vector<1x16xf32> to vector<16xf32>
        %add3A_314 = arith.addf %get3A_309, %get3A_313 : vector<16xf32>
        %swap3A_315 = arith.index_cast %scan3A_305 : i32 to index
        %swap3A_316 = arith.constant 0 : index
        %swap3A_317 = tpu.vector_load %arg14[%swap3A_315, %swap3A_316] {strides = array<i32>} : memref<40x32xf32, #tpu.memory_space<vmem>>, vector<1x16xf32>,
        %swap3A_318 = vector.shape_cast %swap3A_317 : vector<1x16xf32> to vector<16xf32>
        %swap3A_319 = vector.shape_cast %add3A_314 : vector<16xf32> to vector<1x16xf32>
        tpu.vector_store %arg14[%swap3A_315, %swap3A_316], %swap3A_319 {strides = array<i32>} : memref<40x32xf32, #tpu.memory_space<vmem>>, vector<1x16xf32>,
        %get3A_320 = arith.index_cast %scan3A_305 : i32 to index
        %get3A_321 = arith.constant 16 : index
        %get3A_322 = tpu.vector_load %arg14[%get3A_320, %get3A_321] {strides = array<i32>} : memref<40x32xf32, #tpu.memory_space<vmem>>, vector<1x16xf32>,
        %get3A_323 = vector.shape_cast %get3A_322 : vector<1x16xf32> to vector<16xf32>
        %get3A_324 = arith.index_cast %scan3A_305 : i32 to index
        %get3A_325 = arith.constant 16 : index
        %get3A_326 = tpu.vector_load %arg15[%get3A_324, %get3A_325] {strides = array<i32>} : memref<40x32xf32, #tpu.memory_space<vmem>>, vector<1x16xf32>,
        %get3A_327 = vector.shape_cast %get3A_326 : vector<1x16xf32> to vector<16xf32>
        %add3A_328 = arith.addf %get3A_323, %get3A_327 : vector<16xf32>
        %swap3A_329 = arith.index_cast %scan3A_305 : i32 to index
        %swap3A_330 = arith.constant 16 : index
        %swap3A_331 = tpu.vector_load %arg14[%swap3A_329, %swap3A_330] {strides = array<i32>} : memref<40x32xf32, #tpu.memory_space<vmem>>, vector<1x16xf32>,
        %swap3A_332 = vector.shape_cast %swap3A_331 : vector<1x16xf32> to vector<16xf32>
        %swap3A_333 = vector.shape_cast %add3A_328 : vector<16xf32> to vector<1x16xf32>
        tpu.vector_store %arg14[%swap3A_329, %swap3A_330], %swap3A_333 {strides = array<i32>} : memref<40x32xf32, #tpu.memory_space<vmem>>, vector<1x16xf32>,
      }
      %scan3A_74 = arith.constant 40 : i32
      "tpu.region"() ({
        %run_scoped3A = tpu.sem_alloc : memref<!tpu.dma_semaphore, #tpu.memory_space<semaphore_mem>>
        %dma_start3A = arith.constant 0 : i32
        %dma_start3A_97 = arith.constant 0 : i32
        %dma_start3A_98 = tpu.memref_slice %arg22[%dma_start3A, %dma_start3A_97] : memref<50000x32xf32, #tpu.memory_space<vmem_shared>> -> memref<50000x32xf32, #tpu.memory_space<vmem_shared>>
        tpu.enqueue_indirect_dma source(%arg14 : memref<40x32xf32, #tpu.memory_space<vmem>>) target(%dma_start3A_98 : memref<50000x32xf32, #tpu.memory_space<vmem_shared>>) offsets(%arg12 : memref<40xi32, #tpu.memory_space<vmem>>) semaphore(%run_scoped3A : memref<!tpu.dma_semaphore, #tpu.memory_space<semaphore_mem>>) {add = true}
        %dma_wait3A = arith.constant 0 : i32
        %dma_wait3A_99 = arith.constant 0 : i32
        %dma_wait3A_100 = tpu.memref_slice %arg22[%dma_wait3A, %dma_wait3A_99] : memref<50000x32xf32, #tpu.memory_space<vmem_shared>> -> memref<50000x32xf32, #tpu.memory_space<vmem_shared>>
        tpu.wait_indirect_dma semaphore(%run_scoped3A : memref<!tpu.dma_semaphore, #tpu.memory_space<semaphore_mem>>) src(%arg14 : memref<40x32xf32, #tpu.memory_space<vmem>>) dst(%dma_wait3A_100 : memref<50000x32xf32, #tpu.memory_space<vmem_shared>>)
        tpu.yield
      }) : () -> ()
      %add3A_75 = arith.constant 2 : i32
      %add3A_76 = arith.addi %mul3A_43, %add3A_75 : i32
      %lt3A = arith.constant 1250 : i32
      %lt3A_77 = arith.cmpi slt, %add3A_76, %lt3A : i32
      %convert_element_type3A_78 = arith.extui %lt3A_77 : i1 to i32
      %cond3A_79 = arith.constant 0 : i32
      %cond3A_80 = arith.cmpi ne, %convert_element_type3A_78, %cond3A_79 : i32
      scf.if %cond3A_80 {
        %add3A_97 = arith.constant 2 : i32
        %add3A_98 = arith.addi %mul3A_43, %add3A_97 : i32
        %mul3A_99 = arith.constant 40 : i32
        %mul3A_100 = arith.muli %add3A_98, %mul3A_99 : i32
        %add3A_101 = arith.addi %mul3A_14, %mul3A_100 : i32
        "tpu.region"() ({
          %run_scoped3A = tpu.sem_alloc : memref<!tpu.dma_semaphore, #tpu.memory_space<semaphore_mem>>
          %dma_start3A = tpu.memref_slice %arg2[%add3A_101] : memref<800000xi32, #tpu.memory_space<hbm>> -> memref<40xi32, #tpu.memory_space<hbm>>
          %dma_start3A_112 = tpu.memref_slice %arg2[%add3A_101] : memref<800000xi32, #tpu.memory_space<hbm>> -> memref<40xi32, #tpu.memory_space<hbm>>
          tpu.enqueue_dma source(%dma_start3A_112 : memref<40xi32, #tpu.memory_space<hbm>>) target(%arg11 : memref<40xi32, #tpu.memory_space<vmem>>) target_semaphore(%run_scoped3A : memref<!tpu.dma_semaphore, #tpu.memory_space<semaphore_mem>>)
          %dma_wait3A = tpu.memref_slice %arg2[%add3A_101] : memref<800000xi32, #tpu.memory_space<hbm>> -> memref<40xi32, #tpu.memory_space<hbm>>
          %dma_wait3A_113 = tpu.memref_slice %arg2[%add3A_101] : memref<800000xi32, #tpu.memory_space<hbm>> -> memref<40xi32, #tpu.memory_space<hbm>>
          tpu.wait_dma2 semaphore(%run_scoped3A : memref<!tpu.dma_semaphore, #tpu.memory_space<semaphore_mem>>) src(%dma_wait3A_113 : memref<40xi32, #tpu.memory_space<hbm>>) dst(%arg11 : memref<40xi32, #tpu.memory_space<vmem>>)
          tpu.yield
        }) : () -> ()
        "tpu.region"() ({
          %run_scoped3A = tpu.sem_alloc : memref<!tpu.dma_semaphore, #tpu.memory_space<semaphore_mem>>
          %dma_start3A = tpu.memref_slice %arg4[%add3A_101] : memref<800000xi32, #tpu.memory_space<hbm>> -> memref<40xi32, #tpu.memory_space<hbm>>
          %dma_start3A_112 = tpu.memref_slice %arg4[%add3A_101] : memref<800000xi32, #tpu.memory_space<hbm>> -> memref<40xi32, #tpu.memory_space<hbm>>
          tpu.enqueue_dma source(%dma_start3A_112 : memref<40xi32, #tpu.memory_space<hbm>>) target(%arg13 : memref<40xi32, #tpu.memory_space<vmem>>) target_semaphore(%run_scoped3A : memref<!tpu.dma_semaphore, #tpu.memory_space<semaphore_mem>>)
          %dma_wait3A = tpu.memref_slice %arg4[%add3A_101] : memref<800000xi32, #tpu.memory_space<hbm>> -> memref<40xi32, #tpu.memory_space<hbm>>
          %dma_wait3A_113 = tpu.memref_slice %arg4[%add3A_101] : memref<800000xi32, #tpu.memory_space<hbm>> -> memref<40xi32, #tpu.memory_space<hbm>>
          tpu.wait_dma2 semaphore(%run_scoped3A : memref<!tpu.dma_semaphore, #tpu.memory_space<semaphore_mem>>) src(%dma_wait3A_113 : memref<40xi32, #tpu.memory_space<hbm>>) dst(%arg13 : memref<40xi32, #tpu.memory_space<vmem>>)
          tpu.yield
        }) : () -> ()
        "tpu.region"() ({
          %run_scoped3A = tpu.sem_alloc : memref<!tpu.dma_semaphore, #tpu.memory_space<semaphore_mem>>
          %dma_start3A = tpu.memref_slice %arg3[%add3A_101] : memref<800000xi32, #tpu.memory_space<hbm>> -> memref<40xi32, #tpu.memory_space<hbm>>
          %dma_start3A_112 = tpu.memref_slice %arg3[%add3A_101] : memref<800000xi32, #tpu.memory_space<hbm>> -> memref<40xi32, #tpu.memory_space<hbm>>
          tpu.enqueue_dma source(%dma_start3A_112 : memref<40xi32, #tpu.memory_space<hbm>>) target(%arg12 : memref<40xi32, #tpu.memory_space<vmem>>) target_semaphore(%run_scoped3A : memref<!tpu.dma_semaphore, #tpu.memory_space<semaphore_mem>>)
          %dma_wait3A = tpu.memref_slice %arg3[%add3A_101] : memref<800000xi32, #tpu.memory_space<hbm>> -> memref<40xi32, #tpu.memory_space<hbm>>
          %dma_wait3A_113 = tpu.memref_slice %arg3[%add3A_101] : memref<800000xi32, #tpu.memory_space<hbm>> -> memref<40xi32, #tpu.memory_space<hbm>>
          tpu.wait_dma2 semaphore(%run_scoped3A : memref<!tpu.dma_semaphore, #tpu.memory_space<semaphore_mem>>) src(%dma_wait3A_113 : memref<40xi32, #tpu.memory_space<hbm>>) dst(%arg12 : memref<40xi32, #tpu.memory_space<vmem>>)
          tpu.yield
        }) : () -> ()
        %eq3A_102 = arith.constant 0 : i32
        %eq3A_103 = arith.cmpi eq, %arg0, %eq3A_102 : i32
        %convert_element_type3A_104 = arith.extui %eq3A_103 : i1 to i32
        %cond3A_105 = arith.constant 0 : i32
        %cond3A_106 = arith.cmpi ne, %convert_element_type3A_104, %cond3A_105 : i32
        scf.if %cond3A_106 {
          %dma_start3A = arith.constant 0 : i32
          %dma_start3A_112 = arith.constant 0 : i32
          %dma_start3A_113 = tpu.memref_slice %arg5[%dma_start3A, %dma_start3A_112] : memref<50000x32xf32, #tpu.memory_space<hbm>> -> memref<50000x32xf32, #tpu.memory_space<hbm>>
          tpu.enqueue_indirect_dma source(%dma_start3A_113 : memref<50000x32xf32, #tpu.memory_space<hbm>>) target(%arg14 : memref<40x32xf32, #tpu.memory_space<vmem>>) offsets(%arg11 : memref<40xi32, #tpu.memory_space<vmem>>) semaphore(%arg23 : memref<!tpu.dma_semaphore, #tpu.memory_space<semaphore_mem>>)
          %dma_start3A_114 = arith.constant 0 : i32
          %dma_start3A_115 = arith.constant 0 : i32
          %dma_start3A_116 = tpu.memref_slice %arg7[%dma_start3A_114, %dma_start3A_115] : memref<512x32xf32, #tpu.memory_space<hbm>> -> memref<512x32xf32, #tpu.memory_space<hbm>>
          tpu.enqueue_indirect_dma source(%dma_start3A_116 : memref<512x32xf32, #tpu.memory_space<hbm>>) target(%arg15 : memref<40x32xf32, #tpu.memory_space<vmem>>) offsets(%arg13 : memref<40xi32, #tpu.memory_space<vmem>>) semaphore(%arg24 : memref<!tpu.dma_semaphore, #tpu.memory_space<semaphore_mem>>)
        } else {
        }
        %eq3A_107 = arith.constant 1 : i32
        %eq3A_108 = arith.cmpi eq, %arg0, %eq3A_107 : i32
        %convert_element_type3A_109 = arith.extui %eq3A_108 : i1 to i32
        %cond3A_110 = arith.constant 0 : i32
        %cond3A_111 = arith.cmpi ne, %convert_element_type3A_109, %cond3A_110 : i32
        scf.if %cond3A_111 {
          %dma_start3A = arith.constant 0 : i32
          %dma_start3A_112 = arith.constant 0 : i32
          %dma_start3A_113 = tpu.memref_slice %arg6[%dma_start3A, %dma_start3A_112] : memref<50000x32xf32, #tpu.memory_space<hbm>> -> memref<50000x32xf32, #tpu.memory_space<hbm>>
          tpu.enqueue_indirect_dma source(%dma_start3A_113 : memref<50000x32xf32, #tpu.memory_space<hbm>>) target(%arg14 : memref<40x32xf32, #tpu.memory_space<vmem>>) offsets(%arg11 : memref<40xi32, #tpu.memory_space<vmem>>) semaphore(%arg23 : memref<!tpu.dma_semaphore, #tpu.memory_space<semaphore_mem>>)
          %dma_start3A_114 = arith.constant 0 : i32
          %dma_start3A_115 = arith.constant 0 : i32
          %dma_start3A_116 = tpu.memref_slice %arg8[%dma_start3A_114, %dma_start3A_115] : memref<512x32xf32, #tpu.memory_space<hbm>> -> memref<512x32xf32, #tpu.memory_space<hbm>>
          tpu.enqueue_indirect_dma source(%dma_start3A_116 : memref<512x32xf32, #tpu.memory_space<hbm>>) target(%arg15 : memref<40x32xf32, #tpu.memory_space<vmem>>) offsets(%arg13 : memref<40xi32, #tpu.memory_space<vmem>>) semaphore(%arg24 : memref<!tpu.dma_semaphore, #tpu.memory_space<semaphore_mem>>)
        } else {
        }
      } else {
      }
      %eq3A_81 = arith.constant 0 : i32
      %eq3A_82 = arith.cmpi eq, %arg0, %eq3A_81 : i32
      %convert_element_type3A_83 = arith.extui %eq3A_82 : i1 to i32
      %cond3A_84 = arith.constant 0 : i32
      %cond3A_85 = arith.cmpi ne, %convert_element_type3A_83, %cond3A_84 : i32
      scf.if %cond3A_85 {
        %dma_wait3A = arith.constant 0 : i32
        %dma_wait3A_97 = arith.constant 0 : i32
        %dma_wait3A_98 = tpu.memref_slice %arg5[%dma_wait3A, %dma_wait3A_97] : memref<50000x32xf32, #tpu.memory_space<hbm>> -> memref<50000x32xf32, #tpu.memory_space<hbm>>
        tpu.wait_indirect_dma semaphore(%arg25 : memref<!tpu.dma_semaphore, #tpu.memory_space<semaphore_mem>>) src(%dma_wait3A_98 : memref<50000x32xf32, #tpu.memory_space<hbm>>) dst(%arg19 : memref<40x32xf32, #tpu.memory_space<vmem>>)
        %dma_wait3A_99 = arith.constant 0 : i32
        %dma_wait3A_100 = arith.constant 0 : i32
        %dma_wait3A_101 = tpu.memref_slice %arg7[%dma_wait3A_99, %dma_wait3A_100] : memref<512x32xf32, #tpu.memory_space<hbm>> -> memref<512x32xf32, #tpu.memory_space<hbm>>
        tpu.wait_indirect_dma semaphore(%arg26 : memref<!tpu.dma_semaphore, #tpu.memory_space<semaphore_mem>>) src(%dma_wait3A_101 : memref<512x32xf32, #tpu.memory_space<hbm>>) dst(%arg20 : memref<40x32xf32, #tpu.memory_space<vmem>>)
      } else {
      }
      %eq3A_86 = arith.constant 1 : i32
      %eq3A_87 = arith.cmpi eq, %arg0, %eq3A_86 : i32
      %convert_element_type3A_88 = arith.extui %eq3A_87 : i1 to i32
      %cond3A_89 = arith.constant 0 : i32
      %cond3A_90 = arith.cmpi ne, %convert_element_type3A_88, %cond3A_89 : i32
      scf.if %cond3A_90 {
        %dma_wait3A = arith.constant 0 : i32
        %dma_wait3A_97 = arith.constant 0 : i32
        %dma_wait3A_98 = tpu.memref_slice %arg6[%dma_wait3A, %dma_wait3A_97] : memref<50000x32xf32, #tpu.memory_space<hbm>> -> memref<50000x32xf32, #tpu.memory_space<hbm>>
        tpu.wait_indirect_dma semaphore(%arg25 : memref<!tpu.dma_semaphore, #tpu.memory_space<semaphore_mem>>) src(%dma_wait3A_98 : memref<50000x32xf32, #tpu.memory_space<hbm>>) dst(%arg19 : memref<40x32xf32, #tpu.memory_space<vmem>>)
        %dma_wait3A_99 = arith.constant 0 : i32
        %dma_wait3A_100 = arith.constant 0 : i32
        %dma_wait3A_101 = tpu.memref_slice %arg8[%dma_wait3A_99, %dma_wait3A_100] : memref<512x32xf32, #tpu.memory_space<hbm>> -> memref<512x32xf32, #tpu.memory_space<hbm>>
        tpu.wait_indirect_dma semaphore(%arg26 : memref<!tpu.dma_semaphore, #tpu.memory_space<semaphore_mem>>) src(%dma_wait3A_101 : memref<512x32xf32, #tpu.memory_space<hbm>>) dst(%arg20 : memref<40x32xf32, #tpu.memory_space<vmem>>)
      } else {
      }
      %scan3A_91 = arith.constant 0 : i32
      %scan3A_92 = arith.constant 0 : i32
      %scan3A_93 = arith.constant 40 : i32
      %scan3A_94 = arith.addi %scan3A_92, %scan3A_93 : i32
      %scan3A_95 = arith.constant 8 : i32
      scf.for %scan3A_97 = %scan3A_92 to %scan3A_94 step %scan3A_95  : i32 {
        %get3A = arith.index_cast %scan3A_97 : i32 to index
        %get3A_98 = arith.constant 0 : index
        %get3A_99 = tpu.vector_load %arg19[%get3A, %get3A_98] {strides = array<i32>} : memref<40x32xf32, #tpu.memory_space<vmem>>, vector<1x16xf32>,
        %get3A_100 = vector.shape_cast %get3A_99 : vector<1x16xf32> to vector<16xf32>
        %get3A_101 = arith.index_cast %scan3A_97 : i32 to index
        %get3A_102 = arith.constant 0 : index
        %get3A_103 = tpu.vector_load %arg20[%get3A_101, %get3A_102] {strides = array<i32>} : memref<40x32xf32, #tpu.memory_space<vmem>>, vector<1x16xf32>,
        %get3A_104 = vector.shape_cast %get3A_103 : vector<1x16xf32> to vector<16xf32>
        %add3A_105 = arith.addf %get3A_100, %get3A_104 : vector<16xf32>
        %swap3A = arith.index_cast %scan3A_97 : i32 to index
        %swap3A_106 = arith.constant 0 : index
        %swap3A_107 = tpu.vector_load %arg19[%swap3A, %swap3A_106] {strides = array<i32>} : memref<40x32xf32, #tpu.memory_space<vmem>>, vector<1x16xf32>,
        %swap3A_108 = vector.shape_cast %swap3A_107 : vector<1x16xf32> to vector<16xf32>
        %swap3A_109 = vector.shape_cast %add3A_105 : vector<16xf32> to vector<1x16xf32>
        tpu.vector_store %arg19[%swap3A, %swap3A_106], %swap3A_109 {strides = array<i32>} : memref<40x32xf32, #tpu.memory_space<vmem>>, vector<1x16xf32>,
        %get3A_110 = arith.index_cast %scan3A_97 : i32 to index
        %get3A_111 = arith.constant 16 : index
        %get3A_112 = tpu.vector_load %arg19[%get3A_110, %get3A_111] {strides = array<i32>} : memref<40x32xf32, #tpu.memory_space<vmem>>, vector<1x16xf32>,
        %get3A_113 = vector.shape_cast %get3A_112 : vector<1x16xf32> to vector<16xf32>
        %get3A_114 = arith.index_cast %scan3A_97 : i32 to index
        %get3A_115 = arith.constant 16 : index
        %get3A_116 = tpu.vector_load %arg20[%get3A_114, %get3A_115] {strides = array<i32>} : memref<40x32xf32, #tpu.memory_space<vmem>>, vector<1x16xf32>,
        %get3A_117 = vector.shape_cast %get3A_116 : vector<1x16xf32> to vector<16xf32>
        %add3A_118 = arith.addf %get3A_113, %get3A_117 : vector<16xf32>
        %swap3A_119 = arith.index_cast %scan3A_97 : i32 to index
        %swap3A_120 = arith.constant 16 : index
        %swap3A_121 = tpu.vector_load %arg19[%swap3A_119, %swap3A_120] {strides = array<i32>} : memref<40x32xf32, #tpu.memory_space<vmem>>, vector<1x16xf32>,
        %swap3A_122 = vector.shape_cast %swap3A_121 : vector<1x16xf32> to vector<16xf32>
        %swap3A_123 = vector.shape_cast %add3A_118 : vector<16xf32> to vector<1x16xf32>
        tpu.vector_store %arg19[%swap3A_119, %swap3A_120], %swap3A_123 {strides = array<i32>} : memref<40x32xf32, #tpu.memory_space<vmem>>, vector<1x16xf32>,
        %scan3A_124 = arith.constant 1 : i32
        %scan3A_125 = arith.addi %scan3A_97, %scan3A_124 : i32
        %get3A_126 = arith.index_cast %scan3A_125 : i32 to index
        %get3A_127 = arith.constant 0 : index
        %get3A_128 = tpu.vector_load %arg19[%get3A_126, %get3A_127] {strides = array<i32>} : memref<40x32xf32, #tpu.memory_space<vmem>>, vector<1x16xf32>,
        %get3A_129 = vector.shape_cast %get3A_128 : vector<1x16xf32> to vector<16xf32>
        %get3A_130 = arith.index_cast %scan3A_125 : i32 to index
        %get3A_131 = arith.constant 0 : index
        %get3A_132 = tpu.vector_load %arg20[%get3A_130, %get3A_131] {strides = array<i32>} : memref<40x32xf32, #tpu.memory_space<vmem>>, vector<1x16xf32>,
        %get3A_133 = vector.shape_cast %get3A_132 : vector<1x16xf32> to vector<16xf32>
        %add3A_134 = arith.addf %get3A_129, %get3A_133 : vector<16xf32>
        %swap3A_135 = arith.index_cast %scan3A_125 : i32 to index
        %swap3A_136 = arith.constant 0 : index
        %swap3A_137 = tpu.vector_load %arg19[%swap3A_135, %swap3A_136] {strides = array<i32>} : memref<40x32xf32, #tpu.memory_space<vmem>>, vector<1x16xf32>,
        %swap3A_138 = vector.shape_cast %swap3A_137 : vector<1x16xf32> to vector<16xf32>
        %swap3A_139 = vector.shape_cast %add3A_134 : vector<16xf32> to vector<1x16xf32>
        tpu.vector_store %arg19[%swap3A_135, %swap3A_136], %swap3A_139 {strides = array<i32>} : memref<40x32xf32, #tpu.memory_space<vmem>>, vector<1x16xf32>,
        %get3A_140 = arith.index_cast %scan3A_125 : i32 to index
        %get3A_141 = arith.constant 16 : index
        %get3A_142 = tpu.vector_load %arg19[%get3A_140, %get3A_141] {strides = array<i32>} : memref<40x32xf32, #tpu.memory_space<vmem>>, vector<1x16xf32>,
        %get3A_143 = vector.shape_cast %get3A_142 : vector<1x16xf32> to vector<16xf32>
        %get3A_144 = arith.index_cast %scan3A_125 : i32 to index
        %get3A_145 = arith.constant 16 : index
        %get3A_146 = tpu.vector_load %arg20[%get3A_144, %get3A_145] {strides = array<i32>} : memref<40x32xf32, #tpu.memory_space<vmem>>, vector<1x16xf32>,
        %get3A_147 = vector.shape_cast %get3A_146 : vector<1x16xf32> to vector<16xf32>
        %add3A_148 = arith.addf %get3A_143, %get3A_147 : vector<16xf32>
        %swap3A_149 = arith.index_cast %scan3A_125 : i32 to index
        %swap3A_150 = arith.constant 16 : index
        %swap3A_151 = tpu.vector_load %arg19[%swap3A_149, %swap3A_150] {strides = array<i32>} : memref<40x32xf32, #tpu.memory_space<vmem>>, vector<1x16xf32>,
        %swap3A_152 = vector.shape_cast %swap3A_151 : vector<1x16xf32> to vector<16xf32>
        %swap3A_153 = vector.shape_cast %add3A_148 : vector<16xf32> to vector<1x16xf32>
        tpu.vector_store %arg19[%swap3A_149, %swap3A_150], %swap3A_153 {strides = array<i32>} : memref<40x32xf32, #tpu.memory_space<vmem>>, vector<1x16xf32>,
        %scan3A_154 = arith.constant 2 : i32
        %scan3A_155 = arith.addi %scan3A_97, %scan3A_154 : i32
        %get3A_156 = arith.index_cast %scan3A_155 : i32 to index
        %get3A_157 = arith.constant 0 : index
        %get3A_158 = tpu.vector_load %arg19[%get3A_156, %get3A_157] {strides = array<i32>} : memref<40x32xf32, #tpu.memory_space<vmem>>, vector<1x16xf32>,
        %get3A_159 = vector.shape_cast %get3A_158 : vector<1x16xf32> to vector<16xf32>
        %get3A_160 = arith.index_cast %scan3A_155 : i32 to index
        %get3A_161 = arith.constant 0 : index
        %get3A_162 = tpu.vector_load %arg20[%get3A_160, %get3A_161] {strides = array<i32>} : memref<40x32xf32, #tpu.memory_space<vmem>>, vector<1x16xf32>,
        %get3A_163 = vector.shape_cast %get3A_162 : vector<1x16xf32> to vector<16xf32>
        %add3A_164 = arith.addf %get3A_159, %get3A_163 : vector<16xf32>
        %swap3A_165 = arith.index_cast %scan3A_155 : i32 to index
        %swap3A_166 = arith.constant 0 : index
        %swap3A_167 = tpu.vector_load %arg19[%swap3A_165, %swap3A_166] {strides = array<i32>} : memref<40x32xf32, #tpu.memory_space<vmem>>, vector<1x16xf32>,
        %swap3A_168 = vector.shape_cast %swap3A_167 : vector<1x16xf32> to vector<16xf32>
        %swap3A_169 = vector.shape_cast %add3A_164 : vector<16xf32> to vector<1x16xf32>
        tpu.vector_store %arg19[%swap3A_165, %swap3A_166], %swap3A_169 {strides = array<i32>} : memref<40x32xf32, #tpu.memory_space<vmem>>, vector<1x16xf32>,
        %get3A_170 = arith.index_cast %scan3A_155 : i32 to index
        %get3A_171 = arith.constant 16 : index
        %get3A_172 = tpu.vector_load %arg19[%get3A_170, %get3A_171] {strides = array<i32>} : memref<40x32xf32, #tpu.memory_space<vmem>>, vector<1x16xf32>,
        %get3A_173 = vector.shape_cast %get3A_172 : vector<1x16xf32> to vector<16xf32>
        %get3A_174 = arith.index_cast %scan3A_155 : i32 to index
        %get3A_175 = arith.constant 16 : index
        %get3A_176 = tpu.vector_load %arg20[%get3A_174, %get3A_175] {strides = array<i32>} : memref<40x32xf32, #tpu.memory_space<vmem>>, vector<1x16xf32>,
        %get3A_177 = vector.shape_cast %get3A_176 : vector<1x16xf32> to vector<16xf32>
        %add3A_178 = arith.addf %get3A_173, %get3A_177 : vector<16xf32>
        %swap3A_179 = arith.index_cast %scan3A_155 : i32 to index
        %swap3A_180 = arith.constant 16 : index
        %swap3A_181 = tpu.vector_load %arg19[%swap3A_179, %swap3A_180] {strides = array<i32>} : memref<40x32xf32, #tpu.memory_space<vmem>>, vector<1x16xf32>,
        %swap3A_182 = vector.shape_cast %swap3A_181 : vector<1x16xf32> to vector<16xf32>
        %swap3A_183 = vector.shape_cast %add3A_178 : vector<16xf32> to vector<1x16xf32>
        tpu.vector_store %arg19[%swap3A_179, %swap3A_180], %swap3A_183 {strides = array<i32>} : memref<40x32xf32, #tpu.memory_space<vmem>>, vector<1x16xf32>,
        %scan3A_184 = arith.constant 3 : i32
        %scan3A_185 = arith.addi %scan3A_97, %scan3A_184 : i32
        %get3A_186 = arith.index_cast %scan3A_185 : i32 to index
        %get3A_187 = arith.constant 0 : index
        %get3A_188 = tpu.vector_load %arg19[%get3A_186, %get3A_187] {strides = array<i32>} : memref<40x32xf32, #tpu.memory_space<vmem>>, vector<1x16xf32>,
        %get3A_189 = vector.shape_cast %get3A_188 : vector<1x16xf32> to vector<16xf32>
        %get3A_190 = arith.index_cast %scan3A_185 : i32 to index
        %get3A_191 = arith.constant 0 : index
        %get3A_192 = tpu.vector_load %arg20[%get3A_190, %get3A_191] {strides = array<i32>} : memref<40x32xf32, #tpu.memory_space<vmem>>, vector<1x16xf32>,
        %get3A_193 = vector.shape_cast %get3A_192 : vector<1x16xf32> to vector<16xf32>
        %add3A_194 = arith.addf %get3A_189, %get3A_193 : vector<16xf32>
        %swap3A_195 = arith.index_cast %scan3A_185 : i32 to index
        %swap3A_196 = arith.constant 0 : index
        %swap3A_197 = tpu.vector_load %arg19[%swap3A_195, %swap3A_196] {strides = array<i32>} : memref<40x32xf32, #tpu.memory_space<vmem>>, vector<1x16xf32>,
        %swap3A_198 = vector.shape_cast %swap3A_197 : vector<1x16xf32> to vector<16xf32>
        %swap3A_199 = vector.shape_cast %add3A_194 : vector<16xf32> to vector<1x16xf32>
        tpu.vector_store %arg19[%swap3A_195, %swap3A_196], %swap3A_199 {strides = array<i32>} : memref<40x32xf32, #tpu.memory_space<vmem>>, vector<1x16xf32>,
        %get3A_200 = arith.index_cast %scan3A_185 : i32 to index
        %get3A_201 = arith.constant 16 : index
        %get3A_202 = tpu.vector_load %arg19[%get3A_200, %get3A_201] {strides = array<i32>} : memref<40x32xf32, #tpu.memory_space<vmem>>, vector<1x16xf32>,
        %get3A_203 = vector.shape_cast %get3A_202 : vector<1x16xf32> to vector<16xf32>
        %get3A_204 = arith.index_cast %scan3A_185 : i32 to index
        %get3A_205 = arith.constant 16 : index
        %get3A_206 = tpu.vector_load %arg20[%get3A_204, %get3A_205] {strides = array<i32>} : memref<40x32xf32, #tpu.memory_space<vmem>>, vector<1x16xf32>,
        %get3A_207 = vector.shape_cast %get3A_206 : vector<1x16xf32> to vector<16xf32>
        %add3A_208 = arith.addf %get3A_203, %get3A_207 : vector<16xf32>
        %swap3A_209 = arith.index_cast %scan3A_185 : i32 to index
        %swap3A_210 = arith.constant 16 : index
        %swap3A_211 = tpu.vector_load %arg19[%swap3A_209, %swap3A_210] {strides = array<i32>} : memref<40x32xf32, #tpu.memory_space<vmem>>, vector<1x16xf32>,
        %swap3A_212 = vector.shape_cast %swap3A_211 : vector<1x16xf32> to vector<16xf32>
        %swap3A_213 = vector.shape_cast %add3A_208 : vector<16xf32> to vector<1x16xf32>
        tpu.vector_store %arg19[%swap3A_209, %swap3A_210], %swap3A_213 {strides = array<i32>} : memref<40x32xf32, #tpu.memory_space<vmem>>, vector<1x16xf32>,
        %scan3A_214 = arith.constant 4 : i32
        %scan3A_215 = arith.addi %scan3A_97, %scan3A_214 : i32
        %get3A_216 = arith.index_cast %scan3A_215 : i32 to index
        %get3A_217 = arith.constant 0 : index
        %get3A_218 = tpu.vector_load %arg19[%get3A_216, %get3A_217] {strides = array<i32>} : memref<40x32xf32, #tpu.memory_space<vmem>>, vector<1x16xf32>,
        %get3A_219 = vector.shape_cast %get3A_218 : vector<1x16xf32> to vector<16xf32>
        %get3A_220 = arith.index_cast %scan3A_215 : i32 to index
        %get3A_221 = arith.constant 0 : index
        %get3A_222 = tpu.vector_load %arg20[%get3A_220, %get3A_221] {strides = array<i32>} : memref<40x32xf32, #tpu.memory_space<vmem>>, vector<1x16xf32>,
        %get3A_223 = vector.shape_cast %get3A_222 : vector<1x16xf32> to vector<16xf32>
        %add3A_224 = arith.addf %get3A_219, %get3A_223 : vector<16xf32>
        %swap3A_225 = arith.index_cast %scan3A_215 : i32 to index
        %swap3A_226 = arith.constant 0 : index
        %swap3A_227 = tpu.vector_load %arg19[%swap3A_225, %swap3A_226] {strides = array<i32>} : memref<40x32xf32, #tpu.memory_space<vmem>>, vector<1x16xf32>,
        %swap3A_228 = vector.shape_cast %swap3A_227 : vector<1x16xf32> to vector<16xf32>
        %swap3A_229 = vector.shape_cast %add3A_224 : vector<16xf32> to vector<1x16xf32>
        tpu.vector_store %arg19[%swap3A_225, %swap3A_226], %swap3A_229 {strides = array<i32>} : memref<40x32xf32, #tpu.memory_space<vmem>>, vector<1x16xf32>,
        %get3A_230 = arith.index_cast %scan3A_215 : i32 to index
        %get3A_231 = arith.constant 16 : index
        %get3A_232 = tpu.vector_load %arg19[%get3A_230, %get3A_231] {strides = array<i32>} : memref<40x32xf32, #tpu.memory_space<vmem>>, vector<1x16xf32>,
        %get3A_233 = vector.shape_cast %get3A_232 : vector<1x16xf32> to vector<16xf32>
        %get3A_234 = arith.index_cast %scan3A_215 : i32 to index
        %get3A_235 = arith.constant 16 : index
        %get3A_236 = tpu.vector_load %arg20[%get3A_234, %get3A_235] {strides = array<i32>} : memref<40x32xf32, #tpu.memory_space<vmem>>, vector<1x16xf32>,
        %get3A_237 = vector.shape_cast %get3A_236 : vector<1x16xf32> to vector<16xf32>
        %add3A_238 = arith.addf %get3A_233, %get3A_237 : vector<16xf32>
        %swap3A_239 = arith.index_cast %scan3A_215 : i32 to index
        %swap3A_240 = arith.constant 16 : index
        %swap3A_241 = tpu.vector_load %arg19[%swap3A_239, %swap3A_240] {strides = array<i32>} : memref<40x32xf32, #tpu.memory_space<vmem>>, vector<1x16xf32>,
        %swap3A_242 = vector.shape_cast %swap3A_241 : vector<1x16xf32> to vector<16xf32>
        %swap3A_243 = vector.shape_cast %add3A_238 : vector<16xf32> to vector<1x16xf32>
        tpu.vector_store %arg19[%swap3A_239, %swap3A_240], %swap3A_243 {strides = array<i32>} : memref<40x32xf32, #tpu.memory_space<vmem>>, vector<1x16xf32>,
        %scan3A_244 = arith.constant 5 : i32
        %scan3A_245 = arith.addi %scan3A_97, %scan3A_244 : i32
        %get3A_246 = arith.index_cast %scan3A_245 : i32 to index
        %get3A_247 = arith.constant 0 : index
        %get3A_248 = tpu.vector_load %arg19[%get3A_246, %get3A_247] {strides = array<i32>} : memref<40x32xf32, #tpu.memory_space<vmem>>, vector<1x16xf32>,
        %get3A_249 = vector.shape_cast %get3A_248 : vector<1x16xf32> to vector<16xf32>
        %get3A_250 = arith.index_cast %scan3A_245 : i32 to index
        %get3A_251 = arith.constant 0 : index
        %get3A_252 = tpu.vector_load %arg20[%get3A_250, %get3A_251] {strides = array<i32>} : memref<40x32xf32, #tpu.memory_space<vmem>>, vector<1x16xf32>,
        %get3A_253 = vector.shape_cast %get3A_252 : vector<1x16xf32> to vector<16xf32>
        %add3A_254 = arith.addf %get3A_249, %get3A_253 : vector<16xf32>
        %swap3A_255 = arith.index_cast %scan3A_245 : i32 to index
        %swap3A_256 = arith.constant 0 : index
        %swap3A_257 = tpu.vector_load %arg19[%swap3A_255, %swap3A_256] {strides = array<i32>} : memref<40x32xf32, #tpu.memory_space<vmem>>, vector<1x16xf32>,
        %swap3A_258 = vector.shape_cast %swap3A_257 : vector<1x16xf32> to vector<16xf32>
        %swap3A_259 = vector.shape_cast %add3A_254 : vector<16xf32> to vector<1x16xf32>
        tpu.vector_store %arg19[%swap3A_255, %swap3A_256], %swap3A_259 {strides = array<i32>} : memref<40x32xf32, #tpu.memory_space<vmem>>, vector<1x16xf32>,
        %get3A_260 = arith.index_cast %scan3A_245 : i32 to index
        %get3A_261 = arith.constant 16 : index
        %get3A_262 = tpu.vector_load %arg19[%get3A_260, %get3A_261] {strides = array<i32>} : memref<40x32xf32, #tpu.memory_space<vmem>>, vector<1x16xf32>,
        %get3A_263 = vector.shape_cast %get3A_262 : vector<1x16xf32> to vector<16xf32>
        %get3A_264 = arith.index_cast %scan3A_245 : i32 to index
        %get3A_265 = arith.constant 16 : index
        %get3A_266 = tpu.vector_load %arg20[%get3A_264, %get3A_265] {strides = array<i32>} : memref<40x32xf32, #tpu.memory_space<vmem>>, vector<1x16xf32>,
        %get3A_267 = vector.shape_cast %get3A_266 : vector<1x16xf32> to vector<16xf32>
        %add3A_268 = arith.addf %get3A_263, %get3A_267 : vector<16xf32>
        %swap3A_269 = arith.index_cast %scan3A_245 : i32 to index
        %swap3A_270 = arith.constant 16 : index
        %swap3A_271 = tpu.vector_load %arg19[%swap3A_269, %swap3A_270] {strides = array<i32>} : memref<40x32xf32, #tpu.memory_space<vmem>>, vector<1x16xf32>,
        %swap3A_272 = vector.shape_cast %swap3A_271 : vector<1x16xf32> to vector<16xf32>
        %swap3A_273 = vector.shape_cast %add3A_268 : vector<16xf32> to vector<1x16xf32>
        tpu.vector_store %arg19[%swap3A_269, %swap3A_270], %swap3A_273 {strides = array<i32>} : memref<40x32xf32, #tpu.memory_space<vmem>>, vector<1x16xf32>,
        %scan3A_274 = arith.constant 6 : i32
        %scan3A_275 = arith.addi %scan3A_97, %scan3A_274 : i32
        %get3A_276 = arith.index_cast %scan3A_275 : i32 to index
        %get3A_277 = arith.constant 0 : index
        %get3A_278 = tpu.vector_load %arg19[%get3A_276, %get3A_277] {strides = array<i32>} : memref<40x32xf32, #tpu.memory_space<vmem>>, vector<1x16xf32>,
        %get3A_279 = vector.shape_cast %get3A_278 : vector<1x16xf32> to vector<16xf32>
        %get3A_280 = arith.index_cast %scan3A_275 : i32 to index
        %get3A_281 = arith.constant 0 : index
        %get3A_282 = tpu.vector_load %arg20[%get3A_280, %get3A_281] {strides = array<i32>} : memref<40x32xf32, #tpu.memory_space<vmem>>, vector<1x16xf32>,
        %get3A_283 = vector.shape_cast %get3A_282 : vector<1x16xf32> to vector<16xf32>
        %add3A_284 = arith.addf %get3A_279, %get3A_283 : vector<16xf32>
        %swap3A_285 = arith.index_cast %scan3A_275 : i32 to index
        %swap3A_286 = arith.constant 0 : index
        %swap3A_287 = tpu.vector_load %arg19[%swap3A_285, %swap3A_286] {strides = array<i32>} : memref<40x32xf32, #tpu.memory_space<vmem>>, vector<1x16xf32>,
        %swap3A_288 = vector.shape_cast %swap3A_287 : vector<1x16xf32> to vector<16xf32>
        %swap3A_289 = vector.shape_cast %add3A_284 : vector<16xf32> to vector<1x16xf32>
        tpu.vector_store %arg19[%swap3A_285, %swap3A_286], %swap3A_289 {strides = array<i32>} : memref<40x32xf32, #tpu.memory_space<vmem>>, vector<1x16xf32>,
        %get3A_290 = arith.index_cast %scan3A_275 : i32 to index
        %get3A_291 = arith.constant 16 : index
        %get3A_292 = tpu.vector_load %arg19[%get3A_290, %get3A_291] {strides = array<i32>} : memref<40x32xf32, #tpu.memory_space<vmem>>, vector<1x16xf32>,
        %get3A_293 = vector.shape_cast %get3A_292 : vector<1x16xf32> to vector<16xf32>
        %get3A_294 = arith.index_cast %scan3A_275 : i32 to index
        %get3A_295 = arith.constant 16 : index
        %get3A_296 = tpu.vector_load %arg20[%get3A_294, %get3A_295] {strides = array<i32>} : memref<40x32xf32, #tpu.memory_space<vmem>>, vector<1x16xf32>,
        %get3A_297 = vector.shape_cast %get3A_296 : vector<1x16xf32> to vector<16xf32>
        %add3A_298 = arith.addf %get3A_293, %get3A_297 : vector<16xf32>
        %swap3A_299 = arith.index_cast %scan3A_275 : i32 to index
        %swap3A_300 = arith.constant 16 : index
        %swap3A_301 = tpu.vector_load %arg19[%swap3A_299, %swap3A_300] {strides = array<i32>} : memref<40x32xf32, #tpu.memory_space<vmem>>, vector<1x16xf32>,
        %swap3A_302 = vector.shape_cast %swap3A_301 : vector<1x16xf32> to vector<16xf32>
        %swap3A_303 = vector.shape_cast %add3A_298 : vector<16xf32> to vector<1x16xf32>
        tpu.vector_store %arg19[%swap3A_299, %swap3A_300], %swap3A_303 {strides = array<i32>} : memref<40x32xf32, #tpu.memory_space<vmem>>, vector<1x16xf32>,
        %scan3A_304 = arith.constant 7 : i32
        %scan3A_305 = arith.addi %scan3A_97, %scan3A_304 : i32
        %get3A_306 = arith.index_cast %scan3A_305 : i32 to index
        %get3A_307 = arith.constant 0 : index
        %get3A_308 = tpu.vector_load %arg19[%get3A_306, %get3A_307] {strides = array<i32>} : memref<40x32xf32, #tpu.memory_space<vmem>>, vector<1x16xf32>,
        %get3A_309 = vector.shape_cast %get3A_308 : vector<1x16xf32> to vector<16xf32>
        %get3A_310 = arith.index_cast %scan3A_305 : i32 to index
        %get3A_311 = arith.constant 0 : index
        %get3A_312 = tpu.vector_load %arg20[%get3A_310, %get3A_311] {strides = array<i32>} : memref<40x32xf32, #tpu.memory_space<vmem>>, vector<1x16xf32>,
        %get3A_313 = vector.shape_cast %get3A_312 : vector<1x16xf32> to vector<16xf32>
        %add3A_314 = arith.addf %get3A_309, %get3A_313 : vector<16xf32>
        %swap3A_315 = arith.index_cast %scan3A_305 : i32 to index
        %swap3A_316 = arith.constant 0 : index
        %swap3A_317 = tpu.vector_load %arg19[%swap3A_315, %swap3A_316] {strides = array<i32>} : memref<40x32xf32, #tpu.memory_space<vmem>>, vector<1x16xf32>,
        %swap3A_318 = vector.shape_cast %swap3A_317 : vector<1x16xf32> to vector<16xf32>
        %swap3A_319 = vector.shape_cast %add3A_314 : vector<16xf32> to vector<1x16xf32>
        tpu.vector_store %arg19[%swap3A_315, %swap3A_316], %swap3A_319 {strides = array<i32>} : memref<40x32xf32, #tpu.memory_space<vmem>>, vector<1x16xf32>,
        %get3A_320 = arith.index_cast %scan3A_305 : i32 to index
        %get3A_321 = arith.constant 16 : index
        %get3A_322 = tpu.vector_load %arg19[%get3A_320, %get3A_321] {strides = array<i32>} : memref<40x32xf32, #tpu.memory_space<vmem>>, vector<1x16xf32>,
        %get3A_323 = vector.shape_cast %get3A_322 : vector<1x16xf32> to vector<16xf32>
        %get3A_324 = arith.index_cast %scan3A_305 : i32 to index
        %get3A_325 = arith.constant 16 : index
        %get3A_326 = tpu.vector_load %arg20[%get3A_324, %get3A_325] {strides = array<i32>} : memref<40x32xf32, #tpu.memory_space<vmem>>, vector<1x16xf32>,
        %get3A_327 = vector.shape_cast %get3A_326 : vector<1x16xf32> to vector<16xf32>
        %add3A_328 = arith.addf %get3A_323, %get3A_327 : vector<16xf32>
        %swap3A_329 = arith.index_cast %scan3A_305 : i32 to index
        %swap3A_330 = arith.constant 16 : index
        %swap3A_331 = tpu.vector_load %arg19[%swap3A_329, %swap3A_330] {strides = array<i32>} : memref<40x32xf32, #tpu.memory_space<vmem>>, vector<1x16xf32>,
        %swap3A_332 = vector.shape_cast %swap3A_331 : vector<1x16xf32> to vector<16xf32>
        %swap3A_333 = vector.shape_cast %add3A_328 : vector<16xf32> to vector<1x16xf32>
        tpu.vector_store %arg19[%swap3A_329, %swap3A_330], %swap3A_333 {strides = array<i32>} : memref<40x32xf32, #tpu.memory_space<vmem>>, vector<1x16xf32>,
      }
      %scan3A_96 = arith.constant 40 : i32
      "tpu.region"() ({
        %run_scoped3A = tpu.sem_alloc : memref<!tpu.dma_semaphore, #tpu.memory_space<semaphore_mem>>
        %dma_start3A = arith.constant 0 : i32
        %dma_start3A_97 = arith.constant 0 : i32
        %dma_start3A_98 = tpu.memref_slice %arg22[%dma_start3A, %dma_start3A_97] : memref<50000x32xf32, #tpu.memory_space<vmem_shared>> -> memref<50000x32xf32, #tpu.memory_space<vmem_shared>>
        tpu.enqueue_indirect_dma source(%arg19 : memref<40x32xf32, #tpu.memory_space<vmem>>) target(%dma_start3A_98 : memref<50000x32xf32, #tpu.memory_space<vmem_shared>>) offsets(%arg17 : memref<40xi32, #tpu.memory_space<vmem>>) semaphore(%run_scoped3A : memref<!tpu.dma_semaphore, #tpu.memory_space<semaphore_mem>>) {add = true}
        %dma_wait3A = arith.constant 0 : i32
        %dma_wait3A_99 = arith.constant 0 : i32
        %dma_wait3A_100 = tpu.memref_slice %arg22[%dma_wait3A, %dma_wait3A_99] : memref<50000x32xf32, #tpu.memory_space<vmem_shared>> -> memref<50000x32xf32, #tpu.memory_space<vmem_shared>>
        tpu.wait_indirect_dma semaphore(%run_scoped3A : memref<!tpu.dma_semaphore, #tpu.memory_space<semaphore_mem>>) src(%arg19 : memref<40x32xf32, #tpu.memory_space<vmem>>) dst(%dma_wait3A_100 : memref<50000x32xf32, #tpu.memory_space<vmem_shared>>)
        tpu.yield
      }) : () -> ()
    }
    %scan3A_29 = arith.constant 625 : i32
    %barrier3A_30 = arith.constant 0 : index
    tpu.barrier barrier_id(%barrier3A_30)
    %eq3A_31 = arith.constant 0 : i32
    %eq3A_32 = arith.cmpi eq, %arg0, %eq3A_31 : i32
    %convert_element_type3A_33 = arith.extui %eq3A_32 : i1 to i32
    %cond3A_34 = arith.constant 0 : i32
    %cond3A_35 = arith.cmpi ne, %convert_element_type3A_33, %cond3A_34 : i32
    scf.if %cond3A_35 {
      "tpu.region"() ({
        %run_scoped3A = tpu.sem_alloc : memref<!tpu.dma_semaphore, #tpu.memory_space<semaphore_mem>>
        %dma_start3A = arith.constant 0 : i32
        %dma_start3A_41 = tpu.memref_slice %arg9[%mul3A_5, %dma_start3A] : memref<50000x32xf32, #tpu.memory_space<hbm>> -> memref<3125x32xf32, #tpu.memory_space<hbm>>
        %dma_start3A_42 = arith.constant 0 : i32
        %dma_start3A_43 = tpu.memref_slice %arg22[%mul3A_5, %dma_start3A_42] : memref<50000x32xf32, #tpu.memory_space<vmem_shared>> -> memref<3125x32xf32, #tpu.memory_space<vmem_shared>>
        tpu.enqueue_dma source(%dma_start3A_43 : memref<3125x32xf32, #tpu.memory_space<vmem_shared>>) target(%dma_start3A_41 : memref<3125x32xf32, #tpu.memory_space<hbm>>) target_semaphore(%run_scoped3A : memref<!tpu.dma_semaphore, #tpu.memory_space<semaphore_mem>>)
        %dma_wait3A = arith.constant 0 : i32
        %dma_wait3A_44 = tpu.memref_slice %arg9[%mul3A_5, %dma_wait3A] : memref<50000x32xf32, #tpu.memory_space<hbm>> -> memref<3125x32xf32, #tpu.memory_space<hbm>>
        %dma_wait3A_45 = arith.constant 0 : i32
        %dma_wait3A_46 = tpu.memref_slice %arg22[%mul3A_5, %dma_wait3A_45] : memref<50000x32xf32, #tpu.memory_space<vmem_shared>> -> memref<3125x32xf32, #tpu.memory_space<vmem_shared>>
        tpu.wait_dma2 semaphore(%run_scoped3A : memref<!tpu.dma_semaphore, #tpu.memory_space<semaphore_mem>>) src(%dma_wait3A_46 : memref<3125x32xf32, #tpu.memory_space<vmem_shared>>) dst(%dma_wait3A_44 : memref<3125x32xf32, #tpu.memory_space<hbm>>)
        tpu.yield
      }) : () -> ()
    } else {
    }
    %eq3A_36 = arith.constant 1 : i32
    %eq3A_37 = arith.cmpi eq, %arg0, %eq3A_36 : i32
    %convert_element_type3A_38 = arith.extui %eq3A_37 : i1 to i32
    %cond3A_39 = arith.constant 0 : i32
    %cond3A_40 = arith.cmpi ne, %convert_element_type3A_38, %cond3A_39 : i32
    scf.if %cond3A_40 {
      "tpu.region"() ({
        %run_scoped3A = tpu.sem_alloc : memref<!tpu.dma_semaphore, #tpu.memory_space<semaphore_mem>>
        %dma_start3A = arith.constant 0 : i32
        %dma_start3A_41 = tpu.memref_slice %arg10[%mul3A_5, %dma_start3A] : memref<50000x32xf32, #tpu.memory_space<hbm>> -> memref<3125x32xf32, #tpu.memory_space<hbm>>
        %dma_start3A_42 = arith.constant 0 : i32
        %dma_start3A_43 = tpu.memref_slice %arg22[%mul3A_5, %dma_start3A_42] : memref<50000x32xf32, #tpu.memory_space<vmem_shared>> -> memref<3125x32xf32, #tpu.memory_space<vmem_shared>>
        tpu.enqueue_dma source(%dma_start3A_43 : memref<3125x32xf32, #tpu.memory_space<vmem_shared>>) target(%dma_start3A_41 : memref<3125x32xf32, #tpu.memory_space<hbm>>) target_semaphore(%run_scoped3A : memref<!tpu.dma_semaphore, #tpu.memory_space<semaphore_mem>>)
        %dma_wait3A = arith.constant 0 : i32
        %dma_wait3A_44 = tpu.memref_slice %arg10[%mul3A_5, %dma_wait3A] : memref<50000x32xf32, #tpu.memory_space<hbm>> -> memref<3125x32xf32, #tpu.memory_space<hbm>>
        %dma_wait3A_45 = arith.constant 0 : i32
        %dma_wait3A_46 = tpu.memref_slice %arg22[%mul3A_5, %dma_wait3A_45] : memref<50000x32xf32, #tpu.memory_space<vmem_shared>> -> memref<3125x32xf32, #tpu.memory_space<vmem_shared>>
        tpu.wait_dma2 semaphore(%run_scoped3A : memref<!tpu.dma_semaphore, #tpu.memory_space<semaphore_mem>>) src(%dma_wait3A_46 : memref<3125x32xf32, #tpu.memory_space<vmem_shared>>) dst(%dma_wait3A_44 : memref<3125x32xf32, #tpu.memory_space<hbm>>)
        tpu.yield
      }) : () -> ()
    } else {
    }
    return
  }
}

module attributes {stable_mosaic.version = 14 : i64} {
  func.func @_mm_body(%arg0: i32, %arg1: memref<1000x64xf32, #tpu.memory_space<vmem>>, %arg2: memref<64x64xf32, #tpu.memory_space<vmem>>, %arg3: memref<1000x32xf32, #tpu.memory_space<vmem>>, %arg4: memref<1000x32xf32, #tpu.memory_space<vmem>>) attributes {dimension_semantics = [#tpu.dimension_semantics<arbitrary>], iteration_bounds = array<i64: 50>, scalar_prefetch = 0 : i64, scratch_operands = 0 : i64, tpu.core_type = #tpu.core_type<tc>, window_params = [{transform_indices = @transform_0, window_bounds = array<i64: 1000, 64>}, {pipeline_mode = #tpu.pipeline_mode<synchronous>, transform_indices = @transform_1, window_bounds = array<i64: 64, 64>}, {transform_indices = @transform_2, window_bounds = array<i64: 1000, 32>}, {transform_indices = @transform_3, window_bounds = array<i64: 1000, 32>}]} {
    %get3A = arith.constant 0 : index
    %get3A_0 = arith.constant 0 : index
    %get3A_1 = vector.load %arg1[%get3A, %get3A_0] : memref<1000x64xf32, #tpu.memory_space<vmem>>, vector<1000x64xf32>
    %get3A_2 = arith.constant 0 : index
    %get3A_3 = arith.constant 0 : index
    %get3A_4 = vector.load %arg2[%get3A_2, %get3A_3] : memref<64x64xf32, #tpu.memory_space<vmem>>, vector<64x64xf32>
    %dot_general3A = arith.constant dense<0.000000e+00> : vector<1000x64xf32>
    %dot_general3A_5 = tpu.matmul %get3A_1, %get3A_4, %dot_general3A {dimension_numbers = #tpu.dot_dimension_numbers<[1], [0], [0], [1], [0, 0, 1, 1], [], []>, transpose_lhs_hint = false} : vector<1000x64xf32>, vector<64x64xf32>, vector<1000x64xf32> -> vector<1000x64xf32>
    %slice3A = vector.extract_strided_slice %dot_general3A_5 {offsets = [0, 0], sizes = [1000, 32], strides = [1, 1]} : vector<1000x64xf32> to vector<1000x32xf32>
    %swap3A = arith.constant 0 : index
    %swap3A_6 = arith.constant 0 : index
    %swap3A_7 = vector.load %arg3[%swap3A, %swap3A_6] : memref<1000x32xf32, #tpu.memory_space<vmem>>, vector<1000x32xf32>
    tpu.vector_store %arg3[%swap3A, %swap3A_6], %slice3A {strides = array<i32>} : memref<1000x32xf32, #tpu.memory_space<vmem>>, vector<1000x32xf32>,
    %slice3A_8 = vector.extract_strided_slice %dot_general3A_5 {offsets = [0, 32], sizes = [1000, 32], strides = [1, 1]} : vector<1000x64xf32> to vector<1000x32xf32>
    %swap3A_9 = arith.constant 0 : index
    %swap3A_10 = arith.constant 0 : index
    %swap3A_11 = vector.load %arg4[%swap3A_9, %swap3A_10] : memref<1000x32xf32, #tpu.memory_space<vmem>>, vector<1000x32xf32>
    tpu.vector_store %arg4[%swap3A_9, %swap3A_10], %slice3A_8 {strides = array<i32>} : memref<1000x32xf32, #tpu.memory_space<vmem>>, vector<1000x32xf32>,
    return
  }
  func.func @transform_0(%arg0: i32) -> (i32, i32) {
    %c0_i32 = arith.constant 0 : i32
    %c0_i32_0 = arith.constant 0 : i32
    return %arg0, %c0_i32 : i32, i32
  }
  func.func @transform_1(%arg0: i32) -> (i32, i32) {
    %c0_i32 = arith.constant 0 : i32
    %c0_i32_0 = arith.constant 0 : i32
    %c0_i32_1 = arith.constant 0 : i32
    return %c0_i32, %c0_i32_0 : i32, i32
  }
  func.func @transform_2(%arg0: i32) -> (i32, i32) {
    %c0_i32 = arith.constant 0 : i32
    %c0_i32_0 = arith.constant 0 : i32
    return %arg0, %c0_i32 : i32, i32
  }
  func.func @transform_3(%arg0: i32) -> (i32, i32) {
    %c0_i32 = arith.constant 0 : i32
    %c0_i32_0 = arith.constant 0 : i32
    return %arg0, %c0_i32 : i32, i32
  }
}

module attributes {stable_mosaic.version = 14 : i64} {
  func.func @_embw_body(%arg0: memref<512x64xf32, #tpu.memory_space<vmem>>, %arg1: memref<2x64x64xf32, #tpu.memory_space<vmem>>, %arg2: memref<512x32xf32, #tpu.memory_space<vmem>>, %arg3: memref<512x32xf32, #tpu.memory_space<vmem>>, %arg4: memref<512x32xf32, #tpu.memory_space<vmem>>, %arg5: memref<512x32xf32, #tpu.memory_space<vmem>>) attributes {dimension_semantics = [], scalar_prefetch = 0 : i64, scratch_operands = 0 : i64, tpu.core_type = #tpu.core_type<tc>} {
    %get3A = arith.constant 0 : index
    %get3A_0 = arith.constant 0 : index
    %get3A_1 = vector.load %arg0[%get3A, %get3A_0] : memref<512x64xf32, #tpu.memory_space<vmem>>, vector<512x64xf32>
    %get3A_2 = arith.constant 0 : index
    %get3A_3 = arith.constant 0 : index
    %get3A_4 = arith.constant 0 : index
    %get3A_5 = vector.load %arg1[%get3A_2, %get3A_3, %get3A_4] : memref<2x64x64xf32, #tpu.memory_space<vmem>>, vector<1x64x64xf32>
    %get3A_6 = vector.shape_cast %get3A_5 : vector<1x64x64xf32> to vector<64x64xf32>
    %dot_general3A = arith.constant dense<0.000000e+00> : vector<512x64xf32>
    %dot_general3A_7 = tpu.matmul %get3A_1, %get3A_6, %dot_general3A {dimension_numbers = #tpu.dot_dimension_numbers<[1], [0], [0], [1], [0, 0, 1, 1], [], []>, transpose_lhs_hint = false} : vector<512x64xf32>, vector<64x64xf32>, vector<512x64xf32> -> vector<512x64xf32>
    %get3A_8 = arith.constant 0 : index
    %get3A_9 = arith.constant 0 : index
    %get3A_10 = vector.load %arg0[%get3A_8, %get3A_9] : memref<512x64xf32, #tpu.memory_space<vmem>>, vector<512x64xf32>
    %get3A_11 = arith.constant 1 : index
    %get3A_12 = arith.constant 0 : index
    %get3A_13 = arith.constant 0 : index
    %get3A_14 = vector.load %arg1[%get3A_11, %get3A_12, %get3A_13] : memref<2x64x64xf32, #tpu.memory_space<vmem>>, vector<1x64x64xf32>
    %get3A_15 = vector.shape_cast %get3A_14 : vector<1x64x64xf32> to vector<64x64xf32>
    %dot_general3A_16 = arith.constant dense<0.000000e+00> : vector<512x64xf32>
    %dot_general3A_17 = tpu.matmul %get3A_10, %get3A_15, %dot_general3A_16 {dimension_numbers = #tpu.dot_dimension_numbers<[1], [0], [0], [1], [0, 0, 1, 1], [], []>, transpose_lhs_hint = false} : vector<512x64xf32>, vector<64x64xf32>, vector<512x64xf32> -> vector<512x64xf32>
    %slice3A = vector.extract_strided_slice %dot_general3A_7 {offsets = [0, 0], sizes = [512, 32], strides = [1, 1]} : vector<512x64xf32> to vector<512x32xf32>
    %swap3A = arith.constant 0 : index
    %swap3A_18 = arith.constant 0 : index
    %swap3A_19 = vector.load %arg2[%swap3A, %swap3A_18] : memref<512x32xf32, #tpu.memory_space<vmem>>, vector<512x32xf32>
    tpu.vector_store %arg2[%swap3A, %swap3A_18], %slice3A {strides = array<i32>} : memref<512x32xf32, #tpu.memory_space<vmem>>, vector<512x32xf32>,
    %slice3A_20 = vector.extract_strided_slice %dot_general3A_7 {offsets = [0, 32], sizes = [512, 32], strides = [1, 1]} : vector<512x64xf32> to vector<512x32xf32>
    %swap3A_21 = arith.constant 0 : index
    %swap3A_22 = arith.constant 0 : index
    %swap3A_23 = vector.load %arg3[%swap3A_21, %swap3A_22] : memref<512x32xf32, #tpu.memory_space<vmem>>, vector<512x32xf32>
    tpu.vector_store %arg3[%swap3A_21, %swap3A_22], %slice3A_20 {strides = array<i32>} : memref<512x32xf32, #tpu.memory_space<vmem>>, vector<512x32xf32>,
    %slice3A_24 = vector.extract_strided_slice %dot_general3A_17 {offsets = [0, 0], sizes = [512, 32], strides = [1, 1]} : vector<512x64xf32> to vector<512x32xf32>
    %swap3A_25 = arith.constant 0 : index
    %swap3A_26 = arith.constant 0 : index
    %swap3A_27 = vector.load %arg4[%swap3A_25, %swap3A_26] : memref<512x32xf32, #tpu.memory_space<vmem>>, vector<512x32xf32>
    tpu.vector_store %arg4[%swap3A_25, %swap3A_26], %slice3A_24 {strides = array<i32>} : memref<512x32xf32, #tpu.memory_space<vmem>>, vector<512x32xf32>,
    %slice3A_28 = vector.extract_strided_slice %dot_general3A_17 {offsets = [0, 32], sizes = [512, 32], strides = [1, 1]} : vector<512x64xf32> to vector<512x32xf32>
    %swap3A_29 = arith.constant 0 : index
    %swap3A_30 = arith.constant 0 : index
    %swap3A_31 = vector.load %arg5[%swap3A_29, %swap3A_30] : memref<512x32xf32, #tpu.memory_space<vmem>>, vector<512x32xf32>
    tpu.vector_store %arg5[%swap3A_29, %swap3A_30], %slice3A_28 {strides = array<i32>} : memref<512x32xf32, #tpu.memory_space<vmem>>, vector<512x32xf32>,
    return
  }
}

module attributes {stable_mosaic.version = 14 : i64} {
  func.func @_upd_body(%arg0: i32, %arg1: memref<1000x32xf32, #tpu.memory_space<vmem>>, %arg2: memref<1000x32xf32, #tpu.memory_space<vmem>>, %arg3: memref<1000x64xf32, #tpu.memory_space<vmem>>, %arg4: memref<64x64xf32, #tpu.memory_space<vmem>>, %arg5: memref<1000x64xf32, #tpu.memory_space<vmem>>, %arg6: memref<1000x32xf32, #tpu.memory_space<vmem>>, %arg7: memref<1000x32xf32, #tpu.memory_space<vmem>>) attributes {dimension_semantics = [#tpu.dimension_semantics<arbitrary>], iteration_bounds = array<i64: 50>, scalar_prefetch = 0 : i64, scratch_operands = 0 : i64, tpu.core_type = #tpu.core_type<tc>, window_params = [{transform_indices = @transform_0, window_bounds = array<i64: 1000, 32>}, {transform_indices = @transform_1, window_bounds = array<i64: 1000, 32>}, {transform_indices = @transform_2, window_bounds = array<i64: 1000, 64>}, {pipeline_mode = #tpu.pipeline_mode<synchronous>, transform_indices = @transform_3, window_bounds = array<i64: 64, 64>}, {transform_indices = @transform_4, window_bounds = array<i64: 1000, 64>}, {transform_indices = @transform_5, window_bounds = array<i64: 1000, 32>}, {transform_indices = @transform_6, window_bounds = array<i64: 1000, 32>}]} {
    %get3A = arith.constant 0 : index
    %get3A_0 = arith.constant 0 : index
    %get3A_1 = vector.load %arg1[%get3A, %get3A_0] : memref<1000x32xf32, #tpu.memory_space<vmem>>, vector<1000x32xf32>
    %get3A_2 = arith.constant 0 : index
    %get3A_3 = arith.constant 0 : index
    %get3A_4 = vector.load %arg2[%get3A_2, %get3A_3] : memref<1000x32xf32, #tpu.memory_space<vmem>>, vector<1000x32xf32>
    %concatenate3A = tpu.concatenate %get3A_1, %get3A_4 in 1 : vector<1000x32xf32>, vector<1000x32xf32> -> vector<1000x64xf32>
    %max3A = arith.constant 0.000000e+00 : f32
    %max3A_5 = vector.broadcast %max3A : f32 to vector<1000x64xf32>
    %max3A_6 = arith.maximumf %concatenate3A, %max3A_5 : vector<1000x64xf32>
    %get3A_7 = arith.constant 0 : index
    %get3A_8 = arith.constant 0 : index
    %get3A_9 = vector.load %arg3[%get3A_7, %get3A_8] : memref<1000x64xf32, #tpu.memory_space<vmem>>, vector<1000x64xf32>
    %add3A = arith.addf %max3A_6, %get3A_9 : vector<1000x64xf32>
    %swap3A = arith.constant 0 : index
    %swap3A_10 = arith.constant 0 : index
    %swap3A_11 = vector.load %arg5[%swap3A, %swap3A_10] : memref<1000x64xf32, #tpu.memory_space<vmem>>, vector<1000x64xf32>
    tpu.vector_store %arg5[%swap3A, %swap3A_10], %add3A {strides = array<i32>} : memref<1000x64xf32, #tpu.memory_space<vmem>>, vector<1000x64xf32>,
    %get3A_12 = arith.constant 0 : index
    %get3A_13 = arith.constant 0 : index
    %get3A_14 = vector.load %arg4[%get3A_12, %get3A_13] : memref<64x64xf32, #tpu.memory_space<vmem>>, vector<64x64xf32>
    %dot_general3A = arith.constant dense<0.000000e+00> : vector<1000x64xf32>
    %dot_general3A_15 = tpu.matmul %add3A, %get3A_14, %dot_general3A {dimension_numbers = #tpu.dot_dimension_numbers<[1], [0], [0], [1], [0, 0, 1, 1], [], []>, transpose_lhs_hint = false} : vector<1000x64xf32>, vector<64x64xf32>, vector<1000x64xf32> -> vector<1000x64xf32>
    %slice3A = vector.extract_strided_slice %dot_general3A_15 {offsets = [0, 0], sizes = [1000, 32], strides = [1, 1]} : vector<1000x64xf32> to vector<1000x32xf32>
    %swap3A_16 = arith.constant 0 : index
    %swap3A_17 = arith.constant 0 : index
    %swap3A_18 = vector.load %arg6[%swap3A_16, %swap3A_17] : memref<1000x32xf32, #tpu.memory_space<vmem>>, vector<1000x32xf32>
    tpu.vector_store %arg6[%swap3A_16, %swap3A_17], %slice3A {strides = array<i32>} : memref<1000x32xf32, #tpu.memory_space<vmem>>, vector<1000x32xf32>,
    %slice3A_19 = vector.extract_strided_slice %dot_general3A_15 {offsets = [0, 32], sizes = [1000, 32], strides = [1, 1]} : vector<1000x64xf32> to vector<1000x32xf32>
    %swap3A_20 = arith.constant 0 : index
    %swap3A_21 = arith.constant 0 : index
    %swap3A_22 = vector.load %arg7[%swap3A_20, %swap3A_21] : memref<1000x32xf32, #tpu.memory_space<vmem>>, vector<1000x32xf32>
    tpu.vector_store %arg7[%swap3A_20, %swap3A_21], %slice3A_19 {strides = array<i32>} : memref<1000x32xf32, #tpu.memory_space<vmem>>, vector<1000x32xf32>,
    return
  }
  func.func @transform_0(%arg0: i32) -> (i32, i32) {
    %c0_i32 = arith.constant 0 : i32
    %c0_i32_0 = arith.constant 0 : i32
    return %arg0, %c0_i32 : i32, i32
  }
  func.func @transform_1(%arg0: i32) -> (i32, i32) {
    %c0_i32 = arith.constant 0 : i32
    %c0_i32_0 = arith.constant 0 : i32
    return %arg0, %c0_i32 : i32, i32
  }
  func.func @transform_2(%arg0: i32) -> (i32, i32) {
    %c0_i32 = arith.constant 0 : i32
    %c0_i32_0 = arith.constant 0 : i32
    return %arg0, %c0_i32 : i32, i32
  }
  func.func @transform_3(%arg0: i32) -> (i32, i32) {
    %c0_i32 = arith.constant 0 : i32
    %c0_i32_0 = arith.constant 0 : i32
    %c0_i32_1 = arith.constant 0 : i32
    return %c0_i32, %c0_i32_0 : i32, i32
  }
  func.func @transform_4(%arg0: i32) -> (i32, i32) {
    %c0_i32 = arith.constant 0 : i32
    %c0_i32_0 = arith.constant 0 : i32
    return %arg0, %c0_i32 : i32, i32
  }
  func.func @transform_5(%arg0: i32) -> (i32, i32) {
    %c0_i32 = arith.constant 0 : i32
    %c0_i32_0 = arith.constant 0 : i32
    return %arg0, %c0_i32 : i32, i32
  }
  func.func @transform_6(%arg0: i32) -> (i32, i32) {
    %c0_i32 = arith.constant 0 : i32
    %c0_i32_0 = arith.constant 0 : i32
    return %arg0, %c0_i32 : i32, i32
  }
}

module attributes {stable_mosaic.version = 14 : i64} {
  func.func @_final_body(%arg0: i32, %arg1: memref<1000x32xf32, #tpu.memory_space<vmem>>, %arg2: memref<1000x32xf32, #tpu.memory_space<vmem>>, %arg3: memref<1000x64xf32, #tpu.memory_space<vmem>>, %arg4: memref<1000x1xf32, #tpu.memory_space<vmem>>, %arg5: memref<64x64xf32, #tpu.memory_space<vmem>>, %arg6: memref<1x64xf32, #tpu.memory_space<vmem>>, %arg7: memref<64x10xf32, #tpu.memory_space<vmem>>, %arg8: memref<1x10xf32, #tpu.memory_space<vmem>>, %arg9: memref<8x10xf32, #tpu.memory_space<vmem>>, %arg10: memref<8x64xf32, #tpu.memory_space<vmem>>) attributes {dimension_semantics = [#tpu.dimension_semantics<arbitrary>], iteration_bounds = array<i64: 50>, scalar_prefetch = 0 : i64, scratch_operands = 1 : i64, tpu.core_type = #tpu.core_type<tc>, window_params = [{transform_indices = @transform_0, window_bounds = array<i64: 1000, 32>}, {transform_indices = @transform_1, window_bounds = array<i64: 1000, 32>}, {transform_indices = @transform_2, window_bounds = array<i64: 1000, 64>}, {transform_indices = @transform_3, window_bounds = array<i64: 1000, 1>}, {pipeline_mode = #tpu.pipeline_mode<synchronous>, transform_indices = @transform_4, window_bounds = array<i64: 64, 64>}, {pipeline_mode = #tpu.pipeline_mode<synchronous>, transform_indices = @transform_5, window_bounds = array<i64: 1, 64>}, {pipeline_mode = #tpu.pipeline_mode<synchronous>, transform_indices = @transform_6, window_bounds = array<i64: 64, 10>}, {pipeline_mode = #tpu.pipeline_mode<synchronous>, transform_indices = @transform_7, window_bounds = array<i64: 1, 10>}, {pipeline_mode = #tpu.pipeline_mode<synchronous>, transform_indices = @transform_8, window_bounds = array<i64: 8, 10>}]} {
    %get3A = arith.constant 0 : index
    %get3A_0 = arith.constant 0 : index
    %get3A_1 = vector.load %arg1[%get3A, %get3A_0] : memref<1000x32xf32, #tpu.memory_space<vmem>>, vector<1000x32xf32>
    %get3A_2 = arith.constant 0 : index
    %get3A_3 = arith.constant 0 : index
    %get3A_4 = vector.load %arg2[%get3A_2, %get3A_3] : memref<1000x32xf32, #tpu.memory_space<vmem>>, vector<1000x32xf32>
    %concatenate3A = tpu.concatenate %get3A_1, %get3A_4 in 1 : vector<1000x32xf32>, vector<1000x32xf32> -> vector<1000x64xf32>
    %max3A = arith.constant 0.000000e+00 : f32
    %max3A_5 = vector.broadcast %max3A : f32 to vector<1000x64xf32>
    %max3A_6 = arith.maximumf %concatenate3A, %max3A_5 : vector<1000x64xf32>
    %get3A_7 = arith.constant 0 : index
    %get3A_8 = arith.constant 0 : index
    %get3A_9 = vector.load %arg3[%get3A_7, %get3A_8] : memref<1000x64xf32, #tpu.memory_space<vmem>>, vector<1000x64xf32>
    %add3A = arith.addf %max3A_6, %get3A_9 : vector<1000x64xf32>
    %get3A_10 = arith.constant 0 : index
    %get3A_11 = arith.constant 0 : index
    %get3A_12 = vector.load %arg4[%get3A_10, %get3A_11] : memref<1000x1xf32, #tpu.memory_space<vmem>>, vector<1000x1xf32>
    %eq3A = arith.constant 0 : i32
    %eq3A_13 = arith.cmpi eq, %arg0, %eq3A : i32
    %convert_element_type3A = arith.extui %eq3A_13 : i1 to i32
    %cond3A = arith.constant 0 : i32
    %cond3A_14 = arith.cmpi ne, %convert_element_type3A, %cond3A : i32
    scf.if %cond3A_14 {
      %broadcast_in_dim3A_111 = arith.constant 0xFF800000 : f32
      %broadcast_in_dim3A_112 = vector.broadcast %broadcast_in_dim3A_111 : f32 to vector<8x64xf32>
      %swap3A_113 = arith.constant 0 : index
      %swap3A_114 = arith.constant 0 : index
      %swap3A_115 = vector.load %arg10[%swap3A_113, %swap3A_114] : memref<8x64xf32, #tpu.memory_space<vmem>>, vector<8x64xf32>
      tpu.vector_store %arg10[%swap3A_113, %swap3A_114], %broadcast_in_dim3A_112 {strides = array<i32>} : memref<8x64xf32, #tpu.memory_space<vmem>>, vector<8x64xf32>,
    } else {
    }
    %eq3A_15 = arith.constant 0.000000e+00 : f32
    %eq3A_16 = vector.broadcast %eq3A_15 : f32 to vector<1000x1xf32>
    %eq3A_17 = arith.cmpf oeq, %get3A_12, %eq3A_16 : vector<1000x1xf32>
    %jit3A = arith.constant 0xFF800000 : f32
    %broadcast_in_dim3A = vector.shape_cast %eq3A_17 : vector<1000x1xi1> to vector<1000x1xi1>
    %broadcast_in_dim3A_18 = vector.broadcast %broadcast_in_dim3A : vector<1000x1xi1> to vector<1000x64xi1>
    %broadcast_in_dim3A_19 = vector.broadcast %jit3A : f32 to vector<1000x64xf32>
    %select_n3A = arith.select %broadcast_in_dim3A_18, %add3A, %broadcast_in_dim3A_19 : vector<1000x64xi1>, vector<1000x64xf32>
    %reduce_max3A = arith.constant dense<0xFF800000> : vector<64xf32>
    %reduce_max3A_20 = vector.multi_reduction <maximumf>, %select_n3A, %reduce_max3A [0] : vector<1000x64xf32> to vector<64xf32>
    %broadcast_in_dim3A_21 = vector.shape_cast %reduce_max3A_20 : vector<64xf32> to vector<1x64xf32>
    %eq3A_22 = arith.constant 1.000000e+00 : f32
    %eq3A_23 = vector.broadcast %eq3A_22 : f32 to vector<1000x1xf32>
    %eq3A_24 = arith.cmpf oeq, %get3A_12, %eq3A_23 : vector<1000x1xf32>
    %jit3A_25 = arith.constant 0xFF800000 : f32
    %broadcast_in_dim3A_26 = vector.shape_cast %eq3A_24 : vector<1000x1xi1> to vector<1000x1xi1>
    %broadcast_in_dim3A_27 = vector.broadcast %broadcast_in_dim3A_26 : vector<1000x1xi1> to vector<1000x64xi1>
    %broadcast_in_dim3A_28 = vector.broadcast %jit3A_25 : f32 to vector<1000x64xf32>
    %select_n3A_29 = arith.select %broadcast_in_dim3A_27, %add3A, %broadcast_in_dim3A_28 : vector<1000x64xi1>, vector<1000x64xf32>
    %reduce_max3A_30 = arith.constant dense<0xFF800000> : vector<64xf32>
    %reduce_max3A_31 = vector.multi_reduction <maximumf>, %select_n3A_29, %reduce_max3A_30 [0] : vector<1000x64xf32> to vector<64xf32>
    %broadcast_in_dim3A_32 = vector.shape_cast %reduce_max3A_31 : vector<64xf32> to vector<1x64xf32>
    %eq3A_33 = arith.constant 2.000000e+00 : f32
    %eq3A_34 = vector.broadcast %eq3A_33 : f32 to vector<1000x1xf32>
    %eq3A_35 = arith.cmpf oeq, %get3A_12, %eq3A_34 : vector<1000x1xf32>
    %jit3A_36 = arith.constant 0xFF800000 : f32
    %broadcast_in_dim3A_37 = vector.shape_cast %eq3A_35 : vector<1000x1xi1> to vector<1000x1xi1>
    %broadcast_in_dim3A_38 = vector.broadcast %broadcast_in_dim3A_37 : vector<1000x1xi1> to vector<1000x64xi1>
    %broadcast_in_dim3A_39 = vector.broadcast %jit3A_36 : f32 to vector<1000x64xf32>
    %select_n3A_40 = arith.select %broadcast_in_dim3A_38, %add3A, %broadcast_in_dim3A_39 : vector<1000x64xi1>, vector<1000x64xf32>
    %reduce_max3A_41 = arith.constant dense<0xFF800000> : vector<64xf32>
    %reduce_max3A_42 = vector.multi_reduction <maximumf>, %select_n3A_40, %reduce_max3A_41 [0] : vector<1000x64xf32> to vector<64xf32>
    %broadcast_in_dim3A_43 = vector.shape_cast %reduce_max3A_42 : vector<64xf32> to vector<1x64xf32>
    %eq3A_44 = arith.constant 3.000000e+00 : f32
    %eq3A_45 = vector.broadcast %eq3A_44 : f32 to vector<1000x1xf32>
    %eq3A_46 = arith.cmpf oeq, %get3A_12, %eq3A_45 : vector<1000x1xf32>
    %jit3A_47 = arith.constant 0xFF800000 : f32
    %broadcast_in_dim3A_48 = vector.shape_cast %eq3A_46 : vector<1000x1xi1> to vector<1000x1xi1>
    %broadcast_in_dim3A_49 = vector.broadcast %broadcast_in_dim3A_48 : vector<1000x1xi1> to vector<1000x64xi1>
    %broadcast_in_dim3A_50 = vector.broadcast %jit3A_47 : f32 to vector<1000x64xf32>
    %select_n3A_51 = arith.select %broadcast_in_dim3A_49, %add3A, %broadcast_in_dim3A_50 : vector<1000x64xi1>, vector<1000x64xf32>
    %reduce_max3A_52 = arith.constant dense<0xFF800000> : vector<64xf32>
    %reduce_max3A_53 = vector.multi_reduction <maximumf>, %select_n3A_51, %reduce_max3A_52 [0] : vector<1000x64xf32> to vector<64xf32>
    %broadcast_in_dim3A_54 = vector.shape_cast %reduce_max3A_53 : vector<64xf32> to vector<1x64xf32>
    %eq3A_55 = arith.constant 4.000000e+00 : f32
    %eq3A_56 = vector.broadcast %eq3A_55 : f32 to vector<1000x1xf32>
    %eq3A_57 = arith.cmpf oeq, %get3A_12, %eq3A_56 : vector<1000x1xf32>
    %jit3A_58 = arith.constant 0xFF800000 : f32
    %broadcast_in_dim3A_59 = vector.shape_cast %eq3A_57 : vector<1000x1xi1> to vector<1000x1xi1>
    %broadcast_in_dim3A_60 = vector.broadcast %broadcast_in_dim3A_59 : vector<1000x1xi1> to vector<1000x64xi1>
    %broadcast_in_dim3A_61 = vector.broadcast %jit3A_58 : f32 to vector<1000x64xf32>
    %select_n3A_62 = arith.select %broadcast_in_dim3A_60, %add3A, %broadcast_in_dim3A_61 : vector<1000x64xi1>, vector<1000x64xf32>
    %reduce_max3A_63 = arith.constant dense<0xFF800000> : vector<64xf32>
    %reduce_max3A_64 = vector.multi_reduction <maximumf>, %select_n3A_62, %reduce_max3A_63 [0] : vector<1000x64xf32> to vector<64xf32>
    %broadcast_in_dim3A_65 = vector.shape_cast %reduce_max3A_64 : vector<64xf32> to vector<1x64xf32>
    %eq3A_66 = arith.constant 5.000000e+00 : f32
    %eq3A_67 = vector.broadcast %eq3A_66 : f32 to vector<1000x1xf32>
    %eq3A_68 = arith.cmpf oeq, %get3A_12, %eq3A_67 : vector<1000x1xf32>
    %jit3A_69 = arith.constant 0xFF800000 : f32
    %broadcast_in_dim3A_70 = vector.shape_cast %eq3A_68 : vector<1000x1xi1> to vector<1000x1xi1>
    %broadcast_in_dim3A_71 = vector.broadcast %broadcast_in_dim3A_70 : vector<1000x1xi1> to vector<1000x64xi1>
    %broadcast_in_dim3A_72 = vector.broadcast %jit3A_69 : f32 to vector<1000x64xf32>
    %select_n3A_73 = arith.select %broadcast_in_dim3A_71, %add3A, %broadcast_in_dim3A_72 : vector<1000x64xi1>, vector<1000x64xf32>
    %reduce_max3A_74 = arith.constant dense<0xFF800000> : vector<64xf32>
    %reduce_max3A_75 = vector.multi_reduction <maximumf>, %select_n3A_73, %reduce_max3A_74 [0] : vector<1000x64xf32> to vector<64xf32>
    %broadcast_in_dim3A_76 = vector.shape_cast %reduce_max3A_75 : vector<64xf32> to vector<1x64xf32>
    %eq3A_77 = arith.constant 6.000000e+00 : f32
    %eq3A_78 = vector.broadcast %eq3A_77 : f32 to vector<1000x1xf32>
    %eq3A_79 = arith.cmpf oeq, %get3A_12, %eq3A_78 : vector<1000x1xf32>
    %jit3A_80 = arith.constant 0xFF800000 : f32
    %broadcast_in_dim3A_81 = vector.shape_cast %eq3A_79 : vector<1000x1xi1> to vector<1000x1xi1>
    %broadcast_in_dim3A_82 = vector.broadcast %broadcast_in_dim3A_81 : vector<1000x1xi1> to vector<1000x64xi1>
    %broadcast_in_dim3A_83 = vector.broadcast %jit3A_80 : f32 to vector<1000x64xf32>
    %select_n3A_84 = arith.select %broadcast_in_dim3A_82, %add3A, %broadcast_in_dim3A_83 : vector<1000x64xi1>, vector<1000x64xf32>
    %reduce_max3A_85 = arith.constant dense<0xFF800000> : vector<64xf32>
    %reduce_max3A_86 = vector.multi_reduction <maximumf>, %select_n3A_84, %reduce_max3A_85 [0] : vector<1000x64xf32> to vector<64xf32>
    %broadcast_in_dim3A_87 = vector.shape_cast %reduce_max3A_86 : vector<64xf32> to vector<1x64xf32>
    %eq3A_88 = arith.constant 7.000000e+00 : f32
    %eq3A_89 = vector.broadcast %eq3A_88 : f32 to vector<1000x1xf32>
    %eq3A_90 = arith.cmpf oeq, %get3A_12, %eq3A_89 : vector<1000x1xf32>
    %jit3A_91 = arith.constant 0xFF800000 : f32
    %broadcast_in_dim3A_92 = vector.shape_cast %eq3A_90 : vector<1000x1xi1> to vector<1000x1xi1>
    %broadcast_in_dim3A_93 = vector.broadcast %broadcast_in_dim3A_92 : vector<1000x1xi1> to vector<1000x64xi1>
    %broadcast_in_dim3A_94 = vector.broadcast %jit3A_91 : f32 to vector<1000x64xf32>
    %select_n3A_95 = arith.select %broadcast_in_dim3A_93, %add3A, %broadcast_in_dim3A_94 : vector<1000x64xi1>, vector<1000x64xf32>
    %reduce_max3A_96 = arith.constant dense<0xFF800000> : vector<64xf32>
    %reduce_max3A_97 = vector.multi_reduction <maximumf>, %select_n3A_95, %reduce_max3A_96 [0] : vector<1000x64xf32> to vector<64xf32>
    %broadcast_in_dim3A_98 = vector.shape_cast %reduce_max3A_97 : vector<64xf32> to vector<1x64xf32>
    %concatenate3A_99 = tpu.concatenate %broadcast_in_dim3A_21, %broadcast_in_dim3A_32, %broadcast_in_dim3A_43, %broadcast_in_dim3A_54, %broadcast_in_dim3A_65, %broadcast_in_dim3A_76, %broadcast_in_dim3A_87, %broadcast_in_dim3A_98 in 0 : vector<1x64xf32>, vector<1x64xf32>, vector<1x64xf32>, vector<1x64xf32>, vector<1x64xf32>, vector<1x64xf32>, vector<1x64xf32>, vector<1x64xf32> -> vector<8x64xf32>
    %get3A_100 = arith.constant 0 : index
    %get3A_101 = arith.constant 0 : index
    %get3A_102 = vector.load %arg10[%get3A_100, %get3A_101] : memref<8x64xf32, #tpu.memory_space<vmem>>, vector<8x64xf32>
    %max3A_103 = arith.maximumf %get3A_102, %concatenate3A_99 : vector<8x64xf32>
    %swap3A = arith.constant 0 : index
    %swap3A_104 = arith.constant 0 : index
    %swap3A_105 = vector.load %arg10[%swap3A, %swap3A_104] : memref<8x64xf32, #tpu.memory_space<vmem>>, vector<8x64xf32>
    tpu.vector_store %arg10[%swap3A, %swap3A_104], %max3A_103 {strides = array<i32>} : memref<8x64xf32, #tpu.memory_space<vmem>>, vector<8x64xf32>,
    %eq3A_106 = arith.constant 49 : i32
    %eq3A_107 = arith.cmpi eq, %arg0, %eq3A_106 : i32
    %convert_element_type3A_108 = arith.extui %eq3A_107 : i1 to i32
    %cond3A_109 = arith.constant 0 : i32
    %cond3A_110 = arith.cmpi ne, %convert_element_type3A_108, %cond3A_109 : i32
    scf.if %cond3A_110 {
      %get3A_111 = arith.constant 0 : index
      %get3A_112 = arith.constant 0 : index
      %get3A_113 = vector.load %arg10[%get3A_111, %get3A_112] : memref<8x64xf32, #tpu.memory_space<vmem>>, vector<8x64xf32>
      %get3A_114 = arith.constant 0 : index
      %get3A_115 = arith.constant 0 : index
      %get3A_116 = vector.load %arg5[%get3A_114, %get3A_115] : memref<64x64xf32, #tpu.memory_space<vmem>>, vector<64x64xf32>
      %dot_general3A = arith.constant dense<0.000000e+00> : vector<8x64xf32>
      %dot_general3A_117 = tpu.matmul %get3A_113, %get3A_116, %dot_general3A {dimension_numbers = #tpu.dot_dimension_numbers<[1], [0], [0], [1], [0, 0, 1, 1], [], []>, transpose_lhs_hint = false} : vector<8x64xf32>, vector<64x64xf32>, vector<8x64xf32> -> vector<8x64xf32>
      %get3A_118 = arith.constant 0 : index
      %get3A_119 = arith.constant 0 : index
      %get3A_120 = vector.load %arg6[%get3A_118, %get3A_119] : memref<1x64xf32, #tpu.memory_space<vmem>>, vector<1x64xf32>
      %add3A_121 = vector.broadcast %get3A_120 : vector<1x64xf32> to vector<8x64xf32>
      %add3A_122 = arith.addf %dot_general3A_117, %add3A_121 : vector<8x64xf32>
      %tanh3A = math.tanh %add3A_122 : vector<8x64xf32>
      %get3A_123 = arith.constant 0 : index
      %get3A_124 = arith.constant 0 : index
      %get3A_125 = vector.load %arg7[%get3A_123, %get3A_124] : memref<64x10xf32, #tpu.memory_space<vmem>>, vector<64x10xf32>
      %dot_general3A_126 = arith.constant dense<0.000000e+00> : vector<8x10xf32>
      %dot_general3A_127 = tpu.matmul %tanh3A, %get3A_125, %dot_general3A_126 {dimension_numbers = #tpu.dot_dimension_numbers<[1], [0], [0], [1], [0, 0, 1, 1], [], []>, transpose_lhs_hint = false} : vector<8x64xf32>, vector<64x10xf32>, vector<8x10xf32> -> vector<8x10xf32>
      %get3A_128 = arith.constant 0 : index
      %get3A_129 = arith.constant 0 : index
      %get3A_130 = vector.load %arg8[%get3A_128, %get3A_129] : memref<1x10xf32, #tpu.memory_space<vmem>>, vector<1x10xf32>
      %add3A_131 = vector.broadcast %get3A_130 : vector<1x10xf32> to vector<8x10xf32>
      %add3A_132 = arith.addf %dot_general3A_127, %add3A_131 : vector<8x10xf32>
      %swap3A_133 = arith.constant 0 : index
      %swap3A_134 = arith.constant 0 : index
      %swap3A_135 = vector.load %arg9[%swap3A_133, %swap3A_134] : memref<8x10xf32, #tpu.memory_space<vmem>>, vector<8x10xf32>
      tpu.vector_store %arg9[%swap3A_133, %swap3A_134], %add3A_132 {strides = array<i32>} : memref<8x10xf32, #tpu.memory_space<vmem>>, vector<8x10xf32>,
    } else {
    }
    return
  }
  func.func @transform_0(%arg0: i32) -> (i32, i32) {
    %c0_i32 = arith.constant 0 : i32
    %c0_i32_0 = arith.constant 0 : i32
    return %arg0, %c0_i32 : i32, i32
  }
  func.func @transform_1(%arg0: i32) -> (i32, i32) {
    %c0_i32 = arith.constant 0 : i32
    %c0_i32_0 = arith.constant 0 : i32
    return %arg0, %c0_i32 : i32, i32
  }
  func.func @transform_2(%arg0: i32) -> (i32, i32) {
    %c0_i32 = arith.constant 0 : i32
    %c0_i32_0 = arith.constant 0 : i32
    return %arg0, %c0_i32 : i32, i32
  }
  func.func @transform_3(%arg0: i32) -> (i32, i32) {
    %c0_i32 = arith.constant 0 : i32
    %c0_i32_0 = arith.constant 0 : i32
    return %arg0, %c0_i32 : i32, i32
  }
  func.func @transform_4(%arg0: i32) -> (i32, i32) {
    %c0_i32 = arith.constant 0 : i32
    %c0_i32_0 = arith.constant 0 : i32
    %c0_i32_1 = arith.constant 0 : i32
    return %c0_i32, %c0_i32_0 : i32, i32
  }
  func.func @transform_5(%arg0: i32) -> (i32, i32) {
    %c0_i32 = arith.constant 0 : i32
    %c0_i32_0 = arith.constant 0 : i32
    %c0_i32_1 = arith.constant 0 : i32
    return %c0_i32, %c0_i32_0 : i32, i32
  }
  func.func @transform_6(%arg0: i32) -> (i32, i32) {
    %c0_i32 = arith.constant 0 : i32
    %c0_i32_0 = arith.constant 0 : i32
    %c0_i32_1 = arith.constant 0 : i32
    return %c0_i32, %c0_i32_0 : i32, i32
  }
  func.func @transform_7(%arg0: i32) -> (i32, i32) {
    %c0_i32 = arith.constant 0 : i32
    %c0_i32_0 = arith.constant 0 : i32
    %c0_i32_1 = arith.constant 0 : i32
    return %c0_i32, %c0_i32_0 : i32, i32
  }
  func.func @transform_8(%arg0: i32) -> (i32, i32) {
    %c0_i32 = arith.constant 0 : i32
    %c0_i32_0 = arith.constant 0 : i32
    %c0_i32_1 = arith.constant 0 : i32
    return %c0_i32, %c0_i32_0 : i32, i32
  }
}

</mosaic_0001>

<sc_bundles>
// kernel: kernel.11.cloned.1.call-start
scs
__scs_entry_jumppad:
0x0: {  	(pc) =	sbr.rel $0x88, $3  }
0x1: {  	(tag) =	ssettag $0x0;
	lr =	simm.s32 $0x1  }
0x2: {  	[smem:$0x3F97] =	sst lr;
	_ =	strace $0xD0000000  }
0x3: {  	_ = 	snop  }
0x4: {  	_ = 	snop  }
0x5: {  	_ = 	snop  }
0x6: {  	_ = 	snop  }
0x7: {  	_ = 	snop  }
__scs_overlays_trampoline_lowered:
0x8: {  	[smem:$0x3FA6] =	sst s0  }
0x9: {  	[smem:$0x3FA7] =	sst s1  }
0xa: {  	[smem:$0x3FA8] =	sst s2  }
0xb: {  	[smem:$0x3FA9] =	sst s3  }
0xc: {  	[smem:$0x3FAA] =	sst s4  }
0xd: {  	[smem:$0x3FAB] =	sst s5  }
0xe: {  	[smem:$0x3FAC] =	sst s6  }
0xf: {  	[smem:$0x3FAD] =	sst s7  }
0x10: {  	[smem:$0x3FAE] =	sst s8  }
0x11: {  	[smem:$0x3FAF] =	sst s9;
	s0 =	simm.s32 @!p0 $0x0  }
0x12: {  	s1 =	sld [smem:$0x3F95];
	s0 =	simm.s32 @p0 $0x1  }
0x13: {  	[smem:$0x3FB0] =	sst s0;
	s0 =	simm.s32 @!p1 $0x0  }
0x14: {  	s2 =	sld [smem:$0x3F94];
	s0 =	simm.s32 @p1 $0x1  }
0x15: {  	[smem:$0x3FB1] =	sst s0;
	s0 =	simm.s32 @!p2 $0x0  }
0x16: {  	s3 =	sld [smem:$0x3FDB];
	s0 =	simm.s32 @p2 $0x1  }
0x17: {  	s4 =	simm.s32 $0x1BF5;
	[smem:$0x3FB3] =	sst s0  }
0x18: {  	s0 =	sld [smem:$0x3F96];
	_ =	swait.ge [sflag:s4], $0x0  }
0x19: {  	s7 =	sld [smem:$0x3F97]  }
0x1a: {  	s8 =	sadd.s32 $0xFFFFE003, lr  }
0x1b: {  	s9 =	sadd.s32 $0xFFFFFEF7, lr;
	s5 =	simm.s32 $0xFFFFFFFF;
	p2 =	slt.u32 s8, $0xFFFFF086  }
0x1c: {  	p1 =	slt.u32 s9, $0xF7A;
	s5 =	simm.s32 @!p2 $0x0  }
0x1d: {  	s5 =	simm.s32 @p1 $0x1;
	p0 =	seq.s32 s7, s2  }
0x1e: {  	s7 =	smul.u32 @!p0 $0xF7A, s2;
	p2 =	seq.s32 @!p0 s5, $0x0  }
0x1f: {  	s9 =	smul.u32 $0xF7A, s1;
	s8 =	simm.s32 @!p0 $0x1BF5;
	p2 =	por !p2, p0  }
0x20: {  	[sflag:s8] =	ssyncset.s32 @!p0 $0xFFFFF086;
	s6 =	sadd.s32 @!p0 s3, s7;
	s7 =	simm.s32 @!p0 $0x108  }
0x21: {  	s3 =	sadd.s32 s3, s9;
	s6 =	sadd.s32 @!p0 $0x88, s6;
	s7 =	simm.s32 @p2 $0x1082  }
0x22: {  	[simem:s7], [sflag:s8] =	dma.local @!p0 [hbm:s6], $0xF7A  }
0x23: {  	s9 =	sor.u32 $0xD0000000, s2;
	s6 =	simm.s32 $0x108;
	_ =	swait.ge @!p0 [sflag:s8], $0x0  }
0x24: {  	s3 =	sadd.s32 $0x88, s3;
	s6 =	simm.s32 @!p1 $0x1082;
	[sflag:s4] =	ssyncset.s32 $0xFFFFF086  }
0x25: {  	[simem:s6], [sflag:s4] =	dma.local [hbm:s3], $0xF7A  }
0x26: {  	[smem:$0x3F97] =	sst s1;
	(tag) =	ssettag s2;
	_ =	strace s9  }
0x27: {  	s1 =	sld [smem:$0x3FA7]  }
0x28: {  	s2 =	sld [smem:$0x3FA8]  }
0x29: {  	s4 =	sld [smem:$0x3FAA]  }
0x2a: {  	p0 =	seq.s32 s5, $0x0;
	s5 =	sld [smem:$0x3FAB]  }
0x2b: {  	s6 =	sld [smem:$0x3FAC]  }
0x2c: {  	s7 =	sld [smem:$0x3FAD]  }
0x2d: {  	s3 =	simm.s32 $0x108;
	s8 =	sld [smem:$0x3FAE]  }
0x2e: {  	s3 =	simm.s32 @!p0 $0x1082;
	s9 =	sld [smem:$0x3FAF]  }
0x2f: {  	lr =	sadd.s32 s0, s3;
	s0 =	sld [smem:$0x3FA6]  }
0x30: {  	s3 =	sld [smem:$0x3FA9]  }
0x31: {  	[smem:$0x3FB2] =	sst s10  }
0x32: {  	s10 =	sld [smem:$0x3FB0];
	_ =	sdelay $0x3  }
0x33: {  	p0 =	seq.s32 s10, $0x1;
	s10 =	sld [smem:$0x3FB2];
	_ =	sdelay $0x3  }
0x34: {  	[smem:$0x3FB2] =	sst s10  }
0x35: {  	s10 =	sld [smem:$0x3FB1];
	_ =	sdelay $0x3  }
0x36: {  	p1 =	seq.s32 s10, $0x1;
	s10 =	sld [smem:$0x3FB2];
	_ =	sdelay $0x3  }
0x37: {  	[smem:$0x3FB2] =	sst s10  }
0x38: {  	s10 =	sld [smem:$0x3FB3]  }
0x39: {  	_ = 	snop;
	(pc) =	sbr.ind lr, $3  }
0x3a: {  	_ = 	snop  }
0x3b: {  	_ = 	snop  }
0x3c: {  	p2 =	seq.s32 s10, $0x1;
	s10 =	sld [smem:$0x3FB2]  }
0x3d: {  	_ =	shalt  }
0x3e: {  	_ =	shalt  }
0x3f: {  	_ =	shalt  }
0x40: {  	_ =	shalt  }
0x41: {  	_ =	shalt  }
0x42: {  	_ =	shalt  }
0x43: {  	_ =	shalt  }
0x44: {  	_ =	shalt  }
0x45: {  	_ =	shalt  }
0x46: {  	_ =	shalt  }
0x47: {  	_ =	shalt  }
0x48: {  	_ =	shalt  }
0x49: {  	_ =	shalt  }
0x4a: {  	_ =	shalt  }
0x4b: {  	_ =	shalt  }
0x4c: {  	_ =	shalt  }
0x4d: {  	_ =	shalt  }
0x4e: {  	_ =	shalt  }
0x4f: {  	_ =	shalt  }
0x50: {  	_ =	shalt  }
0x51: {  	_ =	shalt  }
0x52: {  	_ =	shalt  }
0x53: {  	_ =	shalt  }
0x54: {  	_ =	shalt  }
0x55: {  	_ =	shalt  }
0x56: {  	_ =	shalt  }
0x57: {  	_ =	shalt  }
0x58: {  	_ =	shalt  }
0x59: {  	_ =	shalt  }
0x5a: {  	_ =	shalt  }
0x5b: {  	_ =	shalt  }
0x5c: {  	_ =	shalt  }
0x5d: {  	_ =	shalt  }
0x5e: {  	_ =	shalt  }
0x5f: {  	_ =	shalt  }
0x60: {  	_ =	shalt  }
0x61: {  	_ =	shalt  }
0x62: {  	_ =	shalt  }
0x63: {  	_ =	shalt  }
0x64: {  	_ =	shalt  }
0x65: {  	_ =	shalt  }
0x66: {  	_ =	shalt  }
0x67: {  	_ =	shalt  }
0x68: {  	_ =	shalt  }
0x69: {  	_ =	shalt  }
0x6a: {  	_ =	shalt  }
0x6b: {  	_ =	shalt  }
0x6c: {  	_ =	shalt  }
0x6d: {  	_ =	shalt  }
0x6e: {  	_ =	shalt  }
0x6f: {  	_ =	shalt  }
0x70: {  	_ =	shalt  }
0x71: {  	_ =	shalt  }
0x72: {  	_ =	shalt  }
0x73: {  	_ =	shalt  }
0x74: {  	_ =	shalt  }
0x75: {  	_ =	shalt  }
0x76: {  	_ =	shalt  }
0x77: {  	_ =	shalt  }
0x78: {  	_ =	shalt  }
0x79: {  	_ =	shalt  }
0x7a: {  	_ =	shalt  }
0x7b: {  	_ =	shalt  }
0x7c: {  	_ =	shalt  }
0x7d: {  	_ =	shalt  }
0x7e: {  	_ =	shalt  }
0x7f: {  	_ =	shalt  }
0x80: {  	_ =	shalt  }
0x81: {  	_ =	shalt  }
0x82: {  	_ =	shalt  }
0x83: {  	_ =	shalt  }
0x84: {  	_ =	shalt  }
0x85: {  	_ =	shalt  }
0x86: {  	_ =	shalt  }
0x87: {  	_ =	shalt  }
.Lfunc_end0:
.L_simem_size_0:
called_computation.1_lowered:
.L_overlay_start_0:
0x88: {  	s2 =	sld [smem:$0x3FD9]  }
0x89: {  	s3 =	sld [smem:$0x3FFE];
	_ =	sdelay $0x1  }
0x8a: {  	s1 =	srdreg.scid  }
0x8b: {  	s0 =	sand.u32 $0x1, s1  }
0x8c: {  	s17 =	sshll.u32 s0, $0xA;
	s2 =	sadd.s32 s3, s2  }
0x8d: {  	s2 =	sadd.s32 s2, s17  }
0x8e: {  	[smem:$0x3FBE] =	sst s2  }
0x8f: {  	_ = 	snop  }
0x90: {  	s2 =	sld [smem:$0x3FC7];
	(tm) =	ssettm $0x1  }
0x91: {  	s18 =	sld [smem:$0x3FFB];
	_ =	sdelay $0x3  }
0x92: {  	_ =	strace s18  }
0x93: {  	s3 =	sld [smem:$0x3FFC];
	_ =	sdelay $0x3  }
0x94: {  	_ =	strace s3  }
0x95: {  	s3 =	sld [smem:$0x3FFD];
	_ =	sdelay $0x3  }
0x96: {  	_ =	strace s3  }
0x97: {  	_ =	strace $0x8FFFFFFF  }
0x98: {  	s19 =	sld [smem:$0x3FDB];
	_ =	sdelay $0x1  }
0x99: {  	s4 =	simm.s32 $_scs_section_size  }
0x9a: {  	s5 =	simm.s32 $_size__tile_overlayer_lowered;
	s6 =	simm.s32 $_tile_overlayer_lowered  }
0x9b: {  	s22 =	simm.s32 $0x1BFF;
	s21 =	sshll.u32 s6, $0x1;
	s3 =	sadd.s32 s4, s19  }
0x9c: {  	s7 =	simm.s32 $0x0;
	s20 =	sshll.u32 s5, $0x1;
	s5 =	sadd.s32 s21, s3  }
0x9d: {  	[timem:s7], [sflag:s22] =	dma.local [hbm:s5], s20  }
0x9e: {  	_ =	swait.ge [sflag:s22], s20  }
0x9f: {  	s4 =	ssub.s32 $0x0, s20;
	[sflag:s22] =	ssyncset.done $0x0  }
0xa0: {  	[sflag:s22] =	ssyncadd.s32 s4;
	_ =	sdelay $0x1  }
0xa1: {  	s23 =	simm.s32 $0x1B8B  }
0xa2: {  	_ =	swait.ge [sflag:s23], $0x1  }
0xa3: {  	[sflag:s23] =	ssyncset.done $0x0  }
0xa4: {  	s25 =	simm.s32 $0x1B8E;
	s24 =	sld [smem:$0x3FFE];
	[sflag:s23] =	ssyncadd.s32 $0xFFFFFFFF  }
0xa5: {  	s26 =	simm.s32 $execute0_lowered;
	[smem:$0x3FD2] =	sst s25  }
0xa6: {  	s5 =	sshll.u32 s26, $0x1;
	_ =	strace $0x80000049;
	[dreg:$0x1] =	wrdreg $0xFFFFFFFF  }
0xa7: {  	s28 =	simm.s32 $_size_execute0_lowered;
	s3 =	sadd.s32 s3, s5;
	[dreg:$0x0] =	wrdreg $0x0  }
0xa8: {  	s5 =	sshll.u32 s28, $0x1;
	[dreg:$0x2] =	wrdreg s3  }
0xa9: {  	[dreg:$0x3] =	wrdreg s5  }
0xaa: {  	[dreg:$0x4] =	wrdreg $0xC0  }
0xab: {  	_ =	task [dreg:s7], $0x5FFFF  }
0xac: {  	[dreg:$0x1] =	wrdreg $0xFFFFFFFF  }
0xad: {  	[dreg:$0x0] =	wrdreg $0x60  }
0xae: {  	[dreg:$0x2] =	wrdreg s24  }
0xaf: {  	[dreg:$0x3] =	wrdreg s2  }
0xb0: {  	[dreg:$0x4] =	wrdreg $0x2DF00  }
0xb1: {  	[dreg:$0x5] =	wrdreg $0x9  }
0xb2: {  	_ =	task.clear_ibuf [dreg:s7], $0x6FFFF;
	_ =	strace $0x90000049  }
0xb3: {  	s29 =	simm.s32 $0x9;
	_ =	strace $0x8000004B  }
0xb4: {  	_ =	swait.ge [sflag:s29], $0x1  }
0xb5: {  	[sflag:s29] =	ssyncadd.s32 $0xFFFFFFFF  }
0xb6: {  	_ =	strace $0x9000004B  }
0xb7: {  	_ =	sfence  }
0xb8: {  	s30 =	sld [smem:$0x0];
	_ =	sdelay $0x2  }
0xb9: {  	s31 =	sshll.u32 s1, $0xD;
	s1 =	sshrl.u32 s1, $0x2  }
0xba: {  	s3 =	sand.u32 $0x4000, s31;
	s1 =	sadd.s32 s1, s30  }
0xbb: {  	s0 =	sor.u32 s3, s0;
	s1 =	sshll.u32 s1, $0x11  }
0xbc: {  	s0 =	sor.u32 s1, s0  }
0xbd: {  	s0 =	sadd.s32 $0x8F2B, s0  }
0xbe: {  	[sflag:s0] =	ssyncadd.remote.s32 $0x1  }
0xbf: {  	_ =	sfence.sel $0xFFFF  }
0xc0: {  	[dreg:$0x0] =	wrdreg $0xFFFFFFFF;
	(pc) =	sbr.abs _section_cstart, $3  }
0xc1: {  	[dreg:$0x1] =	wrdreg $0xFFFFFFFF  }
0xc2: {  	_ =	task.clear_ibuf [dreg:s7], $0x2FFFF;
	_ =	strace $0x9FFFFFFF  }
0xc3: {  	(tm) =	ssettm $0x7FFFFFFF  }
tec
execute0_lowered:
.L_overlay_start_1:
0x0: {  	(tag) =	ssettag $0x1  }
0x1: {  	s0 =	rddreg [dreg:$0x0]  }
0x2: {  	s1 =	rddreg [dreg:$0x1]  }
0x3: {  	s2 =	rddreg [dreg:$0x2];
	s3 =	simm.s32 $0x0  }
0x4: {  	s17 =	stileid.u32;
	[smem:$0x7FF] =	sst s3  }
0x5: {  	s5 =	sadd.s32 $0x110A00, s0;
	s6 =	sadd.s32 $0xF8200, s0;
	s4 =	sadd.s32 $0x15A000, s0  }
0x6: {  	s9 =	srdreg.scid;
	s7 =	sadd.s32 $0x129200, s0;
	s10 =	sadd.s32 $0x18B600, s0  }
0x7: {  	s11 =	smul.u32 $0x61A80, s17;
	s8 =	sadd.s32 $0x18AE00, s0;
	s12 =	sadd.s32 $0x33C00, s0  }
0x8: {  	s13 =	sand.u32 $0x1, s9;
	s24 =	smul.u32 $0xC350, s17;
	s0 =	sadd.s32 $0x2E00, s0  }
0x9: {  	s17 =	smul.u32 $0x186A0, s17;
	_ =	strace $0x8000004A;
	s14 =	ssub.s32 $0x2, s13  }
0xa: {  	p0 =	seq.s32 s13, $0x0;
	s23 =	sshrl.u32 s11, $0x2;
	s26 =	sshrl.u32 s24, $0x3  }
0xb: {  	s15 =	sshrl.u32 s14, $0x1;
	s30 =	sshrl.u32 s17, $0x3;
	s28 =	sadd.s32 s5, s26  }
0xc: {  	s0 =	smov.u32 @p0 s12;
	s29 =	sadd.s32 s1, s26;
	[dreg:$0x5] =	wrdreg s28  }
0xd: {  	s16 =	ssub.s32 s14, s15;
	s14 =	sadd.s32 s6, s26;
	[dreg:$0x6] =	wrdreg s29  }
0xe: {  	s9 =	sadd.s32 s23, s2;
	s0 =	sadd.s32 s0, s30;
	[dreg:$0x7] =	wrdreg s14  }
0xf: {  	s25 =	sadd.s32 $0x17700, s9;
	[dreg:$0xf] =	wrdreg s0  }
0x10: {  	s16 =	smax.u32 s16, $0x1;
	[dreg:$0x4] =	wrdreg s25  }
0x11: {  	s31 =	sadd.s32 s17, s2;
	s17 =	sadd.s32 $0x1900, s9;
	[dreg:$0x8] =	wrdreg s16  }
0x12: {  	s18 =	sadd.s32 $0x3200, s9;
	[dreg:$0x9] =	wrdreg s17  }
0x13: {  	s19 =	sadd.s32 $0x4B00, s9;
	[dreg:$0xa] =	wrdreg s18  }
0x14: {  	s13 =	simm.s32 $0x28;
	s20 =	sadd.s32 $0x6400, s9;
	[dreg:$0xb] =	wrdreg s19  }
0x15: {  	s7 =	smov.u32 @p0 s4;
	s21 =	sadd.s32 $0x7D00, s9;
	[dreg:$0xc] =	wrdreg s20  }
0x16: {  	s8 =	smov.u32 @p0 s10;
	s22 =	sadd.s32 $0x9600, s9;
	[dreg:$0xd] =	wrdreg s21  }
0x17: {  	s15 =	sadd.s32 $0x50, s24;
	s23 =	sadd.s32 $0xAF00, s9;
	[dreg:$0xe] =	wrdreg s22  }
0x18: {  	s14 =	sadd.s32 $0x28, s24;
	s24 =	sshrl.u32 s31, $0x3;
	[dreg:$0x10] =	wrdreg s23  }
0x19: {  	s10 =	simm.s32 $0x14F0;
	s26 =	sadd.s32 $0xE100, s9;
	[dreg:$0x11] =	wrdreg s24  }
0x1a: {  	s11 =	simm.s32 $0x5;
	s28 =	sadd.s32 $0xFA00, s9;
	[dreg:$0x13] =	wrdreg s26  }
0x1b: {  	s12 =	simm.s32 $0x2;
	s29 =	sadd.s32 $0x11300, s9;
	[dreg:$0x14] =	wrdreg s28  }
0x1c: {  	s30 =	sadd.s32 $0x12C00, s9;
	s31 =	sadd.s32 $0x14500, s9;
	[dreg:$0x15] =	wrdreg s29  }
0x1d: {  	s4 =	sadd.s32 $0x15E00, s9;
	s25 =	sadd.s32 $0xC800, s9;
	[dreg:$0x16] =	wrdreg s30  }
0x1e: {  	[dreg:$0x17] =	wrdreg s31;
	s16 =	simm.s32 $0x78;
	s17 =	simm.s32 $0xA78  }
0x1f: {  	s18 =	simm.s32 $0xAC8;
	s19 =	simm.s32 $0xAA0;
	s20 =	simm.s32 $0xAF0  }
0x20: {  	s21 =	simm.s32 $0xFF0;
	s22 =	simm.s32 $0x1;
	s23 =	simm.s32 $0x3  }
0x21: {  	v0 =	vimm.f32 $0.0e+00;
	s24 =	simm.s32 $0x4;
	[dreg:$0x12] =	wrdreg s25;
	s25 =	simm.s32 $0x0  }
.LBB2_1:
0x22: {  	s0 =	simm.s32 $0x1570  }
0x23: {  	[tilespmem:s0+$0xFFFFFF80] =	vst v0  }
0x24: {  	[tilespmem:s0+$0x70] =	vst v0  }
0x25: {  	[tilespmem:s0+$0x60] =	vst v0  }
0x26: {  	[tilespmem:s0+$0x50] =	vst v0  }
0x27: {  	[tilespmem:s0+$0x40] =	vst v0  }
0x28: {  	[tilespmem:s0+$0x30] =	vst v0  }
0x29: {  	[tilespmem:s0+$0x20] =	vst v0  }
0x2a: {  	[tilespmem:s0+$0x10] =	vst v0  }
0x2b: {  	[tilespmem:s0+$0x0] =	vst v0  }
0x2c: {  	[tilespmem:s0+$0xFFFFFFF0] =	vst v0  }
0x2d: {  	[tilespmem:s0+$0xFFFFFFE0] =	vst v0  }
0x2e: {  	[tilespmem:s0+$0xFFFFFFD0] =	vst v0  }
0x2f: {  	[tilespmem:s0+$0xFFFFFFC0] =	vst v0  }
0x30: {  	[tilespmem:s0+$0xFFFFFFB0] =	vst v0  }
0x31: {  	s26 =	simm.s32 $0x0;
	[tilespmem:s0+$0xFFFFFFA0] =	vst v0  }
.LBB2_2:
0x32: {  	s26 =	sadd.s32 $0x8, s26;
	[tilespmem:s0+$0xFFFFFF90] =	vst v0;
	s0 =	sadd.s32 $0x100, s0  }
0x33: {  	[tilespmem:s0+$0xFFFFFF80] =	vst v0;
	p0 =	slt.u32 s26, $0xC0  }
0x34: {  	[tilespmem:s0+$0x70] =	vst v0  }
0x35: {  	[tilespmem:s0+$0x60] =	vst v0  }
0x36: {  	[tilespmem:s0+$0x50] =	vst v0  }
0x37: {  	[tilespmem:s0+$0x40] =	vst v0  }
0x38: {  	[tilespmem:s0+$0x30] =	vst v0  }
0x39: {  	[tilespmem:s0+$0x20] =	vst v0  }
0x3a: {  	[tilespmem:s0+$0x10] =	vst v0  }
0x3b: {  	[tilespmem:s0+$0x0] =	vst v0  }
0x3c: {  	[tilespmem:s0+$0xFFFFFFF0] =	vst v0  }
.Ltmp0:
0x3d: {  	[tilespmem:s0+$0xFFFFFFE0] =	vst v0;
	(pc) =	sbr.rel @p0 .LBB2_2-.Ltmp0, $4  }
0x3e: {  	[tilespmem:s0+$0xFFFFFFD0] =	vst v0  }
0x3f: {  	[tilespmem:s0+$0xFFFFFFC0] =	vst v0  }
0x40: {  	[tilespmem:s0+$0xFFFFFFB0] =	vst v0  }
0x41: {  	[tilespmem:s0+$0xFFFFFFA0] =	vst v0  }
0x42: {  	[tilespmem:s0+$0xFFFFFF90] =	vst v0  }
0x43: {  	[spmem:s9] =	stream.linear.scatter [tilespmem:s10], [sflag:$0x5], $0x1900, $0x38;
	[tilespmem:$0x1B490] =	vst v63  }
0x44: {  	_ =	swait.ge [sflag:s11], $0x1900  }
0x45: {  	[sflag:s11] =	ssyncset.done $0x0  }
0x46: {  	s29 =	rddreg [dreg:$0x9];
	[sflag:s11] =	ssyncadd.s32 $0xFFFFE700  }
0x47: {  	[spmem:s29] =	stream.linear.scatter [tilespmem:s10], [sflag:$0x5], $0x1900, $0x38;
	[tilespmem:$0x1B490] =	vst v63  }
0x48: {  	_ =	swait.ge [sflag:s11], $0x1900  }
0x49: {  	[sflag:s11] =	ssyncset.done $0x0  }
0x4a: {  	s30 =	rddreg [dreg:$0xa];
	[sflag:s11] =	ssyncadd.s32 $0xFFFFE700  }
0x4b: {  	[spmem:s30] =	stream.linear.scatter [tilespmem:s10], [sflag:$0x5], $0x1900, $0x38;
	[tilespmem:$0x1B490] =	vst v63  }
0x4c: {  	_ =	swait.ge [sflag:s11], $0x1900  }
0x4d: {  	[sflag:s11] =	ssyncset.done $0x0  }
0x4e: {  	s31 =	rddreg [dreg:$0xb];
	[sflag:s11] =	ssyncadd.s32 $0xFFFFE700  }
0x4f: {  	[spmem:s31] =	stream.linear.scatter [tilespmem:s10], [sflag:$0x5], $0x1900, $0x38;
	[tilespmem:$0x1B490] =	vst v63  }
0x50: {  	_ =	swait.ge [sflag:s11], $0x1900  }
0x51: {  	[sflag:s11] =	ssyncset.done $0x0  }
0x52: {  	s26 =	rddreg [dreg:$0xc];
	[sflag:s11] =	ssyncadd.s32 $0xFFFFE700  }
0x53: {  	[spmem:s26] =	stream.linear.scatter [tilespmem:s10], [sflag:$0x5], $0x1900, $0x38;
	[tilespmem:$0x1B490] =	vst v63  }
0x54: {  	_ =	swait.ge [sflag:s11], $0x1900  }
0x55: {  	[sflag:s11] =	ssyncset.done $0x0  }
0x56: {  	s28 =	rddreg [dreg:$0xd];
	[sflag:s11] =	ssyncadd.s32 $0xFFFFE700  }
0x57: {  	[spmem:s28] =	stream.linear.scatter [tilespmem:s10], [sflag:$0x5], $0x1900, $0x38;
	[tilespmem:$0x1B490] =	vst v63  }
0x58: {  	_ =	swait.ge [sflag:s11], $0x1900  }
0x59: {  	[sflag:s11] =	ssyncset.done $0x0  }
0x5a: {  	s29 =	rddreg [dreg:$0xe];
	[sflag:s11] =	ssyncadd.s32 $0xFFFFE700  }
0x5b: {  	[spmem:s29] =	stream.linear.scatter [tilespmem:s10], [sflag:$0x5], $0x1900, $0x38;
	[tilespmem:$0x1B490] =	vst v63  }
0x5c: {  	_ =	swait.ge [sflag:s11], $0x1900  }
0x5d: {  	[sflag:s11] =	ssyncset.done $0x0  }
0x5e: {  	s30 =	rddreg [dreg:$0x10];
	[sflag:s11] =	ssyncadd.s32 $0xFFFFE700  }
0x5f: {  	[spmem:s30] =	stream.linear.scatter [tilespmem:s10], [sflag:$0x5], $0x1900, $0x38;
	[tilespmem:$0x1B490] =	vst v63  }
0x60: {  	_ =	swait.ge [sflag:s11], $0x1900  }
0x61: {  	[sflag:s11] =	ssyncset.done $0x0  }
0x62: {  	s31 =	rddreg [dreg:$0x12];
	[sflag:s11] =	ssyncadd.s32 $0xFFFFE700  }
0x63: {  	[spmem:s31] =	stream.linear.scatter [tilespmem:s10], [sflag:$0x5], $0x1900, $0x38;
	[tilespmem:$0x1B490] =	vst v63  }
0x64: {  	_ =	swait.ge [sflag:s11], $0x1900  }
0x65: {  	[sflag:s11] =	ssyncset.done $0x0  }
0x66: {  	s26 =	rddreg [dreg:$0x13];
	[sflag:s11] =	ssyncadd.s32 $0xFFFFE700  }
0x67: {  	[spmem:s26] =	stream.linear.scatter [tilespmem:s10], [sflag:$0x5], $0x1900, $0x38;
	[tilespmem:$0x1B490] =	vst v63  }
0x68: {  	_ =	swait.ge [sflag:s11], $0x1900  }
0x69: {  	[sflag:s11] =	ssyncset.done $0x0  }
0x6a: {  	s28 =	rddreg [dreg:$0x14];
	[sflag:s11] =	ssyncadd.s32 $0xFFFFE700  }
0x6b: {  	[spmem:s28] =	stream.linear.scatter [tilespmem:s10], [sflag:$0x5], $0x1900, $0x38;
	[tilespmem:$0x1B490] =	vst v63  }
0x6c: {  	_ =	swait.ge [sflag:s11], $0x1900  }
0x6d: {  	[sflag:s11] =	ssyncset.done $0x0  }
0x6e: {  	s29 =	rddreg [dreg:$0x15];
	[sflag:s11] =	ssyncadd.s32 $0xFFFFE700  }
0x6f: {  	[spmem:s29] =	stream.linear.scatter [tilespmem:s10], [sflag:$0x5], $0x1900, $0x38;
	[tilespmem:$0x1B490] =	vst v63  }
0x70: {  	_ =	swait.ge [sflag:s11], $0x1900  }
0x71: {  	[sflag:s11] =	ssyncset.done $0x0  }
0x72: {  	s30 =	rddreg [dreg:$0x16];
	[sflag:s11] =	ssyncadd.s32 $0xFFFFE700  }
0x73: {  	[spmem:s30] =	stream.linear.scatter [tilespmem:s10], [sflag:$0x5], $0x1900, $0x38;
	[tilespmem:$0x1B490] =	vst v63  }
0x74: {  	_ =	swait.ge [sflag:s11], $0x1900  }
0x75: {  	[sflag:s11] =	ssyncset.done $0x0  }
0x76: {  	s31 =	rddreg [dreg:$0x17];
	[sflag:s11] =	ssyncadd.s32 $0xFFFFE700  }
0x77: {  	[spmem:s31] =	stream.linear.scatter [tilespmem:s10], [sflag:$0x5], $0x1900, $0x38;
	[tilespmem:$0x1B490] =	vst v63  }
0x78: {  	_ =	swait.ge [sflag:s11], $0x1900  }
0x79: {  	[sflag:s11] =	ssyncset.done $0x0  }
0x7a: {  	[sflag:s11] =	ssyncadd.s32 $0xFFFFE700  }
0x7b: {  	[spmem:s4] =	stream.linear.scatter [tilespmem:s10], [sflag:$0x5], $0x1900, $0x38;
	[tilespmem:$0x1B490] =	vst v63  }
0x7c: {  	_ =	swait.ge [sflag:s11], $0x1900  }
0x7d: {  	[sflag:s11] =	ssyncset.done $0x0  }
0x7e: {  	s26 =	rddreg [dreg:$0x4];
	[sflag:s11] =	ssyncadd.s32 $0xFFFFE700  }
0x7f: {  	[spmem:s26] =	stream.linear.scatter [tilespmem:s10], [sflag:$0x5], $0xFA0, $0x38;
	[tilespmem:$0x1B490] =	vst v63  }
0x80: {  	_ =	swait.ge [sflag:s11], $0xFA0  }
0x81: {  	[sflag:s11] =	ssyncset.done $0x0  }
0x82: {  	[sflag:s11] =	ssyncadd.s32 $0xFFFFF060  }
0x83: {  	[bflag:$0x0] =	sbarrier.arrive $0xFFFF  }
0x84: {  	s26 =	simm.s32 $0x0;
	s28 =	rddreg [dreg:$0x5]  }
0x85: {  	[tilespmem:s26], [sflag:$0x5] =	stream.linear.gather [hbm4b:s28+s26], $0x28, $0x38;
	[tilespmem:$0x1B490] =	vst v63  }
0x86: {  	_ =	swait.ge [sflag:s11], $0x28  }
0x87: {  	[sflag:s11] =	ssyncset.done $0x0  }
0x88: {  	s28 =	simm.s32 $0x50;
	s29 =	rddreg [dreg:$0x6];
	[sflag:s11] =	ssyncadd.s32 $0xFFFFFFD8  }
0x89: {  	[tilespmem:s28], [sflag:$0x5] =	stream.linear.gather [hbm4b:s29+s26], $0x28, $0x38;
	[tilespmem:$0x1B490] =	vst v63  }
0x8a: {  	_ =	swait.ge [sflag:s11], $0x28  }
0x8b: {  	[sflag:s11] =	ssyncset.done $0x0  }
0x8c: {  	s30 =	rddreg [dreg:$0x7];
	[sflag:s11] =	ssyncadd.s32 $0xFFFFFFD8  }
0x8d: {  	[tilespmem:s13], [sflag:$0x5] =	stream.linear.gather [hbm4b:s30+s26], $0x28, $0x38;
	[tilespmem:$0x1B490] =	vst v63  }
0x8e: {  	_ =	swait.ge [sflag:s11], $0x28  }
0x8f: {  	[sflag:s11] =	ssyncset.done $0x0  }
0x90: {  	[sflag:s11] =	ssyncadd.s32 $0xFFFFFFD8  }
0x91: {  	[tilespmem:s16], [sflag:$0x1] =	stream.indirect.gather [hbm4b:s7+s13], $0x20, s26, s13, $0xb8;
	[tilespmem:$0x1B490] =	vst v63  }
0x92: {  	s31 =	simm.s32 $0x578  }
0x93: {  	[tilespmem:s31], [sflag:$0x2] =	stream.indirect.gather [hbm4b:s8+s13], $0x20, s28, s13, $0xb8;
	[tilespmem:$0x1B490] =	vst v63  }
.LBB2_4:
0x94: {  	s28 =	smul.u32 $0x50, s26;
	_ =	sdelay $0x1  }
0x95: {  	s0 =	sadd.s32 s28, s14  }
0x96: {  	s0 =	sshrl.u32 s0, $0x3  }
0x97: {  	s29 =	sadd.s32 s5, s0  }
0x98: {  	[tilespmem:s17], [sflag:$0x5] =	stream.linear.gather [hbm4b:s29+s3], $0x28, $0x38;
	[tilespmem:$0x1B490] =	vst v63  }
0x99: {  	_ =	swait.ge [sflag:s11], $0x28  }
0x9a: {  	[sflag:s11] =	ssyncset.done $0x0  }
0x9b: {  	s29 =	sadd.s32 s1, s0;
	[sflag:s11] =	ssyncadd.s32 $0xFFFFFFD8  }
0x9c: {  	[tilespmem:s18], [sflag:$0x5] =	stream.linear.gather [hbm4b:s29+s3], $0x28, $0x38;
	[tilespmem:$0x1B490] =	vst v63  }
0x9d: {  	_ =	swait.ge [sflag:s11], $0x28  }
0x9e: {  	[sflag:s11] =	ssyncset.done $0x0  }
0x9f: {  	s0 =	sadd.s32 s6, s0;
	[sflag:s11] =	ssyncadd.s32 $0xFFFFFFD8  }
0xa0: {  	[tilespmem:s19], [sflag:$0x5] =	stream.linear.gather [hbm4b:s0+s3], $0x28, $0x38;
	[tilespmem:$0x1B490] =	vst v63  }
0xa1: {  	_ =	swait.ge [sflag:s11], $0x28  }
0xa2: {  	[sflag:s11] =	ssyncset.done $0x0  }
0xa3: {  	[sflag:s11] =	ssyncadd.s32 $0xFFFFFFD8  }
0xa4: {  	[tilespmem:s20], [sflag:$0x3] =	stream.indirect.gather [hbm4b:s7+s13], $0x20, s17, s13, $0xb8;
	[tilespmem:$0x1B490] =	vst v63  }
0xa5: {  	_ = 	snop  }
0xa6: {  	[tilespmem:s21], [sflag:$0x4] =	stream.indirect.gather [hbm4b:s8+s13], $0x20, s18, s13, $0xb8;
	[tilespmem:$0x1B490] =	vst v63  }
0xa7: {  	_ =	swait.ge [sflag:s22], $0x500  }
0xa8: {  	[sflag:s22] =	ssyncset.done $0x0  }
0xa9: {  	[sflag:s22] =	ssyncadd.s32 $0xFFFFFB00  }
0xaa: {  	_ =	swait.ge [sflag:s12], $0x500  }
0xab: {  	[sflag:s12] =	ssyncset.done $0x0  }
0xac: {  	s29 =	simm.s32 $0xF8;
	[sflag:s12] =	ssyncadd.s32 $0xFFFFFB00  }
0xad: {  	s30 =	simm.s32 $0x5F8;
	v1 =	vld [tilespmem:s29+$0xFFFFFF80]  }
0xae: {  	v2 =	vld [tilespmem:s30+$0xFFFFFF80];
	_ =	sdelay $0x4  }
0xaf: {  	v1 =	vadd.f32 v2, v1;
	_ =	sdelay $0x1  }
0xb0: {  	[tilespmem:s29+$0xFFFFFF80] =	vst v1;
	v1 =	vld [tilespmem:s29+$0xFFFFFF90]  }
0xb1: {  	v2 =	vld [tilespmem:s30+$0xFFFFFF90];
	_ =	sdelay $0x4  }
0xb2: {  	v1 =	vadd.f32 v2, v1;
	_ =	sdelay $0x1  }
0xb3: {  	[tilespmem:s29+$0xFFFFFF90] =	vst v1;
	v1 =	vld [tilespmem:s29+$0xFFFFFFA0]  }
0xb4: {  	v2 =	vld [tilespmem:s30+$0xFFFFFFA0];
	_ =	sdelay $0x4  }
0xb5: {  	v1 =	vadd.f32 v2, v1;
	_ =	sdelay $0x1  }
0xb6: {  	[tilespmem:s29+$0xFFFFFFA0] =	vst v1;
	v1 =	vld [tilespmem:s29+$0xFFFFFFB0]  }
0xb7: {  	v2 =	vld [tilespmem:s30+$0xFFFFFFB0];
	_ =	sdelay $0x4  }
0xb8: {  	v1 =	vadd.f32 v2, v1;
	_ =	sdelay $0x1  }
0xb9: {  	[tilespmem:s29+$0xFFFFFFB0] =	vst v1;
	v1 =	vld [tilespmem:s29+$0xFFFFFFC0]  }
0xba: {  	v2 =	vld [tilespmem:s30+$0xFFFFFFC0];
	_ =	sdelay $0x4  }
0xbb: {  	v1 =	vadd.f32 v2, v1;
	_ =	sdelay $0x1  }
0xbc: {  	[tilespmem:s29+$0xFFFFFFC0] =	vst v1;
	v1 =	vld [tilespmem:s29+$0xFFFFFFD0]  }
0xbd: {  	v2 =	vld [tilespmem:s30+$0xFFFFFFD0];
	_ =	sdelay $0x4  }
0xbe: {  	v1 =	vadd.f32 v2, v1;
	_ =	sdelay $0x1  }
0xbf: {  	[tilespmem:s29+$0xFFFFFFD0] =	vst v1;
	v1 =	vld [tilespmem:s29+$0xFFFFFFE0]  }
0xc0: {  	v2 =	vld [tilespmem:s30+$0xFFFFFFE0];
	_ =	sdelay $0x4  }
0xc1: {  	v1 =	vadd.f32 v2, v1;
	_ =	sdelay $0x1  }
0xc2: {  	[tilespmem:s29+$0xFFFFFFE0] =	vst v1;
	v1 =	vld [tilespmem:s29+$0xFFFFFFF0]  }
0xc3: {  	v2 =	vld [tilespmem:s30+$0xFFFFFFF0];
	_ =	sdelay $0x4  }
0xc4: {  	v1 =	vadd.f32 v2, v1;
	_ =	sdelay $0x1  }
0xc5: {  	[tilespmem:s29+$0xFFFFFFF0] =	vst v1;
	v1 =	vld [tilespmem:s29+$0x0]  }
0xc6: {  	v2 =	vld [tilespmem:s30+$0x0];
	_ =	sdelay $0x4  }
0xc7: {  	v1 =	vadd.f32 v2, v1;
	_ =	sdelay $0x1  }
0xc8: {  	[tilespmem:s29+$0x0] =	vst v1;
	v1 =	vld [tilespmem:s29+$0x10]  }
0xc9: {  	v2 =	vld [tilespmem:s30+$0x10];
	_ =	sdelay $0x4  }
0xca: {  	v1 =	vadd.f32 v2, v1;
	_ =	sdelay $0x1  }
0xcb: {  	[tilespmem:s29+$0x10] =	vst v1;
	v1 =	vld [tilespmem:s29+$0x20]  }
0xcc: {  	v2 =	vld [tilespmem:s30+$0x20];
	_ =	sdelay $0x4  }
0xcd: {  	v1 =	vadd.f32 v2, v1;
	_ =	sdelay $0x1  }
0xce: {  	[tilespmem:s29+$0x20] =	vst v1;
	v1 =	vld [tilespmem:s29+$0x30]  }
0xcf: {  	v2 =	vld [tilespmem:s30+$0x30];
	_ =	sdelay $0x4  }
0xd0: {  	v1 =	vadd.f32 v2, v1;
	_ =	sdelay $0x1  }
0xd1: {  	[tilespmem:s29+$0x30] =	vst v1;
	v1 =	vld [tilespmem:s29+$0x40]  }
0xd2: {  	v2 =	vld [tilespmem:s30+$0x40];
	_ =	sdelay $0x4  }
0xd3: {  	v1 =	vadd.f32 v2, v1;
	_ =	sdelay $0x1  }
0xd4: {  	[tilespmem:s29+$0x40] =	vst v1;
	v1 =	vld [tilespmem:s29+$0x50]  }
0xd5: {  	v2 =	vld [tilespmem:s30+$0x50];
	_ =	sdelay $0x4  }
0xd6: {  	v1 =	vadd.f32 v2, v1;
	_ =	sdelay $0x1  }
0xd7: {  	[tilespmem:s29+$0x50] =	vst v1;
	v1 =	vld [tilespmem:s29+$0x60]  }
0xd8: {  	v2 =	vld [tilespmem:s30+$0x60];
	_ =	sdelay $0x4  }
0xd9: {  	v1 =	vadd.f32 v2, v1;
	_ =	sdelay $0x1  }
0xda: {  	[tilespmem:s29+$0x60] =	vst v1;
	v1 =	vld [tilespmem:s29+$0x70]  }
0xdb: {  	v2 =	vld [tilespmem:s30+$0x70];
	_ =	sdelay $0x4  }
0xdc: {  	v1 =	vadd.f32 v2, v1  }
0xdd: {  	s31 =	simm.s32 $0x0;
	s0 =	simm.s32 $0x1F8  }
.LBB2_5:
0xde: {  	v2 =	vld [tilespmem:s0+$0xFFFFFF80];
	[tilespmem:s29+$0x70] =	vst v1;
	s30 =	sadd.s32 $0x100, s30;
	s29 =	smov.u32 s0  }
0xdf: {  	s31 =	sadd.s32 $0x8, s31;
	v1 =	vld [tilespmem:s30+$0xFFFFFF80]  }
0xe0: {  	p0 =	slt.u32 s31, $0x20;
	_ =	sdelay $0x3  }
0xe1: {  	v1 =	vadd.f32 v1, v2;
	_ =	sdelay $0x1  }
0xe2: {  	[tilespmem:s0+$0xFFFFFF80] =	vst v1;
	v1 =	vld [tilespmem:s0+$0xFFFFFF90]  }
0xe3: {  	v2 =	vld [tilespmem:s30+$0xFFFFFF90];
	_ =	sdelay $0x4  }
0xe4: {  	v1 =	vadd.f32 v2, v1;
	_ =	sdelay $0x1  }
0xe5: {  	[tilespmem:s0+$0xFFFFFF90] =	vst v1;
	v1 =	vld [tilespmem:s0+$0xFFFFFFA0]  }
0xe6: {  	v2 =	vld [tilespmem:s30+$0xFFFFFFA0];
	_ =	sdelay $0x4  }
0xe7: {  	v1 =	vadd.f32 v2, v1;
	_ =	sdelay $0x1  }
0xe8: {  	[tilespmem:s0+$0xFFFFFFA0] =	vst v1;
	v1 =	vld [tilespmem:s0+$0xFFFFFFB0]  }
0xe9: {  	v2 =	vld [tilespmem:s30+$0xFFFFFFB0];
	_ =	sdelay $0x4  }
0xea: {  	v1 =	vadd.f32 v2, v1;
	_ =	sdelay $0x1  }
0xeb: {  	[tilespmem:s0+$0xFFFFFFB0] =	vst v1;
	v1 =	vld [tilespmem:s0+$0xFFFFFFC0]  }
0xec: {  	v2 =	vld [tilespmem:s30+$0xFFFFFFC0];
	_ =	sdelay $0x4  }
0xed: {  	v1 =	vadd.f32 v2, v1;
	_ =	sdelay $0x1  }
0xee: {  	[tilespmem:s0+$0xFFFFFFC0] =	vst v1;
	v1 =	vld [tilespmem:s0+$0xFFFFFFD0]  }
0xef: {  	v2 =	vld [tilespmem:s30+$0xFFFFFFD0];
	_ =	sdelay $0x4  }
0xf0: {  	v1 =	vadd.f32 v2, v1;
	_ =	sdelay $0x1  }
0xf1: {  	[tilespmem:s0+$0xFFFFFFD0] =	vst v1;
	v1 =	vld [tilespmem:s0+$0xFFFFFFE0]  }
0xf2: {  	v2 =	vld [tilespmem:s30+$0xFFFFFFE0];
	_ =	sdelay $0x4  }
0xf3: {  	v1 =	vadd.f32 v2, v1;
	_ =	sdelay $0x1  }
0xf4: {  	[tilespmem:s0+$0xFFFFFFE0] =	vst v1;
	v1 =	vld [tilespmem:s0+$0xFFFFFFF0]  }
0xf5: {  	v2 =	vld [tilespmem:s30+$0xFFFFFFF0];
	_ =	sdelay $0x4  }
0xf6: {  	v1 =	vadd.f32 v2, v1;
	_ =	sdelay $0x1  }
0xf7: {  	[tilespmem:s0+$0xFFFFFFF0] =	vst v1;
	v1 =	vld [tilespmem:s0+$0x0]  }
0xf8: {  	v2 =	vld [tilespmem:s30+$0x0];
	_ =	sdelay $0x4  }
0xf9: {  	v1 =	vadd.f32 v2, v1;
	_ =	sdelay $0x1  }
0xfa: {  	[tilespmem:s0+$0x0] =	vst v1;
	v1 =	vld [tilespmem:s0+$0x10]  }
0xfb: {  	v2 =	vld [tilespmem:s30+$0x10];
	_ =	sdelay $0x4  }
0xfc: {  	v1 =	vadd.f32 v2, v1;
	_ =	sdelay $0x1  }
0xfd: {  	[tilespmem:s0+$0x10] =	vst v1;
	v1 =	vld [tilespmem:s0+$0x20]  }
0xfe: {  	v2 =	vld [tilespmem:s30+$0x20];
	_ =	sdelay $0x4  }
0xff: {  	v1 =	vadd.f32 v2, v1;
	_ =	sdelay $0x1  }
0x100: {  	[tilespmem:s0+$0x20] =	vst v1;
	v1 =	vld [tilespmem:s0+$0x30]  }
0x101: {  	v2 =	vld [tilespmem:s30+$0x30];
	_ =	sdelay $0x4  }
0x102: {  	v1 =	vadd.f32 v2, v1;
	_ =	sdelay $0x1  }
0x103: {  	[tilespmem:s0+$0x30] =	vst v1;
	v1 =	vld [tilespmem:s0+$0x40]  }
0x104: {  	v2 =	vld [tilespmem:s30+$0x40];
	_ =	sdelay $0x4  }
0x105: {  	v1 =	vadd.f32 v2, v1;
	_ =	sdelay $0x1  }
0x106: {  	[tilespmem:s0+$0x40] =	vst v1;
	v1 =	vld [tilespmem:s0+$0x50]  }
0x107: {  	v2 =	vld [tilespmem:s30+$0x50];
	_ =	sdelay $0x4  }
0x108: {  	v1 =	vadd.f32 v2, v1;
	_ =	sdelay $0x1  }
0x109: {  	[tilespmem:s0+$0x50] =	vst v1;
	v1 =	vld [tilespmem:s0+$0x60]  }
0x10a: {  	v2 =	vld [tilespmem:s30+$0x60];
	_ =	sdelay $0x4  }
0x10b: {  	v1 =	vadd.f32 v2, v1;
	_ =	sdelay $0x1  }
0x10c: {  	[tilespmem:s0+$0x60] =	vst v1;
	v1 =	vld [tilespmem:s0+$0x70]  }
0x10d: {  	v2 =	vld [tilespmem:s30+$0x70];
	_ =	sdelay $0x1  }
.Ltmp1:
0x10e: {  	(pc) =	sbr.rel @p0 .LBB2_5-.Ltmp1, $3  }
0x10f: {  	_ =	sdelay $0x1  }
0x110: {  	v1 =	vadd.f32 v2, v1  }
0x111: {  	s0 =	sadd.s32 $0x100, s0  }
0x112: {  	[tilespmem:s29+$0x70] =	vst v1;
	p0 =	seq.s32 s26, $0x270  }
0x113: {  	[spmem:s2] =	stream.indirect.scatter.add.f32 [tilespmem:s16], [sflag:$0x5], $0x20, s13, s13, $0xb8;
	[tilespmem:$0x1B490] =	vst v63  }
0x114: {  	s0 =	sadd.s32 @!p0 s28, s15;
	_ =	swait.ge [sflag:s11], $0x500  }
0x115: {  	s0 =	sshrl.u32 @!p0 s0, $0x3;
	[sflag:s11] =	ssyncset.done $0x0  }
0x116: {  	s29 =	simm.s32 @!p0 $0x0;
	s28 =	sadd.s32 @!p0 s5, s0;
	[sflag:s11] =	ssyncadd.s32 $0xFFFFFB00  }
0x117: {  	[tilespmem:s29], [sflag:$0x5] =	stream.linear.gather @!p0 [hbm4b:s28+s29], $0x28, $0x38;
	[tilespmem:$0x1B490] =	vst v63  }
0x118: {  	s28 =	simm.s32 @!p0 $0x5  }
0x119: {  	_ =	swait.ge @!p0 [sflag:s28], $0x28  }
0x11a: {  	[sflag:s28] =	ssyncset.done @!p0 $0x0  }
0x11b: {  	s31 =	simm.s32 @!p0 $0x50;
	s30 =	sadd.s32 @!p0 s1, s0;
	[sflag:s28] =	ssyncadd.s32 @!p0 $0xFFFFFFD8  }
0x11c: {  	[tilespmem:s31], [sflag:$0x5] =	stream.linear.gather @!p0 [hbm4b:s30+s29], $0x28, $0x38;
	[tilespmem:$0x1B490] =	vst v63  }
0x11d: {  	_ =	swait.ge @!p0 [sflag:s28], $0x28  }
0x11e: {  	[sflag:s28] =	ssyncset.done @!p0 $0x0  }
0x11f: {  	s0 =	sadd.s32 @!p0 s6, s0;
	s30 =	simm.s32 @!p0 $0x28;
	[sflag:s28] =	ssyncadd.s32 @!p0 $0xFFFFFFD8  }
0x120: {  	[tilespmem:s30], [sflag:$0x5] =	stream.linear.gather @!p0 [hbm4b:s0+s29], $0x28, $0x38;
	[tilespmem:$0x1B490] =	vst v63  }
0x121: {  	_ =	swait.ge @!p0 [sflag:s28], $0x28  }
0x122: {  	[sflag:s28] =	ssyncset.done @!p0 $0x0  }
0x123: {  	s0 =	simm.s32 @!p0 $0x78;
	[sflag:s28] =	ssyncadd.s32 @!p0 $0xFFFFFFD8  }
0x124: {  	[tilespmem:s0], [sflag:$0x1] =	stream.indirect.gather @!p0 [hbm4b:s7+s30], $0x20, s29, s30, $0xb8;
	[tilespmem:$0x1B490] =	vst v63  }
0x125: {  	s0 =	simm.s32 @!p0 $0x578  }
0x126: {  	[tilespmem:s0], [sflag:$0x2] =	stream.indirect.gather @!p0 [hbm4b:s8+s30], $0x20, s31, s30, $0xb8;
	[tilespmem:$0x1B490] =	vst v63  }
0x127: {  	_ =	swait.ge [sflag:s23], $0x500  }
0x128: {  	[sflag:s23] =	ssyncset.done $0x0  }
0x129: {  	[sflag:s23] =	ssyncadd.s32 $0xFFFFFB00  }
0x12a: {  	_ =	swait.ge [sflag:s24], $0x500  }
0x12b: {  	[sflag:s24] =	ssyncset.done $0x0  }
0x12c: {  	s28 =	simm.s32 $0xB70;
	[sflag:s24] =	ssyncadd.s32 $0xFFFFFB00  }
0x12d: {  	s29 =	simm.s32 $0x1070;
	v1 =	vld [tilespmem:s28+$0xFFFFFF80]  }
0x12e: {  	v2 =	vld [tilespmem:s29+$0xFFFFFF80];
	_ =	sdelay $0x4  }
0x12f: {  	v1 =	vadd.f32 v2, v1;
	_ =	sdelay $0x1  }
0x130: {  	[tilespmem:s28+$0xFFFFFF80] =	vst v1;
	v1 =	vld [tilespmem:s28+$0xFFFFFF90]  }
0x131: {  	v2 =	vld [tilespmem:s29+$0xFFFFFF90];
	_ =	sdelay $0x4  }
0x132: {  	v1 =	vadd.f32 v2, v1;
	_ =	sdelay $0x1  }
0x133: {  	[tilespmem:s28+$0xFFFFFF90] =	vst v1;
	v1 =	vld [tilespmem:s28+$0xFFFFFFA0]  }
0x134: {  	v2 =	vld [tilespmem:s29+$0xFFFFFFA0];
	_ =	sdelay $0x4  }
0x135: {  	v1 =	vadd.f32 v2, v1;
	_ =	sdelay $0x1  }
0x136: {  	[tilespmem:s28+$0xFFFFFFA0] =	vst v1;
	v1 =	vld [tilespmem:s28+$0xFFFFFFB0]  }
0x137: {  	v2 =	vld [tilespmem:s29+$0xFFFFFFB0];
	_ =	sdelay $0x4  }
0x138: {  	v1 =	vadd.f32 v2, v1;
	_ =	sdelay $0x1  }
0x139: {  	[tilespmem:s28+$0xFFFFFFB0] =	vst v1;
	v1 =	vld [tilespmem:s28+$0xFFFFFFC0]  }
0x13a: {  	v2 =	vld [tilespmem:s29+$0xFFFFFFC0];
	_ =	sdelay $0x4  }
0x13b: {  	v1 =	vadd.f32 v2, v1;
	_ =	sdelay $0x1  }
0x13c: {  	[tilespmem:s28+$0xFFFFFFC0] =	vst v1;
	v1 =	vld [tilespmem:s28+$0xFFFFFFD0]  }
0x13d: {  	v2 =	vld [tilespmem:s29+$0xFFFFFFD0];
	_ =	sdelay $0x4  }
0x13e: {  	v1 =	vadd.f32 v2, v1;
	_ =	sdelay $0x1  }
0x13f: {  	[tilespmem:s28+$0xFFFFFFD0] =	vst v1;
	v1 =	vld [tilespmem:s28+$0xFFFFFFE0]  }
0x140: {  	v2 =	vld [tilespmem:s29+$0xFFFFFFE0];
	_ =	sdelay $0x4  }
0x141: {  	v1 =	vadd.f32 v2, v1;
	_ =	sdelay $0x1  }
0x142: {  	[tilespmem:s28+$0xFFFFFFE0] =	vst v1;
	v1 =	vld [tilespmem:s28+$0xFFFFFFF0]  }
0x143: {  	v2 =	vld [tilespmem:s29+$0xFFFFFFF0];
	_ =	sdelay $0x4  }
0x144: {  	v1 =	vadd.f32 v2, v1;
	_ =	sdelay $0x1  }
0x145: {  	[tilespmem:s28+$0xFFFFFFF0] =	vst v1;
	v1 =	vld [tilespmem:s28+$0x0]  }
0x146: {  	v2 =	vld [tilespmem:s29+$0x0];
	_ =	sdelay $0x4  }
0x147: {  	v1 =	vadd.f32 v2, v1;
	_ =	sdelay $0x1  }
0x148: {  	[tilespmem:s28+$0x0] =	vst v1;
	v1 =	vld [tilespmem:s28+$0x10]  }
0x149: {  	v2 =	vld [tilespmem:s29+$0x10];
	_ =	sdelay $0x4  }
0x14a: {  	v1 =	vadd.f32 v2, v1;
	_ =	sdelay $0x1  }
0x14b: {  	[tilespmem:s28+$0x10] =	vst v1;
	v1 =	vld [tilespmem:s28+$0x20]  }
0x14c: {  	v2 =	vld [tilespmem:s29+$0x20];
	_ =	sdelay $0x4  }
0x14d: {  	v1 =	vadd.f32 v2, v1;
	_ =	sdelay $0x1  }
0x14e: {  	[tilespmem:s28+$0x20] =	vst v1;
	v1 =	vld [tilespmem:s28+$0x30]  }
0x14f: {  	v2 =	vld [tilespmem:s29+$0x30];
	_ =	sdelay $0x4  }
0x150: {  	v1 =	vadd.f32 v2, v1;
	_ =	sdelay $0x1  }
0x151: {  	[tilespmem:s28+$0x30] =	vst v1;
	v1 =	vld [tilespmem:s28+$0x40]  }
0x152: {  	v2 =	vld [tilespmem:s29+$0x40];
	_ =	sdelay $0x4  }
0x153: {  	v1 =	vadd.f32 v2, v1;
	_ =	sdelay $0x1  }
0x154: {  	[tilespmem:s28+$0x40] =	vst v1;
	v1 =	vld [tilespmem:s28+$0x50]  }
0x155: {  	v2 =	vld [tilespmem:s29+$0x50];
	_ =	sdelay $0x4  }
0x156: {  	v1 =	vadd.f32 v2, v1;
	_ =	sdelay $0x1  }
0x157: {  	[tilespmem:s28+$0x50] =	vst v1;
	v1 =	vld [tilespmem:s28+$0x60]  }
0x158: {  	v2 =	vld [tilespmem:s29+$0x60];
	_ =	sdelay $0x4  }
0x159: {  	v1 =	vadd.f32 v2, v1;
	_ =	sdelay $0x1  }
0x15a: {  	[tilespmem:s28+$0x60] =	vst v1;
	v1 =	vld [tilespmem:s28+$0x70]  }
0x15b: {  	v2 =	vld [tilespmem:s29+$0x70];
	_ =	sdelay $0x4  }
0x15c: {  	v1 =	vadd.f32 v2, v1  }
0x15d: {  	s30 =	simm.s32 $0x0;
	s0 =	simm.s32 $0xC70  }
.LBB2_7:
0x15e: {  	v2 =	vld [tilespmem:s0+$0xFFFFFF80];
	[tilespmem:s28+$0x70] =	vst v1;
	s29 =	sadd.s32 $0x100, s29;
	s28 =	smov.u32 s0  }
0x15f: {  	s30 =	sadd.s32 $0x8, s30;
	v1 =	vld [tilespmem:s29+$0xFFFFFF80]  }
0x160: {  	p0 =	slt.u32 s30, $0x20;
	_ =	sdelay $0x3  }
0x161: {  	v1 =	vadd.f32 v1, v2;
	_ =	sdelay $0x1  }
0x162: {  	[tilespmem:s0+$0xFFFFFF80] =	vst v1;
	v1 =	vld [tilespmem:s0+$0xFFFFFF90]  }
0x163: {  	v2 =	vld [tilespmem:s29+$0xFFFFFF90];
	_ =	sdelay $0x4  }
0x164: {  	v1 =	vadd.f32 v2, v1;
	_ =	sdelay $0x1  }
0x165: {  	[tilespmem:s0+$0xFFFFFF90] =	vst v1;
	v1 =	vld [tilespmem:s0+$0xFFFFFFA0]  }
0x166: {  	v2 =	vld [tilespmem:s29+$0xFFFFFFA0];
	_ =	sdelay $0x4  }
0x167: {  	v1 =	vadd.f32 v2, v1;
	_ =	sdelay $0x1  }
0x168: {  	[tilespmem:s0+$0xFFFFFFA0] =	vst v1;
	v1 =	vld [tilespmem:s0+$0xFFFFFFB0]  }
0x169: {  	v2 =	vld [tilespmem:s29+$0xFFFFFFB0];
	_ =	sdelay $0x4  }
0x16a: {  	v1 =	vadd.f32 v2, v1;
	_ =	sdelay $0x1  }
0x16b: {  	[tilespmem:s0+$0xFFFFFFB0] =	vst v1;
	v1 =	vld [tilespmem:s0+$0xFFFFFFC0]  }
0x16c: {  	v2 =	vld [tilespmem:s29+$0xFFFFFFC0];
	_ =	sdelay $0x4  }
0x16d: {  	v1 =	vadd.f32 v2, v1;
	_ =	sdelay $0x1  }
0x16e: {  	[tilespmem:s0+$0xFFFFFFC0] =	vst v1;
	v1 =	vld [tilespmem:s0+$0xFFFFFFD0]  }
0x16f: {  	v2 =	vld [tilespmem:s29+$0xFFFFFFD0];
	_ =	sdelay $0x4  }
0x170: {  	v1 =	vadd.f32 v2, v1;
	_ =	sdelay $0x1  }
0x171: {  	[tilespmem:s0+$0xFFFFFFD0] =	vst v1;
	v1 =	vld [tilespmem:s0+$0xFFFFFFE0]  }
0x172: {  	v2 =	vld [tilespmem:s29+$0xFFFFFFE0];
	_ =	sdelay $0x4  }
0x173: {  	v1 =	vadd.f32 v2, v1;
	_ =	sdelay $0x1  }
0x174: {  	[tilespmem:s0+$0xFFFFFFE0] =	vst v1;
	v1 =	vld [tilespmem:s0+$0xFFFFFFF0]  }
0x175: {  	v2 =	vld [tilespmem:s29+$0xFFFFFFF0];
	_ =	sdelay $0x4  }
0x176: {  	v1 =	vadd.f32 v2, v1;
	_ =	sdelay $0x1  }
0x177: {  	[tilespmem:s0+$0xFFFFFFF0] =	vst v1;
	v1 =	vld [tilespmem:s0+$0x0]  }
0x178: {  	v2 =	vld [tilespmem:s29+$0x0];
	_ =	sdelay $0x4  }
0x179: {  	v1 =	vadd.f32 v2, v1;
	_ =	sdelay $0x1  }
0x17a: {  	[tilespmem:s0+$0x0] =	vst v1;
	v1 =	vld [tilespmem:s0+$0x10]  }
0x17b: {  	v2 =	vld [tilespmem:s29+$0x10];
	_ =	sdelay $0x4  }
0x17c: {  	v1 =	vadd.f32 v2, v1;
	_ =	sdelay $0x1  }
0x17d: {  	[tilespmem:s0+$0x10] =	vst v1;
	v1 =	vld [tilespmem:s0+$0x20]  }
0x17e: {  	v2 =	vld [tilespmem:s29+$0x20];
	_ =	sdelay $0x4  }
0x17f: {  	v1 =	vadd.f32 v2, v1;
	_ =	sdelay $0x1  }
0x180: {  	[tilespmem:s0+$0x20] =	vst v1;
	v1 =	vld [tilespmem:s0+$0x30]  }
0x181: {  	v2 =	vld [tilespmem:s29+$0x30];
	_ =	sdelay $0x4  }
0x182: {  	v1 =	vadd.f32 v2, v1;
	_ =	sdelay $0x1  }
0x183: {  	[tilespmem:s0+$0x30] =	vst v1;
	v1 =	vld [tilespmem:s0+$0x40]  }
0x184: {  	v2 =	vld [tilespmem:s29+$0x40];
	_ =	sdelay $0x4  }
0x185: {  	v1 =	vadd.f32 v2, v1;
	_ =	sdelay $0x1  }
0x186: {  	[tilespmem:s0+$0x40] =	vst v1;
	v1 =	vld [tilespmem:s0+$0x50]  }
0x187: {  	v2 =	vld [tilespmem:s29+$0x50];
	_ =	sdelay $0x4  }
0x188: {  	v1 =	vadd.f32 v2, v1;
	_ =	sdelay $0x1  }
0x189: {  	[tilespmem:s0+$0x50] =	vst v1;
	v1 =	vld [tilespmem:s0+$0x60]  }
0x18a: {  	v2 =	vld [tilespmem:s29+$0x60];
	_ =	sdelay $0x4  }
0x18b: {  	v1 =	vadd.f32 v2, v1;
	_ =	sdelay $0x1  }
0x18c: {  	[tilespmem:s0+$0x60] =	vst v1;
	v1 =	vld [tilespmem:s0+$0x70]  }
0x18d: {  	v2 =	vld [tilespmem:s29+$0x70];
	_ =	sdelay $0x1  }
.Ltmp2:
0x18e: {  	(pc) =	sbr.rel @p0 .LBB2_7-.Ltmp2, $3  }
0x18f: {  	_ =	sdelay $0x1  }
0x190: {  	v1 =	vadd.f32 v2, v1  }
0x191: {  	s0 =	sadd.s32 $0x100, s0  }
0x192: {  	s26 =	sadd.s32 $0x1, s26  }
0x193: {  	p0 =	sne.s32 s26, $0x271  }
.Ltmp3:
0x194: {  	[tilespmem:s28+$0x70] =	vst v1;
	(pc) =	sbr.rel @p0 .LBB2_4-.Ltmp3, $4  }
0x195: {  	[spmem:s2] =	stream.indirect.scatter.add.f32 [tilespmem:s20], [sflag:$0x5], $0x20, s19, s13, $0xb8;
	[tilespmem:$0x1B490] =	vst v63  }
0x196: {  	_ =	swait.ge [sflag:s11], $0x500  }
0x197: {  	[sflag:s11] =	ssyncset.done $0x0  }
0x198: {  	[sflag:s11] =	ssyncadd.s32 $0xFFFFFB00  }
0x199: {  	s0 =	stileid.u32;
	[bflag:$0x0] =	sbarrier.arrive $0xFFFF  }
0x19a: {  	s0 =	sshll.u32 s0, $0x6;
	s26 =	rddreg [dreg:$0xf]  }
0x19b: {  	s28 =	rddreg [dreg:$0x11];
	s0 =	sor.u32 $0x1C05, s0  }
0x19c: {  	[hbm:s26], [sflag:s0] =	dma.local [spmem:s28], $0x30D4  }
0x19d: {  	_ =	swait.ge [sflag:s11], $0x30D4  }
0x19e: {  	s25 =	sadd.s32 $0x1, s25;
	s31 =	rddreg [dreg:$0x8]  }
0x19f: {  	p0 =	sne.s32 s25, s31  }
.Ltmp4:
0x1a0: {  	_ = 	snop;
	(pc) =	sbr.rel @p0 .LBB2_1-.Ltmp4, $3  }
0x1a1: {  	_ =	sdelay $0x1  }
0x1a2: {  	[sflag:s11] =	ssyncset.done $0x0  }
0x1a3: {  	[sflag:s11] =	ssyncadd.s32 $0xFFFFCF2C  }
0x1a4: {  	_ =	sfence.sel $0x180000  }
0x1a5: {  	[bflag:$0x0] =	sbarrier.arrive $0xFFFF  }
0x1a6: {  	_ =	strace $0x9000004A  }
0x1a7: {  	s0 =	stileid.u32;
	[bflag:$0x2] =	sbarrier.arrive $0xFFFF  }
0x1a8: {  	p0 =	sne.s32 s0, $0x0;
	s0 =	rddreg [dreg:$0x3]  }
0x1a9: {  	s0 =	sadd.s32 @!p0 $0x100000, s0  }
0x1aa: {  	[sflag:s0] =	ssyncadd.tile.s32 @!p0 $0x1;
	_ =	shalt  }
.Lfunc_end2:
_tile_overlayer_lowered:
.L_overlay_start_2:
0x1ab: {  	(tag) =	ssettag $0x2  }
0x1ac: {  	s0 =	rddreg [dreg:$0x0];
	s2 =	stileid.u32  }
0x1ad: {  	s1 =	rddreg [dreg:$0x1];
	p0 =	sne.s32 s2, $0x0  }
0x1ae: {  	s3 =	rddreg [dreg:$0x2];
	[bflag:$0x3] =	sbarrier.arrive $0xFFFF;
	s2 =	simm.s32 @!p0 $0x1C05  }
0x1af: {  	[timem:s3], [sflag:s2] =	dma.local @!p0 [hbm:s0], s1  }
0x1b0: {  	s0 =	simm.s32 @!p0 $0x5  }
0x1b1: {  	_ =	swait.ge @!p0 [sflag:s0], s1  }
0x1b2: {  	s1 =	ssub.s32 @!p0 $0x0, s1;
	[sflag:s0] =	ssyncset.done @!p0 $0x0  }
0x1b3: {  	[sflag:s0] =	ssyncadd.s32 @!p0 s1  }
0x1b4: {  	[bflag:$0x3] =	sbarrier.arrive $0xFFFF  }
0x1b5: {  	_ =	shalt  }

// kernel: kernel.8.cloned.1.call-start
scs
__scs_entry_jumppad:
0x0: {  	(pc) =	sbr.rel $0x88, $3  }
0x1: {  	(tag) =	ssettag $0x0;
	lr =	simm.s32 $0x1  }
0x2: {  	[smem:$0x3F97] =	sst lr;
	_ =	strace $0xD0000000  }
0x3: {  	_ = 	snop  }
0x4: {  	_ = 	snop  }
0x5: {  	_ = 	snop  }
0x6: {  	_ = 	snop  }
0x7: {  	_ = 	snop  }
__scs_overlays_trampoline_lowered:
0x8: {  	[smem:$0x3FA6] =	sst s0  }
0x9: {  	[smem:$0x3FA7] =	sst s1  }
0xa: {  	[smem:$0x3FA8] =	sst s2  }
0xb: {  	[smem:$0x3FA9] =	sst s3  }
0xc: {  	[smem:$0x3FAA] =	sst s4  }
0xd: {  	[smem:$0x3FAB] =	sst s5  }
0xe: {  	[smem:$0x3FAC] =	sst s6  }
0xf: {  	[smem:$0x3FAD] =	sst s7  }
0x10: {  	[smem:$0x3FAE] =	sst s8  }
0x11: {  	[smem:$0x3FAF] =	sst s9;
	s0 =	simm.s32 @!p0 $0x0  }
0x12: {  	s1 =	sld [smem:$0x3F95];
	s0 =	simm.s32 @p0 $0x1  }
0x13: {  	[smem:$0x3FB0] =	sst s0;
	s0 =	simm.s32 @!p1 $0x0  }
0x14: {  	s2 =	sld [smem:$0x3F94];
	s0 =	simm.s32 @p1 $0x1  }
0x15: {  	[smem:$0x3FB1] =	sst s0;
	s0 =	simm.s32 @!p2 $0x0  }
0x16: {  	s3 =	sld [smem:$0x3FDB];
	s0 =	simm.s32 @p2 $0x1  }
0x17: {  	s4 =	simm.s32 $0x1BF5;
	[smem:$0x3FB3] =	sst s0  }
0x18: {  	s0 =	sld [smem:$0x3F96];
	_ =	swait.ge [sflag:s4], $0x0  }
0x19: {  	s7 =	sld [smem:$0x3F97]  }
0x1a: {  	s8 =	sadd.s32 $0xFFFFE003, lr  }
0x1b: {  	s9 =	sadd.s32 $0xFFFFFEF7, lr;
	s5 =	simm.s32 $0xFFFFFFFF;
	p2 =	slt.u32 s8, $0xFFFFF086  }
0x1c: {  	p1 =	slt.u32 s9, $0xF7A;
	s5 =	simm.s32 @!p2 $0x0  }
0x1d: {  	s5 =	simm.s32 @p1 $0x1;
	p0 =	seq.s32 s7, s2  }
0x1e: {  	s7 =	smul.u32 @!p0 $0xF7A, s2;
	p2 =	seq.s32 @!p0 s5, $0x0  }
0x1f: {  	s9 =	smul.u32 $0xF7A, s1;
	s8 =	simm.s32 @!p0 $0x1BF5;
	p2 =	por !p2, p0  }
0x20: {  	[sflag:s8] =	ssyncset.s32 @!p0 $0xFFFFF086;
	s6 =	sadd.s32 @!p0 s3, s7;
	s7 =	simm.s32 @!p0 $0x108  }
0x21: {  	s3 =	sadd.s32 s3, s9;
	s6 =	sadd.s32 @!p0 $0x88, s6;
	s7 =	simm.s32 @p2 $0x1082  }
0x22: {  	[simem:s7], [sflag:s8] =	dma.local @!p0 [hbm:s6], $0xF7A  }
0x23: {  	s9 =	sor.u32 $0xD0000000, s2;
	s6 =	simm.s32 $0x108;
	_ =	swait.ge @!p0 [sflag:s8], $0x0  }
0x24: {  	s3 =	sadd.s32 $0x88, s3;
	s6 =	simm.s32 @!p1 $0x1082;
	[sflag:s4] =	ssyncset.s32 $0xFFFFF086  }
0x25: {  	[simem:s6], [sflag:s4] =	dma.local [hbm:s3], $0xF7A  }
0x26: {  	[smem:$0x3F97] =	sst s1;
	(tag) =	ssettag s2;
	_ =	strace s9  }
0x27: {  	s1 =	sld [smem:$0x3FA7]  }
0x28: {  	s2 =	sld [smem:$0x3FA8]  }
0x29: {  	s4 =	sld [smem:$0x3FAA]  }
0x2a: {  	p0 =	seq.s32 s5, $0x0;
	s5 =	sld [smem:$0x3FAB]  }
0x2b: {  	s6 =	sld [smem:$0x3FAC]  }
0x2c: {  	s7 =	sld [smem:$0x3FAD]  }
0x2d: {  	s3 =	simm.s32 $0x108;
	s8 =	sld [smem:$0x3FAE]  }
0x2e: {  	s3 =	simm.s32 @!p0 $0x1082;
	s9 =	sld [smem:$0x3FAF]  }
0x2f: {  	lr =	sadd.s32 s0, s3;
	s0 =	sld [smem:$0x3FA6]  }
0x30: {  	s3 =	sld [smem:$0x3FA9]  }
0x31: {  	[smem:$0x3FB2] =	sst s10  }
0x32: {  	s10 =	sld [smem:$0x3FB0];
	_ =	sdelay $0x3  }
0x33: {  	p0 =	seq.s32 s10, $0x1;
	s10 =	sld [smem:$0x3FB2];
	_ =	sdelay $0x3  }
0x34: {  	[smem:$0x3FB2] =	sst s10  }
0x35: {  	s10 =	sld [smem:$0x3FB1];
	_ =	sdelay $0x3  }
0x36: {  	p1 =	seq.s32 s10, $0x1;
	s10 =	sld [smem:$0x3FB2];
	_ =	sdelay $0x3  }
0x37: {  	[smem:$0x3FB2] =	sst s10  }
0x38: {  	s10 =	sld [smem:$0x3FB3]  }
0x39: {  	_ = 	snop;
	(pc) =	sbr.ind lr, $3  }
0x3a: {  	_ = 	snop  }
0x3b: {  	_ = 	snop  }
0x3c: {  	p2 =	seq.s32 s10, $0x1;
	s10 =	sld [smem:$0x3FB2]  }
0x3d: {  	_ =	shalt  }
0x3e: {  	_ =	shalt  }
0x3f: {  	_ =	shalt  }
0x40: {  	_ =	shalt  }
0x41: {  	_ =	shalt  }
0x42: {  	_ =	shalt  }
0x43: {  	_ =	shalt  }
0x44: {  	_ =	shalt  }
0x45: {  	_ =	shalt  }
0x46: {  	_ =	shalt  }
0x47: {  	_ =	shalt  }
0x48: {  	_ =	shalt  }
0x49: {  	_ =	shalt  }
0x4a: {  	_ =	shalt  }
0x4b: {  	_ =	shalt  }
0x4c: {  	_ =	shalt  }
0x4d: {  	_ =	shalt  }
0x4e: {  	_ =	shalt  }
0x4f: {  	_ =	shalt  }
0x50: {  	_ =	shalt  }
0x51: {  	_ =	shalt  }
0x52: {  	_ =	shalt  }
0x53: {  	_ =	shalt  }
0x54: {  	_ =	shalt  }
0x55: {  	_ =	shalt  }
0x56: {  	_ =	shalt  }
0x57: {  	_ =	shalt  }
0x58: {  	_ =	shalt  }
0x59: {  	_ =	shalt  }
0x5a: {  	_ =	shalt  }
0x5b: {  	_ =	shalt  }
0x5c: {  	_ =	shalt  }
0x5d: {  	_ =	shalt  }
0x5e: {  	_ =	shalt  }
0x5f: {  	_ =	shalt  }
0x60: {  	_ =	shalt  }
0x61: {  	_ =	shalt  }
0x62: {  	_ =	shalt  }
0x63: {  	_ =	shalt  }
0x64: {  	_ =	shalt  }
0x65: {  	_ =	shalt  }
0x66: {  	_ =	shalt  }
0x67: {  	_ =	shalt  }
0x68: {  	_ =	shalt  }
0x69: {  	_ =	shalt  }
0x6a: {  	_ =	shalt  }
0x6b: {  	_ =	shalt  }
0x6c: {  	_ =	shalt  }
0x6d: {  	_ =	shalt  }
0x6e: {  	_ =	shalt  }
0x6f: {  	_ =	shalt  }
0x70: {  	_ =	shalt  }
0x71: {  	_ =	shalt  }
0x72: {  	_ =	shalt  }
0x73: {  	_ =	shalt  }
0x74: {  	_ =	shalt  }
0x75: {  	_ =	shalt  }
0x76: {  	_ =	shalt  }
0x77: {  	_ =	shalt  }
0x78: {  	_ =	shalt  }
0x79: {  	_ =	shalt  }
0x7a: {  	_ =	shalt  }
0x7b: {  	_ =	shalt  }
0x7c: {  	_ =	shalt  }
0x7d: {  	_ =	shalt  }
0x7e: {  	_ =	shalt  }
0x7f: {  	_ =	shalt  }
0x80: {  	_ =	shalt  }
0x81: {  	_ =	shalt  }
0x82: {  	_ =	shalt  }
0x83: {  	_ =	shalt  }
0x84: {  	_ =	shalt  }
0x85: {  	_ =	shalt  }
0x86: {  	_ =	shalt  }
0x87: {  	_ =	shalt  }
.Lfunc_end0:
.L_simem_size_0:
called_computation_lowered:
.L_overlay_start_0:
0x88: {  	s2 =	sld [smem:$0x3FD9]  }
0x89: {  	s3 =	sld [smem:$0x3FFE];
	_ =	sdelay $0x1  }
0x8a: {  	s1 =	srdreg.scid  }
0x8b: {  	s0 =	sand.u32 $0x1, s1  }
0x8c: {  	s17 =	sshll.u32 s0, $0xA;
	s2 =	sadd.s32 s3, s2  }
0x8d: {  	s2 =	sadd.s32 s2, s17  }
0x8e: {  	[smem:$0x3FBE] =	sst s2  }
0x8f: {  	_ = 	snop  }
0x90: {  	s2 =	sld [smem:$0x3FC7];
	(tm) =	ssettm $0x1  }
0x91: {  	s18 =	sld [smem:$0x3FFB];
	_ =	sdelay $0x3  }
0x92: {  	_ =	strace s18  }
0x93: {  	s3 =	sld [smem:$0x3FFC];
	_ =	sdelay $0x3  }
0x94: {  	_ =	strace s3  }
0x95: {  	s3 =	sld [smem:$0x3FFD];
	_ =	sdelay $0x3  }
0x96: {  	_ =	strace s3  }
0x97: {  	_ =	strace $0x8FFFFFFF  }
0x98: {  	s19 =	sld [smem:$0x3FDB];
	_ =	sdelay $0x1  }
0x99: {  	s4 =	simm.s32 $_scs_section_size  }
0x9a: {  	s5 =	simm.s32 $_size__tile_overlayer_lowered;
	s6 =	simm.s32 $_tile_overlayer_lowered  }
0x9b: {  	s22 =	simm.s32 $0x1BFF;
	s21 =	sshll.u32 s6, $0x1;
	s3 =	sadd.s32 s4, s19  }
0x9c: {  	s7 =	simm.s32 $0x0;
	s20 =	sshll.u32 s5, $0x1;
	s5 =	sadd.s32 s21, s3  }
0x9d: {  	[timem:s7], [sflag:s22] =	dma.local [hbm:s5], s20  }
0x9e: {  	_ =	swait.ge [sflag:s22], s20  }
0x9f: {  	s4 =	ssub.s32 $0x0, s20;
	[sflag:s22] =	ssyncset.done $0x0  }
0xa0: {  	[sflag:s22] =	ssyncadd.s32 s4;
	_ =	sdelay $0x1  }
0xa1: {  	s23 =	simm.s32 $0x1B8B  }
0xa2: {  	_ =	swait.ge [sflag:s23], $0x1  }
0xa3: {  	[sflag:s23] =	ssyncset.done $0x0  }
0xa4: {  	s25 =	simm.s32 $0x1B8E;
	s24 =	sld [smem:$0x3FFE];
	[sflag:s23] =	ssyncadd.s32 $0xFFFFFFFF  }
0xa5: {  	s26 =	simm.s32 $execute0_lowered;
	[smem:$0x3FD2] =	sst s25  }
0xa6: {  	s5 =	sshll.u32 s26, $0x1;
	_ =	strace $0x80000046;
	[dreg:$0x1] =	wrdreg $0xFFFFFFFF  }
0xa7: {  	s28 =	simm.s32 $_size_execute0_lowered;
	s3 =	sadd.s32 s3, s5;
	[dreg:$0x0] =	wrdreg $0x0  }
0xa8: {  	s5 =	sshll.u32 s28, $0x1;
	[dreg:$0x2] =	wrdreg s3  }
0xa9: {  	[dreg:$0x3] =	wrdreg s5  }
0xaa: {  	[dreg:$0x4] =	wrdreg $0xC0  }
0xab: {  	_ =	task [dreg:s7], $0x5FFFF  }
0xac: {  	[dreg:$0x1] =	wrdreg $0xFFFFFFFF  }
0xad: {  	[dreg:$0x0] =	wrdreg $0x60  }
0xae: {  	[dreg:$0x2] =	wrdreg s24  }
0xaf: {  	[dreg:$0x3] =	wrdreg s2  }
0xb0: {  	[dreg:$0x4] =	wrdreg $0x2DF00  }
0xb1: {  	[dreg:$0x5] =	wrdreg $0x9  }
0xb2: {  	_ =	task.clear_ibuf [dreg:s7], $0x6FFFF;
	_ =	strace $0x90000046  }
0xb3: {  	s29 =	simm.s32 $0x9;
	_ =	strace $0x80000048  }
0xb4: {  	_ =	swait.ge [sflag:s29], $0x1  }
0xb5: {  	[sflag:s29] =	ssyncadd.s32 $0xFFFFFFFF  }
0xb6: {  	_ =	strace $0x90000048  }
0xb7: {  	_ =	sfence  }
0xb8: {  	s30 =	sld [smem:$0x0];
	_ =	sdelay $0x2  }
0xb9: {  	s31 =	sshll.u32 s1, $0xD;
	s1 =	sshrl.u32 s1, $0x2  }
0xba: {  	s3 =	sand.u32 $0x4000, s31;
	s1 =	sadd.s32 s1, s30  }
0xbb: {  	s0 =	sor.u32 s3, s0;
	s1 =	sshll.u32 s1, $0x11  }
0xbc: {  	s0 =	sor.u32 s1, s0  }
0xbd: {  	s0 =	sadd.s32 $0x8F2B, s0  }
0xbe: {  	[sflag:s0] =	ssyncadd.remote.s32 $0x1  }
0xbf: {  	_ =	sfence.sel $0xFFFF  }
0xc0: {  	[dreg:$0x0] =	wrdreg $0xFFFFFFFF;
	(pc) =	sbr.abs _section_cstart, $3  }
0xc1: {  	[dreg:$0x1] =	wrdreg $0xFFFFFFFF  }
0xc2: {  	_ =	task.clear_ibuf [dreg:s7], $0x2FFFF;
	_ =	strace $0x9FFFFFFF  }
0xc3: {  	(tm) =	ssettm $0x7FFFFFFF  }
tec
execute0_lowered:
.L_overlay_start_1:
0x0: {  	(tag) =	ssettag $0x1  }
0x1: {  	s0 =	rddreg [dreg:$0x0]  }
0x2: {  	s1 =	rddreg [dreg:$0x1]  }
0x3: {  	s2 =	rddreg [dreg:$0x2]  }
0x4: {  	s3 =	simm.s32 $0x0;
	s17 =	stileid.u32;
	s9 =	srdreg.scid  }
0x5: {  	[smem:$0x7FF] =	sst s3;
	s5 =	sadd.s32 $0x110A00, s0;
	s6 =	sadd.s32 $0xF8200, s0  }
0x6: {  	s4 =	sadd.s32 $0xC6400, s0;
	s7 =	sadd.s32 $0x24D000, s0;
	s10 =	sadd.s32 $0xF7A00, s0  }
0x7: {  	s11 =	smul.u32 $0x61A80, s17;
	s8 =	sadd.s32 $0xF7200, s0;
	s12 =	sadd.s32 $0x129200, s0  }
0x8: {  	s13 =	sand.u32 $0x1, s9;
	s24 =	smul.u32 $0xC350, s17;
	s0 =	sadd.s32 $0x15A000, s0  }
0x9: {  	s17 =	smul.u32 $0x186A0, s17;
	_ =	strace $0x80000047;
	s14 =	ssub.s32 $0x2, s13  }
0xa: {  	p0 =	seq.s32 s13, $0x0;
	s23 =	sshrl.u32 s11, $0x2;
	s26 =	sshrl.u32 s24, $0x3  }
0xb: {  	s15 =	sshrl.u32 s14, $0x1;
	s30 =	sshrl.u32 s17, $0x3;
	s28 =	sadd.s32 s5, s26  }
0xc: {  	s0 =	smov.u32 @p0 s12;
	s29 =	sadd.s32 s1, s26;
	[dreg:$0x5] =	wrdreg s28  }
0xd: {  	s16 =	ssub.s32 s14, s15;
	s14 =	sadd.s32 s6, s26;
	[dreg:$0x6] =	wrdreg s29  }
0xe: {  	s9 =	sadd.s32 s23, s2;
	s0 =	sadd.s32 s0, s30;
	[dreg:$0x7] =	wrdreg s14  }
0xf: {  	s25 =	sadd.s32 $0x17700, s9;
	[dreg:$0xf] =	wrdreg s0  }
0x10: {  	s16 =	smax.u32 s16, $0x1;
	[dreg:$0x4] =	wrdreg s25  }
0x11: {  	s31 =	sadd.s32 s17, s2;
	s17 =	sadd.s32 $0x1900, s9;
	[dreg:$0x8] =	wrdreg s16  }
0x12: {  	s18 =	sadd.s32 $0x3200, s9;
	[dreg:$0x9] =	wrdreg s17  }
0x13: {  	s19 =	sadd.s32 $0x4B00, s9;
	[dreg:$0xa] =	wrdreg s18  }
0x14: {  	s13 =	simm.s32 $0x28;
	s20 =	sadd.s32 $0x6400, s9;
	[dreg:$0xb] =	wrdreg s19  }
0x15: {  	s7 =	smov.u32 @p0 s4;
	s21 =	sadd.s32 $0x7D00, s9;
	[dreg:$0xc] =	wrdreg s20  }
0x16: {  	s8 =	smov.u32 @p0 s10;
	s22 =	sadd.s32 $0x9600, s9;
	[dreg:$0xd] =	wrdreg s21  }
0x17: {  	s15 =	sadd.s32 $0x50, s24;
	s23 =	sadd.s32 $0xAF00, s9;
	[dreg:$0xe] =	wrdreg s22  }
0x18: {  	s14 =	sadd.s32 $0x28, s24;
	s24 =	sshrl.u32 s31, $0x3;
	[dreg:$0x10] =	wrdreg s23  }
0x19: {  	s10 =	simm.s32 $0x14F0;
	s26 =	sadd.s32 $0xE100, s9;
	[dreg:$0x11] =	wrdreg s24  }
0x1a: {  	s11 =	simm.s32 $0x5;
	s28 =	sadd.s32 $0xFA00, s9;
	[dreg:$0x13] =	wrdreg s26  }
0x1b: {  	s12 =	simm.s32 $0x2;
	s29 =	sadd.s32 $0x11300, s9;
	[dreg:$0x14] =	wrdreg s28  }
0x1c: {  	s30 =	sadd.s32 $0x12C00, s9;
	s31 =	sadd.s32 $0x14500, s9;
	[dreg:$0x15] =	wrdreg s29  }
0x1d: {  	s4 =	sadd.s32 $0x15E00, s9;
	s25 =	sadd.s32 $0xC800, s9;
	[dreg:$0x16] =	wrdreg s30  }
0x1e: {  	[dreg:$0x17] =	wrdreg s31;
	s16 =	simm.s32 $0x78;
	s17 =	simm.s32 $0xA78  }
0x1f: {  	s18 =	simm.s32 $0xAC8;
	s19 =	simm.s32 $0xAA0;
	s20 =	simm.s32 $0xAF0  }
0x20: {  	s21 =	simm.s32 $0xFF0;
	s22 =	simm.s32 $0x1;
	s23 =	simm.s32 $0x3  }
0x21: {  	v0 =	vimm.f32 $0.0e+00;
	s24 =	simm.s32 $0x4;
	[dreg:$0x12] =	wrdreg s25;
	s25 =	simm.s32 $0x0  }
.LBB2_1:
0x22: {  	s0 =	simm.s32 $0x1570  }
0x23: {  	[tilespmem:s0+$0xFFFFFF80] =	vst v0  }
0x24: {  	[tilespmem:s0+$0x70] =	vst v0  }
0x25: {  	[tilespmem:s0+$0x60] =	vst v0  }
0x26: {  	[tilespmem:s0+$0x50] =	vst v0  }
0x27: {  	[tilespmem:s0+$0x40] =	vst v0  }
0x28: {  	[tilespmem:s0+$0x30] =	vst v0  }
0x29: {  	[tilespmem:s0+$0x20] =	vst v0  }
0x2a: {  	[tilespmem:s0+$0x10] =	vst v0  }
0x2b: {  	[tilespmem:s0+$0x0] =	vst v0  }
0x2c: {  	[tilespmem:s0+$0xFFFFFFF0] =	vst v0  }
0x2d: {  	[tilespmem:s0+$0xFFFFFFE0] =	vst v0  }
0x2e: {  	[tilespmem:s0+$0xFFFFFFD0] =	vst v0  }
0x2f: {  	[tilespmem:s0+$0xFFFFFFC0] =	vst v0  }
0x30: {  	[tilespmem:s0+$0xFFFFFFB0] =	vst v0  }
0x31: {  	s26 =	simm.s32 $0x0;
	[tilespmem:s0+$0xFFFFFFA0] =	vst v0  }
.LBB2_2:
0x32: {  	s26 =	sadd.s32 $0x8, s26;
	[tilespmem:s0+$0xFFFFFF90] =	vst v0;
	s0 =	sadd.s32 $0x100, s0  }
0x33: {  	[tilespmem:s0+$0xFFFFFF80] =	vst v0;
	p0 =	slt.u32 s26, $0xC0  }
0x34: {  	[tilespmem:s0+$0x70] =	vst v0  }
0x35: {  	[tilespmem:s0+$0x60] =	vst v0  }
0x36: {  	[tilespmem:s0+$0x50] =	vst v0  }
0x37: {  	[tilespmem:s0+$0x40] =	vst v0  }
0x38: {  	[tilespmem:s0+$0x30] =	vst v0  }
0x39: {  	[tilespmem:s0+$0x20] =	vst v0  }
0x3a: {  	[tilespmem:s0+$0x10] =	vst v0  }
0x3b: {  	[tilespmem:s0+$0x0] =	vst v0  }
0x3c: {  	[tilespmem:s0+$0xFFFFFFF0] =	vst v0  }
.Ltmp0:
0x3d: {  	[tilespmem:s0+$0xFFFFFFE0] =	vst v0;
	(pc) =	sbr.rel @p0 .LBB2_2-.Ltmp0, $4  }
0x3e: {  	[tilespmem:s0+$0xFFFFFFD0] =	vst v0  }
0x3f: {  	[tilespmem:s0+$0xFFFFFFC0] =	vst v0  }
0x40: {  	[tilespmem:s0+$0xFFFFFFB0] =	vst v0  }
0x41: {  	[tilespmem:s0+$0xFFFFFFA0] =	vst v0  }
0x42: {  	[tilespmem:s0+$0xFFFFFF90] =	vst v0  }
0x43: {  	[spmem:s9] =	stream.linear.scatter [tilespmem:s10], [sflag:$0x5], $0x1900, $0x38;
	[tilespmem:$0x1B490] =	vst v63  }
0x44: {  	_ =	swait.ge [sflag:s11], $0x1900  }
0x45: {  	[sflag:s11] =	ssyncset.done $0x0  }
0x46: {  	s29 =	rddreg [dreg:$0x9];
	[sflag:s11] =	ssyncadd.s32 $0xFFFFE700  }
0x47: {  	[spmem:s29] =	stream.linear.scatter [tilespmem:s10], [sflag:$0x5], $0x1900, $0x38;
	[tilespmem:$0x1B490] =	vst v63  }
0x48: {  	_ =	swait.ge [sflag:s11], $0x1900  }
0x49: {  	[sflag:s11] =	ssyncset.done $0x0  }
0x4a: {  	s30 =	rddreg [dreg:$0xa];
	[sflag:s11] =	ssyncadd.s32 $0xFFFFE700  }
0x4b: {  	[spmem:s30] =	stream.linear.scatter [tilespmem:s10], [sflag:$0x5], $0x1900, $0x38;
	[tilespmem:$0x1B490] =	vst v63  }
0x4c: {  	_ =	swait.ge [sflag:s11], $0x1900  }
0x4d: {  	[sflag:s11] =	ssyncset.done $0x0  }
0x4e: {  	s31 =	rddreg [dreg:$0xb];
	[sflag:s11] =	ssyncadd.s32 $0xFFFFE700  }
0x4f: {  	[spmem:s31] =	stream.linear.scatter [tilespmem:s10], [sflag:$0x5], $0x1900, $0x38;
	[tilespmem:$0x1B490] =	vst v63  }
0x50: {  	_ =	swait.ge [sflag:s11], $0x1900  }
0x51: {  	[sflag:s11] =	ssyncset.done $0x0  }
0x52: {  	s26 =	rddreg [dreg:$0xc];
	[sflag:s11] =	ssyncadd.s32 $0xFFFFE700  }
0x53: {  	[spmem:s26] =	stream.linear.scatter [tilespmem:s10], [sflag:$0x5], $0x1900, $0x38;
	[tilespmem:$0x1B490] =	vst v63  }
0x54: {  	_ =	swait.ge [sflag:s11], $0x1900  }
0x55: {  	[sflag:s11] =	ssyncset.done $0x0  }
0x56: {  	s28 =	rddreg [dreg:$0xd];
	[sflag:s11] =	ssyncadd.s32 $0xFFFFE700  }
0x57: {  	[spmem:s28] =	stream.linear.scatter [tilespmem:s10], [sflag:$0x5], $0x1900, $0x38;
	[tilespmem:$0x1B490] =	vst v63  }
0x58: {  	_ =	swait.ge [sflag:s11], $0x1900  }
0x59: {  	[sflag:s11] =	ssyncset.done $0x0  }
0x5a: {  	s29 =	rddreg [dreg:$0xe];
	[sflag:s11] =	ssyncadd.s32 $0xFFFFE700  }
0x5b: {  	[spmem:s29] =	stream.linear.scatter [tilespmem:s10], [sflag:$0x5], $0x1900, $0x38;
	[tilespmem:$0x1B490] =	vst v63  }
0x5c: {  	_ =	swait.ge [sflag:s11], $0x1900  }
0x5d: {  	[sflag:s11] =	ssyncset.done $0x0  }
0x5e: {  	s30 =	rddreg [dreg:$0x10];
	[sflag:s11] =	ssyncadd.s32 $0xFFFFE700  }
0x5f: {  	[spmem:s30] =	stream.linear.scatter [tilespmem:s10], [sflag:$0x5], $0x1900, $0x38;
	[tilespmem:$0x1B490] =	vst v63  }
0x60: {  	_ =	swait.ge [sflag:s11], $0x1900  }
0x61: {  	[sflag:s11] =	ssyncset.done $0x0  }
0x62: {  	s31 =	rddreg [dreg:$0x12];
	[sflag:s11] =	ssyncadd.s32 $0xFFFFE700  }
0x63: {  	[spmem:s31] =	stream.linear.scatter [tilespmem:s10], [sflag:$0x5], $0x1900, $0x38;
	[tilespmem:$0x1B490] =	vst v63  }
0x64: {  	_ =	swait.ge [sflag:s11], $0x1900  }
0x65: {  	[sflag:s11] =	ssyncset.done $0x0  }
0x66: {  	s26 =	rddreg [dreg:$0x13];
	[sflag:s11] =	ssyncadd.s32 $0xFFFFE700  }
0x67: {  	[spmem:s26] =	stream.linear.scatter [tilespmem:s10], [sflag:$0x5], $0x1900, $0x38;
	[tilespmem:$0x1B490] =	vst v63  }
0x68: {  	_ =	swait.ge [sflag:s11], $0x1900  }
0x69: {  	[sflag:s11] =	ssyncset.done $0x0  }
0x6a: {  	s28 =	rddreg [dreg:$0x14];
	[sflag:s11] =	ssyncadd.s32 $0xFFFFE700  }
0x6b: {  	[spmem:s28] =	stream.linear.scatter [tilespmem:s10], [sflag:$0x5], $0x1900, $0x38;
	[tilespmem:$0x1B490] =	vst v63  }
0x6c: {  	_ =	swait.ge [sflag:s11], $0x1900  }
0x6d: {  	[sflag:s11] =	ssyncset.done $0x0  }
0x6e: {  	s29 =	rddreg [dreg:$0x15];
	[sflag:s11] =	ssyncadd.s32 $0xFFFFE700  }
0x6f: {  	[spmem:s29] =	stream.linear.scatter [tilespmem:s10], [sflag:$0x5], $0x1900, $0x38;
	[tilespmem:$0x1B490] =	vst v63  }
0x70: {  	_ =	swait.ge [sflag:s11], $0x1900  }
0x71: {  	[sflag:s11] =	ssyncset.done $0x0  }
0x72: {  	s30 =	rddreg [dreg:$0x16];
	[sflag:s11] =	ssyncadd.s32 $0xFFFFE700  }
0x73: {  	[spmem:s30] =	stream.linear.scatter [tilespmem:s10], [sflag:$0x5], $0x1900, $0x38;
	[tilespmem:$0x1B490] =	vst v63  }
0x74: {  	_ =	swait.ge [sflag:s11], $0x1900  }
0x75: {  	[sflag:s11] =	ssyncset.done $0x0  }
0x76: {  	s31 =	rddreg [dreg:$0x17];
	[sflag:s11] =	ssyncadd.s32 $0xFFFFE700  }
0x77: {  	[spmem:s31] =	stream.linear.scatter [tilespmem:s10], [sflag:$0x5], $0x1900, $0x38;
	[tilespmem:$0x1B490] =	vst v63  }
0x78: {  	_ =	swait.ge [sflag:s11], $0x1900  }
0x79: {  	[sflag:s11] =	ssyncset.done $0x0  }
0x7a: {  	[sflag:s11] =	ssyncadd.s32 $0xFFFFE700  }
0x7b: {  	[spmem:s4] =	stream.linear.scatter [tilespmem:s10], [sflag:$0x5], $0x1900, $0x38;
	[tilespmem:$0x1B490] =	vst v63  }
0x7c: {  	_ =	swait.ge [sflag:s11], $0x1900  }
0x7d: {  	[sflag:s11] =	ssyncset.done $0x0  }
0x7e: {  	s26 =	rddreg [dreg:$0x4];
	[sflag:s11] =	ssyncadd.s32 $0xFFFFE700  }
0x7f: {  	[spmem:s26] =	stream.linear.scatter [tilespmem:s10], [sflag:$0x5], $0xFA0, $0x38;
	[tilespmem:$0x1B490] =	vst v63  }
0x80: {  	_ =	swait.ge [sflag:s11], $0xFA0  }
0x81: {  	[sflag:s11] =	ssyncset.done $0x0  }
0x82: {  	[sflag:s11] =	ssyncadd.s32 $0xFFFFF060  }
0x83: {  	[bflag:$0x0] =	sbarrier.arrive $0xFFFF  }
0x84: {  	s26 =	simm.s32 $0x0;
	s28 =	rddreg [dreg:$0x5]  }
0x85: {  	[tilespmem:s26], [sflag:$0x5] =	stream.linear.gather [hbm4b:s28+s26], $0x28, $0x38;
	[tilespmem:$0x1B490] =	vst v63  }
0x86: {  	_ =	swait.ge [sflag:s11], $0x28  }
0x87: {  	[sflag:s11] =	ssyncset.done $0x0  }
0x88: {  	s28 =	simm.s32 $0x50;
	s29 =	rddreg [dreg:$0x6];
	[sflag:s11] =	ssyncadd.s32 $0xFFFFFFD8  }
0x89: {  	[tilespmem:s28], [sflag:$0x5] =	stream.linear.gather [hbm4b:s29+s26], $0x28, $0x38;
	[tilespmem:$0x1B490] =	vst v63  }
0x8a: {  	_ =	swait.ge [sflag:s11], $0x28  }
0x8b: {  	[sflag:s11] =	ssyncset.done $0x0  }
0x8c: {  	s30 =	rddreg [dreg:$0x7];
	[sflag:s11] =	ssyncadd.s32 $0xFFFFFFD8  }
0x8d: {  	[tilespmem:s13], [sflag:$0x5] =	stream.linear.gather [hbm4b:s30+s26], $0x28, $0x38;
	[tilespmem:$0x1B490] =	vst v63  }
0x8e: {  	_ =	swait.ge [sflag:s11], $0x28  }
0x8f: {  	[sflag:s11] =	ssyncset.done $0x0  }
0x90: {  	[sflag:s11] =	ssyncadd.s32 $0xFFFFFFD8  }
0x91: {  	[tilespmem:s16], [sflag:$0x1] =	stream.indirect.gather [hbm4b:s7+s13], $0x20, s26, s13, $0xb8;
	[tilespmem:$0x1B490] =	vst v63  }
0x92: {  	s31 =	simm.s32 $0x578  }
0x93: {  	[tilespmem:s31], [sflag:$0x2] =	stream.indirect.gather [hbm4b:s8+s13], $0x20, s28, s13, $0xb8;
	[tilespmem:$0x1B490] =	vst v63  }
.LBB2_4:
0x94: {  	s28 =	smul.u32 $0x50, s26;
	_ =	sdelay $0x1  }
0x95: {  	s0 =	sadd.s32 s28, s14  }
0x96: {  	s0 =	sshrl.u32 s0, $0x3  }
0x97: {  	s29 =	sadd.s32 s5, s0  }
0x98: {  	[tilespmem:s17], [sflag:$0x5] =	stream.linear.gather [hbm4b:s29+s3], $0x28, $0x38;
	[tilespmem:$0x1B490] =	vst v63  }
0x99: {  	_ =	swait.ge [sflag:s11], $0x28  }
0x9a: {  	[sflag:s11] =	ssyncset.done $0x0  }
0x9b: {  	s29 =	sadd.s32 s1, s0;
	[sflag:s11] =	ssyncadd.s32 $0xFFFFFFD8  }
0x9c: {  	[tilespmem:s18], [sflag:$0x5] =	stream.linear.gather [hbm4b:s29+s3], $0x28, $0x38;
	[tilespmem:$0x1B490] =	vst v63  }
0x9d: {  	_ =	swait.ge [sflag:s11], $0x28  }
0x9e: {  	[sflag:s11] =	ssyncset.done $0x0  }
0x9f: {  	s0 =	sadd.s32 s6, s0;
	[sflag:s11] =	ssyncadd.s32 $0xFFFFFFD8  }
0xa0: {  	[tilespmem:s19], [sflag:$0x5] =	stream.linear.gather [hbm4b:s0+s3], $0x28, $0x38;
	[tilespmem:$0x1B490] =	vst v63  }
0xa1: {  	_ =	swait.ge [sflag:s11], $0x28  }
0xa2: {  	[sflag:s11] =	ssyncset.done $0x0  }
0xa3: {  	[sflag:s11] =	ssyncadd.s32 $0xFFFFFFD8  }
0xa4: {  	[tilespmem:s20], [sflag:$0x3] =	stream.indirect.gather [hbm4b:s7+s13], $0x20, s17, s13, $0xb8;
	[tilespmem:$0x1B490] =	vst v63  }
0xa5: {  	_ = 	snop  }
0xa6: {  	[tilespmem:s21], [sflag:$0x4] =	stream.indirect.gather [hbm4b:s8+s13], $0x20, s18, s13, $0xb8;
	[tilespmem:$0x1B490] =	vst v63  }
0xa7: {  	_ =	swait.ge [sflag:s22], $0x500  }
0xa8: {  	[sflag:s22] =	ssyncset.done $0x0  }
0xa9: {  	[sflag:s22] =	ssyncadd.s32 $0xFFFFFB00  }
0xaa: {  	_ =	swait.ge [sflag:s12], $0x500  }
0xab: {  	[sflag:s12] =	ssyncset.done $0x0  }
0xac: {  	s29 =	simm.s32 $0xF8;
	[sflag:s12] =	ssyncadd.s32 $0xFFFFFB00  }
0xad: {  	s30 =	simm.s32 $0x5F8;
	v1 =	vld [tilespmem:s29+$0xFFFFFF80]  }
0xae: {  	v2 =	vld [tilespmem:s30+$0xFFFFFF80];
	_ =	sdelay $0x4  }
0xaf: {  	v1 =	vadd.f32 v2, v1;
	_ =	sdelay $0x1  }
0xb0: {  	[tilespmem:s29+$0xFFFFFF80] =	vst v1;
	v1 =	vld [tilespmem:s29+$0xFFFFFF90]  }
0xb1: {  	v2 =	vld [tilespmem:s30+$0xFFFFFF90];
	_ =	sdelay $0x4  }
0xb2: {  	v1 =	vadd.f32 v2, v1;
	_ =	sdelay $0x1  }
0xb3: {  	[tilespmem:s29+$0xFFFFFF90] =	vst v1;
	v1 =	vld [tilespmem:s29+$0xFFFFFFA0]  }
0xb4: {  	v2 =	vld [tilespmem:s30+$0xFFFFFFA0];
	_ =	sdelay $0x4  }
0xb5: {  	v1 =	vadd.f32 v2, v1;
	_ =	sdelay $0x1  }
0xb6: {  	[tilespmem:s29+$0xFFFFFFA0] =	vst v1;
	v1 =	vld [tilespmem:s29+$0xFFFFFFB0]  }
0xb7: {  	v2 =	vld [tilespmem:s30+$0xFFFFFFB0];
	_ =	sdelay $0x4  }
0xb8: {  	v1 =	vadd.f32 v2, v1;
	_ =	sdelay $0x1  }
0xb9: {  	[tilespmem:s29+$0xFFFFFFB0] =	vst v1;
	v1 =	vld [tilespmem:s29+$0xFFFFFFC0]  }
0xba: {  	v2 =	vld [tilespmem:s30+$0xFFFFFFC0];
	_ =	sdelay $0x4  }
0xbb: {  	v1 =	vadd.f32 v2, v1;
	_ =	sdelay $0x1  }
0xbc: {  	[tilespmem:s29+$0xFFFFFFC0] =	vst v1;
	v1 =	vld [tilespmem:s29+$0xFFFFFFD0]  }
0xbd: {  	v2 =	vld [tilespmem:s30+$0xFFFFFFD0];
	_ =	sdelay $0x4  }
0xbe: {  	v1 =	vadd.f32 v2, v1;
	_ =	sdelay $0x1  }
0xbf: {  	[tilespmem:s29+$0xFFFFFFD0] =	vst v1;
	v1 =	vld [tilespmem:s29+$0xFFFFFFE0]  }
0xc0: {  	v2 =	vld [tilespmem:s30+$0xFFFFFFE0];
	_ =	sdelay $0x4  }
0xc1: {  	v1 =	vadd.f32 v2, v1;
	_ =	sdelay $0x1  }
0xc2: {  	[tilespmem:s29+$0xFFFFFFE0] =	vst v1;
	v1 =	vld [tilespmem:s29+$0xFFFFFFF0]  }
0xc3: {  	v2 =	vld [tilespmem:s30+$0xFFFFFFF0];
	_ =	sdelay $0x4  }
0xc4: {  	v1 =	vadd.f32 v2, v1;
	_ =	sdelay $0x1  }
0xc5: {  	[tilespmem:s29+$0xFFFFFFF0] =	vst v1;
	v1 =	vld [tilespmem:s29+$0x0]  }
0xc6: {  	v2 =	vld [tilespmem:s30+$0x0];
	_ =	sdelay $0x4  }
0xc7: {  	v1 =	vadd.f32 v2, v1;
	_ =	sdelay $0x1  }
0xc8: {  	[tilespmem:s29+$0x0] =	vst v1;
	v1 =	vld [tilespmem:s29+$0x10]  }
0xc9: {  	v2 =	vld [tilespmem:s30+$0x10];
	_ =	sdelay $0x4  }
0xca: {  	v1 =	vadd.f32 v2, v1;
	_ =	sdelay $0x1  }
0xcb: {  	[tilespmem:s29+$0x10] =	vst v1;
	v1 =	vld [tilespmem:s29+$0x20]  }
0xcc: {  	v2 =	vld [tilespmem:s30+$0x20];
	_ =	sdelay $0x4  }
0xcd: {  	v1 =	vadd.f32 v2, v1;
	_ =	sdelay $0x1  }
0xce: {  	[tilespmem:s29+$0x20] =	vst v1;
	v1 =	vld [tilespmem:s29+$0x30]  }
0xcf: {  	v2 =	vld [tilespmem:s30+$0x30];
	_ =	sdelay $0x4  }
0xd0: {  	v1 =	vadd.f32 v2, v1;
	_ =	sdelay $0x1  }
0xd1: {  	[tilespmem:s29+$0x30] =	vst v1;
	v1 =	vld [tilespmem:s29+$0x40]  }
0xd2: {  	v2 =	vld [tilespmem:s30+$0x40];
	_ =	sdelay $0x4  }
0xd3: {  	v1 =	vadd.f32 v2, v1;
	_ =	sdelay $0x1  }
0xd4: {  	[tilespmem:s29+$0x40] =	vst v1;
	v1 =	vld [tilespmem:s29+$0x50]  }
0xd5: {  	v2 =	vld [tilespmem:s30+$0x50];
	_ =	sdelay $0x4  }
0xd6: {  	v1 =	vadd.f32 v2, v1;
	_ =	sdelay $0x1  }
0xd7: {  	[tilespmem:s29+$0x50] =	vst v1;
	v1 =	vld [tilespmem:s29+$0x60]  }
0xd8: {  	v2 =	vld [tilespmem:s30+$0x60];
	_ =	sdelay $0x4  }
0xd9: {  	v1 =	vadd.f32 v2, v1;
	_ =	sdelay $0x1  }
0xda: {  	[tilespmem:s29+$0x60] =	vst v1;
	v1 =	vld [tilespmem:s29+$0x70]  }
0xdb: {  	v2 =	vld [tilespmem:s30+$0x70];
	_ =	sdelay $0x4  }
0xdc: {  	v1 =	vadd.f32 v2, v1  }
0xdd: {  	s31 =	simm.s32 $0x0;
	s0 =	simm.s32 $0x1F8  }
.LBB2_5:
0xde: {  	v2 =	vld [tilespmem:s0+$0xFFFFFF80];
	[tilespmem:s29+$0x70] =	vst v1;
	s30 =	sadd.s32 $0x100, s30;
	s29 =	smov.u32 s0  }
0xdf: {  	s31 =	sadd.s32 $0x8, s31;
	v1 =	vld [tilespmem:s30+$0xFFFFFF80]  }
0xe0: {  	p0 =	slt.u32 s31, $0x20;
	_ =	sdelay $0x3  }
0xe1: {  	v1 =	vadd.f32 v1, v2;
	_ =	sdelay $0x1  }
0xe2: {  	[tilespmem:s0+$0xFFFFFF80] =	vst v1;
	v1 =	vld [tilespmem:s0+$0xFFFFFF90]  }
0xe3: {  	v2 =	vld [tilespmem:s30+$0xFFFFFF90];
	_ =	sdelay $0x4  }
0xe4: {  	v1 =	vadd.f32 v2, v1;
	_ =	sdelay $0x1  }
0xe5: {  	[tilespmem:s0+$0xFFFFFF90] =	vst v1;
	v1 =	vld [tilespmem:s0+$0xFFFFFFA0]  }
0xe6: {  	v2 =	vld [tilespmem:s30+$0xFFFFFFA0];
	_ =	sdelay $0x4  }
0xe7: {  	v1 =	vadd.f32 v2, v1;
	_ =	sdelay $0x1  }
0xe8: {  	[tilespmem:s0+$0xFFFFFFA0] =	vst v1;
	v1 =	vld [tilespmem:s0+$0xFFFFFFB0]  }
0xe9: {  	v2 =	vld [tilespmem:s30+$0xFFFFFFB0];
	_ =	sdelay $0x4  }
0xea: {  	v1 =	vadd.f32 v2, v1;
	_ =	sdelay $0x1  }
0xeb: {  	[tilespmem:s0+$0xFFFFFFB0] =	vst v1;
	v1 =	vld [tilespmem:s0+$0xFFFFFFC0]  }
0xec: {  	v2 =	vld [tilespmem:s30+$0xFFFFFFC0];
	_ =	sdelay $0x4  }
0xed: {  	v1 =	vadd.f32 v2, v1;
	_ =	sdelay $0x1  }
0xee: {  	[tilespmem:s0+$0xFFFFFFC0] =	vst v1;
	v1 =	vld [tilespmem:s0+$0xFFFFFFD0]  }
0xef: {  	v2 =	vld [tilespmem:s30+$0xFFFFFFD0];
	_ =	sdelay $0x4  }
0xf0: {  	v1 =	vadd.f32 v2, v1;
	_ =	sdelay $0x1  }
0xf1: {  	[tilespmem:s0+$0xFFFFFFD0] =	vst v1;
	v1 =	vld [tilespmem:s0+$0xFFFFFFE0]  }
0xf2: {  	v2 =	vld [tilespmem:s30+$0xFFFFFFE0];
	_ =	sdelay $0x4  }
0xf3: {  	v1 =	vadd.f32 v2, v1;
	_ =	sdelay $0x1  }
0xf4: {  	[tilespmem:s0+$0xFFFFFFE0] =	vst v1;
	v1 =	vld [tilespmem:s0+$0xFFFFFFF0]  }
0xf5: {  	v2 =	vld [tilespmem:s30+$0xFFFFFFF0];
	_ =	sdelay $0x4  }
0xf6: {  	v1 =	vadd.f32 v2, v1;
	_ =	sdelay $0x1  }
0xf7: {  	[tilespmem:s0+$0xFFFFFFF0] =	vst v1;
	v1 =	vld [tilespmem:s0+$0x0]  }
0xf8: {  	v2 =	vld [tilespmem:s30+$0x0];
	_ =	sdelay $0x4  }
0xf9: {  	v1 =	vadd.f32 v2, v1;
	_ =	sdelay $0x1  }
0xfa: {  	[tilespmem:s0+$0x0] =	vst v1;
	v1 =	vld [tilespmem:s0+$0x10]  }
0xfb: {  	v2 =	vld [tilespmem:s30+$0x10];
	_ =	sdelay $0x4  }
0xfc: {  	v1 =	vadd.f32 v2, v1;
	_ =	sdelay $0x1  }
0xfd: {  	[tilespmem:s0+$0x10] =	vst v1;
	v1 =	vld [tilespmem:s0+$0x20]  }
0xfe: {  	v2 =	vld [tilespmem:s30+$0x20];
	_ =	sdelay $0x4  }
0xff: {  	v1 =	vadd.f32 v2, v1;
	_ =	sdelay $0x1  }
0x100: {  	[tilespmem:s0+$0x20] =	vst v1;
	v1 =	vld [tilespmem:s0+$0x30]  }
0x101: {  	v2 =	vld [tilespmem:s30+$0x30];
	_ =	sdelay $0x4  }
0x102: {  	v1 =	vadd.f32 v2, v1;
	_ =	sdelay $0x1  }
0x103: {  	[tilespmem:s0+$0x30] =	vst v1;
	v1 =	vld [tilespmem:s0+$0x40]  }
0x104: {  	v2 =	vld [tilespmem:s30+$0x40];
	_ =	sdelay $0x4  }
0x105: {  	v1 =	vadd.f32 v2, v1;
	_ =	sdelay $0x1  }
0x106: {  	[tilespmem:s0+$0x40] =	vst v1;
	v1 =	vld [tilespmem:s0+$0x50]  }
0x107: {  	v2 =	vld [tilespmem:s30+$0x50];
	_ =	sdelay $0x4  }
0x108: {  	v1 =	vadd.f32 v2, v1;
	_ =	sdelay $0x1  }
0x109: {  	[tilespmem:s0+$0x50] =	vst v1;
	v1 =	vld [tilespmem:s0+$0x60]  }
0x10a: {  	v2 =	vld [tilespmem:s30+$0x60];
	_ =	sdelay $0x4  }
0x10b: {  	v1 =	vadd.f32 v2, v1;
	_ =	sdelay $0x1  }
0x10c: {  	[tilespmem:s0+$0x60] =	vst v1;
	v1 =	vld [tilespmem:s0+$0x70]  }
0x10d: {  	v2 =	vld [tilespmem:s30+$0x70];
	_ =	sdelay $0x1  }
.Ltmp1:
0x10e: {  	(pc) =	sbr.rel @p0 .LBB2_5-.Ltmp1, $3  }
0x10f: {  	_ =	sdelay $0x1  }
0x110: {  	v1 =	vadd.f32 v2, v1  }
0x111: {  	s0 =	sadd.s32 $0x100, s0  }
0x112: {  	[tilespmem:s29+$0x70] =	vst v1;
	p0 =	seq.s32 s26, $0x270  }
0x113: {  	[spmem:s2] =	stream.indirect.scatter.add.f32 [tilespmem:s16], [sflag:$0x5], $0x20, s13, s13, $0xb8;
	[tilespmem:$0x1B490] =	vst v63  }
0x114: {  	s0 =	sadd.s32 @!p0 s28, s15;
	_ =	swait.ge [sflag:s11], $0x500  }
0x115: {  	s0 =	sshrl.u32 @!p0 s0, $0x3;
	[sflag:s11] =	ssyncset.done $0x0  }
0x116: {  	s29 =	simm.s32 @!p0 $0x0;
	s28 =	sadd.s32 @!p0 s5, s0;
	[sflag:s11] =	ssyncadd.s32 $0xFFFFFB00  }
0x117: {  	[tilespmem:s29], [sflag:$0x5] =	stream.linear.gather @!p0 [hbm4b:s28+s29], $0x28, $0x38;
	[tilespmem:$0x1B490] =	vst v63  }
0x118: {  	s28 =	simm.s32 @!p0 $0x5  }
0x119: {  	_ =	swait.ge @!p0 [sflag:s28], $0x28  }
0x11a: {  	[sflag:s28] =	ssyncset.done @!p0 $0x0  }
0x11b: {  	s31 =	simm.s32 @!p0 $0x50;
	s30 =	sadd.s32 @!p0 s1, s0;
	[sflag:s28] =	ssyncadd.s32 @!p0 $0xFFFFFFD8  }
0x11c: {  	[tilespmem:s31], [sflag:$0x5] =	stream.linear.gather @!p0 [hbm4b:s30+s29], $0x28, $0x38;
	[tilespmem:$0x1B490] =	vst v63  }
0x11d: {  	_ =	swait.ge @!p0 [sflag:s28], $0x28  }
0x11e: {  	[sflag:s28] =	ssyncset.done @!p0 $0x0  }
0x11f: {  	s0 =	sadd.s32 @!p0 s6, s0;
	s30 =	simm.s32 @!p0 $0x28;
	[sflag:s28] =	ssyncadd.s32 @!p0 $0xFFFFFFD8  }
0x120: {  	[tilespmem:s30], [sflag:$0x5] =	stream.linear.gather @!p0 [hbm4b:s0+s29], $0x28, $0x38;
	[tilespmem:$0x1B490] =	vst v63  }
0x121: {  	_ =	swait.ge @!p0 [sflag:s28], $0x28  }
0x122: {  	[sflag:s28] =	ssyncset.done @!p0 $0x0  }
0x123: {  	s0 =	simm.s32 @!p0 $0x78;
	[sflag:s28] =	ssyncadd.s32 @!p0 $0xFFFFFFD8  }
0x124: {  	[tilespmem:s0], [sflag:$0x1] =	stream.indirect.gather @!p0 [hbm4b:s7+s30], $0x20, s29, s30, $0xb8;
	[tilespmem:$0x1B490] =	vst v63  }
0x125: {  	s0 =	simm.s32 @!p0 $0x578  }
0x126: {  	[tilespmem:s0], [sflag:$0x2] =	stream.indirect.gather @!p0 [hbm4b:s8+s30], $0x20, s31, s30, $0xb8;
	[tilespmem:$0x1B490] =	vst v63  }
0x127: {  	_ =	swait.ge [sflag:s23], $0x500  }
0x128: {  	[sflag:s23] =	ssyncset.done $0x0  }
0x129: {  	[sflag:s23] =	ssyncadd.s32 $0xFFFFFB00  }
0x12a: {  	_ =	swait.ge [sflag:s24], $0x500  }
0x12b: {  	[sflag:s24] =	ssyncset.done $0x0  }
0x12c: {  	s28 =	simm.s32 $0xB70;
	[sflag:s24] =	ssyncadd.s32 $0xFFFFFB00  }
0x12d: {  	s29 =	simm.s32 $0x1070;
	v1 =	vld [tilespmem:s28+$0xFFFFFF80]  }
0x12e: {  	v2 =	vld [tilespmem:s29+$0xFFFFFF80];
	_ =	sdelay $0x4  }
0x12f: {  	v1 =	vadd.f32 v2, v1;
	_ =	sdelay $0x1  }
0x130: {  	[tilespmem:s28+$0xFFFFFF80] =	vst v1;
	v1 =	vld [tilespmem:s28+$0xFFFFFF90]  }
0x131: {  	v2 =	vld [tilespmem:s29+$0xFFFFFF90];
	_ =	sdelay $0x4  }
0x132: {  	v1 =	vadd.f32 v2, v1;
	_ =	sdelay $0x1  }
0x133: {  	[tilespmem:s28+$0xFFFFFF90] =	vst v1;
	v1 =	vld [tilespmem:s28+$0xFFFFFFA0]  }
0x134: {  	v2 =	vld [tilespmem:s29+$0xFFFFFFA0];
	_ =	sdelay $0x4  }
0x135: {  	v1 =	vadd.f32 v2, v1;
	_ =	sdelay $0x1  }
0x136: {  	[tilespmem:s28+$0xFFFFFFA0] =	vst v1;
	v1 =	vld [tilespmem:s28+$0xFFFFFFB0]  }
0x137: {  	v2 =	vld [tilespmem:s29+$0xFFFFFFB0];
	_ =	sdelay $0x4  }
0x138: {  	v1 =	vadd.f32 v2, v1;
	_ =	sdelay $0x1  }
0x139: {  	[tilespmem:s28+$0xFFFFFFB0] =	vst v1;
	v1 =	vld [tilespmem:s28+$0xFFFFFFC0]  }
0x13a: {  	v2 =	vld [tilespmem:s29+$0xFFFFFFC0];
	_ =	sdelay $0x4  }
0x13b: {  	v1 =	vadd.f32 v2, v1;
	_ =	sdelay $0x1  }
0x13c: {  	[tilespmem:s28+$0xFFFFFFC0] =	vst v1;
	v1 =	vld [tilespmem:s28+$0xFFFFFFD0]  }
0x13d: {  	v2 =	vld [tilespmem:s29+$0xFFFFFFD0];
	_ =	sdelay $0x4  }
0x13e: {  	v1 =	vadd.f32 v2, v1;
	_ =	sdelay $0x1  }
0x13f: {  	[tilespmem:s28+$0xFFFFFFD0] =	vst v1;
	v1 =	vld [tilespmem:s28+$0xFFFFFFE0]  }
0x140: {  	v2 =	vld [tilespmem:s29+$0xFFFFFFE0];
	_ =	sdelay $0x4  }
0x141: {  	v1 =	vadd.f32 v2, v1;
	_ =	sdelay $0x1  }
0x142: {  	[tilespmem:s28+$0xFFFFFFE0] =	vst v1;
	v1 =	vld [tilespmem:s28+$0xFFFFFFF0]  }
0x143: {  	v2 =	vld [tilespmem:s29+$0xFFFFFFF0];
	_ =	sdelay $0x4  }
0x144: {  	v1 =	vadd.f32 v2, v1;
	_ =	sdelay $0x1  }
0x145: {  	[tilespmem:s28+$0xFFFFFFF0] =	vst v1;
	v1 =	vld [tilespmem:s28+$0x0]  }
0x146: {  	v2 =	vld [tilespmem:s29+$0x0];
	_ =	sdelay $0x4  }
0x147: {  	v1 =	vadd.f32 v2, v1;
	_ =	sdelay $0x1  }
0x148: {  	[tilespmem:s28+$0x0] =	vst v1;
	v1 =	vld [tilespmem:s28+$0x10]  }
0x149: {  	v2 =	vld [tilespmem:s29+$0x10];
	_ =	sdelay $0x4  }
0x14a: {  	v1 =	vadd.f32 v2, v1;
	_ =	sdelay $0x1  }
0x14b: {  	[tilespmem:s28+$0x10] =	vst v1;
	v1 =	vld [tilespmem:s28+$0x20]  }
0x14c: {  	v2 =	vld [tilespmem:s29+$0x20];
	_ =	sdelay $0x4  }
0x14d: {  	v1 =	vadd.f32 v2, v1;
	_ =	sdelay $0x1  }
0x14e: {  	[tilespmem:s28+$0x20] =	vst v1;
	v1 =	vld [tilespmem:s28+$0x30]  }
0x14f: {  	v2 =	vld [tilespmem:s29+$0x30];
	_ =	sdelay $0x4  }
0x150: {  	v1 =	vadd.f32 v2, v1;
	_ =	sdelay $0x1  }
0x151: {  	[tilespmem:s28+$0x30] =	vst v1;
	v1 =	vld [tilespmem:s28+$0x40]  }
0x152: {  	v2 =	vld [tilespmem:s29+$0x40];
	_ =	sdelay $0x4  }
0x153: {  	v1 =	vadd.f32 v2, v1;
	_ =	sdelay $0x1  }
0x154: {  	[tilespmem:s28+$0x40] =	vst v1;
	v1 =	vld [tilespmem:s28+$0x50]  }
0x155: {  	v2 =	vld [tilespmem:s29+$0x50];
	_ =	sdelay $0x4  }
0x156: {  	v1 =	vadd.f32 v2, v1;
	_ =	sdelay $0x1  }
0x157: {  	[tilespmem:s28+$0x50] =	vst v1;
	v1 =	vld [tilespmem:s28+$0x60]  }
0x158: {  	v2 =	vld [tilespmem:s29+$0x60];
	_ =	sdelay $0x4  }
0x159: {  	v1 =	vadd.f32 v2, v1;
	_ =	sdelay $0x1  }
0x15a: {  	[tilespmem:s28+$0x60] =	vst v1;
	v1 =	vld [tilespmem:s28+$0x70]  }
0x15b: {  	v2 =	vld [tilespmem:s29+$0x70];
	_ =	sdelay $0x4  }
0x15c: {  	v1 =	vadd.f32 v2, v1  }
0x15d: {  	s30 =	simm.s32 $0x0;
	s0 =	simm.s32 $0xC70  }
.LBB2_7:
0x15e: {  	v2 =	vld [tilespmem:s0+$0xFFFFFF80];
	[tilespmem:s28+$0x70] =	vst v1;
	s29 =	sadd.s32 $0x100, s29;
	s28 =	smov.u32 s0  }
0x15f: {  	s30 =	sadd.s32 $0x8, s30;
	v1 =	vld [tilespmem:s29+$0xFFFFFF80]  }
0x160: {  	p0 =	slt.u32 s30, $0x20;
	_ =	sdelay $0x3  }
0x161: {  	v1 =	vadd.f32 v1, v2;
	_ =	sdelay $0x1  }
0x162: {  	[tilespmem:s0+$0xFFFFFF80] =	vst v1;
	v1 =	vld [tilespmem:s0+$0xFFFFFF90]  }
0x163: {  	v2 =	vld [tilespmem:s29+$0xFFFFFF90];
	_ =	sdelay $0x4  }
0x164: {  	v1 =	vadd.f32 v2, v1;
	_ =	sdelay $0x1  }
0x165: {  	[tilespmem:s0+$0xFFFFFF90] =	vst v1;
	v1 =	vld [tilespmem:s0+$0xFFFFFFA0]  }
0x166: {  	v2 =	vld [tilespmem:s29+$0xFFFFFFA0];
	_ =	sdelay $0x4  }
0x167: {  	v1 =	vadd.f32 v2, v1;
	_ =	sdelay $0x1  }
0x168: {  	[tilespmem:s0+$0xFFFFFFA0] =	vst v1;
	v1 =	vld [tilespmem:s0+$0xFFFFFFB0]  }
0x169: {  	v2 =	vld [tilespmem:s29+$0xFFFFFFB0];
	_ =	sdelay $0x4  }
0x16a: {  	v1 =	vadd.f32 v2, v1;
	_ =	sdelay $0x1  }
0x16b: {  	[tilespmem:s0+$0xFFFFFFB0] =	vst v1;
	v1 =	vld [tilespmem:s0+$0xFFFFFFC0]  }
0x16c: {  	v2 =	vld [tilespmem:s29+$0xFFFFFFC0];
	_ =	sdelay $0x4  }
0x16d: {  	v1 =	vadd.f32 v2, v1;
	_ =	sdelay $0x1  }
0x16e: {  	[tilespmem:s0+$0xFFFFFFC0] =	vst v1;
	v1 =	vld [tilespmem:s0+$0xFFFFFFD0]  }
0x16f: {  	v2 =	vld [tilespmem:s29+$0xFFFFFFD0];
	_ =	sdelay $0x4  }
0x170: {  	v1 =	vadd.f32 v2, v1;
	_ =	sdelay $0x1  }
0x171: {  	[tilespmem:s0+$0xFFFFFFD0] =	vst v1;
	v1 =	vld [tilespmem:s0+$0xFFFFFFE0]  }
0x172: {  	v2 =	vld [tilespmem:s29+$0xFFFFFFE0];
	_ =	sdelay $0x4  }
0x173: {  	v1 =	vadd.f32 v2, v1;
	_ =	sdelay $0x1  }
0x174: {  	[tilespmem:s0+$0xFFFFFFE0] =	vst v1;
	v1 =	vld [tilespmem:s0+$0xFFFFFFF0]  }
0x175: {  	v2 =	vld [tilespmem:s29+$0xFFFFFFF0];
	_ =	sdelay $0x4  }
0x176: {  	v1 =	vadd.f32 v2, v1;
	_ =	sdelay $0x1  }
0x177: {  	[tilespmem:s0+$0xFFFFFFF0] =	vst v1;
	v1 =	vld [tilespmem:s0+$0x0]  }
0x178: {  	v2 =	vld [tilespmem:s29+$0x0];
	_ =	sdelay $0x4  }
0x179: {  	v1 =	vadd.f32 v2, v1;
	_ =	sdelay $0x1  }
0x17a: {  	[tilespmem:s0+$0x0] =	vst v1;
	v1 =	vld [tilespmem:s0+$0x10]  }
0x17b: {  	v2 =	vld [tilespmem:s29+$0x10];
	_ =	sdelay $0x4  }
0x17c: {  	v1 =	vadd.f32 v2, v1;
	_ =	sdelay $0x1  }
0x17d: {  	[tilespmem:s0+$0x10] =	vst v1;
	v1 =	vld [tilespmem:s0+$0x20]  }
0x17e: {  	v2 =	vld [tilespmem:s29+$0x20];
	_ =	sdelay $0x4  }
0x17f: {  	v1 =	vadd.f32 v2, v1;
	_ =	sdelay $0x1  }
0x180: {  	[tilespmem:s0+$0x20] =	vst v1;
	v1 =	vld [tilespmem:s0+$0x30]  }
0x181: {  	v2 =	vld [tilespmem:s29+$0x30];
	_ =	sdelay $0x4  }
0x182: {  	v1 =	vadd.f32 v2, v1;
	_ =	sdelay $0x1  }
0x183: {  	[tilespmem:s0+$0x30] =	vst v1;
	v1 =	vld [tilespmem:s0+$0x40]  }
0x184: {  	v2 =	vld [tilespmem:s29+$0x40];
	_ =	sdelay $0x4  }
0x185: {  	v1 =	vadd.f32 v2, v1;
	_ =	sdelay $0x1  }
0x186: {  	[tilespmem:s0+$0x40] =	vst v1;
	v1 =	vld [tilespmem:s0+$0x50]  }
0x187: {  	v2 =	vld [tilespmem:s29+$0x50];
	_ =	sdelay $0x4  }
0x188: {  	v1 =	vadd.f32 v2, v1;
	_ =	sdelay $0x1  }
0x189: {  	[tilespmem:s0+$0x50] =	vst v1;
	v1 =	vld [tilespmem:s0+$0x60]  }
0x18a: {  	v2 =	vld [tilespmem:s29+$0x60];
	_ =	sdelay $0x4  }
0x18b: {  	v1 =	vadd.f32 v2, v1;
	_ =	sdelay $0x1  }
0x18c: {  	[tilespmem:s0+$0x60] =	vst v1;
	v1 =	vld [tilespmem:s0+$0x70]  }
0x18d: {  	v2 =	vld [tilespmem:s29+$0x70];
	_ =	sdelay $0x1  }
.Ltmp2:
0x18e: {  	(pc) =	sbr.rel @p0 .LBB2_7-.Ltmp2, $3  }
0x18f: {  	_ =	sdelay $0x1  }
0x190: {  	v1 =	vadd.f32 v2, v1  }
0x191: {  	s0 =	sadd.s32 $0x100, s0  }
0x192: {  	s26 =	sadd.s32 $0x1, s26  }
0x193: {  	p0 =	sne.s32 s26, $0x271  }
.Ltmp3:
0x194: {  	[tilespmem:s28+$0x70] =	vst v1;
	(pc) =	sbr.rel @p0 .LBB2_4-.Ltmp3, $4  }
0x195: {  	[spmem:s2] =	stream.indirect.scatter.add.f32 [tilespmem:s20], [sflag:$0x5], $0x20, s19, s13, $0xb8;
	[tilespmem:$0x1B490] =	vst v63  }
0x196: {  	_ =	swait.ge [sflag:s11], $0x500  }
0x197: {  	[sflag:s11] =	ssyncset.done $0x0  }
0x198: {  	[sflag:s11] =	ssyncadd.s32 $0xFFFFFB00  }
0x199: {  	s0 =	stileid.u32;
	[bflag:$0x0] =	sbarrier.arrive $0xFFFF  }
0x19a: {  	s0 =	sshll.u32 s0, $0x6;
	s26 =	rddreg [dreg:$0xf]  }
0x19b: {  	s28 =	rddreg [dreg:$0x11];
	s0 =	sor.u32 $0x1C05, s0  }
0x19c: {  	[hbm:s26], [sflag:s0] =	dma.local [spmem:s28], $0x30D4  }
0x19d: {  	_ =	swait.ge [sflag:s11], $0x30D4  }
0x19e: {  	s25 =	sadd.s32 $0x1, s25;
	s31 =	rddreg [dreg:$0x8]  }
0x19f: {  	p0 =	sne.s32 s25, s31  }
.Ltmp4:
0x1a0: {  	_ = 	snop;
	(pc) =	sbr.rel @p0 .LBB2_1-.Ltmp4, $3  }
0x1a1: {  	_ =	sdelay $0x1  }
0x1a2: {  	[sflag:s11] =	ssyncset.done $0x0  }
0x1a3: {  	[sflag:s11] =	ssyncadd.s32 $0xFFFFCF2C  }
0x1a4: {  	_ =	sfence.sel $0x180000  }
0x1a5: {  	[bflag:$0x0] =	sbarrier.arrive $0xFFFF  }
0x1a6: {  	_ =	strace $0x90000047  }
0x1a7: {  	s0 =	stileid.u32;
	[bflag:$0x2] =	sbarrier.arrive $0xFFFF  }
0x1a8: {  	p0 =	sne.s32 s0, $0x0;
	s0 =	rddreg [dreg:$0x3]  }
0x1a9: {  	s0 =	sadd.s32 @!p0 $0x100000, s0  }
0x1aa: {  	[sflag:s0] =	ssyncadd.tile.s32 @!p0 $0x1;
	_ =	shalt  }
.Lfunc_end2:
_tile_overlayer_lowered:
.L_overlay_start_2:
0x1ab: {  	(tag) =	ssettag $0x2  }
0x1ac: {  	s0 =	rddreg [dreg:$0x0];
	s2 =	stileid.u32  }
0x1ad: {  	s1 =	rddreg [dreg:$0x1];
	p0 =	sne.s32 s2, $0x0  }
0x1ae: {  	s3 =	rddreg [dreg:$0x2];
	[bflag:$0x3] =	sbarrier.arrive $0xFFFF;
	s2 =	simm.s32 @!p0 $0x1C05  }
0x1af: {  	[timem:s3], [sflag:s2] =	dma.local @!p0 [hbm:s0], s1  }
0x1b0: {  	s0 =	simm.s32 @!p0 $0x5  }
0x1b1: {  	_ =	swait.ge @!p0 [sflag:s0], s1  }
0x1b2: {  	s1 =	ssub.s32 @!p0 $0x0, s1;
	[sflag:s0] =	ssyncset.done @!p0 $0x0  }
0x1b3: {  	[sflag:s0] =	ssyncadd.s32 @!p0 s1  }
0x1b4: {  	[bflag:$0x3] =	sbarrier.arrive $0xFFFF  }
0x1b5: {  	_ =	shalt  }

</sc_bundles>
